<compile_context>
chip_gen: v7x
topology: tpu7x:2x2x1
jax: 0.10.2.dev20260603
libtpu: 0.0.44.dev20260713+nightly
codegen_flags: <defaults>
</compile_context>

<pallas_src>
import functools

import jax
import jax.numpy as jnp
from jax import lax
from jax.experimental import pallas as pl
from jax.experimental.pallas import tpu as pltpu
from jax.experimental.pallas import tpu_sc as plsc

INPUT_DIM = 768
OUTPUT_DIM = 768
HIDDEN = 128
NUM_EXPERTS = 64
N_TOKENS = 4096

TILE = 256
NT = (N_TOKENS * 2) // TILE + NUM_EXPERTS
P = NT * TILE
CBLK = 256

SC_CORES = 2
SC_SUBCORES = 16
SC_WORKERS = SC_CORES * SC_SUBCORES
TOK_W = N_TOKENS // SC_WORKERS


def _route_body(x_ref, wg_ref,
                aux_ref, pos_ref, ww_ref, te_ref, fetch_ref, oidx_ref,
                a_s, r_s):
    x = x_ref[...]
    logits = jnp.dot(x, wg_ref[...], preferred_element_type=jnp.float32)
    m = jnp.max(logits, axis=1, keepdims=True)
    ex = jnp.exp(logits - m)
    gates = ex / jnp.sum(ex, axis=1, keepdims=True)
    importance = jnp.mean(gates, axis=0)
    tgt = 1.0 / NUM_EXPERTS
    aux_ref[...] = jnp.sum(tgt * (jnp.log(tgt) - jnp.log(importance))).reshape(1, 1)
    eids = lax.broadcasted_iota(jnp.int32, logits.shape, 1)
    is0 = logits == m
    idx0 = jnp.min(jnp.where(is0, eids, NUM_EXPERTS), axis=1, keepdims=True)
    logits1 = jnp.where(eids == idx0, -jnp.inf, logits)
    m1 = jnp.max(logits1, axis=1, keepdims=True)
    is1 = logits1 == m1
    idx1 = jnp.min(jnp.where(is1, eids, NUM_EXPERTS), axis=1, keepdims=True)
    w0 = 1.0 / (1.0 + jnp.exp(m1 - m))
    ww_ref[0] = jnp.broadcast_to(w0, (N_TOKENS, 128))
    ww_ref[1] = jnp.broadcast_to(1.0 - w0, (N_TOKENS, 128))
    a_s[...] = jnp.where((eids == idx0) | (eids == idx1), 1.0, 0.0)
    ri = lax.broadcasted_iota(jnp.int32, (CBLK, CBLK), 0)
    ci = lax.broadcasted_iota(jnp.int32, (CBLK, CBLK), 1)
    ltri = jnp.where(ci < ri, 1.0, 0.0)

    def blk(j, base):
        off = pl.multiple_of(j * CBLK, CBLK)
        ab = a_s[pl.ds(off, CBLK), :]
        r_s[pl.ds(off, CBLK), :] = (
            jnp.dot(ltri, ab, preferred_element_type=jnp.float32) + base)
        return base + jnp.sum(ab, axis=0, keepdims=True)

    counts = lax.fori_loop(0, N_TOKENS // CBLK, blk,
                           jnp.zeros((1, NUM_EXPERTS), jnp.float32))
    pci = ((counts.astype(jnp.int32) + (TILE - 1)) // TILE) * TILE
    pc = pci.astype(jnp.float32)
    fe = lax.broadcasted_iota(jnp.int32, (NUM_EXPERTS, NUM_EXPERTS), 0)
    ee = lax.broadcasted_iota(jnp.int32, (NUM_EXPERTS, NUM_EXPERTS), 1)
    excl = jnp.where(fe < ee, 1.0, 0.0)
    astart = jnp.dot(pc, excl, preferred_element_type=jnp.float32)
    r = r_s[...]
    asb = jnp.broadcast_to(astart, (N_TOKENS, NUM_EXPERTS))
    pos0 = jnp.sum(jnp.where(eids == idx0, r + asb, 0.0), axis=1, keepdims=True)
    pos1 = jnp.sum(jnp.where(eids == idx1, r + asb, 0.0), axis=1, keepdims=True)
    pos_ref[...] = jnp.concatenate([pos0, pos1], axis=1).astype(jnp.int32)
    ident = jnp.where(fe == ee, 1.0, 0.0)
    astart_col = lax.dot_general(ident, astart, (((1,), (1,)), ((), ())),
                                 preferred_element_type=jnp.float32)
    t_iota = lax.broadcasted_iota(jnp.int32, (1, NT), 1)
    tstart = (t_iota * TILE).astype(jnp.float32)
    te = jnp.sum(jnp.where(astart_col <= tstart, 1.0, 0.0),
                 axis=0, keepdims=True) - 1.0
    te_ref[...] = te.astype(jnp.int32)
    total = jnp.sum(pc)
    used = jnp.where(tstart < total, 1, 0)
    fetch_ref[...] = t_iota * used
    oidx_ref[...] = t_iota * used + NT * (1 - used)


def _route(x, w_gate):
    return pl.pallas_call(
        _route_body,
        out_shape=[
            jax.ShapeDtypeStruct((1, 1), jnp.float32),
            jax.ShapeDtypeStruct((N_TOKENS, 2), jnp.int32),
            jax.ShapeDtypeStruct((2, N_TOKENS, 128), jnp.float32),
            jax.ShapeDtypeStruct((1, NT), jnp.int32),
            jax.ShapeDtypeStruct((1, NT), jnp.int32),
            jax.ShapeDtypeStruct((1, NT), jnp.int32),
        ],
        scratch_shapes=[
            pltpu.VMEM((N_TOKENS, NUM_EXPERTS), jnp.float32),
            pltpu.VMEM((N_TOKENS, NUM_EXPERTS), jnp.float32),
        ],
    )(x, w_gate)


def _sc_scatter(x, pos_sc, ww):
    mesh = plsc.VectorSubcoreMesh(core_axis_name="c", subcore_axis_name="s")

    @functools.partial(
        pl.kernel, mesh=mesh,
        out_type=[
            jax.ShapeDtypeStruct((P, INPUT_DIM), jnp.float32),
            jax.ShapeDtypeStruct((P, 128), jnp.float32),
        ],
        scratch_types=[
            pltpu.VMEM((TOK_W,), jnp.int32),
            pltpu.VMEM((TOK_W,), jnp.int32),
            pltpu.VMEM((TOK_W, INPUT_DIM), jnp.float32),
            pltpu.VMEM((TOK_W, 128), jnp.float32),
            pltpu.SemaphoreType.DMA,
            pltpu.SemaphoreType.DMA,
            pltpu.SemaphoreType.DMA,
        ],
    )
    def k(x_hbm, pos_hbm, ww_hbm, xs_hbm, ws_hbm,
          idx0_v, idx1_v, rows_v, wrow_v, sem_i, sem_s, sem_w):
        wid = lax.axis_index("s") * SC_CORES + lax.axis_index("c")
        base = wid * TOK_W
        hx = pltpu.async_copy(x_hbm.at[pl.ds(base, TOK_W)], rows_v, sem_i)
        pltpu.sync_copy(pos_hbm.at[0, wid], idx0_v)
        pltpu.sync_copy(pos_hbm.at[1, wid], idx1_v)
        hx.wait()
        s1 = pltpu.async_copy(rows_v, xs_hbm.at[idx0_v], sem_s)
        s2 = pltpu.async_copy(rows_v, xs_hbm.at[idx1_v], sem_s)
        pltpu.sync_copy(ww_hbm.at[0, pl.ds(base, TOK_W)], wrow_v)
        s3 = pltpu.async_copy(wrow_v, ws_hbm.at[idx0_v], sem_w)
        s3.wait()
        pltpu.sync_copy(ww_hbm.at[1, pl.ds(base, TOK_W)], wrow_v)
        s4 = pltpu.async_copy(wrow_v, ws_hbm.at[idx1_v], sem_w)
        s1.wait()
        s2.wait()
        s4.wait()

    return k(x, pos_sc, ww)


def _group_body(te_ref, fetch_ref, oidx_ref,
                xs_ref, ws_ref, W1_ref, b1_ref, W2_ref, b2_ref, ys_ref):
    t = pl.program_id(0)

    @pl.when(oidx_ref[t] == t)
    def _():
        h = jnp.dot(xs_ref[...], W1_ref[0], preferred_element_type=jnp.float32)
        h = jnp.maximum(h + b1_ref[0], 0.0)
        y = jnp.dot(h, W2_ref[0], preferred_element_type=jnp.float32)
        ys_ref[...] = (y + b2_ref[0]) * ws_ref[:, 0:1]


def _grouped_mlp(te, fetch, oidx, xs, ws, W1, b1r, W2, b2r):
    spec = pltpu.PrefetchScalarGridSpec(
        num_scalar_prefetch=3,
        grid=(NT,),
        in_specs=[
            pl.BlockSpec((TILE, INPUT_DIM), lambda t, te, f, o: (f[t], 0)),
            pl.BlockSpec((TILE, 128), lambda t, te, f, o: (f[t], 0)),
            pl.BlockSpec((1, INPUT_DIM, HIDDEN), lambda t, te, f, o: (te[t], 0, 0)),
            pl.BlockSpec((1, 1, HIDDEN), lambda t, te, f, o: (te[t], 0, 0)),
            pl.BlockSpec((1, HIDDEN, OUTPUT_DIM), lambda t, te, f, o: (te[t], 0, 0)),
            pl.BlockSpec((1, 1, OUTPUT_DIM), lambda t, te, f, o: (te[t], 0, 0)),
        ],
        out_specs=pl.BlockSpec((TILE, OUTPUT_DIM), lambda t, te, f, o: (o[t], 0)),
    )
    return pl.pallas_call(
        _group_body,
        grid_spec=spec,
        out_shape=jax.ShapeDtypeStruct((P + TILE, OUTPUT_DIM), jnp.float32),
    )(te, fetch, oidx, xs, ws, W1, b1r, W2, b2r)


def _sc_gather(ys, pos_sc):
    mesh = plsc.VectorSubcoreMesh(core_axis_name="c", subcore_axis_name="s")
    CH = 32
    NCH = TOK_W // CH

    @functools.partial(
        pl.kernel, mesh=mesh,
        out_type=jax.ShapeDtypeStruct((N_TOKENS, OUTPUT_DIM), jnp.float32),
        scratch_types=[
            pltpu.VMEM((TOK_W,), jnp.int32),
            pltpu.VMEM((TOK_W,), jnp.int32),
            pltpu.VMEM((CH, OUTPUT_DIM), jnp.float32),
            pltpu.VMEM((CH, OUTPUT_DIM), jnp.float32),
            pltpu.VMEM((CH, OUTPUT_DIM), jnp.float32),
            pltpu.VMEM((CH, OUTPUT_DIM), jnp.float32),
            pltpu.SemaphoreType.DMA,
            pltpu.SemaphoreType.DMA,
            pltpu.SemaphoreType.DMA,
        ],
    )
    def k(ys_hbm, pos_hbm, out_hbm, idx0_v, idx1_v,
          a0, a1, b0, b1, sem_a, sem_b, sem_o):
        wid = lax.axis_index("s") * SC_CORES + lax.axis_index("c")
        base = wid * TOK_W
        pltpu.sync_copy(pos_hbm.at[0, wid], idx0_v)
        pltpu.sync_copy(pos_hbm.at[1, wid], idx1_v)
        bufs = [(a0, a1, sem_a), (b0, b1, sem_b)]

        def issue(c):
            r0, r1, sem = bufs[c % 2]
            h0 = pltpu.async_copy(
                ys_hbm.at[idx0_v.at[pl.ds(c * CH, CH)]], r0, sem)
            h1 = pltpu.async_copy(
                ys_hbm.at[idx1_v.at[pl.ds(c * CH, CH)]], r1, sem)
            return h0, h1

        hs = {0: issue(0)}
        outh = {}
        for c in range(NCH):
            r0, r1, _ = bufs[c % 2]
            if c + 1 < NCH:
                if c >= 1:
                    outh[c - 1].wait()
                hs[c + 1] = issue(c + 1)
            h0, h1 = hs[c]
            h0.wait()
            h1.wait()

            def row(i, carry):
                for j in range(OUTPUT_DIM // 16):
                    sl = (i, pl.ds(j * 16, 16))
                    r0[sl] = r0[sl] + r1[sl]
                return carry

            lax.fori_loop(0, CH, row, 0)
            outh[c] = pltpu.async_copy(
                r0, out_hbm.at[pl.ds(base + c * CH, CH)], sem_o)
        outh[NCH - 2].wait()
        outh[NCH - 1].wait()

    return k(ys, pos_sc)


@jax.jit
def kernel(x, W1, b1, W2, b2, w_gate):
    aux, pos, ww, te, fetch, oidx = _route(x, w_gate)
    pos_sc = pos.T.reshape(2, SC_WORKERS, TOK_W)
    xs, ws = _sc_scatter(x, pos_sc, ww)
    ys = _grouped_mlp(te.reshape(NT), fetch.reshape(NT), oidx.reshape(NT),
                      xs, ws,
                      W1, b1.reshape(NUM_EXPERTS, 1, HIDDEN),
                      W2, b2.reshape(NUM_EXPERTS, 1, OUTPUT_DIM))
    out = _sc_gather(ys, pos_sc)
    return out, aux[0, 0]

# --- scband reference (transcript-rebuilt; emitter-appended) ---
"""Pipeline reference for scband-mo-e-layer-28527172780757 (READ-ONLY COPY).

The authoritative reference and input builder live on the scoring server;
editing this copy changes nothing except your own understanding.
"""

import jax, jax.numpy as jnp
import numpy as np

INPUT_DIM = 768
OUTPUT_DIM = 768
HIDDEN = 128
NUM_EXPERTS = 64
TOP_K = 2
N_TOKENS = 4096


def setup_inputs(seed: int = 0) -> dict:
    key = jax.random.key(seed)
    ks = jax.random.split(key, 6)
    x = jax.random.normal(ks[0], (N_TOKENS, INPUT_DIM), dtype=jnp.float32)
    s1 = 1.0 / np.sqrt(INPUT_DIM)
    s2 = 1.0 / np.sqrt(HIDDEN)
    W1 = jax.random.uniform(ks[1], (NUM_EXPERTS, INPUT_DIM, HIDDEN), jnp.float32, -s1, s1)
    b1 = jax.random.uniform(ks[2], (NUM_EXPERTS, HIDDEN), jnp.float32, -s1, s1)
    W2 = jax.random.uniform(ks[3], (NUM_EXPERTS, HIDDEN, OUTPUT_DIM), jnp.float32, -s2, s2)
    b2 = jax.random.uniform(ks[4], (NUM_EXPERTS, OUTPUT_DIM), jnp.float32, -s2, s2)
    # torch init is zeros for w_gate; use small random values so routing is non-degenerate
    w_gate = jax.random.normal(ks[5], (INPUT_DIM, NUM_EXPERTS), dtype=jnp.float32) * 0.02
    return {"x": x, "W1": W1, "b1": b1, "W2": W2, "b2": b2, "w_gate": w_gate}


def reference(x, W1, b1, W2, b2, w_gate):
    # expert_outputs = stack([expert(x) for expert in experts], dim=1) -> [N, E, d_out]
    h = jax.nn.relu(jnp.einsum('nd,edh->neh', x, W1) + b1[None, :, :])
    expert_outputs = jnp.einsum('neh,eho->neo', h, W2) + b2[None, :, :]
    # eval-mode gating (self.training=False): clean logits, no noise
    clean_logits = x @ w_gate
    logits = clean_logits
    # load balancing loss: KL(target_uniform || importance), F.kl_div(log_importance, target, sum)
    gates = jax.nn.softmax(logits, axis=-1)
    importance = jnp.mean(gates, axis=0)
    target = jnp.ones_like(importance) / NUM_EXPERTS
    aux_loss = jnp.sum(target * (jnp.log(target) - jnp.log(importance)))
    # top-k selection and mixture
    topk_logits, topk_indices = jax.lax.top_k(logits, TOP_K)
    topk_weights = jax.nn.softmax(topk_logits, axis=-1)
    selected = jnp.take_along_axis(expert_outputs, topk_indices[:, :, None], axis=1)
    output = jnp.sum(topk_weights[:, :, None] * selected, axis=1)
    return (output, aux_loss)

if __name__ == "__main__":
    import jax
    _d = setup_inputs()
    print(jax.jit(kernel)(*tuple(_d.values())))

</pallas_src>

<mosaic_0001>
#map = affine_map<(d0, d1) -> (0, 0)>
#map1 = affine_map<(d0, d1) -> (0, 0, 0)>
module attributes {stable_mosaic.version = 14 : i64} {
  func.func @k(%arg0: i32, %arg1: i32, %arg2: memref<24832x768xf32, #tpu.memory_space<hbm>>, %arg3: memref<2x32x128xi32, #tpu.memory_space<hbm>>, %arg4: memref<4096x768xf32, #tpu.memory_space<hbm>>, %arg5: memref<128xi32, #tpu.memory_space<vmem>>, %arg6: memref<128xi32, #tpu.memory_space<vmem>>, %arg7: memref<32x768xf32, #tpu.memory_space<vmem>>, %arg8: memref<32x768xf32, #tpu.memory_space<vmem>>, %arg9: memref<32x768xf32, #tpu.memory_space<vmem>>, %arg10: memref<32x768xf32, #tpu.memory_space<vmem>>, %arg11: memref<!tpu.dma_semaphore, #tpu.memory_space<semaphore_mem>>, %arg12: memref<!tpu.dma_semaphore, #tpu.memory_space<semaphore_mem>>, %arg13: memref<!tpu.dma_semaphore, #tpu.memory_space<semaphore_mem>>) attributes {dimension_semantics = [#tpu.dimension_semantics<core_parallel>, #tpu.dimension_semantics<subcore_parallel>], iteration_bounds = array<i64: 2, 16>, scalar_prefetch = 0 : i64, scratch_operands = 9 : i64, tpu.core_type = #tpu.core_type<sc_vector_subcore>, window_params = [{transform_indices = #map}, {transform_indices = #map1}, {transform_indices = #map}]} {
    %mul3A = arith.constant 2 : i32
    %mul3A_0 = arith.muli %arg1, %mul3A : i32
    %add3A = arith.addi %mul3A_0, %arg0 : i32
    %mul3A_1 = arith.constant 128 : i32
    %mul3A_2 = arith.muli %add3A, %mul3A_1 : i32
    %run_scoped3A = arith.constant 0 : i32
    "tpu.region"() ({
      %run_scoped3A_145 = tpu.sem_alloc : memref<!tpu.dma_semaphore, #tpu.memory_space<semaphore_mem>>
      %dma_start3A_146 = arith.constant 0 : i32
      %dma_start3A_147 = tpu.memref_slice %arg3[%run_scoped3A, %add3A, %dma_start3A_146] : memref<2x32x128xi32, #tpu.memory_space<hbm>> -> memref<1x1x128xi32, #tpu.memory_space<hbm>>
      %dma_start3A_148 = tpu.memref_squeeze %dma_start3A_147 : memref<1x1x128xi32, #tpu.memory_space<hbm>> -> memref<128xi32, #tpu.memory_space<hbm>>
      %dma_start3A_149 = arith.constant 0 : i32
      %dma_start3A_150 = tpu.memref_slice %arg3[%run_scoped3A, %add3A, %dma_start3A_149] : memref<2x32x128xi32, #tpu.memory_space<hbm>> -> memref<1x1x128xi32, #tpu.memory_space<hbm>>
      %dma_start3A_151 = tpu.memref_squeeze %dma_start3A_150 : memref<1x1x128xi32, #tpu.memory_space<hbm>> -> memref<128xi32, #tpu.memory_space<hbm>>
      tpu.enqueue_dma source(%dma_start3A_151 : memref<128xi32, #tpu.memory_space<hbm>>) target(%arg5 : memref<128xi32, #tpu.memory_space<vmem>>) target_semaphore(%run_scoped3A_145 : memref<!tpu.dma_semaphore, #tpu.memory_space<semaphore_mem>>)
      %dma_wait3A_152 = arith.constant 0 : i32
      %dma_wait3A_153 = tpu.memref_slice %arg3[%run_scoped3A, %add3A, %dma_wait3A_152] : memref<2x32x128xi32, #tpu.memory_space<hbm>> -> memref<1x1x128xi32, #tpu.memory_space<hbm>>
      %dma_wait3A_154 = tpu.memref_squeeze %dma_wait3A_153 : memref<1x1x128xi32, #tpu.memory_space<hbm>> -> memref<128xi32, #tpu.memory_space<hbm>>
      %dma_wait3A_155 = arith.constant 0 : i32
      %dma_wait3A_156 = tpu.memref_slice %arg3[%run_scoped3A, %add3A, %dma_wait3A_155] : memref<2x32x128xi32, #tpu.memory_space<hbm>> -> memref<1x1x128xi32, #tpu.memory_space<hbm>>
      %dma_wait3A_157 = tpu.memref_squeeze %dma_wait3A_156 : memref<1x1x128xi32, #tpu.memory_space<hbm>> -> memref<128xi32, #tpu.memory_space<hbm>>
      tpu.wait_dma2 semaphore(%run_scoped3A_145 : memref<!tpu.dma_semaphore, #tpu.memory_space<semaphore_mem>>) src(%dma_wait3A_157 : memref<128xi32, #tpu.memory_space<hbm>>) dst(%arg5 : memref<128xi32, #tpu.memory_space<vmem>>)
      tpu.yield
    }) : () -> ()
    %run_scoped3A_3 = arith.constant 1 : i32
    "tpu.region"() ({
      %run_scoped3A_145 = tpu.sem_alloc : memref<!tpu.dma_semaphore, #tpu.memory_space<semaphore_mem>>
      %dma_start3A_146 = arith.constant 0 : i32
      %dma_start3A_147 = tpu.memref_slice %arg3[%run_scoped3A_3, %add3A, %dma_start3A_146] : memref<2x32x128xi32, #tpu.memory_space<hbm>> -> memref<1x1x128xi32, #tpu.memory_space<hbm>>
      %dma_start3A_148 = tpu.memref_squeeze %dma_start3A_147 : memref<1x1x128xi32, #tpu.memory_space<hbm>> -> memref<128xi32, #tpu.memory_space<hbm>>
      %dma_start3A_149 = arith.constant 0 : i32
      %dma_start3A_150 = tpu.memref_slice %arg3[%run_scoped3A_3, %add3A, %dma_start3A_149] : memref<2x32x128xi32, #tpu.memory_space<hbm>> -> memref<1x1x128xi32, #tpu.memory_space<hbm>>
      %dma_start3A_151 = tpu.memref_squeeze %dma_start3A_150 : memref<1x1x128xi32, #tpu.memory_space<hbm>> -> memref<128xi32, #tpu.memory_space<hbm>>
      tpu.enqueue_dma source(%dma_start3A_151 : memref<128xi32, #tpu.memory_space<hbm>>) target(%arg6 : memref<128xi32, #tpu.memory_space<vmem>>) target_semaphore(%run_scoped3A_145 : memref<!tpu.dma_semaphore, #tpu.memory_space<semaphore_mem>>)
      %dma_wait3A_152 = arith.constant 0 : i32
      %dma_wait3A_153 = tpu.memref_slice %arg3[%run_scoped3A_3, %add3A, %dma_wait3A_152] : memref<2x32x128xi32, #tpu.memory_space<hbm>> -> memref<1x1x128xi32, #tpu.memory_space<hbm>>
      %dma_wait3A_154 = tpu.memref_squeeze %dma_wait3A_153 : memref<1x1x128xi32, #tpu.memory_space<hbm>> -> memref<128xi32, #tpu.memory_space<hbm>>
      %dma_wait3A_155 = arith.constant 0 : i32
      %dma_wait3A_156 = tpu.memref_slice %arg3[%run_scoped3A_3, %add3A, %dma_wait3A_155] : memref<2x32x128xi32, #tpu.memory_space<hbm>> -> memref<1x1x128xi32, #tpu.memory_space<hbm>>
      %dma_wait3A_157 = tpu.memref_squeeze %dma_wait3A_156 : memref<1x1x128xi32, #tpu.memory_space<hbm>> -> memref<128xi32, #tpu.memory_space<hbm>>
      tpu.wait_dma2 semaphore(%run_scoped3A_145 : memref<!tpu.dma_semaphore, #tpu.memory_space<semaphore_mem>>) src(%dma_wait3A_157 : memref<128xi32, #tpu.memory_space<hbm>>) dst(%arg6 : memref<128xi32, #tpu.memory_space<vmem>>)
      tpu.yield
    }) : () -> ()
    %dma_start3A = arith.constant 0 : i32
    %dma_start3A_4 = tpu.memref_slice %arg5[%dma_start3A] : memref<128xi32, #tpu.memory_space<vmem>> -> memref<32xi32, #tpu.memory_space<vmem>>
    %dma_start3A_5 = arith.constant 0 : i32
    %dma_start3A_6 = arith.constant 0 : i32
    %dma_start3A_7 = tpu.memref_slice %arg2[%dma_start3A_5, %dma_start3A_6] : memref<24832x768xf32, #tpu.memory_space<hbm>> -> memref<24832x768xf32, #tpu.memory_space<hbm>>
    tpu.enqueue_indirect_dma source(%dma_start3A_7 : memref<24832x768xf32, #tpu.memory_space<hbm>>) target(%arg7 : memref<32x768xf32, #tpu.memory_space<vmem>>) offsets(%dma_start3A_4 : memref<32xi32, #tpu.memory_space<vmem>>) semaphore(%arg11 : memref<!tpu.dma_semaphore, #tpu.memory_space<semaphore_mem>>)
    %dma_start3A_8 = arith.constant 0 : i32
    %dma_start3A_9 = tpu.memref_slice %arg6[%dma_start3A_8] : memref<128xi32, #tpu.memory_space<vmem>> -> memref<32xi32, #tpu.memory_space<vmem>>
    %dma_start3A_10 = arith.constant 0 : i32
    %dma_start3A_11 = arith.constant 0 : i32
    %dma_start3A_12 = tpu.memref_slice %arg2[%dma_start3A_10, %dma_start3A_11] : memref<24832x768xf32, #tpu.memory_space<hbm>> -> memref<24832x768xf32, #tpu.memory_space<hbm>>
    tpu.enqueue_indirect_dma source(%dma_start3A_12 : memref<24832x768xf32, #tpu.memory_space<hbm>>) target(%arg8 : memref<32x768xf32, #tpu.memory_space<vmem>>) offsets(%dma_start3A_9 : memref<32xi32, #tpu.memory_space<vmem>>) semaphore(%arg11 : memref<!tpu.dma_semaphore, #tpu.memory_space<semaphore_mem>>)
    %dma_start3A_13 = arith.constant 32 : i32
    %dma_start3A_14 = tpu.memref_slice %arg5[%dma_start3A_13] : memref<128xi32, #tpu.memory_space<vmem>> -> memref<32xi32, #tpu.memory_space<vmem>>
    %dma_start3A_15 = arith.constant 0 : i32
    %dma_start3A_16 = arith.constant 0 : i32
    %dma_start3A_17 = tpu.memref_slice %arg2[%dma_start3A_15, %dma_start3A_16] : memref<24832x768xf32, #tpu.memory_space<hbm>> -> memref<24832x768xf32, #tpu.memory_space<hbm>>
    tpu.enqueue_indirect_dma source(%dma_start3A_17 : memref<24832x768xf32, #tpu.memory_space<hbm>>) target(%arg9 : memref<32x768xf32, #tpu.memory_space<vmem>>) offsets(%dma_start3A_14 : memref<32xi32, #tpu.memory_space<vmem>>) semaphore(%arg12 : memref<!tpu.dma_semaphore, #tpu.memory_space<semaphore_mem>>)
    %dma_start3A_18 = arith.constant 32 : i32
    %dma_start3A_19 = tpu.memref_slice %arg6[%dma_start3A_18] : memref<128xi32, #tpu.memory_space<vmem>> -> memref<32xi32, #tpu.memory_space<vmem>>
    %dma_start3A_20 = arith.constant 0 : i32
    %dma_start3A_21 = arith.constant 0 : i32
    %dma_start3A_22 = tpu.memref_slice %arg2[%dma_start3A_20, %dma_start3A_21] : memref<24832x768xf32, #tpu.memory_space<hbm>> -> memref<24832x768xf32, #tpu.memory_space<hbm>>
    tpu.enqueue_indirect_dma source(%dma_start3A_22 : memref<24832x768xf32, #tpu.memory_space<hbm>>) target(%arg10 : memref<32x768xf32, #tpu.memory_space<vmem>>) offsets(%dma_start3A_19 : memref<32xi32, #tpu.memory_space<vmem>>) semaphore(%arg12 : memref<!tpu.dma_semaphore, #tpu.memory_space<semaphore_mem>>)
    %dma_wait3A = arith.constant 0 : i32
    %dma_wait3A_23 = tpu.memref_slice %arg5[%dma_wait3A] : memref<128xi32, #tpu.memory_space<vmem>> -> memref<32xi32, #tpu.memory_space<vmem>>
    %dma_wait3A_24 = arith.constant 0 : i32
    %dma_wait3A_25 = arith.constant 0 : i32
    %dma_wait3A_26 = tpu.memref_slice %arg2[%dma_wait3A_24, %dma_wait3A_25] : memref<24832x768xf32, #tpu.memory_space<hbm>> -> memref<24832x768xf32, #tpu.memory_space<hbm>>
    tpu.wait_indirect_dma semaphore(%arg11 : memref<!tpu.dma_semaphore, #tpu.memory_space<semaphore_mem>>) src(%dma_wait3A_26 : memref<24832x768xf32, #tpu.memory_space<hbm>>) dst(%arg7 : memref<32x768xf32, #tpu.memory_space<vmem>>)
    %dma_wait3A_27 = arith.constant 0 : i32
    %dma_wait3A_28 = tpu.memref_slice %arg6[%dma_wait3A_27] : memref<128xi32, #tpu.memory_space<vmem>> -> memref<32xi32, #tpu.memory_space<vmem>>
    %dma_wait3A_29 = arith.constant 0 : i32
    %dma_wait3A_30 = arith.constant 0 : i32
    %dma_wait3A_31 = tpu.memref_slice %arg2[%dma_wait3A_29, %dma_wait3A_30] : memref<24832x768xf32, #tpu.memory_space<hbm>> -> memref<24832x768xf32, #tpu.memory_space<hbm>>
    tpu.wait_indirect_dma semaphore(%arg11 : memref<!tpu.dma_semaphore, #tpu.memory_space<semaphore_mem>>) src(%dma_wait3A_31 : memref<24832x768xf32, #tpu.memory_space<hbm>>) dst(%arg8 : memref<32x768xf32, #tpu.memory_space<vmem>>)
    %scan3A = arith.constant 0 : i32
    %scan3A_32 = arith.constant 0 : i32
    %scan3A_33 = arith.constant 32 : i32
    %scan3A_34 = arith.addi %scan3A_32, %scan3A_33 : i32
    %scan3A_35 = arith.constant 1 : i32
    scf.for %scan3A_145 = %scan3A_32 to %scan3A_34 step %scan3A_35  : i32 {
      %get3A = arith.index_cast %scan3A_145 : i32 to index
      %get3A_146 = arith.constant 0 : index
      %get3A_147 = tpu.vector_load %arg7[%get3A, %get3A_146] {strides = array<i32>} : memref<32x768xf32, #tpu.memory_space<vmem>>, vector<1x16xf32>,
      %get3A_148 = vector.shape_cast %get3A_147 : vector<1x16xf32> to vector<16xf32>
      %get3A_149 = arith.index_cast %scan3A_145 : i32 to index
      %get3A_150 = arith.constant 0 : index
      %get3A_151 = tpu.vector_load %arg8[%get3A_149, %get3A_150] {strides = array<i32>} : memref<32x768xf32, #tpu.memory_space<vmem>>, vector<1x16xf32>,
      %get3A_152 = vector.shape_cast %get3A_151 : vector<1x16xf32> to vector<16xf32>
      %add3A_153 = arith.addf %get3A_148, %get3A_152 : vector<16xf32>
      %swap3A = arith.index_cast %scan3A_145 : i32 to index
      %swap3A_154 = arith.constant 0 : index
      %swap3A_155 = tpu.vector_load %arg7[%swap3A, %swap3A_154] {strides = array<i32>} : memref<32x768xf32, #tpu.memory_space<vmem>>, vector<1x16xf32>,
      %swap3A_156 = vector.shape_cast %swap3A_155 : vector<1x16xf32> to vector<16xf32>
      %swap3A_157 = vector.shape_cast %add3A_153 : vector<16xf32> to vector<1x16xf32>
      tpu.vector_store %arg7[%swap3A, %swap3A_154], %swap3A_157 {strides = array<i32>} : memref<32x768xf32, #tpu.memory_space<vmem>>, vector<1x16xf32>,
      %get3A_158 = arith.index_cast %scan3A_145 : i32 to index
      %get3A_159 = arith.constant 16 : index
      %get3A_160 = tpu.vector_load %arg7[%get3A_158, %get3A_159] {strides = array<i32>} : memref<32x768xf32, #tpu.memory_space<vmem>>, vector<1x16xf32>,
      %get3A_161 = vector.shape_cast %get3A_160 : vector<1x16xf32> to vector<16xf32>
      %get3A_162 = arith.index_cast %scan3A_145 : i32 to index
      %get3A_163 = arith.constant 16 : index
      %get3A_164 = tpu.vector_load %arg8[%get3A_162, %get3A_163] {strides = array<i32>} : memref<32x768xf32, #tpu.memory_space<vmem>>, vector<1x16xf32>,
      %get3A_165 = vector.shape_cast %get3A_164 : vector<1x16xf32> to vector<16xf32>
      %add3A_166 = arith.addf %get3A_161, %get3A_165 : vector<16xf32>
      %swap3A_167 = arith.index_cast %scan3A_145 : i32 to index
      %swap3A_168 = arith.constant 16 : index
      %swap3A_169 = tpu.vector_load %arg7[%swap3A_167, %swap3A_168] {strides = array<i32>} : memref<32x768xf32, #tpu.memory_space<vmem>>, vector<1x16xf32>,
      %swap3A_170 = vector.shape_cast %swap3A_169 : vector<1x16xf32> to vector<16xf32>
      %swap3A_171 = vector.shape_cast %add3A_166 : vector<16xf32> to vector<1x16xf32>
      tpu.vector_store %arg7[%swap3A_167, %swap3A_168], %swap3A_171 {strides = array<i32>} : memref<32x768xf32, #tpu.memory_space<vmem>>, vector<1x16xf32>,
      %get3A_172 = arith.index_cast %scan3A_145 : i32 to index
      %get3A_173 = arith.constant 32 : index
      %get3A_174 = tpu.vector_load %arg7[%get3A_172, %get3A_173] {strides = array<i32>} : memref<32x768xf32, #tpu.memory_space<vmem>>, vector<1x16xf32>,
      %get3A_175 = vector.shape_cast %get3A_174 : vector<1x16xf32> to vector<16xf32>
      %get3A_176 = arith.index_cast %scan3A_145 : i32 to index
      %get3A_177 = arith.constant 32 : index
      %get3A_178 = tpu.vector_load %arg8[%get3A_176, %get3A_177] {strides = array<i32>} : memref<32x768xf32, #tpu.memory_space<vmem>>, vector<1x16xf32>,
      %get3A_179 = vector.shape_cast %get3A_178 : vector<1x16xf32> to vector<16xf32>
      %add3A_180 = arith.addf %get3A_175, %get3A_179 : vector<16xf32>
      %swap3A_181 = arith.index_cast %scan3A_145 : i32 to index
      %swap3A_182 = arith.constant 32 : index
      %swap3A_183 = tpu.vector_load %arg7[%swap3A_181, %swap3A_182] {strides = array<i32>} : memref<32x768xf32, #tpu.memory_space<vmem>>, vector<1x16xf32>,
      %swap3A_184 = vector.shape_cast %swap3A_183 : vector<1x16xf32> to vector<16xf32>
      %swap3A_185 = vector.shape_cast %add3A_180 : vector<16xf32> to vector<1x16xf32>
      tpu.vector_store %arg7[%swap3A_181, %swap3A_182], %swap3A_185 {strides = array<i32>} : memref<32x768xf32, #tpu.memory_space<vmem>>, vector<1x16xf32>,
      %get3A_186 = arith.index_cast %scan3A_145 : i32 to index
      %get3A_187 = arith.constant 48 : index
      %get3A_188 = tpu.vector_load %arg7[%get3A_186, %get3A_187] {strides = array<i32>} : memref<32x768xf32, #tpu.memory_space<vmem>>, vector<1x16xf32>,
      %get3A_189 = vector.shape_cast %get3A_188 : vector<1x16xf32> to vector<16xf32>
      %get3A_190 = arith.index_cast %scan3A_145 : i32 to index
      %get3A_191 = arith.constant 48 : index
      %get3A_192 = tpu.vector_load %arg8[%get3A_190, %get3A_191] {strides = array<i32>} : memref<32x768xf32, #tpu.memory_space<vmem>>, vector<1x16xf32>,
      %get3A_193 = vector.shape_cast %get3A_192 : vector<1x16xf32> to vector<16xf32>
      %add3A_194 = arith.addf %get3A_189, %get3A_193 : vector<16xf32>
      %swap3A_195 = arith.index_cast %scan3A_145 : i32 to index
      %swap3A_196 = arith.constant 48 : index
      %swap3A_197 = tpu.vector_load %arg7[%swap3A_195, %swap3A_196] {strides = array<i32>} : memref<32x768xf32, #tpu.memory_space<vmem>>, vector<1x16xf32>,
      %swap3A_198 = vector.shape_cast %swap3A_197 : vector<1x16xf32> to vector<16xf32>
      %swap3A_199 = vector.shape_cast %add3A_194 : vector<16xf32> to vector<1x16xf32>
      tpu.vector_store %arg7[%swap3A_195, %swap3A_196], %swap3A_199 {strides = array<i32>} : memref<32x768xf32, #tpu.memory_space<vmem>>, vector<1x16xf32>,
      %get3A_200 = arith.index_cast %scan3A_145 : i32 to index
      %get3A_201 = arith.constant 64 : index
      %get3A_202 = tpu.vector_load %arg7[%get3A_200, %get3A_201] {strides = array<i32>} : memref<32x768xf32, #tpu.memory_space<vmem>>, vector<1x16xf32>,
      %get3A_203 = vector.shape_cast %get3A_202 : vector<1x16xf32> to vector<16xf32>
      %get3A_204 = arith.index_cast %scan3A_145 : i32 to index
      %get3A_205 = arith.constant 64 : index
      %get3A_206 = tpu.vector_load %arg8[%get3A_204, %get3A_205] {strides = array<i32>} : memref<32x768xf32, #tpu.memory_space<vmem>>, vector<1x16xf32>,
      %get3A_207 = vector.shape_cast %get3A_206 : vector<1x16xf32> to vector<16xf32>
      %add3A_208 = arith.addf %get3A_203, %get3A_207 : vector<16xf32>
      %swap3A_209 = arith.index_cast %scan3A_145 : i32 to index
      %swap3A_210 = arith.constant 64 : index
      %swap3A_211 = tpu.vector_load %arg7[%swap3A_209, %swap3A_210] {strides = array<i32>} : memref<32x768xf32, #tpu.memory_space<vmem>>, vector<1x16xf32>,
      %swap3A_212 = vector.shape_cast %swap3A_211 : vector<1x16xf32> to vector<16xf32>
      %swap3A_213 = vector.shape_cast %add3A_208 : vector<16xf32> to vector<1x16xf32>
      tpu.vector_store %arg7[%swap3A_209, %swap3A_210], %swap3A_213 {strides = array<i32>} : memref<32x768xf32, #tpu.memory_space<vmem>>, vector<1x16xf32>,
      %get3A_214 = arith.index_cast %scan3A_145 : i32 to index
      %get3A_215 = arith.constant 80 : index
      %get3A_216 = tpu.vector_load %arg7[%get3A_214, %get3A_215] {strides = array<i32>} : memref<32x768xf32, #tpu.memory_space<vmem>>, vector<1x16xf32>,
      %get3A_217 = vector.shape_cast %get3A_216 : vector<1x16xf32> to vector<16xf32>
      %get3A_218 = arith.index_cast %scan3A_145 : i32 to index
      %get3A_219 = arith.constant 80 : index
      %get3A_220 = tpu.vector_load %arg8[%get3A_218, %get3A_219] {strides = array<i32>} : memref<32x768xf32, #tpu.memory_space<vmem>>, vector<1x16xf32>,
      %get3A_221 = vector.shape_cast %get3A_220 : vector<1x16xf32> to vector<16xf32>
      %add3A_222 = arith.addf %get3A_217, %get3A_221 : vector<16xf32>
      %swap3A_223 = arith.index_cast %scan3A_145 : i32 to index
      %swap3A_224 = arith.constant 80 : index
      %swap3A_225 = tpu.vector_load %arg7[%swap3A_223, %swap3A_224] {strides = array<i32>} : memref<32x768xf32, #tpu.memory_space<vmem>>, vector<1x16xf32>,
      %swap3A_226 = vector.shape_cast %swap3A_225 : vector<1x16xf32> to vector<16xf32>
      %swap3A_227 = vector.shape_cast %add3A_222 : vector<16xf32> to vector<1x16xf32>
      tpu.vector_store %arg7[%swap3A_223, %swap3A_224], %swap3A_227 {strides = array<i32>} : memref<32x768xf32, #tpu.memory_space<vmem>>, vector<1x16xf32>,
      %get3A_228 = arith.index_cast %scan3A_145 : i32 to index
      %get3A_229 = arith.constant 96 : index
      %get3A_230 = tpu.vector_load %arg7[%get3A_228, %get3A_229] {strides = array<i32>} : memref<32x768xf32, #tpu.memory_space<vmem>>, vector<1x16xf32>,
      %get3A_231 = vector.shape_cast %get3A_230 : vector<1x16xf32> to vector<16xf32>
      %get3A_232 = arith.index_cast %scan3A_145 : i32 to index
      %get3A_233 = arith.constant 96 : index
      %get3A_234 = tpu.vector_load %arg8[%get3A_232, %get3A_233] {strides = array<i32>} : memref<32x768xf32, #tpu.memory_space<vmem>>, vector<1x16xf32>,
      %get3A_235 = vector.shape_cast %get3A_234 : vector<1x16xf32> to vector<16xf32>
      %add3A_236 = arith.addf %get3A_231, %get3A_235 : vector<16xf32>
      %swap3A_237 = arith.index_cast %scan3A_145 : i32 to index
      %swap3A_238 = arith.constant 96 : index
      %swap3A_239 = tpu.vector_load %arg7[%swap3A_237, %swap3A_238] {strides = array<i32>} : memref<32x768xf32, #tpu.memory_space<vmem>>, vector<1x16xf32>,
      %swap3A_240 = vector.shape_cast %swap3A_239 : vector<1x16xf32> to vector<16xf32>
      %swap3A_241 = vector.shape_cast %add3A_236 : vector<16xf32> to vector<1x16xf32>
      tpu.vector_store %arg7[%swap3A_237, %swap3A_238], %swap3A_241 {strides = array<i32>} : memref<32x768xf32, #tpu.memory_space<vmem>>, vector<1x16xf32>,
      %get3A_242 = arith.index_cast %scan3A_145 : i32 to index
      %get3A_243 = arith.constant 112 : index
      %get3A_244 = tpu.vector_load %arg7[%get3A_242, %get3A_243] {strides = array<i32>} : memref<32x768xf32, #tpu.memory_space<vmem>>, vector<1x16xf32>,
      %get3A_245 = vector.shape_cast %get3A_244 : vector<1x16xf32> to vector<16xf32>
      %get3A_246 = arith.index_cast %scan3A_145 : i32 to index
      %get3A_247 = arith.constant 112 : index
      %get3A_248 = tpu.vector_load %arg8[%get3A_246, %get3A_247] {strides = array<i32>} : memref<32x768xf32, #tpu.memory_space<vmem>>, vector<1x16xf32>,
      %get3A_249 = vector.shape_cast %get3A_248 : vector<1x16xf32> to vector<16xf32>
      %add3A_250 = arith.addf %get3A_245, %get3A_249 : vector<16xf32>
      %swap3A_251 = arith.index_cast %scan3A_145 : i32 to index
      %swap3A_252 = arith.constant 112 : index
      %swap3A_253 = tpu.vector_load %arg7[%swap3A_251, %swap3A_252] {strides = array<i32>} : memref<32x768xf32, #tpu.memory_space<vmem>>, vector<1x16xf32>,
      %swap3A_254 = vector.shape_cast %swap3A_253 : vector<1x16xf32> to vector<16xf32>
      %swap3A_255 = vector.shape_cast %add3A_250 : vector<16xf32> to vector<1x16xf32>
      tpu.vector_store %arg7[%swap3A_251, %swap3A_252], %swap3A_255 {strides = array<i32>} : memref<32x768xf32, #tpu.memory_space<vmem>>, vector<1x16xf32>,
      %get3A_256 = arith.index_cast %scan3A_145 : i32 to index
      %get3A_257 = arith.constant 128 : index
      %get3A_258 = tpu.vector_load %arg7[%get3A_256, %get3A_257] {strides = array<i32>} : memref<32x768xf32, #tpu.memory_space<vmem>>, vector<1x16xf32>,
      %get3A_259 = vector.shape_cast %get3A_258 : vector<1x16xf32> to vector<16xf32>
      %get3A_260 = arith.index_cast %scan3A_145 : i32 to index
      %get3A_261 = arith.constant 128 : index
      %get3A_262 = tpu.vector_load %arg8[%get3A_260, %get3A_261] {strides = array<i32>} : memref<32x768xf32, #tpu.memory_space<vmem>>, vector<1x16xf32>,
      %get3A_263 = vector.shape_cast %get3A_262 : vector<1x16xf32> to vector<16xf32>
      %add3A_264 = arith.addf %get3A_259, %get3A_263 : vector<16xf32>
      %swap3A_265 = arith.index_cast %scan3A_145 : i32 to index
      %swap3A_266 = arith.constant 128 : index
      %swap3A_267 = tpu.vector_load %arg7[%swap3A_265, %swap3A_266] {strides = array<i32>} : memref<32x768xf32, #tpu.memory_space<vmem>>, vector<1x16xf32>,
      %swap3A_268 = vector.shape_cast %swap3A_267 : vector<1x16xf32> to vector<16xf32>
      %swap3A_269 = vector.shape_cast %add3A_264 : vector<16xf32> to vector<1x16xf32>
      tpu.vector_store %arg7[%swap3A_265, %swap3A_266], %swap3A_269 {strides = array<i32>} : memref<32x768xf32, #tpu.memory_space<vmem>>, vector<1x16xf32>,
      %get3A_270 = arith.index_cast %scan3A_145 : i32 to index
      %get3A_271 = arith.constant 144 : index
      %get3A_272 = tpu.vector_load %arg7[%get3A_270, %get3A_271] {strides = array<i32>} : memref<32x768xf32, #tpu.memory_space<vmem>>, vector<1x16xf32>,
      %get3A_273 = vector.shape_cast %get3A_272 : vector<1x16xf32> to vector<16xf32>
      %get3A_274 = arith.index_cast %scan3A_145 : i32 to index
      %get3A_275 = arith.constant 144 : index
      %get3A_276 = tpu.vector_load %arg8[%get3A_274, %get3A_275] {strides = array<i32>} : memref<32x768xf32, #tpu.memory_space<vmem>>, vector<1x16xf32>,
      %get3A_277 = vector.shape_cast %get3A_276 : vector<1x16xf32> to vector<16xf32>
      %add3A_278 = arith.addf %get3A_273, %get3A_277 : vector<16xf32>
      %swap3A_279 = arith.index_cast %scan3A_145 : i32 to index
      %swap3A_280 = arith.constant 144 : index
      %swap3A_281 = tpu.vector_load %arg7[%swap3A_279, %swap3A_280] {strides = array<i32>} : memref<32x768xf32, #tpu.memory_space<vmem>>, vector<1x16xf32>,
      %swap3A_282 = vector.shape_cast %swap3A_281 : vector<1x16xf32> to vector<16xf32>
      %swap3A_283 = vector.shape_cast %add3A_278 : vector<16xf32> to vector<1x16xf32>
      tpu.vector_store %arg7[%swap3A_279, %swap3A_280], %swap3A_283 {strides = array<i32>} : memref<32x768xf32, #tpu.memory_space<vmem>>, vector<1x16xf32>,
      %get3A_284 = arith.index_cast %scan3A_145 : i32 to index
      %get3A_285 = arith.constant 160 : index
      %get3A_286 = tpu.vector_load %arg7[%get3A_284, %get3A_285] {strides = array<i32>} : memref<32x768xf32, #tpu.memory_space<vmem>>, vector<1x16xf32>,
      %get3A_287 = vector.shape_cast %get3A_286 : vector<1x16xf32> to vector<16xf32>
      %get3A_288 = arith.index_cast %scan3A_145 : i32 to index
      %get3A_289 = arith.constant 160 : index
      %get3A_290 = tpu.vector_load %arg8[%get3A_288, %get3A_289] {strides = array<i32>} : memref<32x768xf32, #tpu.memory_space<vmem>>, vector<1x16xf32>,
      %get3A_291 = vector.shape_cast %get3A_290 : vector<1x16xf32> to vector<16xf32>
      %add3A_292 = arith.addf %get3A_287, %get3A_291 : vector<16xf32>
      %swap3A_293 = arith.index_cast %scan3A_145 : i32 to index
      %swap3A_294 = arith.constant 160 : index
      %swap3A_295 = tpu.vector_load %arg7[%swap3A_293, %swap3A_294] {strides = array<i32>} : memref<32x768xf32, #tpu.memory_space<vmem>>, vector<1x16xf32>,
      %swap3A_296 = vector.shape_cast %swap3A_295 : vector<1x16xf32> to vector<16xf32>
      %swap3A_297 = vector.shape_cast %add3A_292 : vector<16xf32> to vector<1x16xf32>
      tpu.vector_store %arg7[%swap3A_293, %swap3A_294], %swap3A_297 {strides = array<i32>} : memref<32x768xf32, #tpu.memory_space<vmem>>, vector<1x16xf32>,
      %get3A_298 = arith.index_cast %scan3A_145 : i32 to index
      %get3A_299 = arith.constant 176 : index
      %get3A_300 = tpu.vector_load %arg7[%get3A_298, %get3A_299] {strides = array<i32>} : memref<32x768xf32, #tpu.memory_space<vmem>>, vector<1x16xf32>,
      %get3A_301 = vector.shape_cast %get3A_300 : vector<1x16xf32> to vector<16xf32>
      %get3A_302 = arith.index_cast %scan3A_145 : i32 to index
      %get3A_303 = arith.constant 176 : index
      %get3A_304 = tpu.vector_load %arg8[%get3A_302, %get3A_303] {strides = array<i32>} : memref<32x768xf32, #tpu.memory_space<vmem>>, vector<1x16xf32>,
      %get3A_305 = vector.shape_cast %get3A_304 : vector<1x16xf32> to vector<16xf32>
      %add3A_306 = arith.addf %get3A_301, %get3A_305 : vector<16xf32>
      %swap3A_307 = arith.index_cast %scan3A_145 : i32 to index
      %swap3A_308 = arith.constant 176 : index
      %swap3A_309 = tpu.vector_load %arg7[%swap3A_307, %swap3A_308] {strides = array<i32>} : memref<32x768xf32, #tpu.memory_space<vmem>>, vector<1x16xf32>,
      %swap3A_310 = vector.shape_cast %swap3A_309 : vector<1x16xf32> to vector<16xf32>
      %swap3A_311 = vector.shape_cast %add3A_306 : vector<16xf32> to vector<1x16xf32>
      tpu.vector_store %arg7[%swap3A_307, %swap3A_308], %swap3A_311 {strides = array<i32>} : memref<32x768xf32, #tpu.memory_space<vmem>>, vector<1x16xf32>,
      %get3A_312 = arith.index_cast %scan3A_145 : i32 to index
      %get3A_313 = arith.constant 192 : index
      %get3A_314 = tpu.vector_load %arg7[%get3A_312, %get3A_313] {strides = array<i32>} : memref<32x768xf32, #tpu.memory_space<vmem>>, vector<1x16xf32>,
      %get3A_315 = vector.shape_cast %get3A_314 : vector<1x16xf32> to vector<16xf32>
      %get3A_316 = arith.index_cast %scan3A_145 : i32 to index
      %get3A_317 = arith.constant 192 : index
      %get3A_318 = tpu.vector_load %arg8[%get3A_316, %get3A_317] {strides = array<i32>} : memref<32x768xf32, #tpu.memory_space<vmem>>, vector<1x16xf32>,
      %get3A_319 = vector.shape_cast %get3A_318 : vector<1x16xf32> to vector<16xf32>
      %add3A_320 = arith.addf %get3A_315, %get3A_319 : vector<16xf32>
      %swap3A_321 = arith.index_cast %scan3A_145 : i32 to index
      %swap3A_322 = arith.constant 192 : index
      %swap3A_323 = tpu.vector_load %arg7[%swap3A_321, %swap3A_322] {strides = array<i32>} : memref<32x768xf32, #tpu.memory_space<vmem>>, vector<1x16xf32>,
      %swap3A_324 = vector.shape_cast %swap3A_323 : vector<1x16xf32> to vector<16xf32>
      %swap3A_325 = vector.shape_cast %add3A_320 : vector<16xf32> to vector<1x16xf32>
      tpu.vector_store %arg7[%swap3A_321, %swap3A_322], %swap3A_325 {strides = array<i32>} : memref<32x768xf32, #tpu.memory_space<vmem>>, vector<1x16xf32>,
      %get3A_326 = arith.index_cast %scan3A_145 : i32 to index
      %get3A_327 = arith.constant 208 : index
      %get3A_328 = tpu.vector_load %arg7[%get3A_326, %get3A_327] {strides = array<i32>} : memref<32x768xf32, #tpu.memory_space<vmem>>, vector<1x16xf32>,
      %get3A_329 = vector.shape_cast %get3A_328 : vector<1x16xf32> to vector<16xf32>
      %get3A_330 = arith.index_cast %scan3A_145 : i32 to index
      %get3A_331 = arith.constant 208 : index
      %get3A_332 = tpu.vector_load %arg8[%get3A_330, %get3A_331] {strides = array<i32>} : memref<32x768xf32, #tpu.memory_space<vmem>>, vector<1x16xf32>,
      %get3A_333 = vector.shape_cast %get3A_332 : vector<1x16xf32> to vector<16xf32>
      %add3A_334 = arith.addf %get3A_329, %get3A_333 : vector<16xf32>
      %swap3A_335 = arith.index_cast %scan3A_145 : i32 to index
      %swap3A_336 = arith.constant 208 : index
      %swap3A_337 = tpu.vector_load %arg7[%swap3A_335, %swap3A_336] {strides = array<i32>} : memref<32x768xf32, #tpu.memory_space<vmem>>, vector<1x16xf32>,
      %swap3A_338 = vector.shape_cast %swap3A_337 : vector<1x16xf32> to vector<16xf32>
      %swap3A_339 = vector.shape_cast %add3A_334 : vector<16xf32> to vector<1x16xf32>
      tpu.vector_store %arg7[%swap3A_335, %swap3A_336], %swap3A_339 {strides = array<i32>} : memref<32x768xf32, #tpu.memory_space<vmem>>, vector<1x16xf32>,
      %get3A_340 = arith.index_cast %scan3A_145 : i32 to index
      %get3A_341 = arith.constant 224 : index
      %get3A_342 = tpu.vector_load %arg7[%get3A_340, %get3A_341] {strides = array<i32>} : memref<32x768xf32, #tpu.memory_space<vmem>>, vector<1x16xf32>,
      %get3A_343 = vector.shape_cast %get3A_342 : vector<1x16xf32> to vector<16xf32>
      %get3A_344 = arith.index_cast %scan3A_145 : i32 to index
      %get3A_345 = arith.constant 224 : index
      %get3A_346 = tpu.vector_load %arg8[%get3A_344, %get3A_345] {strides = array<i32>} : memref<32x768xf32, #tpu.memory_space<vmem>>, vector<1x16xf32>,
      %get3A_347 = vector.shape_cast %get3A_346 : vector<1x16xf32> to vector<16xf32>
      %add3A_348 = arith.addf %get3A_343, %get3A_347 : vector<16xf32>
      %swap3A_349 = arith.index_cast %scan3A_145 : i32 to index
      %swap3A_350 = arith.constant 224 : index
      %swap3A_351 = tpu.vector_load %arg7[%swap3A_349, %swap3A_350] {strides = array<i32>} : memref<32x768xf32, #tpu.memory_space<vmem>>, vector<1x16xf32>,
      %swap3A_352 = vector.shape_cast %swap3A_351 : vector<1x16xf32> to vector<16xf32>
      %swap3A_353 = vector.shape_cast %add3A_348 : vector<16xf32> to vector<1x16xf32>
      tpu.vector_store %arg7[%swap3A_349, %swap3A_350], %swap3A_353 {strides = array<i32>} : memref<32x768xf32, #tpu.memory_space<vmem>>, vector<1x16xf32>,
      %get3A_354 = arith.index_cast %scan3A_145 : i32 to index
      %get3A_355 = arith.constant 240 : index
      %get3A_356 = tpu.vector_load %arg7[%get3A_354, %get3A_355] {strides = array<i32>} : memref<32x768xf32, #tpu.memory_space<vmem>>, vector<1x16xf32>,
      %get3A_357 = vector.shape_cast %get3A_356 : vector<1x16xf32> to vector<16xf32>
      %get3A_358 = arith.index_cast %scan3A_145 : i32 to index
      %get3A_359 = arith.constant 240 : index
      %get3A_360 = tpu.vector_load %arg8[%get3A_358, %get3A_359] {strides = array<i32>} : memref<32x768xf32, #tpu.memory_space<vmem>>, vector<1x16xf32>,
      %get3A_361 = vector.shape_cast %get3A_360 : vector<1x16xf32> to vector<16xf32>
      %add3A_362 = arith.addf %get3A_357, %get3A_361 : vector<16xf32>
      %swap3A_363 = arith.index_cast %scan3A_145 : i32 to index
      %swap3A_364 = arith.constant 240 : index
      %swap3A_365 = tpu.vector_load %arg7[%swap3A_363, %swap3A_364] {strides = array<i32>} : memref<32x768xf32, #tpu.memory_space<vmem>>, vector<1x16xf32>,
      %swap3A_366 = vector.shape_cast %swap3A_365 : vector<1x16xf32> to vector<16xf32>
      %swap3A_367 = vector.shape_cast %add3A_362 : vector<16xf32> to vector<1x16xf32>
      tpu.vector_store %arg7[%swap3A_363, %swap3A_364], %swap3A_367 {strides = array<i32>} : memref<32x768xf32, #tpu.memory_space<vmem>>, vector<1x16xf32>,
      %get3A_368 = arith.index_cast %scan3A_145 : i32 to index
      %get3A_369 = arith.constant 256 : index
      %get3A_370 = tpu.vector_load %arg7[%get3A_368, %get3A_369] {strides = array<i32>} : memref<32x768xf32, #tpu.memory_space<vmem>>, vector<1x16xf32>,
      %get3A_371 = vector.shape_cast %get3A_370 : vector<1x16xf32> to vector<16xf32>
      %get3A_372 = arith.index_cast %scan3A_145 : i32 to index
      %get3A_373 = arith.constant 256 : index
      %get3A_374 = tpu.vector_load %arg8[%get3A_372, %get3A_373] {strides = array<i32>} : memref<32x768xf32, #tpu.memory_space<vmem>>, vector<1x16xf32>,
      %get3A_375 = vector.shape_cast %get3A_374 : vector<1x16xf32> to vector<16xf32>
      %add3A_376 = arith.addf %get3A_371, %get3A_375 : vector<16xf32>
      %swap3A_377 = arith.index_cast %scan3A_145 : i32 to index
      %swap3A_378 = arith.constant 256 : index
      %swap3A_379 = tpu.vector_load %arg7[%swap3A_377, %swap3A_378] {strides = array<i32>} : memref<32x768xf32, #tpu.memory_space<vmem>>, vector<1x16xf32>,
      %swap3A_380 = vector.shape_cast %swap3A_379 : vector<1x16xf32> to vector<16xf32>
      %swap3A_381 = vector.shape_cast %add3A_376 : vector<16xf32> to vector<1x16xf32>
      tpu.vector_store %arg7[%swap3A_377, %swap3A_378], %swap3A_381 {strides = array<i32>} : memref<32x768xf32, #tpu.memory_space<vmem>>, vector<1x16xf32>,
      %get3A_382 = arith.index_cast %scan3A_145 : i32 to index
      %get3A_383 = arith.constant 272 : index
      %get3A_384 = tpu.vector_load %arg7[%get3A_382, %get3A_383] {strides = array<i32>} : memref<32x768xf32, #tpu.memory_space<vmem>>, vector<1x16xf32>,
      %get3A_385 = vector.shape_cast %get3A_384 : vector<1x16xf32> to vector<16xf32>
      %get3A_386 = arith.index_cast %scan3A_145 : i32 to index
      %get3A_387 = arith.constant 272 : index
      %get3A_388 = tpu.vector_load %arg8[%get3A_386, %get3A_387] {strides = array<i32>} : memref<32x768xf32, #tpu.memory_space<vmem>>, vector<1x16xf32>,
      %get3A_389 = vector.shape_cast %get3A_388 : vector<1x16xf32> to vector<16xf32>
      %add3A_390 = arith.addf %get3A_385, %get3A_389 : vector<16xf32>
      %swap3A_391 = arith.index_cast %scan3A_145 : i32 to index
      %swap3A_392 = arith.constant 272 : index
      %swap3A_393 = tpu.vector_load %arg7[%swap3A_391, %swap3A_392] {strides = array<i32>} : memref<32x768xf32, #tpu.memory_space<vmem>>, vector<1x16xf32>,
      %swap3A_394 = vector.shape_cast %swap3A_393 : vector<1x16xf32> to vector<16xf32>
      %swap3A_395 = vector.shape_cast %add3A_390 : vector<16xf32> to vector<1x16xf32>
      tpu.vector_store %arg7[%swap3A_391, %swap3A_392], %swap3A_395 {strides = array<i32>} : memref<32x768xf32, #tpu.memory_space<vmem>>, vector<1x16xf32>,
      %get3A_396 = arith.index_cast %scan3A_145 : i32 to index
      %get3A_397 = arith.constant 288 : index
      %get3A_398 = tpu.vector_load %arg7[%get3A_396, %get3A_397] {strides = array<i32>} : memref<32x768xf32, #tpu.memory_space<vmem>>, vector<1x16xf32>,
      %get3A_399 = vector.shape_cast %get3A_398 : vector<1x16xf32> to vector<16xf32>
      %get3A_400 = arith.index_cast %scan3A_145 : i32 to index
      %get3A_401 = arith.constant 288 : index
      %get3A_402 = tpu.vector_load %arg8[%get3A_400, %get3A_401] {strides = array<i32>} : memref<32x768xf32, #tpu.memory_space<vmem>>, vector<1x16xf32>,
      %get3A_403 = vector.shape_cast %get3A_402 : vector<1x16xf32> to vector<16xf32>
      %add3A_404 = arith.addf %get3A_399, %get3A_403 : vector<16xf32>
      %swap3A_405 = arith.index_cast %scan3A_145 : i32 to index
      %swap3A_406 = arith.constant 288 : index
      %swap3A_407 = tpu.vector_load %arg7[%swap3A_405, %swap3A_406] {strides = array<i32>} : memref<32x768xf32, #tpu.memory_space<vmem>>, vector<1x16xf32>,
      %swap3A_408 = vector.shape_cast %swap3A_407 : vector<1x16xf32> to vector<16xf32>
      %swap3A_409 = vector.shape_cast %add3A_404 : vector<16xf32> to vector<1x16xf32>
      tpu.vector_store %arg7[%swap3A_405, %swap3A_406], %swap3A_409 {strides = array<i32>} : memref<32x768xf32, #tpu.memory_space<vmem>>, vector<1x16xf32>,
      %get3A_410 = arith.index_cast %scan3A_145 : i32 to index
      %get3A_411 = arith.constant 304 : index
      %get3A_412 = tpu.vector_load %arg7[%get3A_410, %get3A_411] {strides = array<i32>} : memref<32x768xf32, #tpu.memory_space<vmem>>, vector<1x16xf32>,
      %get3A_413 = vector.shape_cast %get3A_412 : vector<1x16xf32> to vector<16xf32>
      %get3A_414 = arith.index_cast %scan3A_145 : i32 to index
      %get3A_415 = arith.constant 304 : index
      %get3A_416 = tpu.vector_load %arg8[%get3A_414, %get3A_415] {strides = array<i32>} : memref<32x768xf32, #tpu.memory_space<vmem>>, vector<1x16xf32>,
      %get3A_417 = vector.shape_cast %get3A_416 : vector<1x16xf32> to vector<16xf32>
      %add3A_418 = arith.addf %get3A_413, %get3A_417 : vector<16xf32>
      %swap3A_419 = arith.index_cast %scan3A_145 : i32 to index
      %swap3A_420 = arith.constant 304 : index
      %swap3A_421 = tpu.vector_load %arg7[%swap3A_419, %swap3A_420] {strides = array<i32>} : memref<32x768xf32, #tpu.memory_space<vmem>>, vector<1x16xf32>,
      %swap3A_422 = vector.shape_cast %swap3A_421 : vector<1x16xf32> to vector<16xf32>
      %swap3A_423 = vector.shape_cast %add3A_418 : vector<16xf32> to vector<1x16xf32>
      tpu.vector_store %arg7[%swap3A_419, %swap3A_420], %swap3A_423 {strides = array<i32>} : memref<32x768xf32, #tpu.memory_space<vmem>>, vector<1x16xf32>,
      %get3A_424 = arith.index_cast %scan3A_145 : i32 to index
      %get3A_425 = arith.constant 320 : index
      %get3A_426 = tpu.vector_load %arg7[%get3A_424, %get3A_425] {strides = array<i32>} : memref<32x768xf32, #tpu.memory_space<vmem>>, vector<1x16xf32>,
      %get3A_427 = vector.shape_cast %get3A_426 : vector<1x16xf32> to vector<16xf32>
      %get3A_428 = arith.index_cast %scan3A_145 : i32 to index
      %get3A_429 = arith.constant 320 : index
      %get3A_430 = tpu.vector_load %arg8[%get3A_428, %get3A_429] {strides = array<i32>} : memref<32x768xf32, #tpu.memory_space<vmem>>, vector<1x16xf32>,
      %get3A_431 = vector.shape_cast %get3A_430 : vector<1x16xf32> to vector<16xf32>
      %add3A_432 = arith.addf %get3A_427, %get3A_431 : vector<16xf32>
      %swap3A_433 = arith.index_cast %scan3A_145 : i32 to index
      %swap3A_434 = arith.constant 320 : index
      %swap3A_435 = tpu.vector_load %arg7[%swap3A_433, %swap3A_434] {strides = array<i32>} : memref<32x768xf32, #tpu.memory_space<vmem>>, vector<1x16xf32>,
      %swap3A_436 = vector.shape_cast %swap3A_435 : vector<1x16xf32> to vector<16xf32>
      %swap3A_437 = vector.shape_cast %add3A_432 : vector<16xf32> to vector<1x16xf32>
      tpu.vector_store %arg7[%swap3A_433, %swap3A_434], %swap3A_437 {strides = array<i32>} : memref<32x768xf32, #tpu.memory_space<vmem>>, vector<1x16xf32>,
      %get3A_438 = arith.index_cast %scan3A_145 : i32 to index
      %get3A_439 = arith.constant 336 : index
      %get3A_440 = tpu.vector_load %arg7[%get3A_438, %get3A_439] {strides = array<i32>} : memref<32x768xf32, #tpu.memory_space<vmem>>, vector<1x16xf32>,
      %get3A_441 = vector.shape_cast %get3A_440 : vector<1x16xf32> to vector<16xf32>
      %get3A_442 = arith.index_cast %scan3A_145 : i32 to index
      %get3A_443 = arith.constant 336 : index
      %get3A_444 = tpu.vector_load %arg8[%get3A_442, %get3A_443] {strides = array<i32>} : memref<32x768xf32, #tpu.memory_space<vmem>>, vector<1x16xf32>,
      %get3A_445 = vector.shape_cast %get3A_444 : vector<1x16xf32> to vector<16xf32>
      %add3A_446 = arith.addf %get3A_441, %get3A_445 : vector<16xf32>
      %swap3A_447 = arith.index_cast %scan3A_145 : i32 to index
      %swap3A_448 = arith.constant 336 : index
      %swap3A_449 = tpu.vector_load %arg7[%swap3A_447, %swap3A_448] {strides = array<i32>} : memref<32x768xf32, #tpu.memory_space<vmem>>, vector<1x16xf32>,
      %swap3A_450 = vector.shape_cast %swap3A_449 : vector<1x16xf32> to vector<16xf32>
      %swap3A_451 = vector.shape_cast %add3A_446 : vector<16xf32> to vector<1x16xf32>
      tpu.vector_store %arg7[%swap3A_447, %swap3A_448], %swap3A_451 {strides = array<i32>} : memref<32x768xf32, #tpu.memory_space<vmem>>, vector<1x16xf32>,
      %get3A_452 = arith.index_cast %scan3A_145 : i32 to index
      %get3A_453 = arith.constant 352 : index
      %get3A_454 = tpu.vector_load %arg7[%get3A_452, %get3A_453] {strides = array<i32>} : memref<32x768xf32, #tpu.memory_space<vmem>>, vector<1x16xf32>,
      %get3A_455 = vector.shape_cast %get3A_454 : vector<1x16xf32> to vector<16xf32>
      %get3A_456 = arith.index_cast %scan3A_145 : i32 to index
      %get3A_457 = arith.constant 352 : index
      %get3A_458 = tpu.vector_load %arg8[%get3A_456, %get3A_457] {strides = array<i32>} : memref<32x768xf32, #tpu.memory_space<vmem>>, vector<1x16xf32>,
      %get3A_459 = vector.shape_cast %get3A_458 : vector<1x16xf32> to vector<16xf32>
      %add3A_460 = arith.addf %get3A_455, %get3A_459 : vector<16xf32>
      %swap3A_461 = arith.index_cast %scan3A_145 : i32 to index
      %swap3A_462 = arith.constant 352 : index
      %swap3A_463 = tpu.vector_load %arg7[%swap3A_461, %swap3A_462] {strides = array<i32>} : memref<32x768xf32, #tpu.memory_space<vmem>>, vector<1x16xf32>,
      %swap3A_464 = vector.shape_cast %swap3A_463 : vector<1x16xf32> to vector<16xf32>
      %swap3A_465 = vector.shape_cast %add3A_460 : vector<16xf32> to vector<1x16xf32>
      tpu.vector_store %arg7[%swap3A_461, %swap3A_462], %swap3A_465 {strides = array<i32>} : memref<32x768xf32, #tpu.memory_space<vmem>>, vector<1x16xf32>,
      %get3A_466 = arith.index_cast %scan3A_145 : i32 to index
      %get3A_467 = arith.constant 368 : index
      %get3A_468 = tpu.vector_load %arg7[%get3A_466, %get3A_467] {strides = array<i32>} : memref<32x768xf32, #tpu.memory_space<vmem>>, vector<1x16xf32>,
      %get3A_469 = vector.shape_cast %get3A_468 : vector<1x16xf32> to vector<16xf32>
      %get3A_470 = arith.index_cast %scan3A_145 : i32 to index
      %get3A_471 = arith.constant 368 : index
      %get3A_472 = tpu.vector_load %arg8[%get3A_470, %get3A_471] {strides = array<i32>} : memref<32x768xf32, #tpu.memory_space<vmem>>, vector<1x16xf32>,
      %get3A_473 = vector.shape_cast %get3A_472 : vector<1x16xf32> to vector<16xf32>
      %add3A_474 = arith.addf %get3A_469, %get3A_473 : vector<16xf32>
      %swap3A_475 = arith.index_cast %scan3A_145 : i32 to index
      %swap3A_476 = arith.constant 368 : index
      %swap3A_477 = tpu.vector_load %arg7[%swap3A_475, %swap3A_476] {strides = array<i32>} : memref<32x768xf32, #tpu.memory_space<vmem>>, vector<1x16xf32>,
      %swap3A_478 = vector.shape_cast %swap3A_477 : vector<1x16xf32> to vector<16xf32>
      %swap3A_479 = vector.shape_cast %add3A_474 : vector<16xf32> to vector<1x16xf32>
      tpu.vector_store %arg7[%swap3A_475, %swap3A_476], %swap3A_479 {strides = array<i32>} : memref<32x768xf32, #tpu.memory_space<vmem>>, vector<1x16xf32>,
      %get3A_480 = arith.index_cast %scan3A_145 : i32 to index
      %get3A_481 = arith.constant 384 : index
      %get3A_482 = tpu.vector_load %arg7[%get3A_480, %get3A_481] {strides = array<i32>} : memref<32x768xf32, #tpu.memory_space<vmem>>, vector<1x16xf32>,
      %get3A_483 = vector.shape_cast %get3A_482 : vector<1x16xf32> to vector<16xf32>
      %get3A_484 = arith.index_cast %scan3A_145 : i32 to index
      %get3A_485 = arith.constant 384 : index
      %get3A_486 = tpu.vector_load %arg8[%get3A_484, %get3A_485] {strides = array<i32>} : memref<32x768xf32, #tpu.memory_space<vmem>>, vector<1x16xf32>,
      %get3A_487 = vector.shape_cast %get3A_486 : vector<1x16xf32> to vector<16xf32>
      %add3A_488 = arith.addf %get3A_483, %get3A_487 : vector<16xf32>
      %swap3A_489 = arith.index_cast %scan3A_145 : i32 to index
      %swap3A_490 = arith.constant 384 : index
      %swap3A_491 = tpu.vector_load %arg7[%swap3A_489, %swap3A_490] {strides = array<i32>} : memref<32x768xf32, #tpu.memory_space<vmem>>, vector<1x16xf32>,
      %swap3A_492 = vector.shape_cast %swap3A_491 : vector<1x16xf32> to vector<16xf32>
      %swap3A_493 = vector.shape_cast %add3A_488 : vector<16xf32> to vector<1x16xf32>
      tpu.vector_store %arg7[%swap3A_489, %swap3A_490], %swap3A_493 {strides = array<i32>} : memref<32x768xf32, #tpu.memory_space<vmem>>, vector<1x16xf32>,
      %get3A_494 = arith.index_cast %scan3A_145 : i32 to index
      %get3A_495 = arith.constant 400 : index
      %get3A_496 = tpu.vector_load %arg7[%get3A_494, %get3A_495] {strides = array<i32>} : memref<32x768xf32, #tpu.memory_space<vmem>>, vector<1x16xf32>,
      %get3A_497 = vector.shape_cast %get3A_496 : vector<1x16xf32> to vector<16xf32>
      %get3A_498 = arith.index_cast %scan3A_145 : i32 to index
      %get3A_499 = arith.constant 400 : index
      %get3A_500 = tpu.vector_load %arg8[%get3A_498, %get3A_499] {strides = array<i32>} : memref<32x768xf32, #tpu.memory_space<vmem>>, vector<1x16xf32>,
      %get3A_501 = vector.shape_cast %get3A_500 : vector<1x16xf32> to vector<16xf32>
      %add3A_502 = arith.addf %get3A_497, %get3A_501 : vector<16xf32>
      %swap3A_503 = arith.index_cast %scan3A_145 : i32 to index
      %swap3A_504 = arith.constant 400 : index
      %swap3A_505 = tpu.vector_load %arg7[%swap3A_503, %swap3A_504] {strides = array<i32>} : memref<32x768xf32, #tpu.memory_space<vmem>>, vector<1x16xf32>,
      %swap3A_506 = vector.shape_cast %swap3A_505 : vector<1x16xf32> to vector<16xf32>
      %swap3A_507 = vector.shape_cast %add3A_502 : vector<16xf32> to vector<1x16xf32>
      tpu.vector_store %arg7[%swap3A_503, %swap3A_504], %swap3A_507 {strides = array<i32>} : memref<32x768xf32, #tpu.memory_space<vmem>>, vector<1x16xf32>,
      %get3A_508 = arith.index_cast %scan3A_145 : i32 to index
      %get3A_509 = arith.constant 416 : index
      %get3A_510 = tpu.vector_load %arg7[%get3A_508, %get3A_509] {strides = array<i32>} : memref<32x768xf32, #tpu.memory_space<vmem>>, vector<1x16xf32>,
      %get3A_511 = vector.shape_cast %get3A_510 : vector<1x16xf32> to vector<16xf32>
      %get3A_512 = arith.index_cast %scan3A_145 : i32 to index
      %get3A_513 = arith.constant 416 : index
      %get3A_514 = tpu.vector_load %arg8[%get3A_512, %get3A_513] {strides = array<i32>} : memref<32x768xf32, #tpu.memory_space<vmem>>, vector<1x16xf32>,
      %get3A_515 = vector.shape_cast %get3A_514 : vector<1x16xf32> to vector<16xf32>
      %add3A_516 = arith.addf %get3A_511, %get3A_515 : vector<16xf32>
      %swap3A_517 = arith.index_cast %scan3A_145 : i32 to index
      %swap3A_518 = arith.constant 416 : index
      %swap3A_519 = tpu.vector_load %arg7[%swap3A_517, %swap3A_518] {strides = array<i32>} : memref<32x768xf32, #tpu.memory_space<vmem>>, vector<1x16xf32>,
      %swap3A_520 = vector.shape_cast %swap3A_519 : vector<1x16xf32> to vector<16xf32>
      %swap3A_521 = vector.shape_cast %add3A_516 : vector<16xf32> to vector<1x16xf32>
      tpu.vector_store %arg7[%swap3A_517, %swap3A_518], %swap3A_521 {strides = array<i32>} : memref<32x768xf32, #tpu.memory_space<vmem>>, vector<1x16xf32>,
      %get3A_522 = arith.index_cast %scan3A_145 : i32 to index
      %get3A_523 = arith.constant 432 : index
      %get3A_524 = tpu.vector_load %arg7[%get3A_522, %get3A_523] {strides = array<i32>} : memref<32x768xf32, #tpu.memory_space<vmem>>, vector<1x16xf32>,
      %get3A_525 = vector.shape_cast %get3A_524 : vector<1x16xf32> to vector<16xf32>
      %get3A_526 = arith.index_cast %scan3A_145 : i32 to index
      %get3A_527 = arith.constant 432 : index
      %get3A_528 = tpu.vector_load %arg8[%get3A_526, %get3A_527] {strides = array<i32>} : memref<32x768xf32, #tpu.memory_space<vmem>>, vector<1x16xf32>,
      %get3A_529 = vector.shape_cast %get3A_528 : vector<1x16xf32> to vector<16xf32>
      %add3A_530 = arith.addf %get3A_525, %get3A_529 : vector<16xf32>
      %swap3A_531 = arith.index_cast %scan3A_145 : i32 to index
      %swap3A_532 = arith.constant 432 : index
      %swap3A_533 = tpu.vector_load %arg7[%swap3A_531, %swap3A_532] {strides = array<i32>} : memref<32x768xf32, #tpu.memory_space<vmem>>, vector<1x16xf32>,
      %swap3A_534 = vector.shape_cast %swap3A_533 : vector<1x16xf32> to vector<16xf32>
      %swap3A_535 = vector.shape_cast %add3A_530 : vector<16xf32> to vector<1x16xf32>
      tpu.vector_store %arg7[%swap3A_531, %swap3A_532], %swap3A_535 {strides = array<i32>} : memref<32x768xf32, #tpu.memory_space<vmem>>, vector<1x16xf32>,
      %get3A_536 = arith.index_cast %scan3A_145 : i32 to index
      %get3A_537 = arith.constant 448 : index
      %get3A_538 = tpu.vector_load %arg7[%get3A_536, %get3A_537] {strides = array<i32>} : memref<32x768xf32, #tpu.memory_space<vmem>>, vector<1x16xf32>,
      %get3A_539 = vector.shape_cast %get3A_538 : vector<1x16xf32> to vector<16xf32>
      %get3A_540 = arith.index_cast %scan3A_145 : i32 to index
      %get3A_541 = arith.constant 448 : index
      %get3A_542 = tpu.vector_load %arg8[%get3A_540, %get3A_541] {strides = array<i32>} : memref<32x768xf32, #tpu.memory_space<vmem>>, vector<1x16xf32>,
      %get3A_543 = vector.shape_cast %get3A_542 : vector<1x16xf32> to vector<16xf32>
      %add3A_544 = arith.addf %get3A_539, %get3A_543 : vector<16xf32>
      %swap3A_545 = arith.index_cast %scan3A_145 : i32 to index
      %swap3A_546 = arith.constant 448 : index
      %swap3A_547 = tpu.vector_load %arg7[%swap3A_545, %swap3A_546] {strides = array<i32>} : memref<32x768xf32, #tpu.memory_space<vmem>>, vector<1x16xf32>,
      %swap3A_548 = vector.shape_cast %swap3A_547 : vector<1x16xf32> to vector<16xf32>
      %swap3A_549 = vector.shape_cast %add3A_544 : vector<16xf32> to vector<1x16xf32>
      tpu.vector_store %arg7[%swap3A_545, %swap3A_546], %swap3A_549 {strides = array<i32>} : memref<32x768xf32, #tpu.memory_space<vmem>>, vector<1x16xf32>,
      %get3A_550 = arith.index_cast %scan3A_145 : i32 to index
      %get3A_551 = arith.constant 464 : index
      %get3A_552 = tpu.vector_load %arg7[%get3A_550, %get3A_551] {strides = array<i32>} : memref<32x768xf32, #tpu.memory_space<vmem>>, vector<1x16xf32>,
      %get3A_553 = vector.shape_cast %get3A_552 : vector<1x16xf32> to vector<16xf32>
      %get3A_554 = arith.index_cast %scan3A_145 : i32 to index
      %get3A_555 = arith.constant 464 : index
      %get3A_556 = tpu.vector_load %arg8[%get3A_554, %get3A_555] {strides = array<i32>} : memref<32x768xf32, #tpu.memory_space<vmem>>, vector<1x16xf32>,
      %get3A_557 = vector.shape_cast %get3A_556 : vector<1x16xf32> to vector<16xf32>
      %add3A_558 = arith.addf %get3A_553, %get3A_557 : vector<16xf32>
      %swap3A_559 = arith.index_cast %scan3A_145 : i32 to index
      %swap3A_560 = arith.constant 464 : index
      %swap3A_561 = tpu.vector_load %arg7[%swap3A_559, %swap3A_560] {strides = array<i32>} : memref<32x768xf32, #tpu.memory_space<vmem>>, vector<1x16xf32>,
      %swap3A_562 = vector.shape_cast %swap3A_561 : vector<1x16xf32> to vector<16xf32>
      %swap3A_563 = vector.shape_cast %add3A_558 : vector<16xf32> to vector<1x16xf32>
      tpu.vector_store %arg7[%swap3A_559, %swap3A_560], %swap3A_563 {strides = array<i32>} : memref<32x768xf32, #tpu.memory_space<vmem>>, vector<1x16xf32>,
      %get3A_564 = arith.index_cast %scan3A_145 : i32 to index
      %get3A_565 = arith.constant 480 : index
      %get3A_566 = tpu.vector_load %arg7[%get3A_564, %get3A_565] {strides = array<i32>} : memref<32x768xf32, #tpu.memory_space<vmem>>, vector<1x16xf32>,
      %get3A_567 = vector.shape_cast %get3A_566 : vector<1x16xf32> to vector<16xf32>
      %get3A_568 = arith.index_cast %scan3A_145 : i32 to index
      %get3A_569 = arith.constant 480 : index
      %get3A_570 = tpu.vector_load %arg8[%get3A_568, %get3A_569] {strides = array<i32>} : memref<32x768xf32, #tpu.memory_space<vmem>>, vector<1x16xf32>,
      %get3A_571 = vector.shape_cast %get3A_570 : vector<1x16xf32> to vector<16xf32>
      %add3A_572 = arith.addf %get3A_567, %get3A_571 : vector<16xf32>
      %swap3A_573 = arith.index_cast %scan3A_145 : i32 to index
      %swap3A_574 = arith.constant 480 : index
      %swap3A_575 = tpu.vector_load %arg7[%swap3A_573, %swap3A_574] {strides = array<i32>} : memref<32x768xf32, #tpu.memory_space<vmem>>, vector<1x16xf32>,
      %swap3A_576 = vector.shape_cast %swap3A_575 : vector<1x16xf32> to vector<16xf32>
      %swap3A_577 = vector.shape_cast %add3A_572 : vector<16xf32> to vector<1x16xf32>
      tpu.vector_store %arg7[%swap3A_573, %swap3A_574], %swap3A_577 {strides = array<i32>} : memref<32x768xf32, #tpu.memory_space<vmem>>, vector<1x16xf32>,
      %get3A_578 = arith.index_cast %scan3A_145 : i32 to index
      %get3A_579 = arith.constant 496 : index
      %get3A_580 = tpu.vector_load %arg7[%get3A_578, %get3A_579] {strides = array<i32>} : memref<32x768xf32, #tpu.memory_space<vmem>>, vector<1x16xf32>,
      %get3A_581 = vector.shape_cast %get3A_580 : vector<1x16xf32> to vector<16xf32>
      %get3A_582 = arith.index_cast %scan3A_145 : i32 to index
      %get3A_583 = arith.constant 496 : index
      %get3A_584 = tpu.vector_load %arg8[%get3A_582, %get3A_583] {strides = array<i32>} : memref<32x768xf32, #tpu.memory_space<vmem>>, vector<1x16xf32>,
      %get3A_585 = vector.shape_cast %get3A_584 : vector<1x16xf32> to vector<16xf32>
      %add3A_586 = arith.addf %get3A_581, %get3A_585 : vector<16xf32>
      %swap3A_587 = arith.index_cast %scan3A_145 : i32 to index
      %swap3A_588 = arith.constant 496 : index
      %swap3A_589 = tpu.vector_load %arg7[%swap3A_587, %swap3A_588] {strides = array<i32>} : memref<32x768xf32, #tpu.memory_space<vmem>>, vector<1x16xf32>,
      %swap3A_590 = vector.shape_cast %swap3A_589 : vector<1x16xf32> to vector<16xf32>
      %swap3A_591 = vector.shape_cast %add3A_586 : vector<16xf32> to vector<1x16xf32>
      tpu.vector_store %arg7[%swap3A_587, %swap3A_588], %swap3A_591 {strides = array<i32>} : memref<32x768xf32, #tpu.memory_space<vmem>>, vector<1x16xf32>,
      %get3A_592 = arith.index_cast %scan3A_145 : i32 to index
      %get3A_593 = arith.constant 512 : index
      %get3A_594 = tpu.vector_load %arg7[%get3A_592, %get3A_593] {strides = array<i32>} : memref<32x768xf32, #tpu.memory_space<vmem>>, vector<1x16xf32>,
      %get3A_595 = vector.shape_cast %get3A_594 : vector<1x16xf32> to vector<16xf32>
      %get3A_596 = arith.index_cast %scan3A_145 : i32 to index
      %get3A_597 = arith.constant 512 : index
      %get3A_598 = tpu.vector_load %arg8[%get3A_596, %get3A_597] {strides = array<i32>} : memref<32x768xf32, #tpu.memory_space<vmem>>, vector<1x16xf32>,
      %get3A_599 = vector.shape_cast %get3A_598 : vector<1x16xf32> to vector<16xf32>
      %add3A_600 = arith.addf %get3A_595, %get3A_599 : vector<16xf32>
      %swap3A_601 = arith.index_cast %scan3A_145 : i32 to index
      %swap3A_602 = arith.constant 512 : index
      %swap3A_603 = tpu.vector_load %arg7[%swap3A_601, %swap3A_602] {strides = array<i32>} : memref<32x768xf32, #tpu.memory_space<vmem>>, vector<1x16xf32>,
      %swap3A_604 = vector.shape_cast %swap3A_603 : vector<1x16xf32> to vector<16xf32>
      %swap3A_605 = vector.shape_cast %add3A_600 : vector<16xf32> to vector<1x16xf32>
      tpu.vector_store %arg7[%swap3A_601, %swap3A_602], %swap3A_605 {strides = array<i32>} : memref<32x768xf32, #tpu.memory_space<vmem>>, vector<1x16xf32>,
      %get3A_606 = arith.index_cast %scan3A_145 : i32 to index
      %get3A_607 = arith.constant 528 : index
      %get3A_608 = tpu.vector_load %arg7[%get3A_606, %get3A_607] {strides = array<i32>} : memref<32x768xf32, #tpu.memory_space<vmem>>, vector<1x16xf32>,
      %get3A_609 = vector.shape_cast %get3A_608 : vector<1x16xf32> to vector<16xf32>
      %get3A_610 = arith.index_cast %scan3A_145 : i32 to index
      %get3A_611 = arith.constant 528 : index
      %get3A_612 = tpu.vector_load %arg8[%get3A_610, %get3A_611] {strides = array<i32>} : memref<32x768xf32, #tpu.memory_space<vmem>>, vector<1x16xf32>,
      %get3A_613 = vector.shape_cast %get3A_612 : vector<1x16xf32> to vector<16xf32>
      %add3A_614 = arith.addf %get3A_609, %get3A_613 : vector<16xf32>
      %swap3A_615 = arith.index_cast %scan3A_145 : i32 to index
      %swap3A_616 = arith.constant 528 : index
      %swap3A_617 = tpu.vector_load %arg7[%swap3A_615, %swap3A_616] {strides = array<i32>} : memref<32x768xf32, #tpu.memory_space<vmem>>, vector<1x16xf32>,
      %swap3A_618 = vector.shape_cast %swap3A_617 : vector<1x16xf32> to vector<16xf32>
      %swap3A_619 = vector.shape_cast %add3A_614 : vector<16xf32> to vector<1x16xf32>
      tpu.vector_store %arg7[%swap3A_615, %swap3A_616], %swap3A_619 {strides = array<i32>} : memref<32x768xf32, #tpu.memory_space<vmem>>, vector<1x16xf32>,
      %get3A_620 = arith.index_cast %scan3A_145 : i32 to index
      %get3A_621 = arith.constant 544 : index
      %get3A_622 = tpu.vector_load %arg7[%get3A_620, %get3A_621] {strides = array<i32>} : memref<32x768xf32, #tpu.memory_space<vmem>>, vector<1x16xf32>,
      %get3A_623 = vector.shape_cast %get3A_622 : vector<1x16xf32> to vector<16xf32>
      %get3A_624 = arith.index_cast %scan3A_145 : i32 to index
      %get3A_625 = arith.constant 544 : index
      %get3A_626 = tpu.vector_load %arg8[%get3A_624, %get3A_625] {strides = array<i32>} : memref<32x768xf32, #tpu.memory_space<vmem>>, vector<1x16xf32>,
      %get3A_627 = vector.shape_cast %get3A_626 : vector<1x16xf32> to vector<16xf32>
      %add3A_628 = arith.addf %get3A_623, %get3A_627 : vector<16xf32>
      %swap3A_629 = arith.index_cast %scan3A_145 : i32 to index
      %swap3A_630 = arith.constant 544 : index
      %swap3A_631 = tpu.vector_load %arg7[%swap3A_629, %swap3A_630] {strides = array<i32>} : memref<32x768xf32, #tpu.memory_space<vmem>>, vector<1x16xf32>,
      %swap3A_632 = vector.shape_cast %swap3A_631 : vector<1x16xf32> to vector<16xf32>
      %swap3A_633 = vector.shape_cast %add3A_628 : vector<16xf32> to vector<1x16xf32>
      tpu.vector_store %arg7[%swap3A_629, %swap3A_630], %swap3A_633 {strides = array<i32>} : memref<32x768xf32, #tpu.memory_space<vmem>>, vector<1x16xf32>,
      %get3A_634 = arith.index_cast %scan3A_145 : i32 to index
      %get3A_635 = arith.constant 560 : index
      %get3A_636 = tpu.vector_load %arg7[%get3A_634, %get3A_635] {strides = array<i32>} : memref<32x768xf32, #tpu.memory_space<vmem>>, vector<1x16xf32>,
      %get3A_637 = vector.shape_cast %get3A_636 : vector<1x16xf32> to vector<16xf32>
      %get3A_638 = arith.index_cast %scan3A_145 : i32 to index
      %get3A_639 = arith.constant 560 : index
      %get3A_640 = tpu.vector_load %arg8[%get3A_638, %get3A_639] {strides = array<i32>} : memref<32x768xf32, #tpu.memory_space<vmem>>, vector<1x16xf32>,
      %get3A_641 = vector.shape_cast %get3A_640 : vector<1x16xf32> to vector<16xf32>
      %add3A_642 = arith.addf %get3A_637, %get3A_641 : vector<16xf32>
      %swap3A_643 = arith.index_cast %scan3A_145 : i32 to index
      %swap3A_644 = arith.constant 560 : index
      %swap3A_645 = tpu.vector_load %arg7[%swap3A_643, %swap3A_644] {strides = array<i32>} : memref<32x768xf32, #tpu.memory_space<vmem>>, vector<1x16xf32>,
      %swap3A_646 = vector.shape_cast %swap3A_645 : vector<1x16xf32> to vector<16xf32>
      %swap3A_647 = vector.shape_cast %add3A_642 : vector<16xf32> to vector<1x16xf32>
      tpu.vector_store %arg7[%swap3A_643, %swap3A_644], %swap3A_647 {strides = array<i32>} : memref<32x768xf32, #tpu.memory_space<vmem>>, vector<1x16xf32>,
      %get3A_648 = arith.index_cast %scan3A_145 : i32 to index
      %get3A_649 = arith.constant 576 : index
      %get3A_650 = tpu.vector_load %arg7[%get3A_648, %get3A_649] {strides = array<i32>} : memref<32x768xf32, #tpu.memory_space<vmem>>, vector<1x16xf32>,
      %get3A_651 = vector.shape_cast %get3A_650 : vector<1x16xf32> to vector<16xf32>
      %get3A_652 = arith.index_cast %scan3A_145 : i32 to index
      %get3A_653 = arith.constant 576 : index
      %get3A_654 = tpu.vector_load %arg8[%get3A_652, %get3A_653] {strides = array<i32>} : memref<32x768xf32, #tpu.memory_space<vmem>>, vector<1x16xf32>,
      %get3A_655 = vector.shape_cast %get3A_654 : vector<1x16xf32> to vector<16xf32>
      %add3A_656 = arith.addf %get3A_651, %get3A_655 : vector<16xf32>
      %swap3A_657 = arith.index_cast %scan3A_145 : i32 to index
      %swap3A_658 = arith.constant 576 : index
      %swap3A_659 = tpu.vector_load %arg7[%swap3A_657, %swap3A_658] {strides = array<i32>} : memref<32x768xf32, #tpu.memory_space<vmem>>, vector<1x16xf32>,
      %swap3A_660 = vector.shape_cast %swap3A_659 : vector<1x16xf32> to vector<16xf32>
      %swap3A_661 = vector.shape_cast %add3A_656 : vector<16xf32> to vector<1x16xf32>
      tpu.vector_store %arg7[%swap3A_657, %swap3A_658], %swap3A_661 {strides = array<i32>} : memref<32x768xf32, #tpu.memory_space<vmem>>, vector<1x16xf32>,
      %get3A_662 = arith.index_cast %scan3A_145 : i32 to index
      %get3A_663 = arith.constant 592 : index
      %get3A_664 = tpu.vector_load %arg7[%get3A_662, %get3A_663] {strides = array<i32>} : memref<32x768xf32, #tpu.memory_space<vmem>>, vector<1x16xf32>,
      %get3A_665 = vector.shape_cast %get3A_664 : vector<1x16xf32> to vector<16xf32>
      %get3A_666 = arith.index_cast %scan3A_145 : i32 to index
      %get3A_667 = arith.constant 592 : index
      %get3A_668 = tpu.vector_load %arg8[%get3A_666, %get3A_667] {strides = array<i32>} : memref<32x768xf32, #tpu.memory_space<vmem>>, vector<1x16xf32>,
      %get3A_669 = vector.shape_cast %get3A_668 : vector<1x16xf32> to vector<16xf32>
      %add3A_670 = arith.addf %get3A_665, %get3A_669 : vector<16xf32>
      %swap3A_671 = arith.index_cast %scan3A_145 : i32 to index
      %swap3A_672 = arith.constant 592 : index
      %swap3A_673 = tpu.vector_load %arg7[%swap3A_671, %swap3A_672] {strides = array<i32>} : memref<32x768xf32, #tpu.memory_space<vmem>>, vector<1x16xf32>,
      %swap3A_674 = vector.shape_cast %swap3A_673 : vector<1x16xf32> to vector<16xf32>
      %swap3A_675 = vector.shape_cast %add3A_670 : vector<16xf32> to vector<1x16xf32>
      tpu.vector_store %arg7[%swap3A_671, %swap3A_672], %swap3A_675 {strides = array<i32>} : memref<32x768xf32, #tpu.memory_space<vmem>>, vector<1x16xf32>,
      %get3A_676 = arith.index_cast %scan3A_145 : i32 to index
      %get3A_677 = arith.constant 608 : index
      %get3A_678 = tpu.vector_load %arg7[%get3A_676, %get3A_677] {strides = array<i32>} : memref<32x768xf32, #tpu.memory_space<vmem>>, vector<1x16xf32>,
      %get3A_679 = vector.shape_cast %get3A_678 : vector<1x16xf32> to vector<16xf32>
      %get3A_680 = arith.index_cast %scan3A_145 : i32 to index
      %get3A_681 = arith.constant 608 : index
      %get3A_682 = tpu.vector_load %arg8[%get3A_680, %get3A_681] {strides = array<i32>} : memref<32x768xf32, #tpu.memory_space<vmem>>, vector<1x16xf32>,
      %get3A_683 = vector.shape_cast %get3A_682 : vector<1x16xf32> to vector<16xf32>
      %add3A_684 = arith.addf %get3A_679, %get3A_683 : vector<16xf32>
      %swap3A_685 = arith.index_cast %scan3A_145 : i32 to index
      %swap3A_686 = arith.constant 608 : index
      %swap3A_687 = tpu.vector_load %arg7[%swap3A_685, %swap3A_686] {strides = array<i32>} : memref<32x768xf32, #tpu.memory_space<vmem>>, vector<1x16xf32>,
      %swap3A_688 = vector.shape_cast %swap3A_687 : vector<1x16xf32> to vector<16xf32>
      %swap3A_689 = vector.shape_cast %add3A_684 : vector<16xf32> to vector<1x16xf32>
      tpu.vector_store %arg7[%swap3A_685, %swap3A_686], %swap3A_689 {strides = array<i32>} : memref<32x768xf32, #tpu.memory_space<vmem>>, vector<1x16xf32>,
      %get3A_690 = arith.index_cast %scan3A_145 : i32 to index
      %get3A_691 = arith.constant 624 : index
      %get3A_692 = tpu.vector_load %arg7[%get3A_690, %get3A_691] {strides = array<i32>} : memref<32x768xf32, #tpu.memory_space<vmem>>, vector<1x16xf32>,
      %get3A_693 = vector.shape_cast %get3A_692 : vector<1x16xf32> to vector<16xf32>
      %get3A_694 = arith.index_cast %scan3A_145 : i32 to index
      %get3A_695 = arith.constant 624 : index
      %get3A_696 = tpu.vector_load %arg8[%get3A_694, %get3A_695] {strides = array<i32>} : memref<32x768xf32, #tpu.memory_space<vmem>>, vector<1x16xf32>,
      %get3A_697 = vector.shape_cast %get3A_696 : vector<1x16xf32> to vector<16xf32>
      %add3A_698 = arith.addf %get3A_693, %get3A_697 : vector<16xf32>
      %swap3A_699 = arith.index_cast %scan3A_145 : i32 to index
      %swap3A_700 = arith.constant 624 : index
      %swap3A_701 = tpu.vector_load %arg7[%swap3A_699, %swap3A_700] {strides = array<i32>} : memref<32x768xf32, #tpu.memory_space<vmem>>, vector<1x16xf32>,
      %swap3A_702 = vector.shape_cast %swap3A_701 : vector<1x16xf32> to vector<16xf32>
      %swap3A_703 = vector.shape_cast %add3A_698 : vector<16xf32> to vector<1x16xf32>
      tpu.vector_store %arg7[%swap3A_699, %swap3A_700], %swap3A_703 {strides = array<i32>} : memref<32x768xf32, #tpu.memory_space<vmem>>, vector<1x16xf32>,
      %get3A_704 = arith.index_cast %scan3A_145 : i32 to index
      %get3A_705 = arith.constant 640 : index
      %get3A_706 = tpu.vector_load %arg7[%get3A_704, %get3A_705] {strides = array<i32>} : memref<32x768xf32, #tpu.memory_space<vmem>>, vector<1x16xf32>,
      %get3A_707 = vector.shape_cast %get3A_706 : vector<1x16xf32> to vector<16xf32>
      %get3A_708 = arith.index_cast %scan3A_145 : i32 to index
      %get3A_709 = arith.constant 640 : index
      %get3A_710 = tpu.vector_load %arg8[%get3A_708, %get3A_709] {strides = array<i32>} : memref<32x768xf32, #tpu.memory_space<vmem>>, vector<1x16xf32>,
      %get3A_711 = vector.shape_cast %get3A_710 : vector<1x16xf32> to vector<16xf32>
      %add3A_712 = arith.addf %get3A_707, %get3A_711 : vector<16xf32>
      %swap3A_713 = arith.index_cast %scan3A_145 : i32 to index
      %swap3A_714 = arith.constant 640 : index
      %swap3A_715 = tpu.vector_load %arg7[%swap3A_713, %swap3A_714] {strides = array<i32>} : memref<32x768xf32, #tpu.memory_space<vmem>>, vector<1x16xf32>,
      %swap3A_716 = vector.shape_cast %swap3A_715 : vector<1x16xf32> to vector<16xf32>
      %swap3A_717 = vector.shape_cast %add3A_712 : vector<16xf32> to vector<1x16xf32>
      tpu.vector_store %arg7[%swap3A_713, %swap3A_714], %swap3A_717 {strides = array<i32>} : memref<32x768xf32, #tpu.memory_space<vmem>>, vector<1x16xf32>,
      %get3A_718 = arith.index_cast %scan3A_145 : i32 to index
      %get3A_719 = arith.constant 656 : index
      %get3A_720 = tpu.vector_load %arg7[%get3A_718, %get3A_719] {strides = array<i32>} : memref<32x768xf32, #tpu.memory_space<vmem>>, vector<1x16xf32>,
      %get3A_721 = vector.shape_cast %get3A_720 : vector<1x16xf32> to vector<16xf32>
      %get3A_722 = arith.index_cast %scan3A_145 : i32 to index
      %get3A_723 = arith.constant 656 : index
      %get3A_724 = tpu.vector_load %arg8[%get3A_722, %get3A_723] {strides = array<i32>} : memref<32x768xf32, #tpu.memory_space<vmem>>, vector<1x16xf32>,
      %get3A_725 = vector.shape_cast %get3A_724 : vector<1x16xf32> to vector<16xf32>
      %add3A_726 = arith.addf %get3A_721, %get3A_725 : vector<16xf32>
      %swap3A_727 = arith.index_cast %scan3A_145 : i32 to index
      %swap3A_728 = arith.constant 656 : index
      %swap3A_729 = tpu.vector_load %arg7[%swap3A_727, %swap3A_728] {strides = array<i32>} : memref<32x768xf32, #tpu.memory_space<vmem>>, vector<1x16xf32>,
      %swap3A_730 = vector.shape_cast %swap3A_729 : vector<1x16xf32> to vector<16xf32>
      %swap3A_731 = vector.shape_cast %add3A_726 : vector<16xf32> to vector<1x16xf32>
      tpu.vector_store %arg7[%swap3A_727, %swap3A_728], %swap3A_731 {strides = array<i32>} : memref<32x768xf32, #tpu.memory_space<vmem>>, vector<1x16xf32>,
      %get3A_732 = arith.index_cast %scan3A_145 : i32 to index
      %get3A_733 = arith.constant 672 : index
      %get3A_734 = tpu.vector_load %arg7[%get3A_732, %get3A_733] {strides = array<i32>} : memref<32x768xf32, #tpu.memory_space<vmem>>, vector<1x16xf32>,
      %get3A_735 = vector.shape_cast %get3A_734 : vector<1x16xf32> to vector<16xf32>
      %get3A_736 = arith.index_cast %scan3A_145 : i32 to index
      %get3A_737 = arith.constant 672 : index
      %get3A_738 = tpu.vector_load %arg8[%get3A_736, %get3A_737] {strides = array<i32>} : memref<32x768xf32, #tpu.memory_space<vmem>>, vector<1x16xf32>,
      %get3A_739 = vector.shape_cast %get3A_738 : vector<1x16xf32> to vector<16xf32>
      %add3A_740 = arith.addf %get3A_735, %get3A_739 : vector<16xf32>
      %swap3A_741 = arith.index_cast %scan3A_145 : i32 to index
      %swap3A_742 = arith.constant 672 : index
      %swap3A_743 = tpu.vector_load %arg7[%swap3A_741, %swap3A_742] {strides = array<i32>} : memref<32x768xf32, #tpu.memory_space<vmem>>, vector<1x16xf32>,
      %swap3A_744 = vector.shape_cast %swap3A_743 : vector<1x16xf32> to vector<16xf32>
      %swap3A_745 = vector.shape_cast %add3A_740 : vector<16xf32> to vector<1x16xf32>
      tpu.vector_store %arg7[%swap3A_741, %swap3A_742], %swap3A_745 {strides = array<i32>} : memref<32x768xf32, #tpu.memory_space<vmem>>, vector<1x16xf32>,
      %get3A_746 = arith.index_cast %scan3A_145 : i32 to index
      %get3A_747 = arith.constant 688 : index
      %get3A_748 = tpu.vector_load %arg7[%get3A_746, %get3A_747] {strides = array<i32>} : memref<32x768xf32, #tpu.memory_space<vmem>>, vector<1x16xf32>,
      %get3A_749 = vector.shape_cast %get3A_748 : vector<1x16xf32> to vector<16xf32>
      %get3A_750 = arith.index_cast %scan3A_145 : i32 to index
      %get3A_751 = arith.constant 688 : index
      %get3A_752 = tpu.vector_load %arg8[%get3A_750, %get3A_751] {strides = array<i32>} : memref<32x768xf32, #tpu.memory_space<vmem>>, vector<1x16xf32>,
      %get3A_753 = vector.shape_cast %get3A_752 : vector<1x16xf32> to vector<16xf32>
      %add3A_754 = arith.addf %get3A_749, %get3A_753 : vector<16xf32>
      %swap3A_755 = arith.index_cast %scan3A_145 : i32 to index
      %swap3A_756 = arith.constant 688 : index
      %swap3A_757 = tpu.vector_load %arg7[%swap3A_755, %swap3A_756] {strides = array<i32>} : memref<32x768xf32, #tpu.memory_space<vmem>>, vector<1x16xf32>,
      %swap3A_758 = vector.shape_cast %swap3A_757 : vector<1x16xf32> to vector<16xf32>
      %swap3A_759 = vector.shape_cast %add3A_754 : vector<16xf32> to vector<1x16xf32>
      tpu.vector_store %arg7[%swap3A_755, %swap3A_756], %swap3A_759 {strides = array<i32>} : memref<32x768xf32, #tpu.memory_space<vmem>>, vector<1x16xf32>,
      %get3A_760 = arith.index_cast %scan3A_145 : i32 to index
      %get3A_761 = arith.constant 704 : index
      %get3A_762 = tpu.vector_load %arg7[%get3A_760, %get3A_761] {strides = array<i32>} : memref<32x768xf32, #tpu.memory_space<vmem>>, vector<1x16xf32>,
      %get3A_763 = vector.shape_cast %get3A_762 : vector<1x16xf32> to vector<16xf32>
      %get3A_764 = arith.index_cast %scan3A_145 : i32 to index
      %get3A_765 = arith.constant 704 : index
      %get3A_766 = tpu.vector_load %arg8[%get3A_764, %get3A_765] {strides = array<i32>} : memref<32x768xf32, #tpu.memory_space<vmem>>, vector<1x16xf32>,
      %get3A_767 = vector.shape_cast %get3A_766 : vector<1x16xf32> to vector<16xf32>
      %add3A_768 = arith.addf %get3A_763, %get3A_767 : vector<16xf32>
      %swap3A_769 = arith.index_cast %scan3A_145 : i32 to index
      %swap3A_770 = arith.constant 704 : index
      %swap3A_771 = tpu.vector_load %arg7[%swap3A_769, %swap3A_770] {strides = array<i32>} : memref<32x768xf32, #tpu.memory_space<vmem>>, vector<1x16xf32>,
      %swap3A_772 = vector.shape_cast %swap3A_771 : vector<1x16xf32> to vector<16xf32>
      %swap3A_773 = vector.shape_cast %add3A_768 : vector<16xf32> to vector<1x16xf32>
      tpu.vector_store %arg7[%swap3A_769, %swap3A_770], %swap3A_773 {strides = array<i32>} : memref<32x768xf32, #tpu.memory_space<vmem>>, vector<1x16xf32>,
      %get3A_774 = arith.index_cast %scan3A_145 : i32 to index
      %get3A_775 = arith.constant 720 : index
      %get3A_776 = tpu.vector_load %arg7[%get3A_774, %get3A_775] {strides = array<i32>} : memref<32x768xf32, #tpu.memory_space<vmem>>, vector<1x16xf32>,
      %get3A_777 = vector.shape_cast %get3A_776 : vector<1x16xf32> to vector<16xf32>
      %get3A_778 = arith.index_cast %scan3A_145 : i32 to index
      %get3A_779 = arith.constant 720 : index
      %get3A_780 = tpu.vector_load %arg8[%get3A_778, %get3A_779] {strides = array<i32>} : memref<32x768xf32, #tpu.memory_space<vmem>>, vector<1x16xf32>,
      %get3A_781 = vector.shape_cast %get3A_780 : vector<1x16xf32> to vector<16xf32>
      %add3A_782 = arith.addf %get3A_777, %get3A_781 : vector<16xf32>
      %swap3A_783 = arith.index_cast %scan3A_145 : i32 to index
      %swap3A_784 = arith.constant 720 : index
      %swap3A_785 = tpu.vector_load %arg7[%swap3A_783, %swap3A_784] {strides = array<i32>} : memref<32x768xf32, #tpu.memory_space<vmem>>, vector<1x16xf32>,
      %swap3A_786 = vector.shape_cast %swap3A_785 : vector<1x16xf32> to vector<16xf32>
      %swap3A_787 = vector.shape_cast %add3A_782 : vector<16xf32> to vector<1x16xf32>
      tpu.vector_store %arg7[%swap3A_783, %swap3A_784], %swap3A_787 {strides = array<i32>} : memref<32x768xf32, #tpu.memory_space<vmem>>, vector<1x16xf32>,
      %get3A_788 = arith.index_cast %scan3A_145 : i32 to index
      %get3A_789 = arith.constant 736 : index
      %get3A_790 = tpu.vector_load %arg7[%get3A_788, %get3A_789] {strides = array<i32>} : memref<32x768xf32, #tpu.memory_space<vmem>>, vector<1x16xf32>,
      %get3A_791 = vector.shape_cast %get3A_790 : vector<1x16xf32> to vector<16xf32>
      %get3A_792 = arith.index_cast %scan3A_145 : i32 to index
      %get3A_793 = arith.constant 736 : index
      %get3A_794 = tpu.vector_load %arg8[%get3A_792, %get3A_793] {strides = array<i32>} : memref<32x768xf32, #tpu.memory_space<vmem>>, vector<1x16xf32>,
      %get3A_795 = vector.shape_cast %get3A_794 : vector<1x16xf32> to vector<16xf32>
      %add3A_796 = arith.addf %get3A_791, %get3A_795 : vector<16xf32>
      %swap3A_797 = arith.index_cast %scan3A_145 : i32 to index
      %swap3A_798 = arith.constant 736 : index
      %swap3A_799 = tpu.vector_load %arg7[%swap3A_797, %swap3A_798] {strides = array<i32>} : memref<32x768xf32, #tpu.memory_space<vmem>>, vector<1x16xf32>,
      %swap3A_800 = vector.shape_cast %swap3A_799 : vector<1x16xf32> to vector<16xf32>
      %swap3A_801 = vector.shape_cast %add3A_796 : vector<16xf32> to vector<1x16xf32>
      tpu.vector_store %arg7[%swap3A_797, %swap3A_798], %swap3A_801 {strides = array<i32>} : memref<32x768xf32, #tpu.memory_space<vmem>>, vector<1x16xf32>,
      %get3A_802 = arith.index_cast %scan3A_145 : i32 to index
      %get3A_803 = arith.constant 752 : index
      %get3A_804 = tpu.vector_load %arg7[%get3A_802, %get3A_803] {strides = array<i32>} : memref<32x768xf32, #tpu.memory_space<vmem>>, vector<1x16xf32>,
      %get3A_805 = vector.shape_cast %get3A_804 : vector<1x16xf32> to vector<16xf32>
      %get3A_806 = arith.index_cast %scan3A_145 : i32 to index
      %get3A_807 = arith.constant 752 : index
      %get3A_808 = tpu.vector_load %arg8[%get3A_806, %get3A_807] {strides = array<i32>} : memref<32x768xf32, #tpu.memory_space<vmem>>, vector<1x16xf32>,
      %get3A_809 = vector.shape_cast %get3A_808 : vector<1x16xf32> to vector<16xf32>
      %add3A_810 = arith.addf %get3A_805, %get3A_809 : vector<16xf32>
      %swap3A_811 = arith.index_cast %scan3A_145 : i32 to index
      %swap3A_812 = arith.constant 752 : index
      %swap3A_813 = tpu.vector_load %arg7[%swap3A_811, %swap3A_812] {strides = array<i32>} : memref<32x768xf32, #tpu.memory_space<vmem>>, vector<1x16xf32>,
      %swap3A_814 = vector.shape_cast %swap3A_813 : vector<1x16xf32> to vector<16xf32>
      %swap3A_815 = vector.shape_cast %add3A_810 : vector<16xf32> to vector<1x16xf32>
      tpu.vector_store %arg7[%swap3A_811, %swap3A_812], %swap3A_815 {strides = array<i32>} : memref<32x768xf32, #tpu.memory_space<vmem>>, vector<1x16xf32>,
    }
    %scan3A_36 = arith.constant 32 : i32
    %add3A_37 = arith.constant 0 : i32
    %add3A_38 = arith.addi %mul3A_2, %add3A_37 : i32
    %dma_start3A_39 = arith.constant 0 : i32
    %dma_start3A_40 = tpu.memref_slice %arg4[%add3A_38, %dma_start3A_39] : memref<4096x768xf32, #tpu.memory_space<hbm>> -> memref<32x768xf32, #tpu.memory_space<hbm>>
    %dma_start3A_41 = arith.constant 0 : i32
    %dma_start3A_42 = tpu.memref_slice %arg4[%add3A_38, %dma_start3A_41] : memref<4096x768xf32, #tpu.memory_space<hbm>> -> memref<32x768xf32, #tpu.memory_space<hbm>>
    tpu.enqueue_dma source(%arg7 : memref<32x768xf32, #tpu.memory_space<vmem>>) target(%dma_start3A_42 : memref<32x768xf32, #tpu.memory_space<hbm>>) target_semaphore(%arg13 : memref<!tpu.dma_semaphore, #tpu.memory_space<semaphore_mem>>)
    %dma_wait3A_43 = arith.constant 0 : i32
    %dma_wait3A_44 = tpu.memref_slice %arg4[%add3A_38, %dma_wait3A_43] : memref<4096x768xf32, #tpu.memory_space<hbm>> -> memref<32x768xf32, #tpu.memory_space<hbm>>
    %dma_wait3A_45 = arith.constant 0 : i32
    %dma_wait3A_46 = tpu.memref_slice %arg4[%add3A_38, %dma_wait3A_45] : memref<4096x768xf32, #tpu.memory_space<hbm>> -> memref<32x768xf32, #tpu.memory_space<hbm>>
    tpu.wait_dma2 semaphore(%arg13 : memref<!tpu.dma_semaphore, #tpu.memory_space<semaphore_mem>>) src(%arg7 : memref<32x768xf32, #tpu.memory_space<vmem>>) dst(%dma_wait3A_46 : memref<32x768xf32, #tpu.memory_space<hbm>>)
    %dma_start3A_47 = arith.constant 64 : i32
    %dma_start3A_48 = tpu.memref_slice %arg5[%dma_start3A_47] : memref<128xi32, #tpu.memory_space<vmem>> -> memref<32xi32, #tpu.memory_space<vmem>>
    %dma_start3A_49 = arith.constant 0 : i32
    %dma_start3A_50 = arith.constant 0 : i32
    %dma_start3A_51 = tpu.memref_slice %arg2[%dma_start3A_49, %dma_start3A_50] : memref<24832x768xf32, #tpu.memory_space<hbm>> -> memref<24832x768xf32, #tpu.memory_space<hbm>>
    tpu.enqueue_indirect_dma source(%dma_start3A_51 : memref<24832x768xf32, #tpu.memory_space<hbm>>) target(%arg7 : memref<32x768xf32, #tpu.memory_space<vmem>>) offsets(%dma_start3A_48 : memref<32xi32, #tpu.memory_space<vmem>>) semaphore(%arg11 : memref<!tpu.dma_semaphore, #tpu.memory_space<semaphore_mem>>)
    %dma_start3A_52 = arith.constant 64 : i32
    %dma_start3A_53 = tpu.memref_slice %arg6[%dma_start3A_52] : memref<128xi32, #tpu.memory_space<vmem>> -> memref<32xi32, #tpu.memory_space<vmem>>
    %dma_start3A_54 = arith.constant 0 : i32
    %dma_start3A_55 = arith.constant 0 : i32
    %dma_start3A_56 = tpu.memref_slice %arg2[%dma_start3A_54, %dma_start3A_55] : memref<24832x768xf32, #tpu.memory_space<hbm>> -> memref<24832x768xf32, #tpu.memory_space<hbm>>
    tpu.enqueue_indirect_dma source(%dma_start3A_56 : memref<24832x768xf32, #tpu.memory_space<hbm>>) target(%arg8 : memref<32x768xf32, #tpu.memory_space<vmem>>) offsets(%dma_start3A_53 : memref<32xi32, #tpu.memory_space<vmem>>) semaphore(%arg11 : memref<!tpu.dma_semaphore, #tpu.memory_space<semaphore_mem>>)
    %dma_wait3A_57 = arith.constant 32 : i32
    %dma_wait3A_58 = tpu.memref_slice %arg5[%dma_wait3A_57] : memref<128xi32, #tpu.memory_space<vmem>> -> memref<32xi32, #tpu.memory_space<vmem>>
    %dma_wait3A_59 = arith.constant 0 : i32
    %dma_wait3A_60 = arith.constant 0 : i32
    %dma_wait3A_61 = tpu.memref_slice %arg2[%dma_wait3A_59, %dma_wait3A_60] : memref<24832x768xf32, #tpu.memory_space<hbm>> -> memref<24832x768xf32, #tpu.memory_space<hbm>>
    tpu.wait_indirect_dma semaphore(%arg12 : memref<!tpu.dma_semaphore, #tpu.memory_space<semaphore_mem>>) src(%dma_wait3A_61 : memref<24832x768xf32, #tpu.memory_space<hbm>>) dst(%arg9 : memref<32x768xf32, #tpu.memory_space<vmem>>)
    %dma_wait3A_62 = arith.constant 32 : i32
    %dma_wait3A_63 = tpu.memref_slice %arg6[%dma_wait3A_62] : memref<128xi32, #tpu.memory_space<vmem>> -> memref<32xi32, #tpu.memory_space<vmem>>
    %dma_wait3A_64 = arith.constant 0 : i32
    %dma_wait3A_65 = arith.constant 0 : i32
    %dma_wait3A_66 = tpu.memref_slice %arg2[%dma_wait3A_64, %dma_wait3A_65] : memref<24832x768xf32, #tpu.memory_space<hbm>> -> memref<24832x768xf32, #tpu.memory_space<hbm>>
    tpu.wait_indirect_dma semaphore(%arg12 : memref<!tpu.dma_semaphore, #tpu.memory_space<semaphore_mem>>) src(%dma_wait3A_66 : memref<24832x768xf32, #tpu.memory_space<hbm>>) dst(%arg10 : memref<32x768xf32, #tpu.memory_space<vmem>>)
    %scan3A_67 = arith.constant 0 : i32
    %scan3A_68 = arith.constant 0 : i32
    %scan3A_69 = arith.constant 32 : i32
    %scan3A_70 = arith.addi %scan3A_68, %scan3A_69 : i32
    %scan3A_71 = arith.constant 1 : i32
    scf.for %scan3A_145 = %scan3A_68 to %scan3A_70 step %scan3A_71  : i32 {
      %get3A = arith.index_cast %scan3A_145 : i32 to index
      %get3A_146 = arith.constant 0 : index
      %get3A_147 = tpu.vector_load %arg9[%get3A, %get3A_146] {strides = array<i32>} : memref<32x768xf32, #tpu.memory_space<vmem>>, vector<1x16xf32>,
      %get3A_148 = vector.shape_cast %get3A_147 : vector<1x16xf32> to vector<16xf32>
      %get3A_149 = arith.index_cast %scan3A_145 : i32 to index
      %get3A_150 = arith.constant 0 : index
      %get3A_151 = tpu.vector_load %arg10[%get3A_149, %get3A_150] {strides = array<i32>} : memref<32x768xf32, #tpu.memory_space<vmem>>, vector<1x16xf32>,
      %get3A_152 = vector.shape_cast %get3A_151 : vector<1x16xf32> to vector<16xf32>
      %add3A_153 = arith.addf %get3A_148, %get3A_152 : vector<16xf32>
      %swap3A = arith.index_cast %scan3A_145 : i32 to index
      %swap3A_154 = arith.constant 0 : index
      %swap3A_155 = tpu.vector_load %arg9[%swap3A, %swap3A_154] {strides = array<i32>} : memref<32x768xf32, #tpu.memory_space<vmem>>, vector<1x16xf32>,
      %swap3A_156 = vector.shape_cast %swap3A_155 : vector<1x16xf32> to vector<16xf32>
      %swap3A_157 = vector.shape_cast %add3A_153 : vector<16xf32> to vector<1x16xf32>
      tpu.vector_store %arg9[%swap3A, %swap3A_154], %swap3A_157 {strides = array<i32>} : memref<32x768xf32, #tpu.memory_space<vmem>>, vector<1x16xf32>,
      %get3A_158 = arith.index_cast %scan3A_145 : i32 to index
      %get3A_159 = arith.constant 16 : index
      %get3A_160 = tpu.vector_load %arg9[%get3A_158, %get3A_159] {strides = array<i32>} : memref<32x768xf32, #tpu.memory_space<vmem>>, vector<1x16xf32>,
      %get3A_161 = vector.shape_cast %get3A_160 : vector<1x16xf32> to vector<16xf32>
      %get3A_162 = arith.index_cast %scan3A_145 : i32 to index
      %get3A_163 = arith.constant 16 : index
      %get3A_164 = tpu.vector_load %arg10[%get3A_162, %get3A_163] {strides = array<i32>} : memref<32x768xf32, #tpu.memory_space<vmem>>, vector<1x16xf32>,
      %get3A_165 = vector.shape_cast %get3A_164 : vector<1x16xf32> to vector<16xf32>
      %add3A_166 = arith.addf %get3A_161, %get3A_165 : vector<16xf32>
      %swap3A_167 = arith.index_cast %scan3A_145 : i32 to index
      %swap3A_168 = arith.constant 16 : index
      %swap3A_169 = tpu.vector_load %arg9[%swap3A_167, %swap3A_168] {strides = array<i32>} : memref<32x768xf32, #tpu.memory_space<vmem>>, vector<1x16xf32>,
      %swap3A_170 = vector.shape_cast %swap3A_169 : vector<1x16xf32> to vector<16xf32>
      %swap3A_171 = vector.shape_cast %add3A_166 : vector<16xf32> to vector<1x16xf32>
      tpu.vector_store %arg9[%swap3A_167, %swap3A_168], %swap3A_171 {strides = array<i32>} : memref<32x768xf32, #tpu.memory_space<vmem>>, vector<1x16xf32>,
      %get3A_172 = arith.index_cast %scan3A_145 : i32 to index
      %get3A_173 = arith.constant 32 : index
      %get3A_174 = tpu.vector_load %arg9[%get3A_172, %get3A_173] {strides = array<i32>} : memref<32x768xf32, #tpu.memory_space<vmem>>, vector<1x16xf32>,
      %get3A_175 = vector.shape_cast %get3A_174 : vector<1x16xf32> to vector<16xf32>
      %get3A_176 = arith.index_cast %scan3A_145 : i32 to index
      %get3A_177 = arith.constant 32 : index
      %get3A_178 = tpu.vector_load %arg10[%get3A_176, %get3A_177] {strides = array<i32>} : memref<32x768xf32, #tpu.memory_space<vmem>>, vector<1x16xf32>,
      %get3A_179 = vector.shape_cast %get3A_178 : vector<1x16xf32> to vector<16xf32>
      %add3A_180 = arith.addf %get3A_175, %get3A_179 : vector<16xf32>
      %swap3A_181 = arith.index_cast %scan3A_145 : i32 to index
      %swap3A_182 = arith.constant 32 : index
      %swap3A_183 = tpu.vector_load %arg9[%swap3A_181, %swap3A_182] {strides = array<i32>} : memref<32x768xf32, #tpu.memory_space<vmem>>, vector<1x16xf32>,
      %swap3A_184 = vector.shape_cast %swap3A_183 : vector<1x16xf32> to vector<16xf32>
      %swap3A_185 = vector.shape_cast %add3A_180 : vector<16xf32> to vector<1x16xf32>
      tpu.vector_store %arg9[%swap3A_181, %swap3A_182], %swap3A_185 {strides = array<i32>} : memref<32x768xf32, #tpu.memory_space<vmem>>, vector<1x16xf32>,
      %get3A_186 = arith.index_cast %scan3A_145 : i32 to index
      %get3A_187 = arith.constant 48 : index
      %get3A_188 = tpu.vector_load %arg9[%get3A_186, %get3A_187] {strides = array<i32>} : memref<32x768xf32, #tpu.memory_space<vmem>>, vector<1x16xf32>,
      %get3A_189 = vector.shape_cast %get3A_188 : vector<1x16xf32> to vector<16xf32>
      %get3A_190 = arith.index_cast %scan3A_145 : i32 to index
      %get3A_191 = arith.constant 48 : index
      %get3A_192 = tpu.vector_load %arg10[%get3A_190, %get3A_191] {strides = array<i32>} : memref<32x768xf32, #tpu.memory_space<vmem>>, vector<1x16xf32>,
      %get3A_193 = vector.shape_cast %get3A_192 : vector<1x16xf32> to vector<16xf32>
      %add3A_194 = arith.addf %get3A_189, %get3A_193 : vector<16xf32>
      %swap3A_195 = arith.index_cast %scan3A_145 : i32 to index
      %swap3A_196 = arith.constant 48 : index
      %swap3A_197 = tpu.vector_load %arg9[%swap3A_195, %swap3A_196] {strides = array<i32>} : memref<32x768xf32, #tpu.memory_space<vmem>>, vector<1x16xf32>,
      %swap3A_198 = vector.shape_cast %swap3A_197 : vector<1x16xf32> to vector<16xf32>
      %swap3A_199 = vector.shape_cast %add3A_194 : vector<16xf32> to vector<1x16xf32>
      tpu.vector_store %arg9[%swap3A_195, %swap3A_196], %swap3A_199 {strides = array<i32>} : memref<32x768xf32, #tpu.memory_space<vmem>>, vector<1x16xf32>,
      %get3A_200 = arith.index_cast %scan3A_145 : i32 to index
      %get3A_201 = arith.constant 64 : index
      %get3A_202 = tpu.vector_load %arg9[%get3A_200, %get3A_201] {strides = array<i32>} : memref<32x768xf32, #tpu.memory_space<vmem>>, vector<1x16xf32>,
      %get3A_203 = vector.shape_cast %get3A_202 : vector<1x16xf32> to vector<16xf32>
      %get3A_204 = arith.index_cast %scan3A_145 : i32 to index
      %get3A_205 = arith.constant 64 : index
      %get3A_206 = tpu.vector_load %arg10[%get3A_204, %get3A_205] {strides = array<i32>} : memref<32x768xf32, #tpu.memory_space<vmem>>, vector<1x16xf32>,
      %get3A_207 = vector.shape_cast %get3A_206 : vector<1x16xf32> to vector<16xf32>
      %add3A_208 = arith.addf %get3A_203, %get3A_207 : vector<16xf32>
      %swap3A_209 = arith.index_cast %scan3A_145 : i32 to index
      %swap3A_210 = arith.constant 64 : index
      %swap3A_211 = tpu.vector_load %arg9[%swap3A_209, %swap3A_210] {strides = array<i32>} : memref<32x768xf32, #tpu.memory_space<vmem>>, vector<1x16xf32>,
      %swap3A_212 = vector.shape_cast %swap3A_211 : vector<1x16xf32> to vector<16xf32>
      %swap3A_213 = vector.shape_cast %add3A_208 : vector<16xf32> to vector<1x16xf32>
      tpu.vector_store %arg9[%swap3A_209, %swap3A_210], %swap3A_213 {strides = array<i32>} : memref<32x768xf32, #tpu.memory_space<vmem>>, vector<1x16xf32>,
      %get3A_214 = arith.index_cast %scan3A_145 : i32 to index
      %get3A_215 = arith.constant 80 : index
      %get3A_216 = tpu.vector_load %arg9[%get3A_214, %get3A_215] {strides = array<i32>} : memref<32x768xf32, #tpu.memory_space<vmem>>, vector<1x16xf32>,
      %get3A_217 = vector.shape_cast %get3A_216 : vector<1x16xf32> to vector<16xf32>
      %get3A_218 = arith.index_cast %scan3A_145 : i32 to index
      %get3A_219 = arith.constant 80 : index
      %get3A_220 = tpu.vector_load %arg10[%get3A_218, %get3A_219] {strides = array<i32>} : memref<32x768xf32, #tpu.memory_space<vmem>>, vector<1x16xf32>,
      %get3A_221 = vector.shape_cast %get3A_220 : vector<1x16xf32> to vector<16xf32>
      %add3A_222 = arith.addf %get3A_217, %get3A_221 : vector<16xf32>
      %swap3A_223 = arith.index_cast %scan3A_145 : i32 to index
      %swap3A_224 = arith.constant 80 : index
      %swap3A_225 = tpu.vector_load %arg9[%swap3A_223, %swap3A_224] {strides = array<i32>} : memref<32x768xf32, #tpu.memory_space<vmem>>, vector<1x16xf32>,
      %swap3A_226 = vector.shape_cast %swap3A_225 : vector<1x16xf32> to vector<16xf32>
      %swap3A_227 = vector.shape_cast %add3A_222 : vector<16xf32> to vector<1x16xf32>
      tpu.vector_store %arg9[%swap3A_223, %swap3A_224], %swap3A_227 {strides = array<i32>} : memref<32x768xf32, #tpu.memory_space<vmem>>, vector<1x16xf32>,
      %get3A_228 = arith.index_cast %scan3A_145 : i32 to index
      %get3A_229 = arith.constant 96 : index
      %get3A_230 = tpu.vector_load %arg9[%get3A_228, %get3A_229] {strides = array<i32>} : memref<32x768xf32, #tpu.memory_space<vmem>>, vector<1x16xf32>,
      %get3A_231 = vector.shape_cast %get3A_230 : vector<1x16xf32> to vector<16xf32>
      %get3A_232 = arith.index_cast %scan3A_145 : i32 to index
      %get3A_233 = arith.constant 96 : index
      %get3A_234 = tpu.vector_load %arg10[%get3A_232, %get3A_233] {strides = array<i32>} : memref<32x768xf32, #tpu.memory_space<vmem>>, vector<1x16xf32>,
      %get3A_235 = vector.shape_cast %get3A_234 : vector<1x16xf32> to vector<16xf32>
      %add3A_236 = arith.addf %get3A_231, %get3A_235 : vector<16xf32>
      %swap3A_237 = arith.index_cast %scan3A_145 : i32 to index
      %swap3A_238 = arith.constant 96 : index
      %swap3A_239 = tpu.vector_load %arg9[%swap3A_237, %swap3A_238] {strides = array<i32>} : memref<32x768xf32, #tpu.memory_space<vmem>>, vector<1x16xf32>,
      %swap3A_240 = vector.shape_cast %swap3A_239 : vector<1x16xf32> to vector<16xf32>
      %swap3A_241 = vector.shape_cast %add3A_236 : vector<16xf32> to vector<1x16xf32>
      tpu.vector_store %arg9[%swap3A_237, %swap3A_238], %swap3A_241 {strides = array<i32>} : memref<32x768xf32, #tpu.memory_space<vmem>>, vector<1x16xf32>,
      %get3A_242 = arith.index_cast %scan3A_145 : i32 to index
      %get3A_243 = arith.constant 112 : index
      %get3A_244 = tpu.vector_load %arg9[%get3A_242, %get3A_243] {strides = array<i32>} : memref<32x768xf32, #tpu.memory_space<vmem>>, vector<1x16xf32>,
      %get3A_245 = vector.shape_cast %get3A_244 : vector<1x16xf32> to vector<16xf32>
      %get3A_246 = arith.index_cast %scan3A_145 : i32 to index
      %get3A_247 = arith.constant 112 : index
      %get3A_248 = tpu.vector_load %arg10[%get3A_246, %get3A_247] {strides = array<i32>} : memref<32x768xf32, #tpu.memory_space<vmem>>, vector<1x16xf32>,
      %get3A_249 = vector.shape_cast %get3A_248 : vector<1x16xf32> to vector<16xf32>
      %add3A_250 = arith.addf %get3A_245, %get3A_249 : vector<16xf32>
      %swap3A_251 = arith.index_cast %scan3A_145 : i32 to index
      %swap3A_252 = arith.constant 112 : index
      %swap3A_253 = tpu.vector_load %arg9[%swap3A_251, %swap3A_252] {strides = array<i32>} : memref<32x768xf32, #tpu.memory_space<vmem>>, vector<1x16xf32>,
      %swap3A_254 = vector.shape_cast %swap3A_253 : vector<1x16xf32> to vector<16xf32>
      %swap3A_255 = vector.shape_cast %add3A_250 : vector<16xf32> to vector<1x16xf32>
      tpu.vector_store %arg9[%swap3A_251, %swap3A_252], %swap3A_255 {strides = array<i32>} : memref<32x768xf32, #tpu.memory_space<vmem>>, vector<1x16xf32>,
      %get3A_256 = arith.index_cast %scan3A_145 : i32 to index
      %get3A_257 = arith.constant 128 : index
      %get3A_258 = tpu.vector_load %arg9[%get3A_256, %get3A_257] {strides = array<i32>} : memref<32x768xf32, #tpu.memory_space<vmem>>, vector<1x16xf32>,
      %get3A_259 = vector.shape_cast %get3A_258 : vector<1x16xf32> to vector<16xf32>
      %get3A_260 = arith.index_cast %scan3A_145 : i32 to index
      %get3A_261 = arith.constant 128 : index
      %get3A_262 = tpu.vector_load %arg10[%get3A_260, %get3A_261] {strides = array<i32>} : memref<32x768xf32, #tpu.memory_space<vmem>>, vector<1x16xf32>,
      %get3A_263 = vector.shape_cast %get3A_262 : vector<1x16xf32> to vector<16xf32>
      %add3A_264 = arith.addf %get3A_259, %get3A_263 : vector<16xf32>
      %swap3A_265 = arith.index_cast %scan3A_145 : i32 to index
      %swap3A_266 = arith.constant 128 : index
      %swap3A_267 = tpu.vector_load %arg9[%swap3A_265, %swap3A_266] {strides = array<i32>} : memref<32x768xf32, #tpu.memory_space<vmem>>, vector<1x16xf32>,
      %swap3A_268 = vector.shape_cast %swap3A_267 : vector<1x16xf32> to vector<16xf32>
      %swap3A_269 = vector.shape_cast %add3A_264 : vector<16xf32> to vector<1x16xf32>
      tpu.vector_store %arg9[%swap3A_265, %swap3A_266], %swap3A_269 {strides = array<i32>} : memref<32x768xf32, #tpu.memory_space<vmem>>, vector<1x16xf32>,
      %get3A_270 = arith.index_cast %scan3A_145 : i32 to index
      %get3A_271 = arith.constant 144 : index
      %get3A_272 = tpu.vector_load %arg9[%get3A_270, %get3A_271] {strides = array<i32>} : memref<32x768xf32, #tpu.memory_space<vmem>>, vector<1x16xf32>,
      %get3A_273 = vector.shape_cast %get3A_272 : vector<1x16xf32> to vector<16xf32>
      %get3A_274 = arith.index_cast %scan3A_145 : i32 to index
      %get3A_275 = arith.constant 144 : index
      %get3A_276 = tpu.vector_load %arg10[%get3A_274, %get3A_275] {strides = array<i32>} : memref<32x768xf32, #tpu.memory_space<vmem>>, vector<1x16xf32>,
      %get3A_277 = vector.shape_cast %get3A_276 : vector<1x16xf32> to vector<16xf32>
      %add3A_278 = arith.addf %get3A_273, %get3A_277 : vector<16xf32>
      %swap3A_279 = arith.index_cast %scan3A_145 : i32 to index
      %swap3A_280 = arith.constant 144 : index
      %swap3A_281 = tpu.vector_load %arg9[%swap3A_279, %swap3A_280] {strides = array<i32>} : memref<32x768xf32, #tpu.memory_space<vmem>>, vector<1x16xf32>,
      %swap3A_282 = vector.shape_cast %swap3A_281 : vector<1x16xf32> to vector<16xf32>
      %swap3A_283 = vector.shape_cast %add3A_278 : vector<16xf32> to vector<1x16xf32>
      tpu.vector_store %arg9[%swap3A_279, %swap3A_280], %swap3A_283 {strides = array<i32>} : memref<32x768xf32, #tpu.memory_space<vmem>>, vector<1x16xf32>,
      %get3A_284 = arith.index_cast %scan3A_145 : i32 to index
      %get3A_285 = arith.constant 160 : index
      %get3A_286 = tpu.vector_load %arg9[%get3A_284, %get3A_285] {strides = array<i32>} : memref<32x768xf32, #tpu.memory_space<vmem>>, vector<1x16xf32>,
      %get3A_287 = vector.shape_cast %get3A_286 : vector<1x16xf32> to vector<16xf32>
      %get3A_288 = arith.index_cast %scan3A_145 : i32 to index
      %get3A_289 = arith.constant 160 : index
      %get3A_290 = tpu.vector_load %arg10[%get3A_288, %get3A_289] {strides = array<i32>} : memref<32x768xf32, #tpu.memory_space<vmem>>, vector<1x16xf32>,
      %get3A_291 = vector.shape_cast %get3A_290 : vector<1x16xf32> to vector<16xf32>
      %add3A_292 = arith.addf %get3A_287, %get3A_291 : vector<16xf32>
      %swap3A_293 = arith.index_cast %scan3A_145 : i32 to index
      %swap3A_294 = arith.constant 160 : index
      %swap3A_295 = tpu.vector_load %arg9[%swap3A_293, %swap3A_294] {strides = array<i32>} : memref<32x768xf32, #tpu.memory_space<vmem>>, vector<1x16xf32>,
      %swap3A_296 = vector.shape_cast %swap3A_295 : vector<1x16xf32> to vector<16xf32>
      %swap3A_297 = vector.shape_cast %add3A_292 : vector<16xf32> to vector<1x16xf32>
      tpu.vector_store %arg9[%swap3A_293, %swap3A_294], %swap3A_297 {strides = array<i32>} : memref<32x768xf32, #tpu.memory_space<vmem>>, vector<1x16xf32>,
      %get3A_298 = arith.index_cast %scan3A_145 : i32 to index
      %get3A_299 = arith.constant 176 : index
      %get3A_300 = tpu.vector_load %arg9[%get3A_298, %get3A_299] {strides = array<i32>} : memref<32x768xf32, #tpu.memory_space<vmem>>, vector<1x16xf32>,
      %get3A_301 = vector.shape_cast %get3A_300 : vector<1x16xf32> to vector<16xf32>
      %get3A_302 = arith.index_cast %scan3A_145 : i32 to index
      %get3A_303 = arith.constant 176 : index
      %get3A_304 = tpu.vector_load %arg10[%get3A_302, %get3A_303] {strides = array<i32>} : memref<32x768xf32, #tpu.memory_space<vmem>>, vector<1x16xf32>,
      %get3A_305 = vector.shape_cast %get3A_304 : vector<1x16xf32> to vector<16xf32>
      %add3A_306 = arith.addf %get3A_301, %get3A_305 : vector<16xf32>
      %swap3A_307 = arith.index_cast %scan3A_145 : i32 to index
      %swap3A_308 = arith.constant 176 : index
      %swap3A_309 = tpu.vector_load %arg9[%swap3A_307, %swap3A_308] {strides = array<i32>} : memref<32x768xf32, #tpu.memory_space<vmem>>, vector<1x16xf32>,
      %swap3A_310 = vector.shape_cast %swap3A_309 : vector<1x16xf32> to vector<16xf32>
      %swap3A_311 = vector.shape_cast %add3A_306 : vector<16xf32> to vector<1x16xf32>
      tpu.vector_store %arg9[%swap3A_307, %swap3A_308], %swap3A_311 {strides = array<i32>} : memref<32x768xf32, #tpu.memory_space<vmem>>, vector<1x16xf32>,
      %get3A_312 = arith.index_cast %scan3A_145 : i32 to index
      %get3A_313 = arith.constant 192 : index
      %get3A_314 = tpu.vector_load %arg9[%get3A_312, %get3A_313] {strides = array<i32>} : memref<32x768xf32, #tpu.memory_space<vmem>>, vector<1x16xf32>,
      %get3A_315 = vector.shape_cast %get3A_314 : vector<1x16xf32> to vector<16xf32>
      %get3A_316 = arith.index_cast %scan3A_145 : i32 to index
      %get3A_317 = arith.constant 192 : index
      %get3A_318 = tpu.vector_load %arg10[%get3A_316, %get3A_317] {strides = array<i32>} : memref<32x768xf32, #tpu.memory_space<vmem>>, vector<1x16xf32>,
      %get3A_319 = vector.shape_cast %get3A_318 : vector<1x16xf32> to vector<16xf32>
      %add3A_320 = arith.addf %get3A_315, %get3A_319 : vector<16xf32>
      %swap3A_321 = arith.index_cast %scan3A_145 : i32 to index
      %swap3A_322 = arith.constant 192 : index
      %swap3A_323 = tpu.vector_load %arg9[%swap3A_321, %swap3A_322] {strides = array<i32>} : memref<32x768xf32, #tpu.memory_space<vmem>>, vector<1x16xf32>,
      %swap3A_324 = vector.shape_cast %swap3A_323 : vector<1x16xf32> to vector<16xf32>
      %swap3A_325 = vector.shape_cast %add3A_320 : vector<16xf32> to vector<1x16xf32>
      tpu.vector_store %arg9[%swap3A_321, %swap3A_322], %swap3A_325 {strides = array<i32>} : memref<32x768xf32, #tpu.memory_space<vmem>>, vector<1x16xf32>,
      %get3A_326 = arith.index_cast %scan3A_145 : i32 to index
      %get3A_327 = arith.constant 208 : index
      %get3A_328 = tpu.vector_load %arg9[%get3A_326, %get3A_327] {strides = array<i32>} : memref<32x768xf32, #tpu.memory_space<vmem>>, vector<1x16xf32>,
      %get3A_329 = vector.shape_cast %get3A_328 : vector<1x16xf32> to vector<16xf32>
      %get3A_330 = arith.index_cast %scan3A_145 : i32 to index
      %get3A_331 = arith.constant 208 : index
      %get3A_332 = tpu.vector_load %arg10[%get3A_330, %get3A_331] {strides = array<i32>} : memref<32x768xf32, #tpu.memory_space<vmem>>, vector<1x16xf32>,
      %get3A_333 = vector.shape_cast %get3A_332 : vector<1x16xf32> to vector<16xf32>
      %add3A_334 = arith.addf %get3A_329, %get3A_333 : vector<16xf32>
      %swap3A_335 = arith.index_cast %scan3A_145 : i32 to index
      %swap3A_336 = arith.constant 208 : index
      %swap3A_337 = tpu.vector_load %arg9[%swap3A_335, %swap3A_336] {strides = array<i32>} : memref<32x768xf32, #tpu.memory_space<vmem>>, vector<1x16xf32>,
      %swap3A_338 = vector.shape_cast %swap3A_337 : vector<1x16xf32> to vector<16xf32>
      %swap3A_339 = vector.shape_cast %add3A_334 : vector<16xf32> to vector<1x16xf32>
      tpu.vector_store %arg9[%swap3A_335, %swap3A_336], %swap3A_339 {strides = array<i32>} : memref<32x768xf32, #tpu.memory_space<vmem>>, vector<1x16xf32>,
      %get3A_340 = arith.index_cast %scan3A_145 : i32 to index
      %get3A_341 = arith.constant 224 : index
      %get3A_342 = tpu.vector_load %arg9[%get3A_340, %get3A_341] {strides = array<i32>} : memref<32x768xf32, #tpu.memory_space<vmem>>, vector<1x16xf32>,
      %get3A_343 = vector.shape_cast %get3A_342 : vector<1x16xf32> to vector<16xf32>
      %get3A_344 = arith.index_cast %scan3A_145 : i32 to index
      %get3A_345 = arith.constant 224 : index
      %get3A_346 = tpu.vector_load %arg10[%get3A_344, %get3A_345] {strides = array<i32>} : memref<32x768xf32, #tpu.memory_space<vmem>>, vector<1x16xf32>,
      %get3A_347 = vector.shape_cast %get3A_346 : vector<1x16xf32> to vector<16xf32>
      %add3A_348 = arith.addf %get3A_343, %get3A_347 : vector<16xf32>
      %swap3A_349 = arith.index_cast %scan3A_145 : i32 to index
      %swap3A_350 = arith.constant 224 : index
      %swap3A_351 = tpu.vector_load %arg9[%swap3A_349, %swap3A_350] {strides = array<i32>} : memref<32x768xf32, #tpu.memory_space<vmem>>, vector<1x16xf32>,
      %swap3A_352 = vector.shape_cast %swap3A_351 : vector<1x16xf32> to vector<16xf32>
      %swap3A_353 = vector.shape_cast %add3A_348 : vector<16xf32> to vector<1x16xf32>
      tpu.vector_store %arg9[%swap3A_349, %swap3A_350], %swap3A_353 {strides = array<i32>} : memref<32x768xf32, #tpu.memory_space<vmem>>, vector<1x16xf32>,
      %get3A_354 = arith.index_cast %scan3A_145 : i32 to index
      %get3A_355 = arith.constant 240 : index
      %get3A_356 = tpu.vector_load %arg9[%get3A_354, %get3A_355] {strides = array<i32>} : memref<32x768xf32, #tpu.memory_space<vmem>>, vector<1x16xf32>,
      %get3A_357 = vector.shape_cast %get3A_356 : vector<1x16xf32> to vector<16xf32>
      %get3A_358 = arith.index_cast %scan3A_145 : i32 to index
      %get3A_359 = arith.constant 240 : index
      %get3A_360 = tpu.vector_load %arg10[%get3A_358, %get3A_359] {strides = array<i32>} : memref<32x768xf32, #tpu.memory_space<vmem>>, vector<1x16xf32>,
      %get3A_361 = vector.shape_cast %get3A_360 : vector<1x16xf32> to vector<16xf32>
      %add3A_362 = arith.addf %get3A_357, %get3A_361 : vector<16xf32>
      %swap3A_363 = arith.index_cast %scan3A_145 : i32 to index
      %swap3A_364 = arith.constant 240 : index
      %swap3A_365 = tpu.vector_load %arg9[%swap3A_363, %swap3A_364] {strides = array<i32>} : memref<32x768xf32, #tpu.memory_space<vmem>>, vector<1x16xf32>,
      %swap3A_366 = vector.shape_cast %swap3A_365 : vector<1x16xf32> to vector<16xf32>
      %swap3A_367 = vector.shape_cast %add3A_362 : vector<16xf32> to vector<1x16xf32>
      tpu.vector_store %arg9[%swap3A_363, %swap3A_364], %swap3A_367 {strides = array<i32>} : memref<32x768xf32, #tpu.memory_space<vmem>>, vector<1x16xf32>,
      %get3A_368 = arith.index_cast %scan3A_145 : i32 to index
      %get3A_369 = arith.constant 256 : index
      %get3A_370 = tpu.vector_load %arg9[%get3A_368, %get3A_369] {strides = array<i32>} : memref<32x768xf32, #tpu.memory_space<vmem>>, vector<1x16xf32>,
      %get3A_371 = vector.shape_cast %get3A_370 : vector<1x16xf32> to vector<16xf32>
      %get3A_372 = arith.index_cast %scan3A_145 : i32 to index
      %get3A_373 = arith.constant 256 : index
      %get3A_374 = tpu.vector_load %arg10[%get3A_372, %get3A_373] {strides = array<i32>} : memref<32x768xf32, #tpu.memory_space<vmem>>, vector<1x16xf32>,
      %get3A_375 = vector.shape_cast %get3A_374 : vector<1x16xf32> to vector<16xf32>
      %add3A_376 = arith.addf %get3A_371, %get3A_375 : vector<16xf32>
      %swap3A_377 = arith.index_cast %scan3A_145 : i32 to index
      %swap3A_378 = arith.constant 256 : index
      %swap3A_379 = tpu.vector_load %arg9[%swap3A_377, %swap3A_378] {strides = array<i32>} : memref<32x768xf32, #tpu.memory_space<vmem>>, vector<1x16xf32>,
      %swap3A_380 = vector.shape_cast %swap3A_379 : vector<1x16xf32> to vector<16xf32>
      %swap3A_381 = vector.shape_cast %add3A_376 : vector<16xf32> to vector<1x16xf32>
      tpu.vector_store %arg9[%swap3A_377, %swap3A_378], %swap3A_381 {strides = array<i32>} : memref<32x768xf32, #tpu.memory_space<vmem>>, vector<1x16xf32>,
      %get3A_382 = arith.index_cast %scan3A_145 : i32 to index
      %get3A_383 = arith.constant 272 : index
      %get3A_384 = tpu.vector_load %arg9[%get3A_382, %get3A_383] {strides = array<i32>} : memref<32x768xf32, #tpu.memory_space<vmem>>, vector<1x16xf32>,
      %get3A_385 = vector.shape_cast %get3A_384 : vector<1x16xf32> to vector<16xf32>
      %get3A_386 = arith.index_cast %scan3A_145 : i32 to index
      %get3A_387 = arith.constant 272 : index
      %get3A_388 = tpu.vector_load %arg10[%get3A_386, %get3A_387] {strides = array<i32>} : memref<32x768xf32, #tpu.memory_space<vmem>>, vector<1x16xf32>,
      %get3A_389 = vector.shape_cast %get3A_388 : vector<1x16xf32> to vector<16xf32>
      %add3A_390 = arith.addf %get3A_385, %get3A_389 : vector<16xf32>
      %swap3A_391 = arith.index_cast %scan3A_145 : i32 to index
      %swap3A_392 = arith.constant 272 : index
      %swap3A_393 = tpu.vector_load %arg9[%swap3A_391, %swap3A_392] {strides = array<i32>} : memref<32x768xf32, #tpu.memory_space<vmem>>, vector<1x16xf32>,
      %swap3A_394 = vector.shape_cast %swap3A_393 : vector<1x16xf32> to vector<16xf32>
      %swap3A_395 = vector.shape_cast %add3A_390 : vector<16xf32> to vector<1x16xf32>
      tpu.vector_store %arg9[%swap3A_391, %swap3A_392], %swap3A_395 {strides = array<i32>} : memref<32x768xf32, #tpu.memory_space<vmem>>, vector<1x16xf32>,
      %get3A_396 = arith.index_cast %scan3A_145 : i32 to index
      %get3A_397 = arith.constant 288 : index
      %get3A_398 = tpu.vector_load %arg9[%get3A_396, %get3A_397] {strides = array<i32>} : memref<32x768xf32, #tpu.memory_space<vmem>>, vector<1x16xf32>,
      %get3A_399 = vector.shape_cast %get3A_398 : vector<1x16xf32> to vector<16xf32>
      %get3A_400 = arith.index_cast %scan3A_145 : i32 to index
      %get3A_401 = arith.constant 288 : index
      %get3A_402 = tpu.vector_load %arg10[%get3A_400, %get3A_401] {strides = array<i32>} : memref<32x768xf32, #tpu.memory_space<vmem>>, vector<1x16xf32>,
      %get3A_403 = vector.shape_cast %get3A_402 : vector<1x16xf32> to vector<16xf32>
      %add3A_404 = arith.addf %get3A_399, %get3A_403 : vector<16xf32>
      %swap3A_405 = arith.index_cast %scan3A_145 : i32 to index
      %swap3A_406 = arith.constant 288 : index
      %swap3A_407 = tpu.vector_load %arg9[%swap3A_405, %swap3A_406] {strides = array<i32>} : memref<32x768xf32, #tpu.memory_space<vmem>>, vector<1x16xf32>,
      %swap3A_408 = vector.shape_cast %swap3A_407 : vector<1x16xf32> to vector<16xf32>
      %swap3A_409 = vector.shape_cast %add3A_404 : vector<16xf32> to vector<1x16xf32>
      tpu.vector_store %arg9[%swap3A_405, %swap3A_406], %swap3A_409 {strides = array<i32>} : memref<32x768xf32, #tpu.memory_space<vmem>>, vector<1x16xf32>,
      %get3A_410 = arith.index_cast %scan3A_145 : i32 to index
      %get3A_411 = arith.constant 304 : index
      %get3A_412 = tpu.vector_load %arg9[%get3A_410, %get3A_411] {strides = array<i32>} : memref<32x768xf32, #tpu.memory_space<vmem>>, vector<1x16xf32>,
      %get3A_413 = vector.shape_cast %get3A_412 : vector<1x16xf32> to vector<16xf32>
      %get3A_414 = arith.index_cast %scan3A_145 : i32 to index
      %get3A_415 = arith.constant 304 : index
      %get3A_416 = tpu.vector_load %arg10[%get3A_414, %get3A_415] {strides = array<i32>} : memref<32x768xf32, #tpu.memory_space<vmem>>, vector<1x16xf32>,
      %get3A_417 = vector.shape_cast %get3A_416 : vector<1x16xf32> to vector<16xf32>
      %add3A_418 = arith.addf %get3A_413, %get3A_417 : vector<16xf32>
      %swap3A_419 = arith.index_cast %scan3A_145 : i32 to index
      %swap3A_420 = arith.constant 304 : index
      %swap3A_421 = tpu.vector_load %arg9[%swap3A_419, %swap3A_420] {strides = array<i32>} : memref<32x768xf32, #tpu.memory_space<vmem>>, vector<1x16xf32>,
      %swap3A_422 = vector.shape_cast %swap3A_421 : vector<1x16xf32> to vector<16xf32>
      %swap3A_423 = vector.shape_cast %add3A_418 : vector<16xf32> to vector<1x16xf32>
      tpu.vector_store %arg9[%swap3A_419, %swap3A_420], %swap3A_423 {strides = array<i32>} : memref<32x768xf32, #tpu.memory_space<vmem>>, vector<1x16xf32>,
      %get3A_424 = arith.index_cast %scan3A_145 : i32 to index
      %get3A_425 = arith.constant 320 : index
      %get3A_426 = tpu.vector_load %arg9[%get3A_424, %get3A_425] {strides = array<i32>} : memref<32x768xf32, #tpu.memory_space<vmem>>, vector<1x16xf32>,
      %get3A_427 = vector.shape_cast %get3A_426 : vector<1x16xf32> to vector<16xf32>
      %get3A_428 = arith.index_cast %scan3A_145 : i32 to index
      %get3A_429 = arith.constant 320 : index
      %get3A_430 = tpu.vector_load %arg10[%get3A_428, %get3A_429] {strides = array<i32>} : memref<32x768xf32, #tpu.memory_space<vmem>>, vector<1x16xf32>,
      %get3A_431 = vector.shape_cast %get3A_430 : vector<1x16xf32> to vector<16xf32>
      %add3A_432 = arith.addf %get3A_427, %get3A_431 : vector<16xf32>
      %swap3A_433 = arith.index_cast %scan3A_145 : i32 to index
      %swap3A_434 = arith.constant 320 : index
      %swap3A_435 = tpu.vector_load %arg9[%swap3A_433, %swap3A_434] {strides = array<i32>} : memref<32x768xf32, #tpu.memory_space<vmem>>, vector<1x16xf32>,
      %swap3A_436 = vector.shape_cast %swap3A_435 : vector<1x16xf32> to vector<16xf32>
      %swap3A_437 = vector.shape_cast %add3A_432 : vector<16xf32> to vector<1x16xf32>
      tpu.vector_store %arg9[%swap3A_433, %swap3A_434], %swap3A_437 {strides = array<i32>} : memref<32x768xf32, #tpu.memory_space<vmem>>, vector<1x16xf32>,
      %get3A_438 = arith.index_cast %scan3A_145 : i32 to index
      %get3A_439 = arith.constant 336 : index
      %get3A_440 = tpu.vector_load %arg9[%get3A_438, %get3A_439] {strides = array<i32>} : memref<32x768xf32, #tpu.memory_space<vmem>>, vector<1x16xf32>,
      %get3A_441 = vector.shape_cast %get3A_440 : vector<1x16xf32> to vector<16xf32>
      %get3A_442 = arith.index_cast %scan3A_145 : i32 to index
      %get3A_443 = arith.constant 336 : index
      %get3A_444 = tpu.vector_load %arg10[%get3A_442, %get3A_443] {strides = array<i32>} : memref<32x768xf32, #tpu.memory_space<vmem>>, vector<1x16xf32>,
      %get3A_445 = vector.shape_cast %get3A_444 : vector<1x16xf32> to vector<16xf32>
      %add3A_446 = arith.addf %get3A_441, %get3A_445 : vector<16xf32>
      %swap3A_447 = arith.index_cast %scan3A_145 : i32 to index
      %swap3A_448 = arith.constant 336 : index
      %swap3A_449 = tpu.vector_load %arg9[%swap3A_447, %swap3A_448] {strides = array<i32>} : memref<32x768xf32, #tpu.memory_space<vmem>>, vector<1x16xf32>,
      %swap3A_450 = vector.shape_cast %swap3A_449 : vector<1x16xf32> to vector<16xf32>
      %swap3A_451 = vector.shape_cast %add3A_446 : vector<16xf32> to vector<1x16xf32>
      tpu.vector_store %arg9[%swap3A_447, %swap3A_448], %swap3A_451 {strides = array<i32>} : memref<32x768xf32, #tpu.memory_space<vmem>>, vector<1x16xf32>,
      %get3A_452 = arith.index_cast %scan3A_145 : i32 to index
      %get3A_453 = arith.constant 352 : index
      %get3A_454 = tpu.vector_load %arg9[%get3A_452, %get3A_453] {strides = array<i32>} : memref<32x768xf32, #tpu.memory_space<vmem>>, vector<1x16xf32>,
      %get3A_455 = vector.shape_cast %get3A_454 : vector<1x16xf32> to vector<16xf32>
      %get3A_456 = arith.index_cast %scan3A_145 : i32 to index
      %get3A_457 = arith.constant 352 : index
      %get3A_458 = tpu.vector_load %arg10[%get3A_456, %get3A_457] {strides = array<i32>} : memref<32x768xf32, #tpu.memory_space<vmem>>, vector<1x16xf32>,
      %get3A_459 = vector.shape_cast %get3A_458 : vector<1x16xf32> to vector<16xf32>
      %add3A_460 = arith.addf %get3A_455, %get3A_459 : vector<16xf32>
      %swap3A_461 = arith.index_cast %scan3A_145 : i32 to index
      %swap3A_462 = arith.constant 352 : index
      %swap3A_463 = tpu.vector_load %arg9[%swap3A_461, %swap3A_462] {strides = array<i32>} : memref<32x768xf32, #tpu.memory_space<vmem>>, vector<1x16xf32>,
      %swap3A_464 = vector.shape_cast %swap3A_463 : vector<1x16xf32> to vector<16xf32>
      %swap3A_465 = vector.shape_cast %add3A_460 : vector<16xf32> to vector<1x16xf32>
      tpu.vector_store %arg9[%swap3A_461, %swap3A_462], %swap3A_465 {strides = array<i32>} : memref<32x768xf32, #tpu.memory_space<vmem>>, vector<1x16xf32>,
      %get3A_466 = arith.index_cast %scan3A_145 : i32 to index
      %get3A_467 = arith.constant 368 : index
      %get3A_468 = tpu.vector_load %arg9[%get3A_466, %get3A_467] {strides = array<i32>} : memref<32x768xf32, #tpu.memory_space<vmem>>, vector<1x16xf32>,
      %get3A_469 = vector.shape_cast %get3A_468 : vector<1x16xf32> to vector<16xf32>
      %get3A_470 = arith.index_cast %scan3A_145 : i32 to index
      %get3A_471 = arith.constant 368 : index
      %get3A_472 = tpu.vector_load %arg10[%get3A_470, %get3A_471] {strides = array<i32>} : memref<32x768xf32, #tpu.memory_space<vmem>>, vector<1x16xf32>,
      %get3A_473 = vector.shape_cast %get3A_472 : vector<1x16xf32> to vector<16xf32>
      %add3A_474 = arith.addf %get3A_469, %get3A_473 : vector<16xf32>
      %swap3A_475 = arith.index_cast %scan3A_145 : i32 to index
      %swap3A_476 = arith.constant 368 : index
      %swap3A_477 = tpu.vector_load %arg9[%swap3A_475, %swap3A_476] {strides = array<i32>} : memref<32x768xf32, #tpu.memory_space<vmem>>, vector<1x16xf32>,
      %swap3A_478 = vector.shape_cast %swap3A_477 : vector<1x16xf32> to vector<16xf32>
      %swap3A_479 = vector.shape_cast %add3A_474 : vector<16xf32> to vector<1x16xf32>
      tpu.vector_store %arg9[%swap3A_475, %swap3A_476], %swap3A_479 {strides = array<i32>} : memref<32x768xf32, #tpu.memory_space<vmem>>, vector<1x16xf32>,
      %get3A_480 = arith.index_cast %scan3A_145 : i32 to index
      %get3A_481 = arith.constant 384 : index
      %get3A_482 = tpu.vector_load %arg9[%get3A_480, %get3A_481] {strides = array<i32>} : memref<32x768xf32, #tpu.memory_space<vmem>>, vector<1x16xf32>,
      %get3A_483 = vector.shape_cast %get3A_482 : vector<1x16xf32> to vector<16xf32>
      %get3A_484 = arith.index_cast %scan3A_145 : i32 to index
      %get3A_485 = arith.constant 384 : index
      %get3A_486 = tpu.vector_load %arg10[%get3A_484, %get3A_485] {strides = array<i32>} : memref<32x768xf32, #tpu.memory_space<vmem>>, vector<1x16xf32>,
      %get3A_487 = vector.shape_cast %get3A_486 : vector<1x16xf32> to vector<16xf32>
      %add3A_488 = arith.addf %get3A_483, %get3A_487 : vector<16xf32>
      %swap3A_489 = arith.index_cast %scan3A_145 : i32 to index
      %swap3A_490 = arith.constant 384 : index
      %swap3A_491 = tpu.vector_load %arg9[%swap3A_489, %swap3A_490] {strides = array<i32>} : memref<32x768xf32, #tpu.memory_space<vmem>>, vector<1x16xf32>,
      %swap3A_492 = vector.shape_cast %swap3A_491 : vector<1x16xf32> to vector<16xf32>
      %swap3A_493 = vector.shape_cast %add3A_488 : vector<16xf32> to vector<1x16xf32>
      tpu.vector_store %arg9[%swap3A_489, %swap3A_490], %swap3A_493 {strides = array<i32>} : memref<32x768xf32, #tpu.memory_space<vmem>>, vector<1x16xf32>,
      %get3A_494 = arith.index_cast %scan3A_145 : i32 to index
      %get3A_495 = arith.constant 400 : index
      %get3A_496 = tpu.vector_load %arg9[%get3A_494, %get3A_495] {strides = array<i32>} : memref<32x768xf32, #tpu.memory_space<vmem>>, vector<1x16xf32>,
      %get3A_497 = vector.shape_cast %get3A_496 : vector<1x16xf32> to vector<16xf32>
      %get3A_498 = arith.index_cast %scan3A_145 : i32 to index
      %get3A_499 = arith.constant 400 : index
      %get3A_500 = tpu.vector_load %arg10[%get3A_498, %get3A_499] {strides = array<i32>} : memref<32x768xf32, #tpu.memory_space<vmem>>, vector<1x16xf32>,
      %get3A_501 = vector.shape_cast %get3A_500 : vector<1x16xf32> to vector<16xf32>
      %add3A_502 = arith.addf %get3A_497, %get3A_501 : vector<16xf32>
      %swap3A_503 = arith.index_cast %scan3A_145 : i32 to index
      %swap3A_504 = arith.constant 400 : index
      %swap3A_505 = tpu.vector_load %arg9[%swap3A_503, %swap3A_504] {strides = array<i32>} : memref<32x768xf32, #tpu.memory_space<vmem>>, vector<1x16xf32>,
      %swap3A_506 = vector.shape_cast %swap3A_505 : vector<1x16xf32> to vector<16xf32>
      %swap3A_507 = vector.shape_cast %add3A_502 : vector<16xf32> to vector<1x16xf32>
      tpu.vector_store %arg9[%swap3A_503, %swap3A_504], %swap3A_507 {strides = array<i32>} : memref<32x768xf32, #tpu.memory_space<vmem>>, vector<1x16xf32>,
      %get3A_508 = arith.index_cast %scan3A_145 : i32 to index
      %get3A_509 = arith.constant 416 : index
      %get3A_510 = tpu.vector_load %arg9[%get3A_508, %get3A_509] {strides = array<i32>} : memref<32x768xf32, #tpu.memory_space<vmem>>, vector<1x16xf32>,
      %get3A_511 = vector.shape_cast %get3A_510 : vector<1x16xf32> to vector<16xf32>
      %get3A_512 = arith.index_cast %scan3A_145 : i32 to index
      %get3A_513 = arith.constant 416 : index
      %get3A_514 = tpu.vector_load %arg10[%get3A_512, %get3A_513] {strides = array<i32>} : memref<32x768xf32, #tpu.memory_space<vmem>>, vector<1x16xf32>,
      %get3A_515 = vector.shape_cast %get3A_514 : vector<1x16xf32> to vector<16xf32>
      %add3A_516 = arith.addf %get3A_511, %get3A_515 : vector<16xf32>
      %swap3A_517 = arith.index_cast %scan3A_145 : i32 to index
      %swap3A_518 = arith.constant 416 : index
      %swap3A_519 = tpu.vector_load %arg9[%swap3A_517, %swap3A_518] {strides = array<i32>} : memref<32x768xf32, #tpu.memory_space<vmem>>, vector<1x16xf32>,
      %swap3A_520 = vector.shape_cast %swap3A_519 : vector<1x16xf32> to vector<16xf32>
      %swap3A_521 = vector.shape_cast %add3A_516 : vector<16xf32> to vector<1x16xf32>
      tpu.vector_store %arg9[%swap3A_517, %swap3A_518], %swap3A_521 {strides = array<i32>} : memref<32x768xf32, #tpu.memory_space<vmem>>, vector<1x16xf32>,
      %get3A_522 = arith.index_cast %scan3A_145 : i32 to index
      %get3A_523 = arith.constant 432 : index
      %get3A_524 = tpu.vector_load %arg9[%get3A_522, %get3A_523] {strides = array<i32>} : memref<32x768xf32, #tpu.memory_space<vmem>>, vector<1x16xf32>,
      %get3A_525 = vector.shape_cast %get3A_524 : vector<1x16xf32> to vector<16xf32>
      %get3A_526 = arith.index_cast %scan3A_145 : i32 to index
      %get3A_527 = arith.constant 432 : index
      %get3A_528 = tpu.vector_load %arg10[%get3A_526, %get3A_527] {strides = array<i32>} : memref<32x768xf32, #tpu.memory_space<vmem>>, vector<1x16xf32>,
      %get3A_529 = vector.shape_cast %get3A_528 : vector<1x16xf32> to vector<16xf32>
      %add3A_530 = arith.addf %get3A_525, %get3A_529 : vector<16xf32>
      %swap3A_531 = arith.index_cast %scan3A_145 : i32 to index
      %swap3A_532 = arith.constant 432 : index
      %swap3A_533 = tpu.vector_load %arg9[%swap3A_531, %swap3A_532] {strides = array<i32>} : memref<32x768xf32, #tpu.memory_space<vmem>>, vector<1x16xf32>,
      %swap3A_534 = vector.shape_cast %swap3A_533 : vector<1x16xf32> to vector<16xf32>
      %swap3A_535 = vector.shape_cast %add3A_530 : vector<16xf32> to vector<1x16xf32>
      tpu.vector_store %arg9[%swap3A_531, %swap3A_532], %swap3A_535 {strides = array<i32>} : memref<32x768xf32, #tpu.memory_space<vmem>>, vector<1x16xf32>,
      %get3A_536 = arith.index_cast %scan3A_145 : i32 to index
      %get3A_537 = arith.constant 448 : index
      %get3A_538 = tpu.vector_load %arg9[%get3A_536, %get3A_537] {strides = array<i32>} : memref<32x768xf32, #tpu.memory_space<vmem>>, vector<1x16xf32>,
      %get3A_539 = vector.shape_cast %get3A_538 : vector<1x16xf32> to vector<16xf32>
      %get3A_540 = arith.index_cast %scan3A_145 : i32 to index
      %get3A_541 = arith.constant 448 : index
      %get3A_542 = tpu.vector_load %arg10[%get3A_540, %get3A_541] {strides = array<i32>} : memref<32x768xf32, #tpu.memory_space<vmem>>, vector<1x16xf32>,
      %get3A_543 = vector.shape_cast %get3A_542 : vector<1x16xf32> to vector<16xf32>
      %add3A_544 = arith.addf %get3A_539, %get3A_543 : vector<16xf32>
      %swap3A_545 = arith.index_cast %scan3A_145 : i32 to index
      %swap3A_546 = arith.constant 448 : index
      %swap3A_547 = tpu.vector_load %arg9[%swap3A_545, %swap3A_546] {strides = array<i32>} : memref<32x768xf32, #tpu.memory_space<vmem>>, vector<1x16xf32>,
      %swap3A_548 = vector.shape_cast %swap3A_547 : vector<1x16xf32> to vector<16xf32>
      %swap3A_549 = vector.shape_cast %add3A_544 : vector<16xf32> to vector<1x16xf32>
      tpu.vector_store %arg9[%swap3A_545, %swap3A_546], %swap3A_549 {strides = array<i32>} : memref<32x768xf32, #tpu.memory_space<vmem>>, vector<1x16xf32>,
      %get3A_550 = arith.index_cast %scan3A_145 : i32 to index
      %get3A_551 = arith.constant 464 : index
      %get3A_552 = tpu.vector_load %arg9[%get3A_550, %get3A_551] {strides = array<i32>} : memref<32x768xf32, #tpu.memory_space<vmem>>, vector<1x16xf32>,
      %get3A_553 = vector.shape_cast %get3A_552 : vector<1x16xf32> to vector<16xf32>
      %get3A_554 = arith.index_cast %scan3A_145 : i32 to index
      %get3A_555 = arith.constant 464 : index
      %get3A_556 = tpu.vector_load %arg10[%get3A_554, %get3A_555] {strides = array<i32>} : memref<32x768xf32, #tpu.memory_space<vmem>>, vector<1x16xf32>,
      %get3A_557 = vector.shape_cast %get3A_556 : vector<1x16xf32> to vector<16xf32>
      %add3A_558 = arith.addf %get3A_553, %get3A_557 : vector<16xf32>
      %swap3A_559 = arith.index_cast %scan3A_145 : i32 to index
      %swap3A_560 = arith.constant 464 : index
      %swap3A_561 = tpu.vector_load %arg9[%swap3A_559, %swap3A_560] {strides = array<i32>} : memref<32x768xf32, #tpu.memory_space<vmem>>, vector<1x16xf32>,
      %swap3A_562 = vector.shape_cast %swap3A_561 : vector<1x16xf32> to vector<16xf32>
      %swap3A_563 = vector.shape_cast %add3A_558 : vector<16xf32> to vector<1x16xf32>
      tpu.vector_store %arg9[%swap3A_559, %swap3A_560], %swap3A_563 {strides = array<i32>} : memref<32x768xf32, #tpu.memory_space<vmem>>, vector<1x16xf32>,
      %get3A_564 = arith.index_cast %scan3A_145 : i32 to index
      %get3A_565 = arith.constant 480 : index
      %get3A_566 = tpu.vector_load %arg9[%get3A_564, %get3A_565] {strides = array<i32>} : memref<32x768xf32, #tpu.memory_space<vmem>>, vector<1x16xf32>,
      %get3A_567 = vector.shape_cast %get3A_566 : vector<1x16xf32> to vector<16xf32>
      %get3A_568 = arith.index_cast %scan3A_145 : i32 to index
      %get3A_569 = arith.constant 480 : index
      %get3A_570 = tpu.vector_load %arg10[%get3A_568, %get3A_569] {strides = array<i32>} : memref<32x768xf32, #tpu.memory_space<vmem>>, vector<1x16xf32>,
      %get3A_571 = vector.shape_cast %get3A_570 : vector<1x16xf32> to vector<16xf32>
      %add3A_572 = arith.addf %get3A_567, %get3A_571 : vector<16xf32>
      %swap3A_573 = arith.index_cast %scan3A_145 : i32 to index
      %swap3A_574 = arith.constant 480 : index
      %swap3A_575 = tpu.vector_load %arg9[%swap3A_573, %swap3A_574] {strides = array<i32>} : memref<32x768xf32, #tpu.memory_space<vmem>>, vector<1x16xf32>,
      %swap3A_576 = vector.shape_cast %swap3A_575 : vector<1x16xf32> to vector<16xf32>
      %swap3A_577 = vector.shape_cast %add3A_572 : vector<16xf32> to vector<1x16xf32>
      tpu.vector_store %arg9[%swap3A_573, %swap3A_574], %swap3A_577 {strides = array<i32>} : memref<32x768xf32, #tpu.memory_space<vmem>>, vector<1x16xf32>,
      %get3A_578 = arith.index_cast %scan3A_145 : i32 to index
      %get3A_579 = arith.constant 496 : index
      %get3A_580 = tpu.vector_load %arg9[%get3A_578, %get3A_579] {strides = array<i32>} : memref<32x768xf32, #tpu.memory_space<vmem>>, vector<1x16xf32>,
      %get3A_581 = vector.shape_cast %get3A_580 : vector<1x16xf32> to vector<16xf32>
      %get3A_582 = arith.index_cast %scan3A_145 : i32 to index
      %get3A_583 = arith.constant 496 : index
      %get3A_584 = tpu.vector_load %arg10[%get3A_582, %get3A_583] {strides = array<i32>} : memref<32x768xf32, #tpu.memory_space<vmem>>, vector<1x16xf32>,
      %get3A_585 = vector.shape_cast %get3A_584 : vector<1x16xf32> to vector<16xf32>
      %add3A_586 = arith.addf %get3A_581, %get3A_585 : vector<16xf32>
      %swap3A_587 = arith.index_cast %scan3A_145 : i32 to index
      %swap3A_588 = arith.constant 496 : index
      %swap3A_589 = tpu.vector_load %arg9[%swap3A_587, %swap3A_588] {strides = array<i32>} : memref<32x768xf32, #tpu.memory_space<vmem>>, vector<1x16xf32>,
      %swap3A_590 = vector.shape_cast %swap3A_589 : vector<1x16xf32> to vector<16xf32>
      %swap3A_591 = vector.shape_cast %add3A_586 : vector<16xf32> to vector<1x16xf32>
      tpu.vector_store %arg9[%swap3A_587, %swap3A_588], %swap3A_591 {strides = array<i32>} : memref<32x768xf32, #tpu.memory_space<vmem>>, vector<1x16xf32>,
      %get3A_592 = arith.index_cast %scan3A_145 : i32 to index
      %get3A_593 = arith.constant 512 : index
      %get3A_594 = tpu.vector_load %arg9[%get3A_592, %get3A_593] {strides = array<i32>} : memref<32x768xf32, #tpu.memory_space<vmem>>, vector<1x16xf32>,
      %get3A_595 = vector.shape_cast %get3A_594 : vector<1x16xf32> to vector<16xf32>
      %get3A_596 = arith.index_cast %scan3A_145 : i32 to index
      %get3A_597 = arith.constant 512 : index
      %get3A_598 = tpu.vector_load %arg10[%get3A_596, %get3A_597] {strides = array<i32>} : memref<32x768xf32, #tpu.memory_space<vmem>>, vector<1x16xf32>,
      %get3A_599 = vector.shape_cast %get3A_598 : vector<1x16xf32> to vector<16xf32>
      %add3A_600 = arith.addf %get3A_595, %get3A_599 : vector<16xf32>
      %swap3A_601 = arith.index_cast %scan3A_145 : i32 to index
      %swap3A_602 = arith.constant 512 : index
      %swap3A_603 = tpu.vector_load %arg9[%swap3A_601, %swap3A_602] {strides = array<i32>} : memref<32x768xf32, #tpu.memory_space<vmem>>, vector<1x16xf32>,
      %swap3A_604 = vector.shape_cast %swap3A_603 : vector<1x16xf32> to vector<16xf32>
      %swap3A_605 = vector.shape_cast %add3A_600 : vector<16xf32> to vector<1x16xf32>
      tpu.vector_store %arg9[%swap3A_601, %swap3A_602], %swap3A_605 {strides = array<i32>} : memref<32x768xf32, #tpu.memory_space<vmem>>, vector<1x16xf32>,
      %get3A_606 = arith.index_cast %scan3A_145 : i32 to index
      %get3A_607 = arith.constant 528 : index
      %get3A_608 = tpu.vector_load %arg9[%get3A_606, %get3A_607] {strides = array<i32>} : memref<32x768xf32, #tpu.memory_space<vmem>>, vector<1x16xf32>,
      %get3A_609 = vector.shape_cast %get3A_608 : vector<1x16xf32> to vector<16xf32>
      %get3A_610 = arith.index_cast %scan3A_145 : i32 to index
      %get3A_611 = arith.constant 528 : index
      %get3A_612 = tpu.vector_load %arg10[%get3A_610, %get3A_611] {strides = array<i32>} : memref<32x768xf32, #tpu.memory_space<vmem>>, vector<1x16xf32>,
      %get3A_613 = vector.shape_cast %get3A_612 : vector<1x16xf32> to vector<16xf32>
      %add3A_614 = arith.addf %get3A_609, %get3A_613 : vector<16xf32>
      %swap3A_615 = arith.index_cast %scan3A_145 : i32 to index
      %swap3A_616 = arith.constant 528 : index
      %swap3A_617 = tpu.vector_load %arg9[%swap3A_615, %swap3A_616] {strides = array<i32>} : memref<32x768xf32, #tpu.memory_space<vmem>>, vector<1x16xf32>,
      %swap3A_618 = vector.shape_cast %swap3A_617 : vector<1x16xf32> to vector<16xf32>
      %swap3A_619 = vector.shape_cast %add3A_614 : vector<16xf32> to vector<1x16xf32>
      tpu.vector_store %arg9[%swap3A_615, %swap3A_616], %swap3A_619 {strides = array<i32>} : memref<32x768xf32, #tpu.memory_space<vmem>>, vector<1x16xf32>,
      %get3A_620 = arith.index_cast %scan3A_145 : i32 to index
      %get3A_621 = arith.constant 544 : index
      %get3A_622 = tpu.vector_load %arg9[%get3A_620, %get3A_621] {strides = array<i32>} : memref<32x768xf32, #tpu.memory_space<vmem>>, vector<1x16xf32>,
      %get3A_623 = vector.shape_cast %get3A_622 : vector<1x16xf32> to vector<16xf32>
      %get3A_624 = arith.index_cast %scan3A_145 : i32 to index
      %get3A_625 = arith.constant 544 : index
      %get3A_626 = tpu.vector_load %arg10[%get3A_624, %get3A_625] {strides = array<i32>} : memref<32x768xf32, #tpu.memory_space<vmem>>, vector<1x16xf32>,
      %get3A_627 = vector.shape_cast %get3A_626 : vector<1x16xf32> to vector<16xf32>
      %add3A_628 = arith.addf %get3A_623, %get3A_627 : vector<16xf32>
      %swap3A_629 = arith.index_cast %scan3A_145 : i32 to index
      %swap3A_630 = arith.constant 544 : index
      %swap3A_631 = tpu.vector_load %arg9[%swap3A_629, %swap3A_630] {strides = array<i32>} : memref<32x768xf32, #tpu.memory_space<vmem>>, vector<1x16xf32>,
      %swap3A_632 = vector.shape_cast %swap3A_631 : vector<1x16xf32> to vector<16xf32>
      %swap3A_633 = vector.shape_cast %add3A_628 : vector<16xf32> to vector<1x16xf32>
      tpu.vector_store %arg9[%swap3A_629, %swap3A_630], %swap3A_633 {strides = array<i32>} : memref<32x768xf32, #tpu.memory_space<vmem>>, vector<1x16xf32>,
      %get3A_634 = arith.index_cast %scan3A_145 : i32 to index
      %get3A_635 = arith.constant 560 : index
      %get3A_636 = tpu.vector_load %arg9[%get3A_634, %get3A_635] {strides = array<i32>} : memref<32x768xf32, #tpu.memory_space<vmem>>, vector<1x16xf32>,
      %get3A_637 = vector.shape_cast %get3A_636 : vector<1x16xf32> to vector<16xf32>
      %get3A_638 = arith.index_cast %scan3A_145 : i32 to index
      %get3A_639 = arith.constant 560 : index
      %get3A_640 = tpu.vector_load %arg10[%get3A_638, %get3A_639] {strides = array<i32>} : memref<32x768xf32, #tpu.memory_space<vmem>>, vector<1x16xf32>,
      %get3A_641 = vector.shape_cast %get3A_640 : vector<1x16xf32> to vector<16xf32>
      %add3A_642 = arith.addf %get3A_637, %get3A_641 : vector<16xf32>
      %swap3A_643 = arith.index_cast %scan3A_145 : i32 to index
      %swap3A_644 = arith.constant 560 : index
      %swap3A_645 = tpu.vector_load %arg9[%swap3A_643, %swap3A_644] {strides = array<i32>} : memref<32x768xf32, #tpu.memory_space<vmem>>, vector<1x16xf32>,
      %swap3A_646 = vector.shape_cast %swap3A_645 : vector<1x16xf32> to vector<16xf32>
      %swap3A_647 = vector.shape_cast %add3A_642 : vector<16xf32> to vector<1x16xf32>
      tpu.vector_store %arg9[%swap3A_643, %swap3A_644], %swap3A_647 {strides = array<i32>} : memref<32x768xf32, #tpu.memory_space<vmem>>, vector<1x16xf32>,
      %get3A_648 = arith.index_cast %scan3A_145 : i32 to index
      %get3A_649 = arith.constant 576 : index
      %get3A_650 = tpu.vector_load %arg9[%get3A_648, %get3A_649] {strides = array<i32>} : memref<32x768xf32, #tpu.memory_space<vmem>>, vector<1x16xf32>,
      %get3A_651 = vector.shape_cast %get3A_650 : vector<1x16xf32> to vector<16xf32>
      %get3A_652 = arith.index_cast %scan3A_145 : i32 to index
      %get3A_653 = arith.constant 576 : index
      %get3A_654 = tpu.vector_load %arg10[%get3A_652, %get3A_653] {strides = array<i32>} : memref<32x768xf32, #tpu.memory_space<vmem>>, vector<1x16xf32>,
      %get3A_655 = vector.shape_cast %get3A_654 : vector<1x16xf32> to vector<16xf32>
      %add3A_656 = arith.addf %get3A_651, %get3A_655 : vector<16xf32>
      %swap3A_657 = arith.index_cast %scan3A_145 : i32 to index
      %swap3A_658 = arith.constant 576 : index
      %swap3A_659 = tpu.vector_load %arg9[%swap3A_657, %swap3A_658] {strides = array<i32>} : memref<32x768xf32, #tpu.memory_space<vmem>>, vector<1x16xf32>,
      %swap3A_660 = vector.shape_cast %swap3A_659 : vector<1x16xf32> to vector<16xf32>
      %swap3A_661 = vector.shape_cast %add3A_656 : vector<16xf32> to vector<1x16xf32>
      tpu.vector_store %arg9[%swap3A_657, %swap3A_658], %swap3A_661 {strides = array<i32>} : memref<32x768xf32, #tpu.memory_space<vmem>>, vector<1x16xf32>,
      %get3A_662 = arith.index_cast %scan3A_145 : i32 to index
      %get3A_663 = arith.constant 592 : index
      %get3A_664 = tpu.vector_load %arg9[%get3A_662, %get3A_663] {strides = array<i32>} : memref<32x768xf32, #tpu.memory_space<vmem>>, vector<1x16xf32>,
      %get3A_665 = vector.shape_cast %get3A_664 : vector<1x16xf32> to vector<16xf32>
      %get3A_666 = arith.index_cast %scan3A_145 : i32 to index
      %get3A_667 = arith.constant 592 : index
      %get3A_668 = tpu.vector_load %arg10[%get3A_666, %get3A_667] {strides = array<i32>} : memref<32x768xf32, #tpu.memory_space<vmem>>, vector<1x16xf32>,
      %get3A_669 = vector.shape_cast %get3A_668 : vector<1x16xf32> to vector<16xf32>
      %add3A_670 = arith.addf %get3A_665, %get3A_669 : vector<16xf32>
      %swap3A_671 = arith.index_cast %scan3A_145 : i32 to index
      %swap3A_672 = arith.constant 592 : index
      %swap3A_673 = tpu.vector_load %arg9[%swap3A_671, %swap3A_672] {strides = array<i32>} : memref<32x768xf32, #tpu.memory_space<vmem>>, vector<1x16xf32>,
      %swap3A_674 = vector.shape_cast %swap3A_673 : vector<1x16xf32> to vector<16xf32>
      %swap3A_675 = vector.shape_cast %add3A_670 : vector<16xf32> to vector<1x16xf32>
      tpu.vector_store %arg9[%swap3A_671, %swap3A_672], %swap3A_675 {strides = array<i32>} : memref<32x768xf32, #tpu.memory_space<vmem>>, vector<1x16xf32>,
      %get3A_676 = arith.index_cast %scan3A_145 : i32 to index
      %get3A_677 = arith.constant 608 : index
      %get3A_678 = tpu.vector_load %arg9[%get3A_676, %get3A_677] {strides = array<i32>} : memref<32x768xf32, #tpu.memory_space<vmem>>, vector<1x16xf32>,
      %get3A_679 = vector.shape_cast %get3A_678 : vector<1x16xf32> to vector<16xf32>
      %get3A_680 = arith.index_cast %scan3A_145 : i32 to index
      %get3A_681 = arith.constant 608 : index
      %get3A_682 = tpu.vector_load %arg10[%get3A_680, %get3A_681] {strides = array<i32>} : memref<32x768xf32, #tpu.memory_space<vmem>>, vector<1x16xf32>,
      %get3A_683 = vector.shape_cast %get3A_682 : vector<1x16xf32> to vector<16xf32>
      %add3A_684 = arith.addf %get3A_679, %get3A_683 : vector<16xf32>
      %swap3A_685 = arith.index_cast %scan3A_145 : i32 to index
      %swap3A_686 = arith.constant 608 : index
      %swap3A_687 = tpu.vector_load %arg9[%swap3A_685, %swap3A_686] {strides = array<i32>} : memref<32x768xf32, #tpu.memory_space<vmem>>, vector<1x16xf32>,
      %swap3A_688 = vector.shape_cast %swap3A_687 : vector<1x16xf32> to vector<16xf32>
      %swap3A_689 = vector.shape_cast %add3A_684 : vector<16xf32> to vector<1x16xf32>
      tpu.vector_store %arg9[%swap3A_685, %swap3A_686], %swap3A_689 {strides = array<i32>} : memref<32x768xf32, #tpu.memory_space<vmem>>, vector<1x16xf32>,
      %get3A_690 = arith.index_cast %scan3A_145 : i32 to index
      %get3A_691 = arith.constant 624 : index
      %get3A_692 = tpu.vector_load %arg9[%get3A_690, %get3A_691] {strides = array<i32>} : memref<32x768xf32, #tpu.memory_space<vmem>>, vector<1x16xf32>,
      %get3A_693 = vector.shape_cast %get3A_692 : vector<1x16xf32> to vector<16xf32>
      %get3A_694 = arith.index_cast %scan3A_145 : i32 to index
      %get3A_695 = arith.constant 624 : index
      %get3A_696 = tpu.vector_load %arg10[%get3A_694, %get3A_695] {strides = array<i32>} : memref<32x768xf32, #tpu.memory_space<vmem>>, vector<1x16xf32>,
      %get3A_697 = vector.shape_cast %get3A_696 : vector<1x16xf32> to vector<16xf32>
      %add3A_698 = arith.addf %get3A_693, %get3A_697 : vector<16xf32>
      %swap3A_699 = arith.index_cast %scan3A_145 : i32 to index
      %swap3A_700 = arith.constant 624 : index
      %swap3A_701 = tpu.vector_load %arg9[%swap3A_699, %swap3A_700] {strides = array<i32>} : memref<32x768xf32, #tpu.memory_space<vmem>>, vector<1x16xf32>,
      %swap3A_702 = vector.shape_cast %swap3A_701 : vector<1x16xf32> to vector<16xf32>
      %swap3A_703 = vector.shape_cast %add3A_698 : vector<16xf32> to vector<1x16xf32>
      tpu.vector_store %arg9[%swap3A_699, %swap3A_700], %swap3A_703 {strides = array<i32>} : memref<32x768xf32, #tpu.memory_space<vmem>>, vector<1x16xf32>,
      %get3A_704 = arith.index_cast %scan3A_145 : i32 to index
      %get3A_705 = arith.constant 640 : index
      %get3A_706 = tpu.vector_load %arg9[%get3A_704, %get3A_705] {strides = array<i32>} : memref<32x768xf32, #tpu.memory_space<vmem>>, vector<1x16xf32>,
      %get3A_707 = vector.shape_cast %get3A_706 : vector<1x16xf32> to vector<16xf32>
      %get3A_708 = arith.index_cast %scan3A_145 : i32 to index
      %get3A_709 = arith.constant 640 : index
      %get3A_710 = tpu.vector_load %arg10[%get3A_708, %get3A_709] {strides = array<i32>} : memref<32x768xf32, #tpu.memory_space<vmem>>, vector<1x16xf32>,
      %get3A_711 = vector.shape_cast %get3A_710 : vector<1x16xf32> to vector<16xf32>
      %add3A_712 = arith.addf %get3A_707, %get3A_711 : vector<16xf32>
      %swap3A_713 = arith.index_cast %scan3A_145 : i32 to index
      %swap3A_714 = arith.constant 640 : index
      %swap3A_715 = tpu.vector_load %arg9[%swap3A_713, %swap3A_714] {strides = array<i32>} : memref<32x768xf32, #tpu.memory_space<vmem>>, vector<1x16xf32>,
      %swap3A_716 = vector.shape_cast %swap3A_715 : vector<1x16xf32> to vector<16xf32>
      %swap3A_717 = vector.shape_cast %add3A_712 : vector<16xf32> to vector<1x16xf32>
      tpu.vector_store %arg9[%swap3A_713, %swap3A_714], %swap3A_717 {strides = array<i32>} : memref<32x768xf32, #tpu.memory_space<vmem>>, vector<1x16xf32>,
      %get3A_718 = arith.index_cast %scan3A_145 : i32 to index
      %get3A_719 = arith.constant 656 : index
      %get3A_720 = tpu.vector_load %arg9[%get3A_718, %get3A_719] {strides = array<i32>} : memref<32x768xf32, #tpu.memory_space<vmem>>, vector<1x16xf32>,
      %get3A_721 = vector.shape_cast %get3A_720 : vector<1x16xf32> to vector<16xf32>
      %get3A_722 = arith.index_cast %scan3A_145 : i32 to index
      %get3A_723 = arith.constant 656 : index
      %get3A_724 = tpu.vector_load %arg10[%get3A_722, %get3A_723] {strides = array<i32>} : memref<32x768xf32, #tpu.memory_space<vmem>>, vector<1x16xf32>,
      %get3A_725 = vector.shape_cast %get3A_724 : vector<1x16xf32> to vector<16xf32>
      %add3A_726 = arith.addf %get3A_721, %get3A_725 : vector<16xf32>
      %swap3A_727 = arith.index_cast %scan3A_145 : i32 to index
      %swap3A_728 = arith.constant 656 : index
      %swap3A_729 = tpu.vector_load %arg9[%swap3A_727, %swap3A_728] {strides = array<i32>} : memref<32x768xf32, #tpu.memory_space<vmem>>, vector<1x16xf32>,
      %swap3A_730 = vector.shape_cast %swap3A_729 : vector<1x16xf32> to vector<16xf32>
      %swap3A_731 = vector.shape_cast %add3A_726 : vector<16xf32> to vector<1x16xf32>
      tpu.vector_store %arg9[%swap3A_727, %swap3A_728], %swap3A_731 {strides = array<i32>} : memref<32x768xf32, #tpu.memory_space<vmem>>, vector<1x16xf32>,
      %get3A_732 = arith.index_cast %scan3A_145 : i32 to index
      %get3A_733 = arith.constant 672 : index
      %get3A_734 = tpu.vector_load %arg9[%get3A_732, %get3A_733] {strides = array<i32>} : memref<32x768xf32, #tpu.memory_space<vmem>>, vector<1x16xf32>,
      %get3A_735 = vector.shape_cast %get3A_734 : vector<1x16xf32> to vector<16xf32>
      %get3A_736 = arith.index_cast %scan3A_145 : i32 to index
      %get3A_737 = arith.constant 672 : index
      %get3A_738 = tpu.vector_load %arg10[%get3A_736, %get3A_737] {strides = array<i32>} : memref<32x768xf32, #tpu.memory_space<vmem>>, vector<1x16xf32>,
      %get3A_739 = vector.shape_cast %get3A_738 : vector<1x16xf32> to vector<16xf32>
      %add3A_740 = arith.addf %get3A_735, %get3A_739 : vector<16xf32>
      %swap3A_741 = arith.index_cast %scan3A_145 : i32 to index
      %swap3A_742 = arith.constant 672 : index
      %swap3A_743 = tpu.vector_load %arg9[%swap3A_741, %swap3A_742] {strides = array<i32>} : memref<32x768xf32, #tpu.memory_space<vmem>>, vector<1x16xf32>,
      %swap3A_744 = vector.shape_cast %swap3A_743 : vector<1x16xf32> to vector<16xf32>
      %swap3A_745 = vector.shape_cast %add3A_740 : vector<16xf32> to vector<1x16xf32>
      tpu.vector_store %arg9[%swap3A_741, %swap3A_742], %swap3A_745 {strides = array<i32>} : memref<32x768xf32, #tpu.memory_space<vmem>>, vector<1x16xf32>,
      %get3A_746 = arith.index_cast %scan3A_145 : i32 to index
      %get3A_747 = arith.constant 688 : index
      %get3A_748 = tpu.vector_load %arg9[%get3A_746, %get3A_747] {strides = array<i32>} : memref<32x768xf32, #tpu.memory_space<vmem>>, vector<1x16xf32>,
      %get3A_749 = vector.shape_cast %get3A_748 : vector<1x16xf32> to vector<16xf32>
      %get3A_750 = arith.index_cast %scan3A_145 : i32 to index
      %get3A_751 = arith.constant 688 : index
      %get3A_752 = tpu.vector_load %arg10[%get3A_750, %get3A_751] {strides = array<i32>} : memref<32x768xf32, #tpu.memory_space<vmem>>, vector<1x16xf32>,
      %get3A_753 = vector.shape_cast %get3A_752 : vector<1x16xf32> to vector<16xf32>
      %add3A_754 = arith.addf %get3A_749, %get3A_753 : vector<16xf32>
      %swap3A_755 = arith.index_cast %scan3A_145 : i32 to index
      %swap3A_756 = arith.constant 688 : index
      %swap3A_757 = tpu.vector_load %arg9[%swap3A_755, %swap3A_756] {strides = array<i32>} : memref<32x768xf32, #tpu.memory_space<vmem>>, vector<1x16xf32>,
      %swap3A_758 = vector.shape_cast %swap3A_757 : vector<1x16xf32> to vector<16xf32>
      %swap3A_759 = vector.shape_cast %add3A_754 : vector<16xf32> to vector<1x16xf32>
      tpu.vector_store %arg9[%swap3A_755, %swap3A_756], %swap3A_759 {strides = array<i32>} : memref<32x768xf32, #tpu.memory_space<vmem>>, vector<1x16xf32>,
      %get3A_760 = arith.index_cast %scan3A_145 : i32 to index
      %get3A_761 = arith.constant 704 : index
      %get3A_762 = tpu.vector_load %arg9[%get3A_760, %get3A_761] {strides = array<i32>} : memref<32x768xf32, #tpu.memory_space<vmem>>, vector<1x16xf32>,
      %get3A_763 = vector.shape_cast %get3A_762 : vector<1x16xf32> to vector<16xf32>
      %get3A_764 = arith.index_cast %scan3A_145 : i32 to index
      %get3A_765 = arith.constant 704 : index
      %get3A_766 = tpu.vector_load %arg10[%get3A_764, %get3A_765] {strides = array<i32>} : memref<32x768xf32, #tpu.memory_space<vmem>>, vector<1x16xf32>,
      %get3A_767 = vector.shape_cast %get3A_766 : vector<1x16xf32> to vector<16xf32>
      %add3A_768 = arith.addf %get3A_763, %get3A_767 : vector<16xf32>
      %swap3A_769 = arith.index_cast %scan3A_145 : i32 to index
      %swap3A_770 = arith.constant 704 : index
      %swap3A_771 = tpu.vector_load %arg9[%swap3A_769, %swap3A_770] {strides = array<i32>} : memref<32x768xf32, #tpu.memory_space<vmem>>, vector<1x16xf32>,
      %swap3A_772 = vector.shape_cast %swap3A_771 : vector<1x16xf32> to vector<16xf32>
      %swap3A_773 = vector.shape_cast %add3A_768 : vector<16xf32> to vector<1x16xf32>
      tpu.vector_store %arg9[%swap3A_769, %swap3A_770], %swap3A_773 {strides = array<i32>} : memref<32x768xf32, #tpu.memory_space<vmem>>, vector<1x16xf32>,
      %get3A_774 = arith.index_cast %scan3A_145 : i32 to index
      %get3A_775 = arith.constant 720 : index
      %get3A_776 = tpu.vector_load %arg9[%get3A_774, %get3A_775] {strides = array<i32>} : memref<32x768xf32, #tpu.memory_space<vmem>>, vector<1x16xf32>,
      %get3A_777 = vector.shape_cast %get3A_776 : vector<1x16xf32> to vector<16xf32>
      %get3A_778 = arith.index_cast %scan3A_145 : i32 to index
      %get3A_779 = arith.constant 720 : index
      %get3A_780 = tpu.vector_load %arg10[%get3A_778, %get3A_779] {strides = array<i32>} : memref<32x768xf32, #tpu.memory_space<vmem>>, vector<1x16xf32>,
      %get3A_781 = vector.shape_cast %get3A_780 : vector<1x16xf32> to vector<16xf32>
      %add3A_782 = arith.addf %get3A_777, %get3A_781 : vector<16xf32>
      %swap3A_783 = arith.index_cast %scan3A_145 : i32 to index
      %swap3A_784 = arith.constant 720 : index
      %swap3A_785 = tpu.vector_load %arg9[%swap3A_783, %swap3A_784] {strides = array<i32>} : memref<32x768xf32, #tpu.memory_space<vmem>>, vector<1x16xf32>,
      %swap3A_786 = vector.shape_cast %swap3A_785 : vector<1x16xf32> to vector<16xf32>
      %swap3A_787 = vector.shape_cast %add3A_782 : vector<16xf32> to vector<1x16xf32>
      tpu.vector_store %arg9[%swap3A_783, %swap3A_784], %swap3A_787 {strides = array<i32>} : memref<32x768xf32, #tpu.memory_space<vmem>>, vector<1x16xf32>,
      %get3A_788 = arith.index_cast %scan3A_145 : i32 to index
      %get3A_789 = arith.constant 736 : index
      %get3A_790 = tpu.vector_load %arg9[%get3A_788, %get3A_789] {strides = array<i32>} : memref<32x768xf32, #tpu.memory_space<vmem>>, vector<1x16xf32>,
      %get3A_791 = vector.shape_cast %get3A_790 : vector<1x16xf32> to vector<16xf32>
      %get3A_792 = arith.index_cast %scan3A_145 : i32 to index
      %get3A_793 = arith.constant 736 : index
      %get3A_794 = tpu.vector_load %arg10[%get3A_792, %get3A_793] {strides = array<i32>} : memref<32x768xf32, #tpu.memory_space<vmem>>, vector<1x16xf32>,
      %get3A_795 = vector.shape_cast %get3A_794 : vector<1x16xf32> to vector<16xf32>
      %add3A_796 = arith.addf %get3A_791, %get3A_795 : vector<16xf32>
      %swap3A_797 = arith.index_cast %scan3A_145 : i32 to index
      %swap3A_798 = arith.constant 736 : index
      %swap3A_799 = tpu.vector_load %arg9[%swap3A_797, %swap3A_798] {strides = array<i32>} : memref<32x768xf32, #tpu.memory_space<vmem>>, vector<1x16xf32>,
      %swap3A_800 = vector.shape_cast %swap3A_799 : vector<1x16xf32> to vector<16xf32>
      %swap3A_801 = vector.shape_cast %add3A_796 : vector<16xf32> to vector<1x16xf32>
      tpu.vector_store %arg9[%swap3A_797, %swap3A_798], %swap3A_801 {strides = array<i32>} : memref<32x768xf32, #tpu.memory_space<vmem>>, vector<1x16xf32>,
      %get3A_802 = arith.index_cast %scan3A_145 : i32 to index
      %get3A_803 = arith.constant 752 : index
      %get3A_804 = tpu.vector_load %arg9[%get3A_802, %get3A_803] {strides = array<i32>} : memref<32x768xf32, #tpu.memory_space<vmem>>, vector<1x16xf32>,
      %get3A_805 = vector.shape_cast %get3A_804 : vector<1x16xf32> to vector<16xf32>
      %get3A_806 = arith.index_cast %scan3A_145 : i32 to index
      %get3A_807 = arith.constant 752 : index
      %get3A_808 = tpu.vector_load %arg10[%get3A_806, %get3A_807] {strides = array<i32>} : memref<32x768xf32, #tpu.memory_space<vmem>>, vector<1x16xf32>,
      %get3A_809 = vector.shape_cast %get3A_808 : vector<1x16xf32> to vector<16xf32>
      %add3A_810 = arith.addf %get3A_805, %get3A_809 : vector<16xf32>
      %swap3A_811 = arith.index_cast %scan3A_145 : i32 to index
      %swap3A_812 = arith.constant 752 : index
      %swap3A_813 = tpu.vector_load %arg9[%swap3A_811, %swap3A_812] {strides = array<i32>} : memref<32x768xf32, #tpu.memory_space<vmem>>, vector<1x16xf32>,
      %swap3A_814 = vector.shape_cast %swap3A_813 : vector<1x16xf32> to vector<16xf32>
      %swap3A_815 = vector.shape_cast %add3A_810 : vector<16xf32> to vector<1x16xf32>
      tpu.vector_store %arg9[%swap3A_811, %swap3A_812], %swap3A_815 {strides = array<i32>} : memref<32x768xf32, #tpu.memory_space<vmem>>, vector<1x16xf32>,
    }
    %scan3A_72 = arith.constant 32 : i32
    %add3A_73 = arith.constant 32 : i32
    %add3A_74 = arith.addi %mul3A_2, %add3A_73 : i32
    %dma_start3A_75 = arith.constant 0 : i32
    %dma_start3A_76 = tpu.memref_slice %arg4[%add3A_74, %dma_start3A_75] : memref<4096x768xf32, #tpu.memory_space<hbm>> -> memref<32x768xf32, #tpu.memory_space<hbm>>
    %dma_start3A_77 = arith.constant 0 : i32
    %dma_start3A_78 = tpu.memref_slice %arg4[%add3A_74, %dma_start3A_77] : memref<4096x768xf32, #tpu.memory_space<hbm>> -> memref<32x768xf32, #tpu.memory_space<hbm>>
    tpu.enqueue_dma source(%arg9 : memref<32x768xf32, #tpu.memory_space<vmem>>) target(%dma_start3A_78 : memref<32x768xf32, #tpu.memory_space<hbm>>) target_semaphore(%arg13 : memref<!tpu.dma_semaphore, #tpu.memory_space<semaphore_mem>>)
    %dma_wait3A_79 = arith.constant 0 : i32
    %dma_wait3A_80 = tpu.memref_slice %arg4[%add3A_74, %dma_wait3A_79] : memref<4096x768xf32, #tpu.memory_space<hbm>> -> memref<32x768xf32, #tpu.memory_space<hbm>>
    %dma_wait3A_81 = arith.constant 0 : i32
    %dma_wait3A_82 = tpu.memref_slice %arg4[%add3A_74, %dma_wait3A_81] : memref<4096x768xf32, #tpu.memory_space<hbm>> -> memref<32x768xf32, #tpu.memory_space<hbm>>
    tpu.wait_dma2 semaphore(%arg13 : memref<!tpu.dma_semaphore, #tpu.memory_space<semaphore_mem>>) src(%arg9 : memref<32x768xf32, #tpu.memory_space<vmem>>) dst(%dma_wait3A_82 : memref<32x768xf32, #tpu.memory_space<hbm>>)
    %dma_start3A_83 = arith.constant 96 : i32
    %dma_start3A_84 = tpu.memref_slice %arg5[%dma_start3A_83] : memref<128xi32, #tpu.memory_space<vmem>> -> memref<32xi32, #tpu.memory_space<vmem>>
    %dma_start3A_85 = arith.constant 0 : i32
    %dma_start3A_86 = arith.constant 0 : i32
    %dma_start3A_87 = tpu.memref_slice %arg2[%dma_start3A_85, %dma_start3A_86] : memref<24832x768xf32, #tpu.memory_space<hbm>> -> memref<24832x768xf32, #tpu.memory_space<hbm>>
    tpu.enqueue_indirect_dma source(%dma_start3A_87 : memref<24832x768xf32, #tpu.memory_space<hbm>>) target(%arg9 : memref<32x768xf32, #tpu.memory_space<vmem>>) offsets(%dma_start3A_84 : memref<32xi32, #tpu.memory_space<vmem>>) semaphore(%arg12 : memref<!tpu.dma_semaphore, #tpu.memory_space<semaphore_mem>>)
    %dma_start3A_88 = arith.constant 96 : i32
    %dma_start3A_89 = tpu.memref_slice %arg6[%dma_start3A_88] : memref<128xi32, #tpu.memory_space<vmem>> -> memref<32xi32, #tpu.memory_space<vmem>>
    %dma_start3A_90 = arith.constant 0 : i32
    %dma_start3A_91 = arith.constant 0 : i32
    %dma_start3A_92 = tpu.memref_slice %arg2[%dma_start3A_90, %dma_start3A_91] : memref<24832x768xf32, #tpu.memory_space<hbm>> -> memref<24832x768xf32, #tpu.memory_space<hbm>>
    tpu.enqueue_indirect_dma source(%dma_start3A_92 : memref<24832x768xf32, #tpu.memory_space<hbm>>) target(%arg10 : memref<32x768xf32, #tpu.memory_space<vmem>>) offsets(%dma_start3A_89 : memref<32xi32, #tpu.memory_space<vmem>>) semaphore(%arg12 : memref<!tpu.dma_semaphore, #tpu.memory_space<semaphore_mem>>)
    %dma_wait3A_93 = arith.constant 64 : i32
    %dma_wait3A_94 = tpu.memref_slice %arg5[%dma_wait3A_93] : memref<128xi32, #tpu.memory_space<vmem>> -> memref<32xi32, #tpu.memory_space<vmem>>
    %dma_wait3A_95 = arith.constant 0 : i32
    %dma_wait3A_96 = arith.constant 0 : i32
    %dma_wait3A_97 = tpu.memref_slice %arg2[%dma_wait3A_95, %dma_wait3A_96] : memref<24832x768xf32, #tpu.memory_space<hbm>> -> memref<24832x768xf32, #tpu.memory_space<hbm>>
    tpu.wait_indirect_dma semaphore(%arg11 : memref<!tpu.dma_semaphore, #tpu.memory_space<semaphore_mem>>) src(%dma_wait3A_97 : memref<24832x768xf32, #tpu.memory_space<hbm>>) dst(%arg7 : memref<32x768xf32, #tpu.memory_space<vmem>>)
    %dma_wait3A_98 = arith.constant 64 : i32
    %dma_wait3A_99 = tpu.memref_slice %arg6[%dma_wait3A_98] : memref<128xi32, #tpu.memory_space<vmem>> -> memref<32xi32, #tpu.memory_space<vmem>>
    %dma_wait3A_100 = arith.constant 0 : i32
    %dma_wait3A_101 = arith.constant 0 : i32
    %dma_wait3A_102 = tpu.memref_slice %arg2[%dma_wait3A_100, %dma_wait3A_101] : memref<24832x768xf32, #tpu.memory_space<hbm>> -> memref<24832x768xf32, #tpu.memory_space<hbm>>
    tpu.wait_indirect_dma semaphore(%arg11 : memref<!tpu.dma_semaphore, #tpu.memory_space<semaphore_mem>>) src(%dma_wait3A_102 : memref<24832x768xf32, #tpu.memory_space<hbm>>) dst(%arg8 : memref<32x768xf32, #tpu.memory_space<vmem>>)
    %scan3A_103 = arith.constant 0 : i32
    %scan3A_104 = arith.constant 0 : i32
    %scan3A_105 = arith.constant 32 : i32
    %scan3A_106 = arith.addi %scan3A_104, %scan3A_105 : i32
    %scan3A_107 = arith.constant 1 : i32
    scf.for %scan3A_145 = %scan3A_104 to %scan3A_106 step %scan3A_107  : i32 {
      %get3A = arith.index_cast %scan3A_145 : i32 to index
      %get3A_146 = arith.constant 0 : index
      %get3A_147 = tpu.vector_load %arg7[%get3A, %get3A_146] {strides = array<i32>} : memref<32x768xf32, #tpu.memory_space<vmem>>, vector<1x16xf32>,
      %get3A_148 = vector.shape_cast %get3A_147 : vector<1x16xf32> to vector<16xf32>
      %get3A_149 = arith.index_cast %scan3A_145 : i32 to index
      %get3A_150 = arith.constant 0 : index
      %get3A_151 = tpu.vector_load %arg8[%get3A_149, %get3A_150] {strides = array<i32>} : memref<32x768xf32, #tpu.memory_space<vmem>>, vector<1x16xf32>,
      %get3A_152 = vector.shape_cast %get3A_151 : vector<1x16xf32> to vector<16xf32>
      %add3A_153 = arith.addf %get3A_148, %get3A_152 : vector<16xf32>
      %swap3A = arith.index_cast %scan3A_145 : i32 to index
      %swap3A_154 = arith.constant 0 : index
      %swap3A_155 = tpu.vector_load %arg7[%swap3A, %swap3A_154] {strides = array<i32>} : memref<32x768xf32, #tpu.memory_space<vmem>>, vector<1x16xf32>,
      %swap3A_156 = vector.shape_cast %swap3A_155 : vector<1x16xf32> to vector<16xf32>
      %swap3A_157 = vector.shape_cast %add3A_153 : vector<16xf32> to vector<1x16xf32>
      tpu.vector_store %arg7[%swap3A, %swap3A_154], %swap3A_157 {strides = array<i32>} : memref<32x768xf32, #tpu.memory_space<vmem>>, vector<1x16xf32>,
      %get3A_158 = arith.index_cast %scan3A_145 : i32 to index
      %get3A_159 = arith.constant 16 : index
      %get3A_160 = tpu.vector_load %arg7[%get3A_158, %get3A_159] {strides = array<i32>} : memref<32x768xf32, #tpu.memory_space<vmem>>, vector<1x16xf32>,
      %get3A_161 = vector.shape_cast %get3A_160 : vector<1x16xf32> to vector<16xf32>
      %get3A_162 = arith.index_cast %scan3A_145 : i32 to index
      %get3A_163 = arith.constant 16 : index
      %get3A_164 = tpu.vector_load %arg8[%get3A_162, %get3A_163] {strides = array<i32>} : memref<32x768xf32, #tpu.memory_space<vmem>>, vector<1x16xf32>,
      %get3A_165 = vector.shape_cast %get3A_164 : vector<1x16xf32> to vector<16xf32>
      %add3A_166 = arith.addf %get3A_161, %get3A_165 : vector<16xf32>
      %swap3A_167 = arith.index_cast %scan3A_145 : i32 to index
      %swap3A_168 = arith.constant 16 : index
      %swap3A_169 = tpu.vector_load %arg7[%swap3A_167, %swap3A_168] {strides = array<i32>} : memref<32x768xf32, #tpu.memory_space<vmem>>, vector<1x16xf32>,
      %swap3A_170 = vector.shape_cast %swap3A_169 : vector<1x16xf32> to vector<16xf32>
      %swap3A_171 = vector.shape_cast %add3A_166 : vector<16xf32> to vector<1x16xf32>
      tpu.vector_store %arg7[%swap3A_167, %swap3A_168], %swap3A_171 {strides = array<i32>} : memref<32x768xf32, #tpu.memory_space<vmem>>, vector<1x16xf32>,
      %get3A_172 = arith.index_cast %scan3A_145 : i32 to index
      %get3A_173 = arith.constant 32 : index
      %get3A_174 = tpu.vector_load %arg7[%get3A_172, %get3A_173] {strides = array<i32>} : memref<32x768xf32, #tpu.memory_space<vmem>>, vector<1x16xf32>,
      %get3A_175 = vector.shape_cast %get3A_174 : vector<1x16xf32> to vector<16xf32>
      %get3A_176 = arith.index_cast %scan3A_145 : i32 to index
      %get3A_177 = arith.constant 32 : index
      %get3A_178 = tpu.vector_load %arg8[%get3A_176, %get3A_177] {strides = array<i32>} : memref<32x768xf32, #tpu.memory_space<vmem>>, vector<1x16xf32>,
      %get3A_179 = vector.shape_cast %get3A_178 : vector<1x16xf32> to vector<16xf32>
      %add3A_180 = arith.addf %get3A_175, %get3A_179 : vector<16xf32>
      %swap3A_181 = arith.index_cast %scan3A_145 : i32 to index
      %swap3A_182 = arith.constant 32 : index
      %swap3A_183 = tpu.vector_load %arg7[%swap3A_181, %swap3A_182] {strides = array<i32>} : memref<32x768xf32, #tpu.memory_space<vmem>>, vector<1x16xf32>,
      %swap3A_184 = vector.shape_cast %swap3A_183 : vector<1x16xf32> to vector<16xf32>
      %swap3A_185 = vector.shape_cast %add3A_180 : vector<16xf32> to vector<1x16xf32>
      tpu.vector_store %arg7[%swap3A_181, %swap3A_182], %swap3A_185 {strides = array<i32>} : memref<32x768xf32, #tpu.memory_space<vmem>>, vector<1x16xf32>,
      %get3A_186 = arith.index_cast %scan3A_145 : i32 to index
      %get3A_187 = arith.constant 48 : index
      %get3A_188 = tpu.vector_load %arg7[%get3A_186, %get3A_187] {strides = array<i32>} : memref<32x768xf32, #tpu.memory_space<vmem>>, vector<1x16xf32>,
      %get3A_189 = vector.shape_cast %get3A_188 : vector<1x16xf32> to vector<16xf32>
      %get3A_190 = arith.index_cast %scan3A_145 : i32 to index
      %get3A_191 = arith.constant 48 : index
      %get3A_192 = tpu.vector_load %arg8[%get3A_190, %get3A_191] {strides = array<i32>} : memref<32x768xf32, #tpu.memory_space<vmem>>, vector<1x16xf32>,
      %get3A_193 = vector.shape_cast %get3A_192 : vector<1x16xf32> to vector<16xf32>
      %add3A_194 = arith.addf %get3A_189, %get3A_193 : vector<16xf32>
      %swap3A_195 = arith.index_cast %scan3A_145 : i32 to index
      %swap3A_196 = arith.constant 48 : index
      %swap3A_197 = tpu.vector_load %arg7[%swap3A_195, %swap3A_196] {strides = array<i32>} : memref<32x768xf32, #tpu.memory_space<vmem>>, vector<1x16xf32>,
      %swap3A_198 = vector.shape_cast %swap3A_197 : vector<1x16xf32> to vector<16xf32>
      %swap3A_199 = vector.shape_cast %add3A_194 : vector<16xf32> to vector<1x16xf32>
      tpu.vector_store %arg7[%swap3A_195, %swap3A_196], %swap3A_199 {strides = array<i32>} : memref<32x768xf32, #tpu.memory_space<vmem>>, vector<1x16xf32>,
      %get3A_200 = arith.index_cast %scan3A_145 : i32 to index
      %get3A_201 = arith.constant 64 : index
      %get3A_202 = tpu.vector_load %arg7[%get3A_200, %get3A_201] {strides = array<i32>} : memref<32x768xf32, #tpu.memory_space<vmem>>, vector<1x16xf32>,
      %get3A_203 = vector.shape_cast %get3A_202 : vector<1x16xf32> to vector<16xf32>
      %get3A_204 = arith.index_cast %scan3A_145 : i32 to index
      %get3A_205 = arith.constant 64 : index
      %get3A_206 = tpu.vector_load %arg8[%get3A_204, %get3A_205] {strides = array<i32>} : memref<32x768xf32, #tpu.memory_space<vmem>>, vector<1x16xf32>,
      %get3A_207 = vector.shape_cast %get3A_206 : vector<1x16xf32> to vector<16xf32>
      %add3A_208 = arith.addf %get3A_203, %get3A_207 : vector<16xf32>
      %swap3A_209 = arith.index_cast %scan3A_145 : i32 to index
      %swap3A_210 = arith.constant 64 : index
      %swap3A_211 = tpu.vector_load %arg7[%swap3A_209, %swap3A_210] {strides = array<i32>} : memref<32x768xf32, #tpu.memory_space<vmem>>, vector<1x16xf32>,
      %swap3A_212 = vector.shape_cast %swap3A_211 : vector<1x16xf32> to vector<16xf32>
      %swap3A_213 = vector.shape_cast %add3A_208 : vector<16xf32> to vector<1x16xf32>
      tpu.vector_store %arg7[%swap3A_209, %swap3A_210], %swap3A_213 {strides = array<i32>} : memref<32x768xf32, #tpu.memory_space<vmem>>, vector<1x16xf32>,
      %get3A_214 = arith.index_cast %scan3A_145 : i32 to index
      %get3A_215 = arith.constant 80 : index
      %get3A_216 = tpu.vector_load %arg7[%get3A_214, %get3A_215] {strides = array<i32>} : memref<32x768xf32, #tpu.memory_space<vmem>>, vector<1x16xf32>,
      %get3A_217 = vector.shape_cast %get3A_216 : vector<1x16xf32> to vector<16xf32>
      %get3A_218 = arith.index_cast %scan3A_145 : i32 to index
      %get3A_219 = arith.constant 80 : index
      %get3A_220 = tpu.vector_load %arg8[%get3A_218, %get3A_219] {strides = array<i32>} : memref<32x768xf32, #tpu.memory_space<vmem>>, vector<1x16xf32>,
      %get3A_221 = vector.shape_cast %get3A_220 : vector<1x16xf32> to vector<16xf32>
      %add3A_222 = arith.addf %get3A_217, %get3A_221 : vector<16xf32>
      %swap3A_223 = arith.index_cast %scan3A_145 : i32 to index
      %swap3A_224 = arith.constant 80 : index
      %swap3A_225 = tpu.vector_load %arg7[%swap3A_223, %swap3A_224] {strides = array<i32>} : memref<32x768xf32, #tpu.memory_space<vmem>>, vector<1x16xf32>,
      %swap3A_226 = vector.shape_cast %swap3A_225 : vector<1x16xf32> to vector<16xf32>
      %swap3A_227 = vector.shape_cast %add3A_222 : vector<16xf32> to vector<1x16xf32>
      tpu.vector_store %arg7[%swap3A_223, %swap3A_224], %swap3A_227 {strides = array<i32>} : memref<32x768xf32, #tpu.memory_space<vmem>>, vector<1x16xf32>,
      %get3A_228 = arith.index_cast %scan3A_145 : i32 to index
      %get3A_229 = arith.constant 96 : index
      %get3A_230 = tpu.vector_load %arg7[%get3A_228, %get3A_229] {strides = array<i32>} : memref<32x768xf32, #tpu.memory_space<vmem>>, vector<1x16xf32>,
      %get3A_231 = vector.shape_cast %get3A_230 : vector<1x16xf32> to vector<16xf32>
      %get3A_232 = arith.index_cast %scan3A_145 : i32 to index
      %get3A_233 = arith.constant 96 : index
      %get3A_234 = tpu.vector_load %arg8[%get3A_232, %get3A_233] {strides = array<i32>} : memref<32x768xf32, #tpu.memory_space<vmem>>, vector<1x16xf32>,
      %get3A_235 = vector.shape_cast %get3A_234 : vector<1x16xf32> to vector<16xf32>
      %add3A_236 = arith.addf %get3A_231, %get3A_235 : vector<16xf32>
      %swap3A_237 = arith.index_cast %scan3A_145 : i32 to index
      %swap3A_238 = arith.constant 96 : index
      %swap3A_239 = tpu.vector_load %arg7[%swap3A_237, %swap3A_238] {strides = array<i32>} : memref<32x768xf32, #tpu.memory_space<vmem>>, vector<1x16xf32>,
      %swap3A_240 = vector.shape_cast %swap3A_239 : vector<1x16xf32> to vector<16xf32>
      %swap3A_241 = vector.shape_cast %add3A_236 : vector<16xf32> to vector<1x16xf32>
      tpu.vector_store %arg7[%swap3A_237, %swap3A_238], %swap3A_241 {strides = array<i32>} : memref<32x768xf32, #tpu.memory_space<vmem>>, vector<1x16xf32>,
      %get3A_242 = arith.index_cast %scan3A_145 : i32 to index
      %get3A_243 = arith.constant 112 : index
      %get3A_244 = tpu.vector_load %arg7[%get3A_242, %get3A_243] {strides = array<i32>} : memref<32x768xf32, #tpu.memory_space<vmem>>, vector<1x16xf32>,
      %get3A_245 = vector.shape_cast %get3A_244 : vector<1x16xf32> to vector<16xf32>
      %get3A_246 = arith.index_cast %scan3A_145 : i32 to index
      %get3A_247 = arith.constant 112 : index
      %get3A_248 = tpu.vector_load %arg8[%get3A_246, %get3A_247] {strides = array<i32>} : memref<32x768xf32, #tpu.memory_space<vmem>>, vector<1x16xf32>,
      %get3A_249 = vector.shape_cast %get3A_248 : vector<1x16xf32> to vector<16xf32>
      %add3A_250 = arith.addf %get3A_245, %get3A_249 : vector<16xf32>
      %swap3A_251 = arith.index_cast %scan3A_145 : i32 to index
      %swap3A_252 = arith.constant 112 : index
      %swap3A_253 = tpu.vector_load %arg7[%swap3A_251, %swap3A_252] {strides = array<i32>} : memref<32x768xf32, #tpu.memory_space<vmem>>, vector<1x16xf32>,
      %swap3A_254 = vector.shape_cast %swap3A_253 : vector<1x16xf32> to vector<16xf32>
      %swap3A_255 = vector.shape_cast %add3A_250 : vector<16xf32> to vector<1x16xf32>
      tpu.vector_store %arg7[%swap3A_251, %swap3A_252], %swap3A_255 {strides = array<i32>} : memref<32x768xf32, #tpu.memory_space<vmem>>, vector<1x16xf32>,
      %get3A_256 = arith.index_cast %scan3A_145 : i32 to index
      %get3A_257 = arith.constant 128 : index
      %get3A_258 = tpu.vector_load %arg7[%get3A_256, %get3A_257] {strides = array<i32>} : memref<32x768xf32, #tpu.memory_space<vmem>>, vector<1x16xf32>,
      %get3A_259 = vector.shape_cast %get3A_258 : vector<1x16xf32> to vector<16xf32>
      %get3A_260 = arith.index_cast %scan3A_145 : i32 to index
      %get3A_261 = arith.constant 128 : index
      %get3A_262 = tpu.vector_load %arg8[%get3A_260, %get3A_261] {strides = array<i32>} : memref<32x768xf32, #tpu.memory_space<vmem>>, vector<1x16xf32>,
      %get3A_263 = vector.shape_cast %get3A_262 : vector<1x16xf32> to vector<16xf32>
      %add3A_264 = arith.addf %get3A_259, %get3A_263 : vector<16xf32>
      %swap3A_265 = arith.index_cast %scan3A_145 : i32 to index
      %swap3A_266 = arith.constant 128 : index
      %swap3A_267 = tpu.vector_load %arg7[%swap3A_265, %swap3A_266] {strides = array<i32>} : memref<32x768xf32, #tpu.memory_space<vmem>>, vector<1x16xf32>,
      %swap3A_268 = vector.shape_cast %swap3A_267 : vector<1x16xf32> to vector<16xf32>
      %swap3A_269 = vector.shape_cast %add3A_264 : vector<16xf32> to vector<1x16xf32>
      tpu.vector_store %arg7[%swap3A_265, %swap3A_266], %swap3A_269 {strides = array<i32>} : memref<32x768xf32, #tpu.memory_space<vmem>>, vector<1x16xf32>,
      %get3A_270 = arith.index_cast %scan3A_145 : i32 to index
      %get3A_271 = arith.constant 144 : index
      %get3A_272 = tpu.vector_load %arg7[%get3A_270, %get3A_271] {strides = array<i32>} : memref<32x768xf32, #tpu.memory_space<vmem>>, vector<1x16xf32>,
      %get3A_273 = vector.shape_cast %get3A_272 : vector<1x16xf32> to vector<16xf32>
      %get3A_274 = arith.index_cast %scan3A_145 : i32 to index
      %get3A_275 = arith.constant 144 : index
      %get3A_276 = tpu.vector_load %arg8[%get3A_274, %get3A_275] {strides = array<i32>} : memref<32x768xf32, #tpu.memory_space<vmem>>, vector<1x16xf32>,
      %get3A_277 = vector.shape_cast %get3A_276 : vector<1x16xf32> to vector<16xf32>
      %add3A_278 = arith.addf %get3A_273, %get3A_277 : vector<16xf32>
      %swap3A_279 = arith.index_cast %scan3A_145 : i32 to index
      %swap3A_280 = arith.constant 144 : index
      %swap3A_281 = tpu.vector_load %arg7[%swap3A_279, %swap3A_280] {strides = array<i32>} : memref<32x768xf32, #tpu.memory_space<vmem>>, vector<1x16xf32>,
      %swap3A_282 = vector.shape_cast %swap3A_281 : vector<1x16xf32> to vector<16xf32>
      %swap3A_283 = vector.shape_cast %add3A_278 : vector<16xf32> to vector<1x16xf32>
      tpu.vector_store %arg7[%swap3A_279, %swap3A_280], %swap3A_283 {strides = array<i32>} : memref<32x768xf32, #tpu.memory_space<vmem>>, vector<1x16xf32>,
      %get3A_284 = arith.index_cast %scan3A_145 : i32 to index
      %get3A_285 = arith.constant 160 : index
      %get3A_286 = tpu.vector_load %arg7[%get3A_284, %get3A_285] {strides = array<i32>} : memref<32x768xf32, #tpu.memory_space<vmem>>, vector<1x16xf32>,
      %get3A_287 = vector.shape_cast %get3A_286 : vector<1x16xf32> to vector<16xf32>
      %get3A_288 = arith.index_cast %scan3A_145 : i32 to index
      %get3A_289 = arith.constant 160 : index
      %get3A_290 = tpu.vector_load %arg8[%get3A_288, %get3A_289] {strides = array<i32>} : memref<32x768xf32, #tpu.memory_space<vmem>>, vector<1x16xf32>,
      %get3A_291 = vector.shape_cast %get3A_290 : vector<1x16xf32> to vector<16xf32>
      %add3A_292 = arith.addf %get3A_287, %get3A_291 : vector<16xf32>
      %swap3A_293 = arith.index_cast %scan3A_145 : i32 to index
      %swap3A_294 = arith.constant 160 : index
      %swap3A_295 = tpu.vector_load %arg7[%swap3A_293, %swap3A_294] {strides = array<i32>} : memref<32x768xf32, #tpu.memory_space<vmem>>, vector<1x16xf32>,
      %swap3A_296 = vector.shape_cast %swap3A_295 : vector<1x16xf32> to vector<16xf32>
      %swap3A_297 = vector.shape_cast %add3A_292 : vector<16xf32> to vector<1x16xf32>
      tpu.vector_store %arg7[%swap3A_293, %swap3A_294], %swap3A_297 {strides = array<i32>} : memref<32x768xf32, #tpu.memory_space<vmem>>, vector<1x16xf32>,
      %get3A_298 = arith.index_cast %scan3A_145 : i32 to index
      %get3A_299 = arith.constant 176 : index
      %get3A_300 = tpu.vector_load %arg7[%get3A_298, %get3A_299] {strides = array<i32>} : memref<32x768xf32, #tpu.memory_space<vmem>>, vector<1x16xf32>,
      %get3A_301 = vector.shape_cast %get3A_300 : vector<1x16xf32> to vector<16xf32>
      %get3A_302 = arith.index_cast %scan3A_145 : i32 to index
      %get3A_303 = arith.constant 176 : index
      %get3A_304 = tpu.vector_load %arg8[%get3A_302, %get3A_303] {strides = array<i32>} : memref<32x768xf32, #tpu.memory_space<vmem>>, vector<1x16xf32>,
      %get3A_305 = vector.shape_cast %get3A_304 : vector<1x16xf32> to vector<16xf32>
      %add3A_306 = arith.addf %get3A_301, %get3A_305 : vector<16xf32>
      %swap3A_307 = arith.index_cast %scan3A_145 : i32 to index
      %swap3A_308 = arith.constant 176 : index
      %swap3A_309 = tpu.vector_load %arg7[%swap3A_307, %swap3A_308] {strides = array<i32>} : memref<32x768xf32, #tpu.memory_space<vmem>>, vector<1x16xf32>,
      %swap3A_310 = vector.shape_cast %swap3A_309 : vector<1x16xf32> to vector<16xf32>
      %swap3A_311 = vector.shape_cast %add3A_306 : vector<16xf32> to vector<1x16xf32>
      tpu.vector_store %arg7[%swap3A_307, %swap3A_308], %swap3A_311 {strides = array<i32>} : memref<32x768xf32, #tpu.memory_space<vmem>>, vector<1x16xf32>,
      %get3A_312 = arith.index_cast %scan3A_145 : i32 to index
      %get3A_313 = arith.constant 192 : index
      %get3A_314 = tpu.vector_load %arg7[%get3A_312, %get3A_313] {strides = array<i32>} : memref<32x768xf32, #tpu.memory_space<vmem>>, vector<1x16xf32>,
      %get3A_315 = vector.shape_cast %get3A_314 : vector<1x16xf32> to vector<16xf32>
      %get3A_316 = arith.index_cast %scan3A_145 : i32 to index
      %get3A_317 = arith.constant 192 : index
      %get3A_318 = tpu.vector_load %arg8[%get3A_316, %get3A_317] {strides = array<i32>} : memref<32x768xf32, #tpu.memory_space<vmem>>, vector<1x16xf32>,
      %get3A_319 = vector.shape_cast %get3A_318 : vector<1x16xf32> to vector<16xf32>
      %add3A_320 = arith.addf %get3A_315, %get3A_319 : vector<16xf32>
      %swap3A_321 = arith.index_cast %scan3A_145 : i32 to index
      %swap3A_322 = arith.constant 192 : index
      %swap3A_323 = tpu.vector_load %arg7[%swap3A_321, %swap3A_322] {strides = array<i32>} : memref<32x768xf32, #tpu.memory_space<vmem>>, vector<1x16xf32>,
      %swap3A_324 = vector.shape_cast %swap3A_323 : vector<1x16xf32> to vector<16xf32>
      %swap3A_325 = vector.shape_cast %add3A_320 : vector<16xf32> to vector<1x16xf32>
      tpu.vector_store %arg7[%swap3A_321, %swap3A_322], %swap3A_325 {strides = array<i32>} : memref<32x768xf32, #tpu.memory_space<vmem>>, vector<1x16xf32>,
      %get3A_326 = arith.index_cast %scan3A_145 : i32 to index
      %get3A_327 = arith.constant 208 : index
      %get3A_328 = tpu.vector_load %arg7[%get3A_326, %get3A_327] {strides = array<i32>} : memref<32x768xf32, #tpu.memory_space<vmem>>, vector<1x16xf32>,
      %get3A_329 = vector.shape_cast %get3A_328 : vector<1x16xf32> to vector<16xf32>
      %get3A_330 = arith.index_cast %scan3A_145 : i32 to index
      %get3A_331 = arith.constant 208 : index
      %get3A_332 = tpu.vector_load %arg8[%get3A_330, %get3A_331] {strides = array<i32>} : memref<32x768xf32, #tpu.memory_space<vmem>>, vector<1x16xf32>,
      %get3A_333 = vector.shape_cast %get3A_332 : vector<1x16xf32> to vector<16xf32>
      %add3A_334 = arith.addf %get3A_329, %get3A_333 : vector<16xf32>
      %swap3A_335 = arith.index_cast %scan3A_145 : i32 to index
      %swap3A_336 = arith.constant 208 : index
      %swap3A_337 = tpu.vector_load %arg7[%swap3A_335, %swap3A_336] {strides = array<i32>} : memref<32x768xf32, #tpu.memory_space<vmem>>, vector<1x16xf32>,
      %swap3A_338 = vector.shape_cast %swap3A_337 : vector<1x16xf32> to vector<16xf32>
      %swap3A_339 = vector.shape_cast %add3A_334 : vector<16xf32> to vector<1x16xf32>
      tpu.vector_store %arg7[%swap3A_335, %swap3A_336], %swap3A_339 {strides = array<i32>} : memref<32x768xf32, #tpu.memory_space<vmem>>, vector<1x16xf32>,
      %get3A_340 = arith.index_cast %scan3A_145 : i32 to index
      %get3A_341 = arith.constant 224 : index
      %get3A_342 = tpu.vector_load %arg7[%get3A_340, %get3A_341] {strides = array<i32>} : memref<32x768xf32, #tpu.memory_space<vmem>>, vector<1x16xf32>,
      %get3A_343 = vector.shape_cast %get3A_342 : vector<1x16xf32> to vector<16xf32>
      %get3A_344 = arith.index_cast %scan3A_145 : i32 to index
      %get3A_345 = arith.constant 224 : index
      %get3A_346 = tpu.vector_load %arg8[%get3A_344, %get3A_345] {strides = array<i32>} : memref<32x768xf32, #tpu.memory_space<vmem>>, vector<1x16xf32>,
      %get3A_347 = vector.shape_cast %get3A_346 : vector<1x16xf32> to vector<16xf32>
      %add3A_348 = arith.addf %get3A_343, %get3A_347 : vector<16xf32>
      %swap3A_349 = arith.index_cast %scan3A_145 : i32 to index
      %swap3A_350 = arith.constant 224 : index
      %swap3A_351 = tpu.vector_load %arg7[%swap3A_349, %swap3A_350] {strides = array<i32>} : memref<32x768xf32, #tpu.memory_space<vmem>>, vector<1x16xf32>,
      %swap3A_352 = vector.shape_cast %swap3A_351 : vector<1x16xf32> to vector<16xf32>
      %swap3A_353 = vector.shape_cast %add3A_348 : vector<16xf32> to vector<1x16xf32>
      tpu.vector_store %arg7[%swap3A_349, %swap3A_350], %swap3A_353 {strides = array<i32>} : memref<32x768xf32, #tpu.memory_space<vmem>>, vector<1x16xf32>,
      %get3A_354 = arith.index_cast %scan3A_145 : i32 to index
      %get3A_355 = arith.constant 240 : index
      %get3A_356 = tpu.vector_load %arg7[%get3A_354, %get3A_355] {strides = array<i32>} : memref<32x768xf32, #tpu.memory_space<vmem>>, vector<1x16xf32>,
      %get3A_357 = vector.shape_cast %get3A_356 : vector<1x16xf32> to vector<16xf32>
      %get3A_358 = arith.index_cast %scan3A_145 : i32 to index
      %get3A_359 = arith.constant 240 : index
      %get3A_360 = tpu.vector_load %arg8[%get3A_358, %get3A_359] {strides = array<i32>} : memref<32x768xf32, #tpu.memory_space<vmem>>, vector<1x16xf32>,
      %get3A_361 = vector.shape_cast %get3A_360 : vector<1x16xf32> to vector<16xf32>
      %add3A_362 = arith.addf %get3A_357, %get3A_361 : vector<16xf32>
      %swap3A_363 = arith.index_cast %scan3A_145 : i32 to index
      %swap3A_364 = arith.constant 240 : index
      %swap3A_365 = tpu.vector_load %arg7[%swap3A_363, %swap3A_364] {strides = array<i32>} : memref<32x768xf32, #tpu.memory_space<vmem>>, vector<1x16xf32>,
      %swap3A_366 = vector.shape_cast %swap3A_365 : vector<1x16xf32> to vector<16xf32>
      %swap3A_367 = vector.shape_cast %add3A_362 : vector<16xf32> to vector<1x16xf32>
      tpu.vector_store %arg7[%swap3A_363, %swap3A_364], %swap3A_367 {strides = array<i32>} : memref<32x768xf32, #tpu.memory_space<vmem>>, vector<1x16xf32>,
      %get3A_368 = arith.index_cast %scan3A_145 : i32 to index
      %get3A_369 = arith.constant 256 : index
      %get3A_370 = tpu.vector_load %arg7[%get3A_368, %get3A_369] {strides = array<i32>} : memref<32x768xf32, #tpu.memory_space<vmem>>, vector<1x16xf32>,
      %get3A_371 = vector.shape_cast %get3A_370 : vector<1x16xf32> to vector<16xf32>
      %get3A_372 = arith.index_cast %scan3A_145 : i32 to index
      %get3A_373 = arith.constant 256 : index
      %get3A_374 = tpu.vector_load %arg8[%get3A_372, %get3A_373] {strides = array<i32>} : memref<32x768xf32, #tpu.memory_space<vmem>>, vector<1x16xf32>,
      %get3A_375 = vector.shape_cast %get3A_374 : vector<1x16xf32> to vector<16xf32>
      %add3A_376 = arith.addf %get3A_371, %get3A_375 : vector<16xf32>
      %swap3A_377 = arith.index_cast %scan3A_145 : i32 to index
      %swap3A_378 = arith.constant 256 : index
      %swap3A_379 = tpu.vector_load %arg7[%swap3A_377, %swap3A_378] {strides = array<i32>} : memref<32x768xf32, #tpu.memory_space<vmem>>, vector<1x16xf32>,
      %swap3A_380 = vector.shape_cast %swap3A_379 : vector<1x16xf32> to vector<16xf32>
      %swap3A_381 = vector.shape_cast %add3A_376 : vector<16xf32> to vector<1x16xf32>
      tpu.vector_store %arg7[%swap3A_377, %swap3A_378], %swap3A_381 {strides = array<i32>} : memref<32x768xf32, #tpu.memory_space<vmem>>, vector<1x16xf32>,
      %get3A_382 = arith.index_cast %scan3A_145 : i32 to index
      %get3A_383 = arith.constant 272 : index
      %get3A_384 = tpu.vector_load %arg7[%get3A_382, %get3A_383] {strides = array<i32>} : memref<32x768xf32, #tpu.memory_space<vmem>>, vector<1x16xf32>,
      %get3A_385 = vector.shape_cast %get3A_384 : vector<1x16xf32> to vector<16xf32>
      %get3A_386 = arith.index_cast %scan3A_145 : i32 to index
      %get3A_387 = arith.constant 272 : index
      %get3A_388 = tpu.vector_load %arg8[%get3A_386, %get3A_387] {strides = array<i32>} : memref<32x768xf32, #tpu.memory_space<vmem>>, vector<1x16xf32>,
      %get3A_389 = vector.shape_cast %get3A_388 : vector<1x16xf32> to vector<16xf32>
      %add3A_390 = arith.addf %get3A_385, %get3A_389 : vector<16xf32>
      %swap3A_391 = arith.index_cast %scan3A_145 : i32 to index
      %swap3A_392 = arith.constant 272 : index
      %swap3A_393 = tpu.vector_load %arg7[%swap3A_391, %swap3A_392] {strides = array<i32>} : memref<32x768xf32, #tpu.memory_space<vmem>>, vector<1x16xf32>,
      %swap3A_394 = vector.shape_cast %swap3A_393 : vector<1x16xf32> to vector<16xf32>
      %swap3A_395 = vector.shape_cast %add3A_390 : vector<16xf32> to vector<1x16xf32>
      tpu.vector_store %arg7[%swap3A_391, %swap3A_392], %swap3A_395 {strides = array<i32>} : memref<32x768xf32, #tpu.memory_space<vmem>>, vector<1x16xf32>,
      %get3A_396 = arith.index_cast %scan3A_145 : i32 to index
      %get3A_397 = arith.constant 288 : index
      %get3A_398 = tpu.vector_load %arg7[%get3A_396, %get3A_397] {strides = array<i32>} : memref<32x768xf32, #tpu.memory_space<vmem>>, vector<1x16xf32>,
      %get3A_399 = vector.shape_cast %get3A_398 : vector<1x16xf32> to vector<16xf32>
      %get3A_400 = arith.index_cast %scan3A_145 : i32 to index
      %get3A_401 = arith.constant 288 : index
      %get3A_402 = tpu.vector_load %arg8[%get3A_400, %get3A_401] {strides = array<i32>} : memref<32x768xf32, #tpu.memory_space<vmem>>, vector<1x16xf32>,
      %get3A_403 = vector.shape_cast %get3A_402 : vector<1x16xf32> to vector<16xf32>
      %add3A_404 = arith.addf %get3A_399, %get3A_403 : vector<16xf32>
      %swap3A_405 = arith.index_cast %scan3A_145 : i32 to index
      %swap3A_406 = arith.constant 288 : index
      %swap3A_407 = tpu.vector_load %arg7[%swap3A_405, %swap3A_406] {strides = array<i32>} : memref<32x768xf32, #tpu.memory_space<vmem>>, vector<1x16xf32>,
      %swap3A_408 = vector.shape_cast %swap3A_407 : vector<1x16xf32> to vector<16xf32>
      %swap3A_409 = vector.shape_cast %add3A_404 : vector<16xf32> to vector<1x16xf32>
      tpu.vector_store %arg7[%swap3A_405, %swap3A_406], %swap3A_409 {strides = array<i32>} : memref<32x768xf32, #tpu.memory_space<vmem>>, vector<1x16xf32>,
      %get3A_410 = arith.index_cast %scan3A_145 : i32 to index
      %get3A_411 = arith.constant 304 : index
      %get3A_412 = tpu.vector_load %arg7[%get3A_410, %get3A_411] {strides = array<i32>} : memref<32x768xf32, #tpu.memory_space<vmem>>, vector<1x16xf32>,
      %get3A_413 = vector.shape_cast %get3A_412 : vector<1x16xf32> to vector<16xf32>
      %get3A_414 = arith.index_cast %scan3A_145 : i32 to index
      %get3A_415 = arith.constant 304 : index
      %get3A_416 = tpu.vector_load %arg8[%get3A_414, %get3A_415] {strides = array<i32>} : memref<32x768xf32, #tpu.memory_space<vmem>>, vector<1x16xf32>,
      %get3A_417 = vector.shape_cast %get3A_416 : vector<1x16xf32> to vector<16xf32>
      %add3A_418 = arith.addf %get3A_413, %get3A_417 : vector<16xf32>
      %swap3A_419 = arith.index_cast %scan3A_145 : i32 to index
      %swap3A_420 = arith.constant 304 : index
      %swap3A_421 = tpu.vector_load %arg7[%swap3A_419, %swap3A_420] {strides = array<i32>} : memref<32x768xf32, #tpu.memory_space<vmem>>, vector<1x16xf32>,
      %swap3A_422 = vector.shape_cast %swap3A_421 : vector<1x16xf32> to vector<16xf32>
      %swap3A_423 = vector.shape_cast %add3A_418 : vector<16xf32> to vector<1x16xf32>
      tpu.vector_store %arg7[%swap3A_419, %swap3A_420], %swap3A_423 {strides = array<i32>} : memref<32x768xf32, #tpu.memory_space<vmem>>, vector<1x16xf32>,
      %get3A_424 = arith.index_cast %scan3A_145 : i32 to index
      %get3A_425 = arith.constant 320 : index
      %get3A_426 = tpu.vector_load %arg7[%get3A_424, %get3A_425] {strides = array<i32>} : memref<32x768xf32, #tpu.memory_space<vmem>>, vector<1x16xf32>,
      %get3A_427 = vector.shape_cast %get3A_426 : vector<1x16xf32> to vector<16xf32>
      %get3A_428 = arith.index_cast %scan3A_145 : i32 to index
      %get3A_429 = arith.constant 320 : index
      %get3A_430 = tpu.vector_load %arg8[%get3A_428, %get3A_429] {strides = array<i32>} : memref<32x768xf32, #tpu.memory_space<vmem>>, vector<1x16xf32>,
      %get3A_431 = vector.shape_cast %get3A_430 : vector<1x16xf32> to vector<16xf32>
      %add3A_432 = arith.addf %get3A_427, %get3A_431 : vector<16xf32>
      %swap3A_433 = arith.index_cast %scan3A_145 : i32 to index
      %swap3A_434 = arith.constant 320 : index
      %swap3A_435 = tpu.vector_load %arg7[%swap3A_433, %swap3A_434] {strides = array<i32>} : memref<32x768xf32, #tpu.memory_space<vmem>>, vector<1x16xf32>,
      %swap3A_436 = vector.shape_cast %swap3A_435 : vector<1x16xf32> to vector<16xf32>
      %swap3A_437 = vector.shape_cast %add3A_432 : vector<16xf32> to vector<1x16xf32>
      tpu.vector_store %arg7[%swap3A_433, %swap3A_434], %swap3A_437 {strides = array<i32>} : memref<32x768xf32, #tpu.memory_space<vmem>>, vector<1x16xf32>,
      %get3A_438 = arith.index_cast %scan3A_145 : i32 to index
      %get3A_439 = arith.constant 336 : index
      %get3A_440 = tpu.vector_load %arg7[%get3A_438, %get3A_439] {strides = array<i32>} : memref<32x768xf32, #tpu.memory_space<vmem>>, vector<1x16xf32>,
      %get3A_441 = vector.shape_cast %get3A_440 : vector<1x16xf32> to vector<16xf32>
      %get3A_442 = arith.index_cast %scan3A_145 : i32 to index
      %get3A_443 = arith.constant 336 : index
      %get3A_444 = tpu.vector_load %arg8[%get3A_442, %get3A_443] {strides = array<i32>} : memref<32x768xf32, #tpu.memory_space<vmem>>, vector<1x16xf32>,
      %get3A_445 = vector.shape_cast %get3A_444 : vector<1x16xf32> to vector<16xf32>
      %add3A_446 = arith.addf %get3A_441, %get3A_445 : vector<16xf32>
      %swap3A_447 = arith.index_cast %scan3A_145 : i32 to index
      %swap3A_448 = arith.constant 336 : index
      %swap3A_449 = tpu.vector_load %arg7[%swap3A_447, %swap3A_448] {strides = array<i32>} : memref<32x768xf32, #tpu.memory_space<vmem>>, vector<1x16xf32>,
      %swap3A_450 = vector.shape_cast %swap3A_449 : vector<1x16xf32> to vector<16xf32>
      %swap3A_451 = vector.shape_cast %add3A_446 : vector<16xf32> to vector<1x16xf32>
      tpu.vector_store %arg7[%swap3A_447, %swap3A_448], %swap3A_451 {strides = array<i32>} : memref<32x768xf32, #tpu.memory_space<vmem>>, vector<1x16xf32>,
      %get3A_452 = arith.index_cast %scan3A_145 : i32 to index
      %get3A_453 = arith.constant 352 : index
      %get3A_454 = tpu.vector_load %arg7[%get3A_452, %get3A_453] {strides = array<i32>} : memref<32x768xf32, #tpu.memory_space<vmem>>, vector<1x16xf32>,
      %get3A_455 = vector.shape_cast %get3A_454 : vector<1x16xf32> to vector<16xf32>
      %get3A_456 = arith.index_cast %scan3A_145 : i32 to index
      %get3A_457 = arith.constant 352 : index
      %get3A_458 = tpu.vector_load %arg8[%get3A_456, %get3A_457] {strides = array<i32>} : memref<32x768xf32, #tpu.memory_space<vmem>>, vector<1x16xf32>,
      %get3A_459 = vector.shape_cast %get3A_458 : vector<1x16xf32> to vector<16xf32>
      %add3A_460 = arith.addf %get3A_455, %get3A_459 : vector<16xf32>
      %swap3A_461 = arith.index_cast %scan3A_145 : i32 to index
      %swap3A_462 = arith.constant 352 : index
      %swap3A_463 = tpu.vector_load %arg7[%swap3A_461, %swap3A_462] {strides = array<i32>} : memref<32x768xf32, #tpu.memory_space<vmem>>, vector<1x16xf32>,
      %swap3A_464 = vector.shape_cast %swap3A_463 : vector<1x16xf32> to vector<16xf32>
      %swap3A_465 = vector.shape_cast %add3A_460 : vector<16xf32> to vector<1x16xf32>
      tpu.vector_store %arg7[%swap3A_461, %swap3A_462], %swap3A_465 {strides = array<i32>} : memref<32x768xf32, #tpu.memory_space<vmem>>, vector<1x16xf32>,
      %get3A_466 = arith.index_cast %scan3A_145 : i32 to index
      %get3A_467 = arith.constant 368 : index
      %get3A_468 = tpu.vector_load %arg7[%get3A_466, %get3A_467] {strides = array<i32>} : memref<32x768xf32, #tpu.memory_space<vmem>>, vector<1x16xf32>,
      %get3A_469 = vector.shape_cast %get3A_468 : vector<1x16xf32> to vector<16xf32>
      %get3A_470 = arith.index_cast %scan3A_145 : i32 to index
      %get3A_471 = arith.constant 368 : index
      %get3A_472 = tpu.vector_load %arg8[%get3A_470, %get3A_471] {strides = array<i32>} : memref<32x768xf32, #tpu.memory_space<vmem>>, vector<1x16xf32>,
      %get3A_473 = vector.shape_cast %get3A_472 : vector<1x16xf32> to vector<16xf32>
      %add3A_474 = arith.addf %get3A_469, %get3A_473 : vector<16xf32>
      %swap3A_475 = arith.index_cast %scan3A_145 : i32 to index
      %swap3A_476 = arith.constant 368 : index
      %swap3A_477 = tpu.vector_load %arg7[%swap3A_475, %swap3A_476] {strides = array<i32>} : memref<32x768xf32, #tpu.memory_space<vmem>>, vector<1x16xf32>,
      %swap3A_478 = vector.shape_cast %swap3A_477 : vector<1x16xf32> to vector<16xf32>
      %swap3A_479 = vector.shape_cast %add3A_474 : vector<16xf32> to vector<1x16xf32>
      tpu.vector_store %arg7[%swap3A_475, %swap3A_476], %swap3A_479 {strides = array<i32>} : memref<32x768xf32, #tpu.memory_space<vmem>>, vector<1x16xf32>,
      %get3A_480 = arith.index_cast %scan3A_145 : i32 to index
      %get3A_481 = arith.constant 384 : index
      %get3A_482 = tpu.vector_load %arg7[%get3A_480, %get3A_481] {strides = array<i32>} : memref<32x768xf32, #tpu.memory_space<vmem>>, vector<1x16xf32>,
      %get3A_483 = vector.shape_cast %get3A_482 : vector<1x16xf32> to vector<16xf32>
      %get3A_484 = arith.index_cast %scan3A_145 : i32 to index
      %get3A_485 = arith.constant 384 : index
      %get3A_486 = tpu.vector_load %arg8[%get3A_484, %get3A_485] {strides = array<i32>} : memref<32x768xf32, #tpu.memory_space<vmem>>, vector<1x16xf32>,
      %get3A_487 = vector.shape_cast %get3A_486 : vector<1x16xf32> to vector<16xf32>
      %add3A_488 = arith.addf %get3A_483, %get3A_487 : vector<16xf32>
      %swap3A_489 = arith.index_cast %scan3A_145 : i32 to index
      %swap3A_490 = arith.constant 384 : index
      %swap3A_491 = tpu.vector_load %arg7[%swap3A_489, %swap3A_490] {strides = array<i32>} : memref<32x768xf32, #tpu.memory_space<vmem>>, vector<1x16xf32>,
      %swap3A_492 = vector.shape_cast %swap3A_491 : vector<1x16xf32> to vector<16xf32>
      %swap3A_493 = vector.shape_cast %add3A_488 : vector<16xf32> to vector<1x16xf32>
      tpu.vector_store %arg7[%swap3A_489, %swap3A_490], %swap3A_493 {strides = array<i32>} : memref<32x768xf32, #tpu.memory_space<vmem>>, vector<1x16xf32>,
      %get3A_494 = arith.index_cast %scan3A_145 : i32 to index
      %get3A_495 = arith.constant 400 : index
      %get3A_496 = tpu.vector_load %arg7[%get3A_494, %get3A_495] {strides = array<i32>} : memref<32x768xf32, #tpu.memory_space<vmem>>, vector<1x16xf32>,
      %get3A_497 = vector.shape_cast %get3A_496 : vector<1x16xf32> to vector<16xf32>
      %get3A_498 = arith.index_cast %scan3A_145 : i32 to index
      %get3A_499 = arith.constant 400 : index
      %get3A_500 = tpu.vector_load %arg8[%get3A_498, %get3A_499] {strides = array<i32>} : memref<32x768xf32, #tpu.memory_space<vmem>>, vector<1x16xf32>,
      %get3A_501 = vector.shape_cast %get3A_500 : vector<1x16xf32> to vector<16xf32>
      %add3A_502 = arith.addf %get3A_497, %get3A_501 : vector<16xf32>
      %swap3A_503 = arith.index_cast %scan3A_145 : i32 to index
      %swap3A_504 = arith.constant 400 : index
      %swap3A_505 = tpu.vector_load %arg7[%swap3A_503, %swap3A_504] {strides = array<i32>} : memref<32x768xf32, #tpu.memory_space<vmem>>, vector<1x16xf32>,
      %swap3A_506 = vector.shape_cast %swap3A_505 : vector<1x16xf32> to vector<16xf32>
      %swap3A_507 = vector.shape_cast %add3A_502 : vector<16xf32> to vector<1x16xf32>
      tpu.vector_store %arg7[%swap3A_503, %swap3A_504], %swap3A_507 {strides = array<i32>} : memref<32x768xf32, #tpu.memory_space<vmem>>, vector<1x16xf32>,
      %get3A_508 = arith.index_cast %scan3A_145 : i32 to index
      %get3A_509 = arith.constant 416 : index
      %get3A_510 = tpu.vector_load %arg7[%get3A_508, %get3A_509] {strides = array<i32>} : memref<32x768xf32, #tpu.memory_space<vmem>>, vector<1x16xf32>,
      %get3A_511 = vector.shape_cast %get3A_510 : vector<1x16xf32> to vector<16xf32>
      %get3A_512 = arith.index_cast %scan3A_145 : i32 to index
      %get3A_513 = arith.constant 416 : index
      %get3A_514 = tpu.vector_load %arg8[%get3A_512, %get3A_513] {strides = array<i32>} : memref<32x768xf32, #tpu.memory_space<vmem>>, vector<1x16xf32>,
      %get3A_515 = vector.shape_cast %get3A_514 : vector<1x16xf32> to vector<16xf32>
      %add3A_516 = arith.addf %get3A_511, %get3A_515 : vector<16xf32>
      %swap3A_517 = arith.index_cast %scan3A_145 : i32 to index
      %swap3A_518 = arith.constant 416 : index
      %swap3A_519 = tpu.vector_load %arg7[%swap3A_517, %swap3A_518] {strides = array<i32>} : memref<32x768xf32, #tpu.memory_space<vmem>>, vector<1x16xf32>,
      %swap3A_520 = vector.shape_cast %swap3A_519 : vector<1x16xf32> to vector<16xf32>
      %swap3A_521 = vector.shape_cast %add3A_516 : vector<16xf32> to vector<1x16xf32>
      tpu.vector_store %arg7[%swap3A_517, %swap3A_518], %swap3A_521 {strides = array<i32>} : memref<32x768xf32, #tpu.memory_space<vmem>>, vector<1x16xf32>,
      %get3A_522 = arith.index_cast %scan3A_145 : i32 to index
      %get3A_523 = arith.constant 432 : index
      %get3A_524 = tpu.vector_load %arg7[%get3A_522, %get3A_523] {strides = array<i32>} : memref<32x768xf32, #tpu.memory_space<vmem>>, vector<1x16xf32>,
      %get3A_525 = vector.shape_cast %get3A_524 : vector<1x16xf32> to vector<16xf32>
      %get3A_526 = arith.index_cast %scan3A_145 : i32 to index
      %get3A_527 = arith.constant 432 : index
      %get3A_528 = tpu.vector_load %arg8[%get3A_526, %get3A_527] {strides = array<i32>} : memref<32x768xf32, #tpu.memory_space<vmem>>, vector<1x16xf32>,
      %get3A_529 = vector.shape_cast %get3A_528 : vector<1x16xf32> to vector<16xf32>
      %add3A_530 = arith.addf %get3A_525, %get3A_529 : vector<16xf32>
      %swap3A_531 = arith.index_cast %scan3A_145 : i32 to index
      %swap3A_532 = arith.constant 432 : index
      %swap3A_533 = tpu.vector_load %arg7[%swap3A_531, %swap3A_532] {strides = array<i32>} : memref<32x768xf32, #tpu.memory_space<vmem>>, vector<1x16xf32>,
      %swap3A_534 = vector.shape_cast %swap3A_533 : vector<1x16xf32> to vector<16xf32>
      %swap3A_535 = vector.shape_cast %add3A_530 : vector<16xf32> to vector<1x16xf32>
      tpu.vector_store %arg7[%swap3A_531, %swap3A_532], %swap3A_535 {strides = array<i32>} : memref<32x768xf32, #tpu.memory_space<vmem>>, vector<1x16xf32>,
      %get3A_536 = arith.index_cast %scan3A_145 : i32 to index
      %get3A_537 = arith.constant 448 : index
      %get3A_538 = tpu.vector_load %arg7[%get3A_536, %get3A_537] {strides = array<i32>} : memref<32x768xf32, #tpu.memory_space<vmem>>, vector<1x16xf32>,
      %get3A_539 = vector.shape_cast %get3A_538 : vector<1x16xf32> to vector<16xf32>
      %get3A_540 = arith.index_cast %scan3A_145 : i32 to index
      %get3A_541 = arith.constant 448 : index
      %get3A_542 = tpu.vector_load %arg8[%get3A_540, %get3A_541] {strides = array<i32>} : memref<32x768xf32, #tpu.memory_space<vmem>>, vector<1x16xf32>,
      %get3A_543 = vector.shape_cast %get3A_542 : vector<1x16xf32> to vector<16xf32>
      %add3A_544 = arith.addf %get3A_539, %get3A_543 : vector<16xf32>
      %swap3A_545 = arith.index_cast %scan3A_145 : i32 to index
      %swap3A_546 = arith.constant 448 : index
      %swap3A_547 = tpu.vector_load %arg7[%swap3A_545, %swap3A_546] {strides = array<i32>} : memref<32x768xf32, #tpu.memory_space<vmem>>, vector<1x16xf32>,
      %swap3A_548 = vector.shape_cast %swap3A_547 : vector<1x16xf32> to vector<16xf32>
      %swap3A_549 = vector.shape_cast %add3A_544 : vector<16xf32> to vector<1x16xf32>
      tpu.vector_store %arg7[%swap3A_545, %swap3A_546], %swap3A_549 {strides = array<i32>} : memref<32x768xf32, #tpu.memory_space<vmem>>, vector<1x16xf32>,
      %get3A_550 = arith.index_cast %scan3A_145 : i32 to index
      %get3A_551 = arith.constant 464 : index
      %get3A_552 = tpu.vector_load %arg7[%get3A_550, %get3A_551] {strides = array<i32>} : memref<32x768xf32, #tpu.memory_space<vmem>>, vector<1x16xf32>,
      %get3A_553 = vector.shape_cast %get3A_552 : vector<1x16xf32> to vector<16xf32>
      %get3A_554 = arith.index_cast %scan3A_145 : i32 to index
      %get3A_555 = arith.constant 464 : index
      %get3A_556 = tpu.vector_load %arg8[%get3A_554, %get3A_555] {strides = array<i32>} : memref<32x768xf32, #tpu.memory_space<vmem>>, vector<1x16xf32>,
      %get3A_557 = vector.shape_cast %get3A_556 : vector<1x16xf32> to vector<16xf32>
      %add3A_558 = arith.addf %get3A_553, %get3A_557 : vector<16xf32>
      %swap3A_559 = arith.index_cast %scan3A_145 : i32 to index
      %swap3A_560 = arith.constant 464 : index
      %swap3A_561 = tpu.vector_load %arg7[%swap3A_559, %swap3A_560] {strides = array<i32>} : memref<32x768xf32, #tpu.memory_space<vmem>>, vector<1x16xf32>,
      %swap3A_562 = vector.shape_cast %swap3A_561 : vector<1x16xf32> to vector<16xf32>
      %swap3A_563 = vector.shape_cast %add3A_558 : vector<16xf32> to vector<1x16xf32>
      tpu.vector_store %arg7[%swap3A_559, %swap3A_560], %swap3A_563 {strides = array<i32>} : memref<32x768xf32, #tpu.memory_space<vmem>>, vector<1x16xf32>,
      %get3A_564 = arith.index_cast %scan3A_145 : i32 to index
      %get3A_565 = arith.constant 480 : index
      %get3A_566 = tpu.vector_load %arg7[%get3A_564, %get3A_565] {strides = array<i32>} : memref<32x768xf32, #tpu.memory_space<vmem>>, vector<1x16xf32>,
      %get3A_567 = vector.shape_cast %get3A_566 : vector<1x16xf32> to vector<16xf32>
      %get3A_568 = arith.index_cast %scan3A_145 : i32 to index
      %get3A_569 = arith.constant 480 : index
      %get3A_570 = tpu.vector_load %arg8[%get3A_568, %get3A_569] {strides = array<i32>} : memref<32x768xf32, #tpu.memory_space<vmem>>, vector<1x16xf32>,
      %get3A_571 = vector.shape_cast %get3A_570 : vector<1x16xf32> to vector<16xf32>
      %add3A_572 = arith.addf %get3A_567, %get3A_571 : vector<16xf32>
      %swap3A_573 = arith.index_cast %scan3A_145 : i32 to index
      %swap3A_574 = arith.constant 480 : index
      %swap3A_575 = tpu.vector_load %arg7[%swap3A_573, %swap3A_574] {strides = array<i32>} : memref<32x768xf32, #tpu.memory_space<vmem>>, vector<1x16xf32>,
      %swap3A_576 = vector.shape_cast %swap3A_575 : vector<1x16xf32> to vector<16xf32>
      %swap3A_577 = vector.shape_cast %add3A_572 : vector<16xf32> to vector<1x16xf32>
      tpu.vector_store %arg7[%swap3A_573, %swap3A_574], %swap3A_577 {strides = array<i32>} : memref<32x768xf32, #tpu.memory_space<vmem>>, vector<1x16xf32>,
      %get3A_578 = arith.index_cast %scan3A_145 : i32 to index
      %get3A_579 = arith.constant 496 : index
      %get3A_580 = tpu.vector_load %arg7[%get3A_578, %get3A_579] {strides = array<i32>} : memref<32x768xf32, #tpu.memory_space<vmem>>, vector<1x16xf32>,
      %get3A_581 = vector.shape_cast %get3A_580 : vector<1x16xf32> to vector<16xf32>
      %get3A_582 = arith.index_cast %scan3A_145 : i32 to index
      %get3A_583 = arith.constant 496 : index
      %get3A_584 = tpu.vector_load %arg8[%get3A_582, %get3A_583] {strides = array<i32>} : memref<32x768xf32, #tpu.memory_space<vmem>>, vector<1x16xf32>,
      %get3A_585 = vector.shape_cast %get3A_584 : vector<1x16xf32> to vector<16xf32>
      %add3A_586 = arith.addf %get3A_581, %get3A_585 : vector<16xf32>
      %swap3A_587 = arith.index_cast %scan3A_145 : i32 to index
      %swap3A_588 = arith.constant 496 : index
      %swap3A_589 = tpu.vector_load %arg7[%swap3A_587, %swap3A_588] {strides = array<i32>} : memref<32x768xf32, #tpu.memory_space<vmem>>, vector<1x16xf32>,
      %swap3A_590 = vector.shape_cast %swap3A_589 : vector<1x16xf32> to vector<16xf32>
      %swap3A_591 = vector.shape_cast %add3A_586 : vector<16xf32> to vector<1x16xf32>
      tpu.vector_store %arg7[%swap3A_587, %swap3A_588], %swap3A_591 {strides = array<i32>} : memref<32x768xf32, #tpu.memory_space<vmem>>, vector<1x16xf32>,
      %get3A_592 = arith.index_cast %scan3A_145 : i32 to index
      %get3A_593 = arith.constant 512 : index
      %get3A_594 = tpu.vector_load %arg7[%get3A_592, %get3A_593] {strides = array<i32>} : memref<32x768xf32, #tpu.memory_space<vmem>>, vector<1x16xf32>,
      %get3A_595 = vector.shape_cast %get3A_594 : vector<1x16xf32> to vector<16xf32>
      %get3A_596 = arith.index_cast %scan3A_145 : i32 to index
      %get3A_597 = arith.constant 512 : index
      %get3A_598 = tpu.vector_load %arg8[%get3A_596, %get3A_597] {strides = array<i32>} : memref<32x768xf32, #tpu.memory_space<vmem>>, vector<1x16xf32>,
      %get3A_599 = vector.shape_cast %get3A_598 : vector<1x16xf32> to vector<16xf32>
      %add3A_600 = arith.addf %get3A_595, %get3A_599 : vector<16xf32>
      %swap3A_601 = arith.index_cast %scan3A_145 : i32 to index
      %swap3A_602 = arith.constant 512 : index
      %swap3A_603 = tpu.vector_load %arg7[%swap3A_601, %swap3A_602] {strides = array<i32>} : memref<32x768xf32, #tpu.memory_space<vmem>>, vector<1x16xf32>,
      %swap3A_604 = vector.shape_cast %swap3A_603 : vector<1x16xf32> to vector<16xf32>
      %swap3A_605 = vector.shape_cast %add3A_600 : vector<16xf32> to vector<1x16xf32>
      tpu.vector_store %arg7[%swap3A_601, %swap3A_602], %swap3A_605 {strides = array<i32>} : memref<32x768xf32, #tpu.memory_space<vmem>>, vector<1x16xf32>,
      %get3A_606 = arith.index_cast %scan3A_145 : i32 to index
      %get3A_607 = arith.constant 528 : index
      %get3A_608 = tpu.vector_load %arg7[%get3A_606, %get3A_607] {strides = array<i32>} : memref<32x768xf32, #tpu.memory_space<vmem>>, vector<1x16xf32>,
      %get3A_609 = vector.shape_cast %get3A_608 : vector<1x16xf32> to vector<16xf32>
      %get3A_610 = arith.index_cast %scan3A_145 : i32 to index
      %get3A_611 = arith.constant 528 : index
      %get3A_612 = tpu.vector_load %arg8[%get3A_610, %get3A_611] {strides = array<i32>} : memref<32x768xf32, #tpu.memory_space<vmem>>, vector<1x16xf32>,
      %get3A_613 = vector.shape_cast %get3A_612 : vector<1x16xf32> to vector<16xf32>
      %add3A_614 = arith.addf %get3A_609, %get3A_613 : vector<16xf32>
      %swap3A_615 = arith.index_cast %scan3A_145 : i32 to index
      %swap3A_616 = arith.constant 528 : index
      %swap3A_617 = tpu.vector_load %arg7[%swap3A_615, %swap3A_616] {strides = array<i32>} : memref<32x768xf32, #tpu.memory_space<vmem>>, vector<1x16xf32>,
      %swap3A_618 = vector.shape_cast %swap3A_617 : vector<1x16xf32> to vector<16xf32>
      %swap3A_619 = vector.shape_cast %add3A_614 : vector<16xf32> to vector<1x16xf32>
      tpu.vector_store %arg7[%swap3A_615, %swap3A_616], %swap3A_619 {strides = array<i32>} : memref<32x768xf32, #tpu.memory_space<vmem>>, vector<1x16xf32>,
      %get3A_620 = arith.index_cast %scan3A_145 : i32 to index
      %get3A_621 = arith.constant 544 : index
      %get3A_622 = tpu.vector_load %arg7[%get3A_620, %get3A_621] {strides = array<i32>} : memref<32x768xf32, #tpu.memory_space<vmem>>, vector<1x16xf32>,
      %get3A_623 = vector.shape_cast %get3A_622 : vector<1x16xf32> to vector<16xf32>
      %get3A_624 = arith.index_cast %scan3A_145 : i32 to index
      %get3A_625 = arith.constant 544 : index
      %get3A_626 = tpu.vector_load %arg8[%get3A_624, %get3A_625] {strides = array<i32>} : memref<32x768xf32, #tpu.memory_space<vmem>>, vector<1x16xf32>,
      %get3A_627 = vector.shape_cast %get3A_626 : vector<1x16xf32> to vector<16xf32>
      %add3A_628 = arith.addf %get3A_623, %get3A_627 : vector<16xf32>
      %swap3A_629 = arith.index_cast %scan3A_145 : i32 to index
      %swap3A_630 = arith.constant 544 : index
      %swap3A_631 = tpu.vector_load %arg7[%swap3A_629, %swap3A_630] {strides = array<i32>} : memref<32x768xf32, #tpu.memory_space<vmem>>, vector<1x16xf32>,
      %swap3A_632 = vector.shape_cast %swap3A_631 : vector<1x16xf32> to vector<16xf32>
      %swap3A_633 = vector.shape_cast %add3A_628 : vector<16xf32> to vector<1x16xf32>
      tpu.vector_store %arg7[%swap3A_629, %swap3A_630], %swap3A_633 {strides = array<i32>} : memref<32x768xf32, #tpu.memory_space<vmem>>, vector<1x16xf32>,
      %get3A_634 = arith.index_cast %scan3A_145 : i32 to index
      %get3A_635 = arith.constant 560 : index
      %get3A_636 = tpu.vector_load %arg7[%get3A_634, %get3A_635] {strides = array<i32>} : memref<32x768xf32, #tpu.memory_space<vmem>>, vector<1x16xf32>,
      %get3A_637 = vector.shape_cast %get3A_636 : vector<1x16xf32> to vector<16xf32>
      %get3A_638 = arith.index_cast %scan3A_145 : i32 to index
      %get3A_639 = arith.constant 560 : index
      %get3A_640 = tpu.vector_load %arg8[%get3A_638, %get3A_639] {strides = array<i32>} : memref<32x768xf32, #tpu.memory_space<vmem>>, vector<1x16xf32>,
      %get3A_641 = vector.shape_cast %get3A_640 : vector<1x16xf32> to vector<16xf32>
      %add3A_642 = arith.addf %get3A_637, %get3A_641 : vector<16xf32>
      %swap3A_643 = arith.index_cast %scan3A_145 : i32 to index
      %swap3A_644 = arith.constant 560 : index
      %swap3A_645 = tpu.vector_load %arg7[%swap3A_643, %swap3A_644] {strides = array<i32>} : memref<32x768xf32, #tpu.memory_space<vmem>>, vector<1x16xf32>,
      %swap3A_646 = vector.shape_cast %swap3A_645 : vector<1x16xf32> to vector<16xf32>
      %swap3A_647 = vector.shape_cast %add3A_642 : vector<16xf32> to vector<1x16xf32>
      tpu.vector_store %arg7[%swap3A_643, %swap3A_644], %swap3A_647 {strides = array<i32>} : memref<32x768xf32, #tpu.memory_space<vmem>>, vector<1x16xf32>,
      %get3A_648 = arith.index_cast %scan3A_145 : i32 to index
      %get3A_649 = arith.constant 576 : index
      %get3A_650 = tpu.vector_load %arg7[%get3A_648, %get3A_649] {strides = array<i32>} : memref<32x768xf32, #tpu.memory_space<vmem>>, vector<1x16xf32>,
      %get3A_651 = vector.shape_cast %get3A_650 : vector<1x16xf32> to vector<16xf32>
      %get3A_652 = arith.index_cast %scan3A_145 : i32 to index
      %get3A_653 = arith.constant 576 : index
      %get3A_654 = tpu.vector_load %arg8[%get3A_652, %get3A_653] {strides = array<i32>} : memref<32x768xf32, #tpu.memory_space<vmem>>, vector<1x16xf32>,
      %get3A_655 = vector.shape_cast %get3A_654 : vector<1x16xf32> to vector<16xf32>
      %add3A_656 = arith.addf %get3A_651, %get3A_655 : vector<16xf32>
      %swap3A_657 = arith.index_cast %scan3A_145 : i32 to index
      %swap3A_658 = arith.constant 576 : index
      %swap3A_659 = tpu.vector_load %arg7[%swap3A_657, %swap3A_658] {strides = array<i32>} : memref<32x768xf32, #tpu.memory_space<vmem>>, vector<1x16xf32>,
      %swap3A_660 = vector.shape_cast %swap3A_659 : vector<1x16xf32> to vector<16xf32>
      %swap3A_661 = vector.shape_cast %add3A_656 : vector<16xf32> to vector<1x16xf32>
      tpu.vector_store %arg7[%swap3A_657, %swap3A_658], %swap3A_661 {strides = array<i32>} : memref<32x768xf32, #tpu.memory_space<vmem>>, vector<1x16xf32>,
      %get3A_662 = arith.index_cast %scan3A_145 : i32 to index
      %get3A_663 = arith.constant 592 : index
      %get3A_664 = tpu.vector_load %arg7[%get3A_662, %get3A_663] {strides = array<i32>} : memref<32x768xf32, #tpu.memory_space<vmem>>, vector<1x16xf32>,
      %get3A_665 = vector.shape_cast %get3A_664 : vector<1x16xf32> to vector<16xf32>
      %get3A_666 = arith.index_cast %scan3A_145 : i32 to index
      %get3A_667 = arith.constant 592 : index
      %get3A_668 = tpu.vector_load %arg8[%get3A_666, %get3A_667] {strides = array<i32>} : memref<32x768xf32, #tpu.memory_space<vmem>>, vector<1x16xf32>,
      %get3A_669 = vector.shape_cast %get3A_668 : vector<1x16xf32> to vector<16xf32>
      %add3A_670 = arith.addf %get3A_665, %get3A_669 : vector<16xf32>
      %swap3A_671 = arith.index_cast %scan3A_145 : i32 to index
      %swap3A_672 = arith.constant 592 : index
      %swap3A_673 = tpu.vector_load %arg7[%swap3A_671, %swap3A_672] {strides = array<i32>} : memref<32x768xf32, #tpu.memory_space<vmem>>, vector<1x16xf32>,
      %swap3A_674 = vector.shape_cast %swap3A_673 : vector<1x16xf32> to vector<16xf32>
      %swap3A_675 = vector.shape_cast %add3A_670 : vector<16xf32> to vector<1x16xf32>
      tpu.vector_store %arg7[%swap3A_671, %swap3A_672], %swap3A_675 {strides = array<i32>} : memref<32x768xf32, #tpu.memory_space<vmem>>, vector<1x16xf32>,
      %get3A_676 = arith.index_cast %scan3A_145 : i32 to index
      %get3A_677 = arith.constant 608 : index
      %get3A_678 = tpu.vector_load %arg7[%get3A_676, %get3A_677] {strides = array<i32>} : memref<32x768xf32, #tpu.memory_space<vmem>>, vector<1x16xf32>,
      %get3A_679 = vector.shape_cast %get3A_678 : vector<1x16xf32> to vector<16xf32>
      %get3A_680 = arith.index_cast %scan3A_145 : i32 to index
      %get3A_681 = arith.constant 608 : index
      %get3A_682 = tpu.vector_load %arg8[%get3A_680, %get3A_681] {strides = array<i32>} : memref<32x768xf32, #tpu.memory_space<vmem>>, vector<1x16xf32>,
      %get3A_683 = vector.shape_cast %get3A_682 : vector<1x16xf32> to vector<16xf32>
      %add3A_684 = arith.addf %get3A_679, %get3A_683 : vector<16xf32>
      %swap3A_685 = arith.index_cast %scan3A_145 : i32 to index
      %swap3A_686 = arith.constant 608 : index
      %swap3A_687 = tpu.vector_load %arg7[%swap3A_685, %swap3A_686] {strides = array<i32>} : memref<32x768xf32, #tpu.memory_space<vmem>>, vector<1x16xf32>,
      %swap3A_688 = vector.shape_cast %swap3A_687 : vector<1x16xf32> to vector<16xf32>
      %swap3A_689 = vector.shape_cast %add3A_684 : vector<16xf32> to vector<1x16xf32>
      tpu.vector_store %arg7[%swap3A_685, %swap3A_686], %swap3A_689 {strides = array<i32>} : memref<32x768xf32, #tpu.memory_space<vmem>>, vector<1x16xf32>,
      %get3A_690 = arith.index_cast %scan3A_145 : i32 to index
      %get3A_691 = arith.constant 624 : index
      %get3A_692 = tpu.vector_load %arg7[%get3A_690, %get3A_691] {strides = array<i32>} : memref<32x768xf32, #tpu.memory_space<vmem>>, vector<1x16xf32>,
      %get3A_693 = vector.shape_cast %get3A_692 : vector<1x16xf32> to vector<16xf32>
      %get3A_694 = arith.index_cast %scan3A_145 : i32 to index
      %get3A_695 = arith.constant 624 : index
      %get3A_696 = tpu.vector_load %arg8[%get3A_694, %get3A_695] {strides = array<i32>} : memref<32x768xf32, #tpu.memory_space<vmem>>, vector<1x16xf32>,
      %get3A_697 = vector.shape_cast %get3A_696 : vector<1x16xf32> to vector<16xf32>
      %add3A_698 = arith.addf %get3A_693, %get3A_697 : vector<16xf32>
      %swap3A_699 = arith.index_cast %scan3A_145 : i32 to index
      %swap3A_700 = arith.constant 624 : index
      %swap3A_701 = tpu.vector_load %arg7[%swap3A_699, %swap3A_700] {strides = array<i32>} : memref<32x768xf32, #tpu.memory_space<vmem>>, vector<1x16xf32>,
      %swap3A_702 = vector.shape_cast %swap3A_701 : vector<1x16xf32> to vector<16xf32>
      %swap3A_703 = vector.shape_cast %add3A_698 : vector<16xf32> to vector<1x16xf32>
      tpu.vector_store %arg7[%swap3A_699, %swap3A_700], %swap3A_703 {strides = array<i32>} : memref<32x768xf32, #tpu.memory_space<vmem>>, vector<1x16xf32>,
      %get3A_704 = arith.index_cast %scan3A_145 : i32 to index
      %get3A_705 = arith.constant 640 : index
      %get3A_706 = tpu.vector_load %arg7[%get3A_704, %get3A_705] {strides = array<i32>} : memref<32x768xf32, #tpu.memory_space<vmem>>, vector<1x16xf32>,
      %get3A_707 = vector.shape_cast %get3A_706 : vector<1x16xf32> to vector<16xf32>
      %get3A_708 = arith.index_cast %scan3A_145 : i32 to index
      %get3A_709 = arith.constant 640 : index
      %get3A_710 = tpu.vector_load %arg8[%get3A_708, %get3A_709] {strides = array<i32>} : memref<32x768xf32, #tpu.memory_space<vmem>>, vector<1x16xf32>,
      %get3A_711 = vector.shape_cast %get3A_710 : vector<1x16xf32> to vector<16xf32>
      %add3A_712 = arith.addf %get3A_707, %get3A_711 : vector<16xf32>
      %swap3A_713 = arith.index_cast %scan3A_145 : i32 to index
      %swap3A_714 = arith.constant 640 : index
      %swap3A_715 = tpu.vector_load %arg7[%swap3A_713, %swap3A_714] {strides = array<i32>} : memref<32x768xf32, #tpu.memory_space<vmem>>, vector<1x16xf32>,
      %swap3A_716 = vector.shape_cast %swap3A_715 : vector<1x16xf32> to vector<16xf32>
      %swap3A_717 = vector.shape_cast %add3A_712 : vector<16xf32> to vector<1x16xf32>
      tpu.vector_store %arg7[%swap3A_713, %swap3A_714], %swap3A_717 {strides = array<i32>} : memref<32x768xf32, #tpu.memory_space<vmem>>, vector<1x16xf32>,
      %get3A_718 = arith.index_cast %scan3A_145 : i32 to index
      %get3A_719 = arith.constant 656 : index
      %get3A_720 = tpu.vector_load %arg7[%get3A_718, %get3A_719] {strides = array<i32>} : memref<32x768xf32, #tpu.memory_space<vmem>>, vector<1x16xf32>,
      %get3A_721 = vector.shape_cast %get3A_720 : vector<1x16xf32> to vector<16xf32>
      %get3A_722 = arith.index_cast %scan3A_145 : i32 to index
      %get3A_723 = arith.constant 656 : index
      %get3A_724 = tpu.vector_load %arg8[%get3A_722, %get3A_723] {strides = array<i32>} : memref<32x768xf32, #tpu.memory_space<vmem>>, vector<1x16xf32>,
      %get3A_725 = vector.shape_cast %get3A_724 : vector<1x16xf32> to vector<16xf32>
      %add3A_726 = arith.addf %get3A_721, %get3A_725 : vector<16xf32>
      %swap3A_727 = arith.index_cast %scan3A_145 : i32 to index
      %swap3A_728 = arith.constant 656 : index
      %swap3A_729 = tpu.vector_load %arg7[%swap3A_727, %swap3A_728] {strides = array<i32>} : memref<32x768xf32, #tpu.memory_space<vmem>>, vector<1x16xf32>,
      %swap3A_730 = vector.shape_cast %swap3A_729 : vector<1x16xf32> to vector<16xf32>
      %swap3A_731 = vector.shape_cast %add3A_726 : vector<16xf32> to vector<1x16xf32>
      tpu.vector_store %arg7[%swap3A_727, %swap3A_728], %swap3A_731 {strides = array<i32>} : memref<32x768xf32, #tpu.memory_space<vmem>>, vector<1x16xf32>,
      %get3A_732 = arith.index_cast %scan3A_145 : i32 to index
      %get3A_733 = arith.constant 672 : index
      %get3A_734 = tpu.vector_load %arg7[%get3A_732, %get3A_733] {strides = array<i32>} : memref<32x768xf32, #tpu.memory_space<vmem>>, vector<1x16xf32>,
      %get3A_735 = vector.shape_cast %get3A_734 : vector<1x16xf32> to vector<16xf32>
      %get3A_736 = arith.index_cast %scan3A_145 : i32 to index
      %get3A_737 = arith.constant 672 : index
      %get3A_738 = tpu.vector_load %arg8[%get3A_736, %get3A_737] {strides = array<i32>} : memref<32x768xf32, #tpu.memory_space<vmem>>, vector<1x16xf32>,
      %get3A_739 = vector.shape_cast %get3A_738 : vector<1x16xf32> to vector<16xf32>
      %add3A_740 = arith.addf %get3A_735, %get3A_739 : vector<16xf32>
      %swap3A_741 = arith.index_cast %scan3A_145 : i32 to index
      %swap3A_742 = arith.constant 672 : index
      %swap3A_743 = tpu.vector_load %arg7[%swap3A_741, %swap3A_742] {strides = array<i32>} : memref<32x768xf32, #tpu.memory_space<vmem>>, vector<1x16xf32>,
      %swap3A_744 = vector.shape_cast %swap3A_743 : vector<1x16xf32> to vector<16xf32>
      %swap3A_745 = vector.shape_cast %add3A_740 : vector<16xf32> to vector<1x16xf32>
      tpu.vector_store %arg7[%swap3A_741, %swap3A_742], %swap3A_745 {strides = array<i32>} : memref<32x768xf32, #tpu.memory_space<vmem>>, vector<1x16xf32>,
      %get3A_746 = arith.index_cast %scan3A_145 : i32 to index
      %get3A_747 = arith.constant 688 : index
      %get3A_748 = tpu.vector_load %arg7[%get3A_746, %get3A_747] {strides = array<i32>} : memref<32x768xf32, #tpu.memory_space<vmem>>, vector<1x16xf32>,
      %get3A_749 = vector.shape_cast %get3A_748 : vector<1x16xf32> to vector<16xf32>
      %get3A_750 = arith.index_cast %scan3A_145 : i32 to index
      %get3A_751 = arith.constant 688 : index
      %get3A_752 = tpu.vector_load %arg8[%get3A_750, %get3A_751] {strides = array<i32>} : memref<32x768xf32, #tpu.memory_space<vmem>>, vector<1x16xf32>,
      %get3A_753 = vector.shape_cast %get3A_752 : vector<1x16xf32> to vector<16xf32>
      %add3A_754 = arith.addf %get3A_749, %get3A_753 : vector<16xf32>
      %swap3A_755 = arith.index_cast %scan3A_145 : i32 to index
      %swap3A_756 = arith.constant 688 : index
      %swap3A_757 = tpu.vector_load %arg7[%swap3A_755, %swap3A_756] {strides = array<i32>} : memref<32x768xf32, #tpu.memory_space<vmem>>, vector<1x16xf32>,
      %swap3A_758 = vector.shape_cast %swap3A_757 : vector<1x16xf32> to vector<16xf32>
      %swap3A_759 = vector.shape_cast %add3A_754 : vector<16xf32> to vector<1x16xf32>
      tpu.vector_store %arg7[%swap3A_755, %swap3A_756], %swap3A_759 {strides = array<i32>} : memref<32x768xf32, #tpu.memory_space<vmem>>, vector<1x16xf32>,
      %get3A_760 = arith.index_cast %scan3A_145 : i32 to index
      %get3A_761 = arith.constant 704 : index
      %get3A_762 = tpu.vector_load %arg7[%get3A_760, %get3A_761] {strides = array<i32>} : memref<32x768xf32, #tpu.memory_space<vmem>>, vector<1x16xf32>,
      %get3A_763 = vector.shape_cast %get3A_762 : vector<1x16xf32> to vector<16xf32>
      %get3A_764 = arith.index_cast %scan3A_145 : i32 to index
      %get3A_765 = arith.constant 704 : index
      %get3A_766 = tpu.vector_load %arg8[%get3A_764, %get3A_765] {strides = array<i32>} : memref<32x768xf32, #tpu.memory_space<vmem>>, vector<1x16xf32>,
      %get3A_767 = vector.shape_cast %get3A_766 : vector<1x16xf32> to vector<16xf32>
      %add3A_768 = arith.addf %get3A_763, %get3A_767 : vector<16xf32>
      %swap3A_769 = arith.index_cast %scan3A_145 : i32 to index
      %swap3A_770 = arith.constant 704 : index
      %swap3A_771 = tpu.vector_load %arg7[%swap3A_769, %swap3A_770] {strides = array<i32>} : memref<32x768xf32, #tpu.memory_space<vmem>>, vector<1x16xf32>,
      %swap3A_772 = vector.shape_cast %swap3A_771 : vector<1x16xf32> to vector<16xf32>
      %swap3A_773 = vector.shape_cast %add3A_768 : vector<16xf32> to vector<1x16xf32>
      tpu.vector_store %arg7[%swap3A_769, %swap3A_770], %swap3A_773 {strides = array<i32>} : memref<32x768xf32, #tpu.memory_space<vmem>>, vector<1x16xf32>,
      %get3A_774 = arith.index_cast %scan3A_145 : i32 to index
      %get3A_775 = arith.constant 720 : index
      %get3A_776 = tpu.vector_load %arg7[%get3A_774, %get3A_775] {strides = array<i32>} : memref<32x768xf32, #tpu.memory_space<vmem>>, vector<1x16xf32>,
      %get3A_777 = vector.shape_cast %get3A_776 : vector<1x16xf32> to vector<16xf32>
      %get3A_778 = arith.index_cast %scan3A_145 : i32 to index
      %get3A_779 = arith.constant 720 : index
      %get3A_780 = tpu.vector_load %arg8[%get3A_778, %get3A_779] {strides = array<i32>} : memref<32x768xf32, #tpu.memory_space<vmem>>, vector<1x16xf32>,
      %get3A_781 = vector.shape_cast %get3A_780 : vector<1x16xf32> to vector<16xf32>
      %add3A_782 = arith.addf %get3A_777, %get3A_781 : vector<16xf32>
      %swap3A_783 = arith.index_cast %scan3A_145 : i32 to index
      %swap3A_784 = arith.constant 720 : index
      %swap3A_785 = tpu.vector_load %arg7[%swap3A_783, %swap3A_784] {strides = array<i32>} : memref<32x768xf32, #tpu.memory_space<vmem>>, vector<1x16xf32>,
      %swap3A_786 = vector.shape_cast %swap3A_785 : vector<1x16xf32> to vector<16xf32>
      %swap3A_787 = vector.shape_cast %add3A_782 : vector<16xf32> to vector<1x16xf32>
      tpu.vector_store %arg7[%swap3A_783, %swap3A_784], %swap3A_787 {strides = array<i32>} : memref<32x768xf32, #tpu.memory_space<vmem>>, vector<1x16xf32>,
      %get3A_788 = arith.index_cast %scan3A_145 : i32 to index
      %get3A_789 = arith.constant 736 : index
      %get3A_790 = tpu.vector_load %arg7[%get3A_788, %get3A_789] {strides = array<i32>} : memref<32x768xf32, #tpu.memory_space<vmem>>, vector<1x16xf32>,
      %get3A_791 = vector.shape_cast %get3A_790 : vector<1x16xf32> to vector<16xf32>
      %get3A_792 = arith.index_cast %scan3A_145 : i32 to index
      %get3A_793 = arith.constant 736 : index
      %get3A_794 = tpu.vector_load %arg8[%get3A_792, %get3A_793] {strides = array<i32>} : memref<32x768xf32, #tpu.memory_space<vmem>>, vector<1x16xf32>,
      %get3A_795 = vector.shape_cast %get3A_794 : vector<1x16xf32> to vector<16xf32>
      %add3A_796 = arith.addf %get3A_791, %get3A_795 : vector<16xf32>
      %swap3A_797 = arith.index_cast %scan3A_145 : i32 to index
      %swap3A_798 = arith.constant 736 : index
      %swap3A_799 = tpu.vector_load %arg7[%swap3A_797, %swap3A_798] {strides = array<i32>} : memref<32x768xf32, #tpu.memory_space<vmem>>, vector<1x16xf32>,
      %swap3A_800 = vector.shape_cast %swap3A_799 : vector<1x16xf32> to vector<16xf32>
      %swap3A_801 = vector.shape_cast %add3A_796 : vector<16xf32> to vector<1x16xf32>
      tpu.vector_store %arg7[%swap3A_797, %swap3A_798], %swap3A_801 {strides = array<i32>} : memref<32x768xf32, #tpu.memory_space<vmem>>, vector<1x16xf32>,
      %get3A_802 = arith.index_cast %scan3A_145 : i32 to index
      %get3A_803 = arith.constant 752 : index
      %get3A_804 = tpu.vector_load %arg7[%get3A_802, %get3A_803] {strides = array<i32>} : memref<32x768xf32, #tpu.memory_space<vmem>>, vector<1x16xf32>,
      %get3A_805 = vector.shape_cast %get3A_804 : vector<1x16xf32> to vector<16xf32>
      %get3A_806 = arith.index_cast %scan3A_145 : i32 to index
      %get3A_807 = arith.constant 752 : index
      %get3A_808 = tpu.vector_load %arg8[%get3A_806, %get3A_807] {strides = array<i32>} : memref<32x768xf32, #tpu.memory_space<vmem>>, vector<1x16xf32>,
      %get3A_809 = vector.shape_cast %get3A_808 : vector<1x16xf32> to vector<16xf32>
      %add3A_810 = arith.addf %get3A_805, %get3A_809 : vector<16xf32>
      %swap3A_811 = arith.index_cast %scan3A_145 : i32 to index
      %swap3A_812 = arith.constant 752 : index
      %swap3A_813 = tpu.vector_load %arg7[%swap3A_811, %swap3A_812] {strides = array<i32>} : memref<32x768xf32, #tpu.memory_space<vmem>>, vector<1x16xf32>,
      %swap3A_814 = vector.shape_cast %swap3A_813 : vector<1x16xf32> to vector<16xf32>
      %swap3A_815 = vector.shape_cast %add3A_810 : vector<16xf32> to vector<1x16xf32>
      tpu.vector_store %arg7[%swap3A_811, %swap3A_812], %swap3A_815 {strides = array<i32>} : memref<32x768xf32, #tpu.memory_space<vmem>>, vector<1x16xf32>,
    }
    %scan3A_108 = arith.constant 32 : i32
    %add3A_109 = arith.constant 64 : i32
    %add3A_110 = arith.addi %mul3A_2, %add3A_109 : i32
    %dma_start3A_111 = arith.constant 0 : i32
    %dma_start3A_112 = tpu.memref_slice %arg4[%add3A_110, %dma_start3A_111] : memref<4096x768xf32, #tpu.memory_space<hbm>> -> memref<32x768xf32, #tpu.memory_space<hbm>>
    %dma_start3A_113 = arith.constant 0 : i32
    %dma_start3A_114 = tpu.memref_slice %arg4[%add3A_110, %dma_start3A_113] : memref<4096x768xf32, #tpu.memory_space<hbm>> -> memref<32x768xf32, #tpu.memory_space<hbm>>
    tpu.enqueue_dma source(%arg7 : memref<32x768xf32, #tpu.memory_space<vmem>>) target(%dma_start3A_114 : memref<32x768xf32, #tpu.memory_space<hbm>>) target_semaphore(%arg13 : memref<!tpu.dma_semaphore, #tpu.memory_space<semaphore_mem>>)
    %dma_wait3A_115 = arith.constant 96 : i32
    %dma_wait3A_116 = tpu.memref_slice %arg5[%dma_wait3A_115] : memref<128xi32, #tpu.memory_space<vmem>> -> memref<32xi32, #tpu.memory_space<vmem>>
    %dma_wait3A_117 = arith.constant 0 : i32
    %dma_wait3A_118 = arith.constant 0 : i32
    %dma_wait3A_119 = tpu.memref_slice %arg2[%dma_wait3A_117, %dma_wait3A_118] : memref<24832x768xf32, #tpu.memory_space<hbm>> -> memref<24832x768xf32, #tpu.memory_space<hbm>>
    tpu.wait_indirect_dma semaphore(%arg12 : memref<!tpu.dma_semaphore, #tpu.memory_space<semaphore_mem>>) src(%dma_wait3A_119 : memref<24832x768xf32, #tpu.memory_space<hbm>>) dst(%arg9 : memref<32x768xf32, #tpu.memory_space<vmem>>)
    %dma_wait3A_120 = arith.constant 96 : i32
    %dma_wait3A_121 = tpu.memref_slice %arg6[%dma_wait3A_120] : memref<128xi32, #tpu.memory_space<vmem>> -> memref<32xi32, #tpu.memory_space<vmem>>
    %dma_wait3A_122 = arith.constant 0 : i32
    %dma_wait3A_123 = arith.constant 0 : i32
    %dma_wait3A_124 = tpu.memref_slice %arg2[%dma_wait3A_122, %dma_wait3A_123] : memref<24832x768xf32, #tpu.memory_space<hbm>> -> memref<24832x768xf32, #tpu.memory_space<hbm>>
    tpu.wait_indirect_dma semaphore(%arg12 : memref<!tpu.dma_semaphore, #tpu.memory_space<semaphore_mem>>) src(%dma_wait3A_124 : memref<24832x768xf32, #tpu.memory_space<hbm>>) dst(%arg10 : memref<32x768xf32, #tpu.memory_space<vmem>>)
    %scan3A_125 = arith.constant 0 : i32
    %scan3A_126 = arith.constant 0 : i32
    %scan3A_127 = arith.constant 32 : i32
    %scan3A_128 = arith.addi %scan3A_126, %scan3A_127 : i32
    %scan3A_129 = arith.constant 1 : i32
    scf.for %scan3A_145 = %scan3A_126 to %scan3A_128 step %scan3A_129  : i32 {
      %get3A = arith.index_cast %scan3A_145 : i32 to index
      %get3A_146 = arith.constant 0 : index
      %get3A_147 = tpu.vector_load %arg9[%get3A, %get3A_146] {strides = array<i32>} : memref<32x768xf32, #tpu.memory_space<vmem>>, vector<1x16xf32>,
      %get3A_148 = vector.shape_cast %get3A_147 : vector<1x16xf32> to vector<16xf32>
      %get3A_149 = arith.index_cast %scan3A_145 : i32 to index
      %get3A_150 = arith.constant 0 : index
      %get3A_151 = tpu.vector_load %arg10[%get3A_149, %get3A_150] {strides = array<i32>} : memref<32x768xf32, #tpu.memory_space<vmem>>, vector<1x16xf32>,
      %get3A_152 = vector.shape_cast %get3A_151 : vector<1x16xf32> to vector<16xf32>
      %add3A_153 = arith.addf %get3A_148, %get3A_152 : vector<16xf32>
      %swap3A = arith.index_cast %scan3A_145 : i32 to index
      %swap3A_154 = arith.constant 0 : index
      %swap3A_155 = tpu.vector_load %arg9[%swap3A, %swap3A_154] {strides = array<i32>} : memref<32x768xf32, #tpu.memory_space<vmem>>, vector<1x16xf32>,
      %swap3A_156 = vector.shape_cast %swap3A_155 : vector<1x16xf32> to vector<16xf32>
      %swap3A_157 = vector.shape_cast %add3A_153 : vector<16xf32> to vector<1x16xf32>
      tpu.vector_store %arg9[%swap3A, %swap3A_154], %swap3A_157 {strides = array<i32>} : memref<32x768xf32, #tpu.memory_space<vmem>>, vector<1x16xf32>,
      %get3A_158 = arith.index_cast %scan3A_145 : i32 to index
      %get3A_159 = arith.constant 16 : index
      %get3A_160 = tpu.vector_load %arg9[%get3A_158, %get3A_159] {strides = array<i32>} : memref<32x768xf32, #tpu.memory_space<vmem>>, vector<1x16xf32>,
      %get3A_161 = vector.shape_cast %get3A_160 : vector<1x16xf32> to vector<16xf32>
      %get3A_162 = arith.index_cast %scan3A_145 : i32 to index
      %get3A_163 = arith.constant 16 : index
      %get3A_164 = tpu.vector_load %arg10[%get3A_162, %get3A_163] {strides = array<i32>} : memref<32x768xf32, #tpu.memory_space<vmem>>, vector<1x16xf32>,
      %get3A_165 = vector.shape_cast %get3A_164 : vector<1x16xf32> to vector<16xf32>
      %add3A_166 = arith.addf %get3A_161, %get3A_165 : vector<16xf32>
      %swap3A_167 = arith.index_cast %scan3A_145 : i32 to index
      %swap3A_168 = arith.constant 16 : index
      %swap3A_169 = tpu.vector_load %arg9[%swap3A_167, %swap3A_168] {strides = array<i32>} : memref<32x768xf32, #tpu.memory_space<vmem>>, vector<1x16xf32>,
      %swap3A_170 = vector.shape_cast %swap3A_169 : vector<1x16xf32> to vector<16xf32>
      %swap3A_171 = vector.shape_cast %add3A_166 : vector<16xf32> to vector<1x16xf32>
      tpu.vector_store %arg9[%swap3A_167, %swap3A_168], %swap3A_171 {strides = array<i32>} : memref<32x768xf32, #tpu.memory_space<vmem>>, vector<1x16xf32>,
      %get3A_172 = arith.index_cast %scan3A_145 : i32 to index
      %get3A_173 = arith.constant 32 : index
      %get3A_174 = tpu.vector_load %arg9[%get3A_172, %get3A_173] {strides = array<i32>} : memref<32x768xf32, #tpu.memory_space<vmem>>, vector<1x16xf32>,
      %get3A_175 = vector.shape_cast %get3A_174 : vector<1x16xf32> to vector<16xf32>
      %get3A_176 = arith.index_cast %scan3A_145 : i32 to index
      %get3A_177 = arith.constant 32 : index
      %get3A_178 = tpu.vector_load %arg10[%get3A_176, %get3A_177] {strides = array<i32>} : memref<32x768xf32, #tpu.memory_space<vmem>>, vector<1x16xf32>,
      %get3A_179 = vector.shape_cast %get3A_178 : vector<1x16xf32> to vector<16xf32>
      %add3A_180 = arith.addf %get3A_175, %get3A_179 : vector<16xf32>
      %swap3A_181 = arith.index_cast %scan3A_145 : i32 to index
      %swap3A_182 = arith.constant 32 : index
      %swap3A_183 = tpu.vector_load %arg9[%swap3A_181, %swap3A_182] {strides = array<i32>} : memref<32x768xf32, #tpu.memory_space<vmem>>, vector<1x16xf32>,
      %swap3A_184 = vector.shape_cast %swap3A_183 : vector<1x16xf32> to vector<16xf32>
      %swap3A_185 = vector.shape_cast %add3A_180 : vector<16xf32> to vector<1x16xf32>
      tpu.vector_store %arg9[%swap3A_181, %swap3A_182], %swap3A_185 {strides = array<i32>} : memref<32x768xf32, #tpu.memory_space<vmem>>, vector<1x16xf32>,
      %get3A_186 = arith.index_cast %scan3A_145 : i32 to index
      %get3A_187 = arith.constant 48 : index
      %get3A_188 = tpu.vector_load %arg9[%get3A_186, %get3A_187] {strides = array<i32>} : memref<32x768xf32, #tpu.memory_space<vmem>>, vector<1x16xf32>,
      %get3A_189 = vector.shape_cast %get3A_188 : vector<1x16xf32> to vector<16xf32>
      %get3A_190 = arith.index_cast %scan3A_145 : i32 to index
      %get3A_191 = arith.constant 48 : index
      %get3A_192 = tpu.vector_load %arg10[%get3A_190, %get3A_191] {strides = array<i32>} : memref<32x768xf32, #tpu.memory_space<vmem>>, vector<1x16xf32>,
      %get3A_193 = vector.shape_cast %get3A_192 : vector<1x16xf32> to vector<16xf32>
      %add3A_194 = arith.addf %get3A_189, %get3A_193 : vector<16xf32>
      %swap3A_195 = arith.index_cast %scan3A_145 : i32 to index
      %swap3A_196 = arith.constant 48 : index
      %swap3A_197 = tpu.vector_load %arg9[%swap3A_195, %swap3A_196] {strides = array<i32>} : memref<32x768xf32, #tpu.memory_space<vmem>>, vector<1x16xf32>,
      %swap3A_198 = vector.shape_cast %swap3A_197 : vector<1x16xf32> to vector<16xf32>
      %swap3A_199 = vector.shape_cast %add3A_194 : vector<16xf32> to vector<1x16xf32>
      tpu.vector_store %arg9[%swap3A_195, %swap3A_196], %swap3A_199 {strides = array<i32>} : memref<32x768xf32, #tpu.memory_space<vmem>>, vector<1x16xf32>,
      %get3A_200 = arith.index_cast %scan3A_145 : i32 to index
      %get3A_201 = arith.constant 64 : index
      %get3A_202 = tpu.vector_load %arg9[%get3A_200, %get3A_201] {strides = array<i32>} : memref<32x768xf32, #tpu.memory_space<vmem>>, vector<1x16xf32>,
      %get3A_203 = vector.shape_cast %get3A_202 : vector<1x16xf32> to vector<16xf32>
      %get3A_204 = arith.index_cast %scan3A_145 : i32 to index
      %get3A_205 = arith.constant 64 : index
      %get3A_206 = tpu.vector_load %arg10[%get3A_204, %get3A_205] {strides = array<i32>} : memref<32x768xf32, #tpu.memory_space<vmem>>, vector<1x16xf32>,
      %get3A_207 = vector.shape_cast %get3A_206 : vector<1x16xf32> to vector<16xf32>
      %add3A_208 = arith.addf %get3A_203, %get3A_207 : vector<16xf32>
      %swap3A_209 = arith.index_cast %scan3A_145 : i32 to index
      %swap3A_210 = arith.constant 64 : index
      %swap3A_211 = tpu.vector_load %arg9[%swap3A_209, %swap3A_210] {strides = array<i32>} : memref<32x768xf32, #tpu.memory_space<vmem>>, vector<1x16xf32>,
      %swap3A_212 = vector.shape_cast %swap3A_211 : vector<1x16xf32> to vector<16xf32>
      %swap3A_213 = vector.shape_cast %add3A_208 : vector<16xf32> to vector<1x16xf32>
      tpu.vector_store %arg9[%swap3A_209, %swap3A_210], %swap3A_213 {strides = array<i32>} : memref<32x768xf32, #tpu.memory_space<vmem>>, vector<1x16xf32>,
      %get3A_214 = arith.index_cast %scan3A_145 : i32 to index
      %get3A_215 = arith.constant 80 : index
      %get3A_216 = tpu.vector_load %arg9[%get3A_214, %get3A_215] {strides = array<i32>} : memref<32x768xf32, #tpu.memory_space<vmem>>, vector<1x16xf32>,
      %get3A_217 = vector.shape_cast %get3A_216 : vector<1x16xf32> to vector<16xf32>
      %get3A_218 = arith.index_cast %scan3A_145 : i32 to index
      %get3A_219 = arith.constant 80 : index
      %get3A_220 = tpu.vector_load %arg10[%get3A_218, %get3A_219] {strides = array<i32>} : memref<32x768xf32, #tpu.memory_space<vmem>>, vector<1x16xf32>,
      %get3A_221 = vector.shape_cast %get3A_220 : vector<1x16xf32> to vector<16xf32>
      %add3A_222 = arith.addf %get3A_217, %get3A_221 : vector<16xf32>
      %swap3A_223 = arith.index_cast %scan3A_145 : i32 to index
      %swap3A_224 = arith.constant 80 : index
      %swap3A_225 = tpu.vector_load %arg9[%swap3A_223, %swap3A_224] {strides = array<i32>} : memref<32x768xf32, #tpu.memory_space<vmem>>, vector<1x16xf32>,
      %swap3A_226 = vector.shape_cast %swap3A_225 : vector<1x16xf32> to vector<16xf32>
      %swap3A_227 = vector.shape_cast %add3A_222 : vector<16xf32> to vector<1x16xf32>
      tpu.vector_store %arg9[%swap3A_223, %swap3A_224], %swap3A_227 {strides = array<i32>} : memref<32x768xf32, #tpu.memory_space<vmem>>, vector<1x16xf32>,
      %get3A_228 = arith.index_cast %scan3A_145 : i32 to index
      %get3A_229 = arith.constant 96 : index
      %get3A_230 = tpu.vector_load %arg9[%get3A_228, %get3A_229] {strides = array<i32>} : memref<32x768xf32, #tpu.memory_space<vmem>>, vector<1x16xf32>,
      %get3A_231 = vector.shape_cast %get3A_230 : vector<1x16xf32> to vector<16xf32>
      %get3A_232 = arith.index_cast %scan3A_145 : i32 to index
      %get3A_233 = arith.constant 96 : index
      %get3A_234 = tpu.vector_load %arg10[%get3A_232, %get3A_233] {strides = array<i32>} : memref<32x768xf32, #tpu.memory_space<vmem>>, vector<1x16xf32>,
      %get3A_235 = vector.shape_cast %get3A_234 : vector<1x16xf32> to vector<16xf32>
      %add3A_236 = arith.addf %get3A_231, %get3A_235 : vector<16xf32>
      %swap3A_237 = arith.index_cast %scan3A_145 : i32 to index
      %swap3A_238 = arith.constant 96 : index
      %swap3A_239 = tpu.vector_load %arg9[%swap3A_237, %swap3A_238] {strides = array<i32>} : memref<32x768xf32, #tpu.memory_space<vmem>>, vector<1x16xf32>,
      %swap3A_240 = vector.shape_cast %swap3A_239 : vector<1x16xf32> to vector<16xf32>
      %swap3A_241 = vector.shape_cast %add3A_236 : vector<16xf32> to vector<1x16xf32>
      tpu.vector_store %arg9[%swap3A_237, %swap3A_238], %swap3A_241 {strides = array<i32>} : memref<32x768xf32, #tpu.memory_space<vmem>>, vector<1x16xf32>,
      %get3A_242 = arith.index_cast %scan3A_145 : i32 to index
      %get3A_243 = arith.constant 112 : index
      %get3A_244 = tpu.vector_load %arg9[%get3A_242, %get3A_243] {strides = array<i32>} : memref<32x768xf32, #tpu.memory_space<vmem>>, vector<1x16xf32>,
      %get3A_245 = vector.shape_cast %get3A_244 : vector<1x16xf32> to vector<16xf32>
      %get3A_246 = arith.index_cast %scan3A_145 : i32 to index
      %get3A_247 = arith.constant 112 : index
      %get3A_248 = tpu.vector_load %arg10[%get3A_246, %get3A_247] {strides = array<i32>} : memref<32x768xf32, #tpu.memory_space<vmem>>, vector<1x16xf32>,
      %get3A_249 = vector.shape_cast %get3A_248 : vector<1x16xf32> to vector<16xf32>
      %add3A_250 = arith.addf %get3A_245, %get3A_249 : vector<16xf32>
      %swap3A_251 = arith.index_cast %scan3A_145 : i32 to index
      %swap3A_252 = arith.constant 112 : index
      %swap3A_253 = tpu.vector_load %arg9[%swap3A_251, %swap3A_252] {strides = array<i32>} : memref<32x768xf32, #tpu.memory_space<vmem>>, vector<1x16xf32>,
      %swap3A_254 = vector.shape_cast %swap3A_253 : vector<1x16xf32> to vector<16xf32>
      %swap3A_255 = vector.shape_cast %add3A_250 : vector<16xf32> to vector<1x16xf32>
      tpu.vector_store %arg9[%swap3A_251, %swap3A_252], %swap3A_255 {strides = array<i32>} : memref<32x768xf32, #tpu.memory_space<vmem>>, vector<1x16xf32>,
      %get3A_256 = arith.index_cast %scan3A_145 : i32 to index
      %get3A_257 = arith.constant 128 : index
      %get3A_258 = tpu.vector_load %arg9[%get3A_256, %get3A_257] {strides = array<i32>} : memref<32x768xf32, #tpu.memory_space<vmem>>, vector<1x16xf32>,
      %get3A_259 = vector.shape_cast %get3A_258 : vector<1x16xf32> to vector<16xf32>
      %get3A_260 = arith.index_cast %scan3A_145 : i32 to index
      %get3A_261 = arith.constant 128 : index
      %get3A_262 = tpu.vector_load %arg10[%get3A_260, %get3A_261] {strides = array<i32>} : memref<32x768xf32, #tpu.memory_space<vmem>>, vector<1x16xf32>,
      %get3A_263 = vector.shape_cast %get3A_262 : vector<1x16xf32> to vector<16xf32>
      %add3A_264 = arith.addf %get3A_259, %get3A_263 : vector<16xf32>
      %swap3A_265 = arith.index_cast %scan3A_145 : i32 to index
      %swap3A_266 = arith.constant 128 : index
      %swap3A_267 = tpu.vector_load %arg9[%swap3A_265, %swap3A_266] {strides = array<i32>} : memref<32x768xf32, #tpu.memory_space<vmem>>, vector<1x16xf32>,
      %swap3A_268 = vector.shape_cast %swap3A_267 : vector<1x16xf32> to vector<16xf32>
      %swap3A_269 = vector.shape_cast %add3A_264 : vector<16xf32> to vector<1x16xf32>
      tpu.vector_store %arg9[%swap3A_265, %swap3A_266], %swap3A_269 {strides = array<i32>} : memref<32x768xf32, #tpu.memory_space<vmem>>, vector<1x16xf32>,
      %get3A_270 = arith.index_cast %scan3A_145 : i32 to index
      %get3A_271 = arith.constant 144 : index
      %get3A_272 = tpu.vector_load %arg9[%get3A_270, %get3A_271] {strides = array<i32>} : memref<32x768xf32, #tpu.memory_space<vmem>>, vector<1x16xf32>,
      %get3A_273 = vector.shape_cast %get3A_272 : vector<1x16xf32> to vector<16xf32>
      %get3A_274 = arith.index_cast %scan3A_145 : i32 to index
      %get3A_275 = arith.constant 144 : index
      %get3A_276 = tpu.vector_load %arg10[%get3A_274, %get3A_275] {strides = array<i32>} : memref<32x768xf32, #tpu.memory_space<vmem>>, vector<1x16xf32>,
      %get3A_277 = vector.shape_cast %get3A_276 : vector<1x16xf32> to vector<16xf32>
      %add3A_278 = arith.addf %get3A_273, %get3A_277 : vector<16xf32>
      %swap3A_279 = arith.index_cast %scan3A_145 : i32 to index
      %swap3A_280 = arith.constant 144 : index
      %swap3A_281 = tpu.vector_load %arg9[%swap3A_279, %swap3A_280] {strides = array<i32>} : memref<32x768xf32, #tpu.memory_space<vmem>>, vector<1x16xf32>,
      %swap3A_282 = vector.shape_cast %swap3A_281 : vector<1x16xf32> to vector<16xf32>
      %swap3A_283 = vector.shape_cast %add3A_278 : vector<16xf32> to vector<1x16xf32>
      tpu.vector_store %arg9[%swap3A_279, %swap3A_280], %swap3A_283 {strides = array<i32>} : memref<32x768xf32, #tpu.memory_space<vmem>>, vector<1x16xf32>,
      %get3A_284 = arith.index_cast %scan3A_145 : i32 to index
      %get3A_285 = arith.constant 160 : index
      %get3A_286 = tpu.vector_load %arg9[%get3A_284, %get3A_285] {strides = array<i32>} : memref<32x768xf32, #tpu.memory_space<vmem>>, vector<1x16xf32>,
      %get3A_287 = vector.shape_cast %get3A_286 : vector<1x16xf32> to vector<16xf32>
      %get3A_288 = arith.index_cast %scan3A_145 : i32 to index
      %get3A_289 = arith.constant 160 : index
      %get3A_290 = tpu.vector_load %arg10[%get3A_288, %get3A_289] {strides = array<i32>} : memref<32x768xf32, #tpu.memory_space<vmem>>, vector<1x16xf32>,
      %get3A_291 = vector.shape_cast %get3A_290 : vector<1x16xf32> to vector<16xf32>
      %add3A_292 = arith.addf %get3A_287, %get3A_291 : vector<16xf32>
      %swap3A_293 = arith.index_cast %scan3A_145 : i32 to index
      %swap3A_294 = arith.constant 160 : index
      %swap3A_295 = tpu.vector_load %arg9[%swap3A_293, %swap3A_294] {strides = array<i32>} : memref<32x768xf32, #tpu.memory_space<vmem>>, vector<1x16xf32>,
      %swap3A_296 = vector.shape_cast %swap3A_295 : vector<1x16xf32> to vector<16xf32>
      %swap3A_297 = vector.shape_cast %add3A_292 : vector<16xf32> to vector<1x16xf32>
      tpu.vector_store %arg9[%swap3A_293, %swap3A_294], %swap3A_297 {strides = array<i32>} : memref<32x768xf32, #tpu.memory_space<vmem>>, vector<1x16xf32>,
      %get3A_298 = arith.index_cast %scan3A_145 : i32 to index
      %get3A_299 = arith.constant 176 : index
      %get3A_300 = tpu.vector_load %arg9[%get3A_298, %get3A_299] {strides = array<i32>} : memref<32x768xf32, #tpu.memory_space<vmem>>, vector<1x16xf32>,
      %get3A_301 = vector.shape_cast %get3A_300 : vector<1x16xf32> to vector<16xf32>
      %get3A_302 = arith.index_cast %scan3A_145 : i32 to index
      %get3A_303 = arith.constant 176 : index
      %get3A_304 = tpu.vector_load %arg10[%get3A_302, %get3A_303] {strides = array<i32>} : memref<32x768xf32, #tpu.memory_space<vmem>>, vector<1x16xf32>,
      %get3A_305 = vector.shape_cast %get3A_304 : vector<1x16xf32> to vector<16xf32>
      %add3A_306 = arith.addf %get3A_301, %get3A_305 : vector<16xf32>
      %swap3A_307 = arith.index_cast %scan3A_145 : i32 to index
      %swap3A_308 = arith.constant 176 : index
      %swap3A_309 = tpu.vector_load %arg9[%swap3A_307, %swap3A_308] {strides = array<i32>} : memref<32x768xf32, #tpu.memory_space<vmem>>, vector<1x16xf32>,
      %swap3A_310 = vector.shape_cast %swap3A_309 : vector<1x16xf32> to vector<16xf32>
      %swap3A_311 = vector.shape_cast %add3A_306 : vector<16xf32> to vector<1x16xf32>
      tpu.vector_store %arg9[%swap3A_307, %swap3A_308], %swap3A_311 {strides = array<i32>} : memref<32x768xf32, #tpu.memory_space<vmem>>, vector<1x16xf32>,
      %get3A_312 = arith.index_cast %scan3A_145 : i32 to index
      %get3A_313 = arith.constant 192 : index
      %get3A_314 = tpu.vector_load %arg9[%get3A_312, %get3A_313] {strides = array<i32>} : memref<32x768xf32, #tpu.memory_space<vmem>>, vector<1x16xf32>,
      %get3A_315 = vector.shape_cast %get3A_314 : vector<1x16xf32> to vector<16xf32>
      %get3A_316 = arith.index_cast %scan3A_145 : i32 to index
      %get3A_317 = arith.constant 192 : index
      %get3A_318 = tpu.vector_load %arg10[%get3A_316, %get3A_317] {strides = array<i32>} : memref<32x768xf32, #tpu.memory_space<vmem>>, vector<1x16xf32>,
      %get3A_319 = vector.shape_cast %get3A_318 : vector<1x16xf32> to vector<16xf32>
      %add3A_320 = arith.addf %get3A_315, %get3A_319 : vector<16xf32>
      %swap3A_321 = arith.index_cast %scan3A_145 : i32 to index
      %swap3A_322 = arith.constant 192 : index
      %swap3A_323 = tpu.vector_load %arg9[%swap3A_321, %swap3A_322] {strides = array<i32>} : memref<32x768xf32, #tpu.memory_space<vmem>>, vector<1x16xf32>,
      %swap3A_324 = vector.shape_cast %swap3A_323 : vector<1x16xf32> to vector<16xf32>
      %swap3A_325 = vector.shape_cast %add3A_320 : vector<16xf32> to vector<1x16xf32>
      tpu.vector_store %arg9[%swap3A_321, %swap3A_322], %swap3A_325 {strides = array<i32>} : memref<32x768xf32, #tpu.memory_space<vmem>>, vector<1x16xf32>,
      %get3A_326 = arith.index_cast %scan3A_145 : i32 to index
      %get3A_327 = arith.constant 208 : index
      %get3A_328 = tpu.vector_load %arg9[%get3A_326, %get3A_327] {strides = array<i32>} : memref<32x768xf32, #tpu.memory_space<vmem>>, vector<1x16xf32>,
      %get3A_329 = vector.shape_cast %get3A_328 : vector<1x16xf32> to vector<16xf32>
      %get3A_330 = arith.index_cast %scan3A_145 : i32 to index
      %get3A_331 = arith.constant 208 : index
      %get3A_332 = tpu.vector_load %arg10[%get3A_330, %get3A_331] {strides = array<i32>} : memref<32x768xf32, #tpu.memory_space<vmem>>, vector<1x16xf32>,
      %get3A_333 = vector.shape_cast %get3A_332 : vector<1x16xf32> to vector<16xf32>
      %add3A_334 = arith.addf %get3A_329, %get3A_333 : vector<16xf32>
      %swap3A_335 = arith.index_cast %scan3A_145 : i32 to index
      %swap3A_336 = arith.constant 208 : index
      %swap3A_337 = tpu.vector_load %arg9[%swap3A_335, %swap3A_336] {strides = array<i32>} : memref<32x768xf32, #tpu.memory_space<vmem>>, vector<1x16xf32>,
      %swap3A_338 = vector.shape_cast %swap3A_337 : vector<1x16xf32> to vector<16xf32>
      %swap3A_339 = vector.shape_cast %add3A_334 : vector<16xf32> to vector<1x16xf32>
      tpu.vector_store %arg9[%swap3A_335, %swap3A_336], %swap3A_339 {strides = array<i32>} : memref<32x768xf32, #tpu.memory_space<vmem>>, vector<1x16xf32>,
      %get3A_340 = arith.index_cast %scan3A_145 : i32 to index
      %get3A_341 = arith.constant 224 : index
      %get3A_342 = tpu.vector_load %arg9[%get3A_340, %get3A_341] {strides = array<i32>} : memref<32x768xf32, #tpu.memory_space<vmem>>, vector<1x16xf32>,
      %get3A_343 = vector.shape_cast %get3A_342 : vector<1x16xf32> to vector<16xf32>
      %get3A_344 = arith.index_cast %scan3A_145 : i32 to index
      %get3A_345 = arith.constant 224 : index
      %get3A_346 = tpu.vector_load %arg10[%get3A_344, %get3A_345] {strides = array<i32>} : memref<32x768xf32, #tpu.memory_space<vmem>>, vector<1x16xf32>,
      %get3A_347 = vector.shape_cast %get3A_346 : vector<1x16xf32> to vector<16xf32>
      %add3A_348 = arith.addf %get3A_343, %get3A_347 : vector<16xf32>
      %swap3A_349 = arith.index_cast %scan3A_145 : i32 to index
      %swap3A_350 = arith.constant 224 : index
      %swap3A_351 = tpu.vector_load %arg9[%swap3A_349, %swap3A_350] {strides = array<i32>} : memref<32x768xf32, #tpu.memory_space<vmem>>, vector<1x16xf32>,
      %swap3A_352 = vector.shape_cast %swap3A_351 : vector<1x16xf32> to vector<16xf32>
      %swap3A_353 = vector.shape_cast %add3A_348 : vector<16xf32> to vector<1x16xf32>
      tpu.vector_store %arg9[%swap3A_349, %swap3A_350], %swap3A_353 {strides = array<i32>} : memref<32x768xf32, #tpu.memory_space<vmem>>, vector<1x16xf32>,
      %get3A_354 = arith.index_cast %scan3A_145 : i32 to index
      %get3A_355 = arith.constant 240 : index
      %get3A_356 = tpu.vector_load %arg9[%get3A_354, %get3A_355] {strides = array<i32>} : memref<32x768xf32, #tpu.memory_space<vmem>>, vector<1x16xf32>,
      %get3A_357 = vector.shape_cast %get3A_356 : vector<1x16xf32> to vector<16xf32>
      %get3A_358 = arith.index_cast %scan3A_145 : i32 to index
      %get3A_359 = arith.constant 240 : index
      %get3A_360 = tpu.vector_load %arg10[%get3A_358, %get3A_359] {strides = array<i32>} : memref<32x768xf32, #tpu.memory_space<vmem>>, vector<1x16xf32>,
      %get3A_361 = vector.shape_cast %get3A_360 : vector<1x16xf32> to vector<16xf32>
      %add3A_362 = arith.addf %get3A_357, %get3A_361 : vector<16xf32>
      %swap3A_363 = arith.index_cast %scan3A_145 : i32 to index
      %swap3A_364 = arith.constant 240 : index
      %swap3A_365 = tpu.vector_load %arg9[%swap3A_363, %swap3A_364] {strides = array<i32>} : memref<32x768xf32, #tpu.memory_space<vmem>>, vector<1x16xf32>,
      %swap3A_366 = vector.shape_cast %swap3A_365 : vector<1x16xf32> to vector<16xf32>
      %swap3A_367 = vector.shape_cast %add3A_362 : vector<16xf32> to vector<1x16xf32>
      tpu.vector_store %arg9[%swap3A_363, %swap3A_364], %swap3A_367 {strides = array<i32>} : memref<32x768xf32, #tpu.memory_space<vmem>>, vector<1x16xf32>,
      %get3A_368 = arith.index_cast %scan3A_145 : i32 to index
      %get3A_369 = arith.constant 256 : index
      %get3A_370 = tpu.vector_load %arg9[%get3A_368, %get3A_369] {strides = array<i32>} : memref<32x768xf32, #tpu.memory_space<vmem>>, vector<1x16xf32>,
      %get3A_371 = vector.shape_cast %get3A_370 : vector<1x16xf32> to vector<16xf32>
      %get3A_372 = arith.index_cast %scan3A_145 : i32 to index
      %get3A_373 = arith.constant 256 : index
      %get3A_374 = tpu.vector_load %arg10[%get3A_372, %get3A_373] {strides = array<i32>} : memref<32x768xf32, #tpu.memory_space<vmem>>, vector<1x16xf32>,
      %get3A_375 = vector.shape_cast %get3A_374 : vector<1x16xf32> to vector<16xf32>
      %add3A_376 = arith.addf %get3A_371, %get3A_375 : vector<16xf32>
      %swap3A_377 = arith.index_cast %scan3A_145 : i32 to index
      %swap3A_378 = arith.constant 256 : index
      %swap3A_379 = tpu.vector_load %arg9[%swap3A_377, %swap3A_378] {strides = array<i32>} : memref<32x768xf32, #tpu.memory_space<vmem>>, vector<1x16xf32>,
      %swap3A_380 = vector.shape_cast %swap3A_379 : vector<1x16xf32> to vector<16xf32>
      %swap3A_381 = vector.shape_cast %add3A_376 : vector<16xf32> to vector<1x16xf32>
      tpu.vector_store %arg9[%swap3A_377, %swap3A_378], %swap3A_381 {strides = array<i32>} : memref<32x768xf32, #tpu.memory_space<vmem>>, vector<1x16xf32>,
      %get3A_382 = arith.index_cast %scan3A_145 : i32 to index
      %get3A_383 = arith.constant 272 : index
      %get3A_384 = tpu.vector_load %arg9[%get3A_382, %get3A_383] {strides = array<i32>} : memref<32x768xf32, #tpu.memory_space<vmem>>, vector<1x16xf32>,
      %get3A_385 = vector.shape_cast %get3A_384 : vector<1x16xf32> to vector<16xf32>
      %get3A_386 = arith.index_cast %scan3A_145 : i32 to index
      %get3A_387 = arith.constant 272 : index
      %get3A_388 = tpu.vector_load %arg10[%get3A_386, %get3A_387] {strides = array<i32>} : memref<32x768xf32, #tpu.memory_space<vmem>>, vector<1x16xf32>,
      %get3A_389 = vector.shape_cast %get3A_388 : vector<1x16xf32> to vector<16xf32>
      %add3A_390 = arith.addf %get3A_385, %get3A_389 : vector<16xf32>
      %swap3A_391 = arith.index_cast %scan3A_145 : i32 to index
      %swap3A_392 = arith.constant 272 : index
      %swap3A_393 = tpu.vector_load %arg9[%swap3A_391, %swap3A_392] {strides = array<i32>} : memref<32x768xf32, #tpu.memory_space<vmem>>, vector<1x16xf32>,
      %swap3A_394 = vector.shape_cast %swap3A_393 : vector<1x16xf32> to vector<16xf32>
      %swap3A_395 = vector.shape_cast %add3A_390 : vector<16xf32> to vector<1x16xf32>
      tpu.vector_store %arg9[%swap3A_391, %swap3A_392], %swap3A_395 {strides = array<i32>} : memref<32x768xf32, #tpu.memory_space<vmem>>, vector<1x16xf32>,
      %get3A_396 = arith.index_cast %scan3A_145 : i32 to index
      %get3A_397 = arith.constant 288 : index
      %get3A_398 = tpu.vector_load %arg9[%get3A_396, %get3A_397] {strides = array<i32>} : memref<32x768xf32, #tpu.memory_space<vmem>>, vector<1x16xf32>,
      %get3A_399 = vector.shape_cast %get3A_398 : vector<1x16xf32> to vector<16xf32>
      %get3A_400 = arith.index_cast %scan3A_145 : i32 to index
      %get3A_401 = arith.constant 288 : index
      %get3A_402 = tpu.vector_load %arg10[%get3A_400, %get3A_401] {strides = array<i32>} : memref<32x768xf32, #tpu.memory_space<vmem>>, vector<1x16xf32>,
      %get3A_403 = vector.shape_cast %get3A_402 : vector<1x16xf32> to vector<16xf32>
      %add3A_404 = arith.addf %get3A_399, %get3A_403 : vector<16xf32>
      %swap3A_405 = arith.index_cast %scan3A_145 : i32 to index
      %swap3A_406 = arith.constant 288 : index
      %swap3A_407 = tpu.vector_load %arg9[%swap3A_405, %swap3A_406] {strides = array<i32>} : memref<32x768xf32, #tpu.memory_space<vmem>>, vector<1x16xf32>,
      %swap3A_408 = vector.shape_cast %swap3A_407 : vector<1x16xf32> to vector<16xf32>
      %swap3A_409 = vector.shape_cast %add3A_404 : vector<16xf32> to vector<1x16xf32>
      tpu.vector_store %arg9[%swap3A_405, %swap3A_406], %swap3A_409 {strides = array<i32>} : memref<32x768xf32, #tpu.memory_space<vmem>>, vector<1x16xf32>,
      %get3A_410 = arith.index_cast %scan3A_145 : i32 to index
      %get3A_411 = arith.constant 304 : index
      %get3A_412 = tpu.vector_load %arg9[%get3A_410, %get3A_411] {strides = array<i32>} : memref<32x768xf32, #tpu.memory_space<vmem>>, vector<1x16xf32>,
      %get3A_413 = vector.shape_cast %get3A_412 : vector<1x16xf32> to vector<16xf32>
      %get3A_414 = arith.index_cast %scan3A_145 : i32 to index
      %get3A_415 = arith.constant 304 : index
      %get3A_416 = tpu.vector_load %arg10[%get3A_414, %get3A_415] {strides = array<i32>} : memref<32x768xf32, #tpu.memory_space<vmem>>, vector<1x16xf32>,
      %get3A_417 = vector.shape_cast %get3A_416 : vector<1x16xf32> to vector<16xf32>
      %add3A_418 = arith.addf %get3A_413, %get3A_417 : vector<16xf32>
      %swap3A_419 = arith.index_cast %scan3A_145 : i32 to index
      %swap3A_420 = arith.constant 304 : index
      %swap3A_421 = tpu.vector_load %arg9[%swap3A_419, %swap3A_420] {strides = array<i32>} : memref<32x768xf32, #tpu.memory_space<vmem>>, vector<1x16xf32>,
      %swap3A_422 = vector.shape_cast %swap3A_421 : vector<1x16xf32> to vector<16xf32>
      %swap3A_423 = vector.shape_cast %add3A_418 : vector<16xf32> to vector<1x16xf32>
      tpu.vector_store %arg9[%swap3A_419, %swap3A_420], %swap3A_423 {strides = array<i32>} : memref<32x768xf32, #tpu.memory_space<vmem>>, vector<1x16xf32>,
      %get3A_424 = arith.index_cast %scan3A_145 : i32 to index
      %get3A_425 = arith.constant 320 : index
      %get3A_426 = tpu.vector_load %arg9[%get3A_424, %get3A_425] {strides = array<i32>} : memref<32x768xf32, #tpu.memory_space<vmem>>, vector<1x16xf32>,
      %get3A_427 = vector.shape_cast %get3A_426 : vector<1x16xf32> to vector<16xf32>
      %get3A_428 = arith.index_cast %scan3A_145 : i32 to index
      %get3A_429 = arith.constant 320 : index
      %get3A_430 = tpu.vector_load %arg10[%get3A_428, %get3A_429] {strides = array<i32>} : memref<32x768xf32, #tpu.memory_space<vmem>>, vector<1x16xf32>,
      %get3A_431 = vector.shape_cast %get3A_430 : vector<1x16xf32> to vector<16xf32>
      %add3A_432 = arith.addf %get3A_427, %get3A_431 : vector<16xf32>
      %swap3A_433 = arith.index_cast %scan3A_145 : i32 to index
      %swap3A_434 = arith.constant 320 : index
      %swap3A_435 = tpu.vector_load %arg9[%swap3A_433, %swap3A_434] {strides = array<i32>} : memref<32x768xf32, #tpu.memory_space<vmem>>, vector<1x16xf32>,
      %swap3A_436 = vector.shape_cast %swap3A_435 : vector<1x16xf32> to vector<16xf32>
      %swap3A_437 = vector.shape_cast %add3A_432 : vector<16xf32> to vector<1x16xf32>
      tpu.vector_store %arg9[%swap3A_433, %swap3A_434], %swap3A_437 {strides = array<i32>} : memref<32x768xf32, #tpu.memory_space<vmem>>, vector<1x16xf32>,
      %get3A_438 = arith.index_cast %scan3A_145 : i32 to index
      %get3A_439 = arith.constant 336 : index
      %get3A_440 = tpu.vector_load %arg9[%get3A_438, %get3A_439] {strides = array<i32>} : memref<32x768xf32, #tpu.memory_space<vmem>>, vector<1x16xf32>,
      %get3A_441 = vector.shape_cast %get3A_440 : vector<1x16xf32> to vector<16xf32>
      %get3A_442 = arith.index_cast %scan3A_145 : i32 to index
      %get3A_443 = arith.constant 336 : index
      %get3A_444 = tpu.vector_load %arg10[%get3A_442, %get3A_443] {strides = array<i32>} : memref<32x768xf32, #tpu.memory_space<vmem>>, vector<1x16xf32>,
      %get3A_445 = vector.shape_cast %get3A_444 : vector<1x16xf32> to vector<16xf32>
      %add3A_446 = arith.addf %get3A_441, %get3A_445 : vector<16xf32>
      %swap3A_447 = arith.index_cast %scan3A_145 : i32 to index
      %swap3A_448 = arith.constant 336 : index
      %swap3A_449 = tpu.vector_load %arg9[%swap3A_447, %swap3A_448] {strides = array<i32>} : memref<32x768xf32, #tpu.memory_space<vmem>>, vector<1x16xf32>,
      %swap3A_450 = vector.shape_cast %swap3A_449 : vector<1x16xf32> to vector<16xf32>
      %swap3A_451 = vector.shape_cast %add3A_446 : vector<16xf32> to vector<1x16xf32>
      tpu.vector_store %arg9[%swap3A_447, %swap3A_448], %swap3A_451 {strides = array<i32>} : memref<32x768xf32, #tpu.memory_space<vmem>>, vector<1x16xf32>,
      %get3A_452 = arith.index_cast %scan3A_145 : i32 to index
      %get3A_453 = arith.constant 352 : index
      %get3A_454 = tpu.vector_load %arg9[%get3A_452, %get3A_453] {strides = array<i32>} : memref<32x768xf32, #tpu.memory_space<vmem>>, vector<1x16xf32>,
      %get3A_455 = vector.shape_cast %get3A_454 : vector<1x16xf32> to vector<16xf32>
      %get3A_456 = arith.index_cast %scan3A_145 : i32 to index
      %get3A_457 = arith.constant 352 : index
      %get3A_458 = tpu.vector_load %arg10[%get3A_456, %get3A_457] {strides = array<i32>} : memref<32x768xf32, #tpu.memory_space<vmem>>, vector<1x16xf32>,
      %get3A_459 = vector.shape_cast %get3A_458 : vector<1x16xf32> to vector<16xf32>
      %add3A_460 = arith.addf %get3A_455, %get3A_459 : vector<16xf32>
      %swap3A_461 = arith.index_cast %scan3A_145 : i32 to index
      %swap3A_462 = arith.constant 352 : index
      %swap3A_463 = tpu.vector_load %arg9[%swap3A_461, %swap3A_462] {strides = array<i32>} : memref<32x768xf32, #tpu.memory_space<vmem>>, vector<1x16xf32>,
      %swap3A_464 = vector.shape_cast %swap3A_463 : vector<1x16xf32> to vector<16xf32>
      %swap3A_465 = vector.shape_cast %add3A_460 : vector<16xf32> to vector<1x16xf32>
      tpu.vector_store %arg9[%swap3A_461, %swap3A_462], %swap3A_465 {strides = array<i32>} : memref<32x768xf32, #tpu.memory_space<vmem>>, vector<1x16xf32>,
      %get3A_466 = arith.index_cast %scan3A_145 : i32 to index
      %get3A_467 = arith.constant 368 : index
      %get3A_468 = tpu.vector_load %arg9[%get3A_466, %get3A_467] {strides = array<i32>} : memref<32x768xf32, #tpu.memory_space<vmem>>, vector<1x16xf32>,
      %get3A_469 = vector.shape_cast %get3A_468 : vector<1x16xf32> to vector<16xf32>
      %get3A_470 = arith.index_cast %scan3A_145 : i32 to index
      %get3A_471 = arith.constant 368 : index
      %get3A_472 = tpu.vector_load %arg10[%get3A_470, %get3A_471] {strides = array<i32>} : memref<32x768xf32, #tpu.memory_space<vmem>>, vector<1x16xf32>,
      %get3A_473 = vector.shape_cast %get3A_472 : vector<1x16xf32> to vector<16xf32>
      %add3A_474 = arith.addf %get3A_469, %get3A_473 : vector<16xf32>
      %swap3A_475 = arith.index_cast %scan3A_145 : i32 to index
      %swap3A_476 = arith.constant 368 : index
      %swap3A_477 = tpu.vector_load %arg9[%swap3A_475, %swap3A_476] {strides = array<i32>} : memref<32x768xf32, #tpu.memory_space<vmem>>, vector<1x16xf32>,
      %swap3A_478 = vector.shape_cast %swap3A_477 : vector<1x16xf32> to vector<16xf32>
      %swap3A_479 = vector.shape_cast %add3A_474 : vector<16xf32> to vector<1x16xf32>
      tpu.vector_store %arg9[%swap3A_475, %swap3A_476], %swap3A_479 {strides = array<i32>} : memref<32x768xf32, #tpu.memory_space<vmem>>, vector<1x16xf32>,
      %get3A_480 = arith.index_cast %scan3A_145 : i32 to index
      %get3A_481 = arith.constant 384 : index
      %get3A_482 = tpu.vector_load %arg9[%get3A_480, %get3A_481] {strides = array<i32>} : memref<32x768xf32, #tpu.memory_space<vmem>>, vector<1x16xf32>,
      %get3A_483 = vector.shape_cast %get3A_482 : vector<1x16xf32> to vector<16xf32>
      %get3A_484 = arith.index_cast %scan3A_145 : i32 to index
      %get3A_485 = arith.constant 384 : index
      %get3A_486 = tpu.vector_load %arg10[%get3A_484, %get3A_485] {strides = array<i32>} : memref<32x768xf32, #tpu.memory_space<vmem>>, vector<1x16xf32>,
      %get3A_487 = vector.shape_cast %get3A_486 : vector<1x16xf32> to vector<16xf32>
      %add3A_488 = arith.addf %get3A_483, %get3A_487 : vector<16xf32>
      %swap3A_489 = arith.index_cast %scan3A_145 : i32 to index
      %swap3A_490 = arith.constant 384 : index
      %swap3A_491 = tpu.vector_load %arg9[%swap3A_489, %swap3A_490] {strides = array<i32>} : memref<32x768xf32, #tpu.memory_space<vmem>>, vector<1x16xf32>,
      %swap3A_492 = vector.shape_cast %swap3A_491 : vector<1x16xf32> to vector<16xf32>
      %swap3A_493 = vector.shape_cast %add3A_488 : vector<16xf32> to vector<1x16xf32>
      tpu.vector_store %arg9[%swap3A_489, %swap3A_490], %swap3A_493 {strides = array<i32>} : memref<32x768xf32, #tpu.memory_space<vmem>>, vector<1x16xf32>,
      %get3A_494 = arith.index_cast %scan3A_145 : i32 to index
      %get3A_495 = arith.constant 400 : index
      %get3A_496 = tpu.vector_load %arg9[%get3A_494, %get3A_495] {strides = array<i32>} : memref<32x768xf32, #tpu.memory_space<vmem>>, vector<1x16xf32>,
      %get3A_497 = vector.shape_cast %get3A_496 : vector<1x16xf32> to vector<16xf32>
      %get3A_498 = arith.index_cast %scan3A_145 : i32 to index
      %get3A_499 = arith.constant 400 : index
      %get3A_500 = tpu.vector_load %arg10[%get3A_498, %get3A_499] {strides = array<i32>} : memref<32x768xf32, #tpu.memory_space<vmem>>, vector<1x16xf32>,
      %get3A_501 = vector.shape_cast %get3A_500 : vector<1x16xf32> to vector<16xf32>
      %add3A_502 = arith.addf %get3A_497, %get3A_501 : vector<16xf32>
      %swap3A_503 = arith.index_cast %scan3A_145 : i32 to index
      %swap3A_504 = arith.constant 400 : index
      %swap3A_505 = tpu.vector_load %arg9[%swap3A_503, %swap3A_504] {strides = array<i32>} : memref<32x768xf32, #tpu.memory_space<vmem>>, vector<1x16xf32>,
      %swap3A_506 = vector.shape_cast %swap3A_505 : vector<1x16xf32> to vector<16xf32>
      %swap3A_507 = vector.shape_cast %add3A_502 : vector<16xf32> to vector<1x16xf32>
      tpu.vector_store %arg9[%swap3A_503, %swap3A_504], %swap3A_507 {strides = array<i32>} : memref<32x768xf32, #tpu.memory_space<vmem>>, vector<1x16xf32>,
      %get3A_508 = arith.index_cast %scan3A_145 : i32 to index
      %get3A_509 = arith.constant 416 : index
      %get3A_510 = tpu.vector_load %arg9[%get3A_508, %get3A_509] {strides = array<i32>} : memref<32x768xf32, #tpu.memory_space<vmem>>, vector<1x16xf32>,
      %get3A_511 = vector.shape_cast %get3A_510 : vector<1x16xf32> to vector<16xf32>
      %get3A_512 = arith.index_cast %scan3A_145 : i32 to index
      %get3A_513 = arith.constant 416 : index
      %get3A_514 = tpu.vector_load %arg10[%get3A_512, %get3A_513] {strides = array<i32>} : memref<32x768xf32, #tpu.memory_space<vmem>>, vector<1x16xf32>,
      %get3A_515 = vector.shape_cast %get3A_514 : vector<1x16xf32> to vector<16xf32>
      %add3A_516 = arith.addf %get3A_511, %get3A_515 : vector<16xf32>
      %swap3A_517 = arith.index_cast %scan3A_145 : i32 to index
      %swap3A_518 = arith.constant 416 : index
      %swap3A_519 = tpu.vector_load %arg9[%swap3A_517, %swap3A_518] {strides = array<i32>} : memref<32x768xf32, #tpu.memory_space<vmem>>, vector<1x16xf32>,
      %swap3A_520 = vector.shape_cast %swap3A_519 : vector<1x16xf32> to vector<16xf32>
      %swap3A_521 = vector.shape_cast %add3A_516 : vector<16xf32> to vector<1x16xf32>
      tpu.vector_store %arg9[%swap3A_517, %swap3A_518], %swap3A_521 {strides = array<i32>} : memref<32x768xf32, #tpu.memory_space<vmem>>, vector<1x16xf32>,
      %get3A_522 = arith.index_cast %scan3A_145 : i32 to index
      %get3A_523 = arith.constant 432 : index
      %get3A_524 = tpu.vector_load %arg9[%get3A_522, %get3A_523] {strides = array<i32>} : memref<32x768xf32, #tpu.memory_space<vmem>>, vector<1x16xf32>,
      %get3A_525 = vector.shape_cast %get3A_524 : vector<1x16xf32> to vector<16xf32>
      %get3A_526 = arith.index_cast %scan3A_145 : i32 to index
      %get3A_527 = arith.constant 432 : index
      %get3A_528 = tpu.vector_load %arg10[%get3A_526, %get3A_527] {strides = array<i32>} : memref<32x768xf32, #tpu.memory_space<vmem>>, vector<1x16xf32>,
      %get3A_529 = vector.shape_cast %get3A_528 : vector<1x16xf32> to vector<16xf32>
      %add3A_530 = arith.addf %get3A_525, %get3A_529 : vector<16xf32>
      %swap3A_531 = arith.index_cast %scan3A_145 : i32 to index
      %swap3A_532 = arith.constant 432 : index
      %swap3A_533 = tpu.vector_load %arg9[%swap3A_531, %swap3A_532] {strides = array<i32>} : memref<32x768xf32, #tpu.memory_space<vmem>>, vector<1x16xf32>,
      %swap3A_534 = vector.shape_cast %swap3A_533 : vector<1x16xf32> to vector<16xf32>
      %swap3A_535 = vector.shape_cast %add3A_530 : vector<16xf32> to vector<1x16xf32>
      tpu.vector_store %arg9[%swap3A_531, %swap3A_532], %swap3A_535 {strides = array<i32>} : memref<32x768xf32, #tpu.memory_space<vmem>>, vector<1x16xf32>,
      %get3A_536 = arith.index_cast %scan3A_145 : i32 to index
      %get3A_537 = arith.constant 448 : index
      %get3A_538 = tpu.vector_load %arg9[%get3A_536, %get3A_537] {strides = array<i32>} : memref<32x768xf32, #tpu.memory_space<vmem>>, vector<1x16xf32>,
      %get3A_539 = vector.shape_cast %get3A_538 : vector<1x16xf32> to vector<16xf32>
      %get3A_540 = arith.index_cast %scan3A_145 : i32 to index
      %get3A_541 = arith.constant 448 : index
      %get3A_542 = tpu.vector_load %arg10[%get3A_540, %get3A_541] {strides = array<i32>} : memref<32x768xf32, #tpu.memory_space<vmem>>, vector<1x16xf32>,
      %get3A_543 = vector.shape_cast %get3A_542 : vector<1x16xf32> to vector<16xf32>
      %add3A_544 = arith.addf %get3A_539, %get3A_543 : vector<16xf32>
      %swap3A_545 = arith.index_cast %scan3A_145 : i32 to index
      %swap3A_546 = arith.constant 448 : index
      %swap3A_547 = tpu.vector_load %arg9[%swap3A_545, %swap3A_546] {strides = array<i32>} : memref<32x768xf32, #tpu.memory_space<vmem>>, vector<1x16xf32>,
      %swap3A_548 = vector.shape_cast %swap3A_547 : vector<1x16xf32> to vector<16xf32>
      %swap3A_549 = vector.shape_cast %add3A_544 : vector<16xf32> to vector<1x16xf32>
      tpu.vector_store %arg9[%swap3A_545, %swap3A_546], %swap3A_549 {strides = array<i32>} : memref<32x768xf32, #tpu.memory_space<vmem>>, vector<1x16xf32>,
      %get3A_550 = arith.index_cast %scan3A_145 : i32 to index
      %get3A_551 = arith.constant 464 : index
      %get3A_552 = tpu.vector_load %arg9[%get3A_550, %get3A_551] {strides = array<i32>} : memref<32x768xf32, #tpu.memory_space<vmem>>, vector<1x16xf32>,
      %get3A_553 = vector.shape_cast %get3A_552 : vector<1x16xf32> to vector<16xf32>
      %get3A_554 = arith.index_cast %scan3A_145 : i32 to index
      %get3A_555 = arith.constant 464 : index
      %get3A_556 = tpu.vector_load %arg10[%get3A_554, %get3A_555] {strides = array<i32>} : memref<32x768xf32, #tpu.memory_space<vmem>>, vector<1x16xf32>,
      %get3A_557 = vector.shape_cast %get3A_556 : vector<1x16xf32> to vector<16xf32>
      %add3A_558 = arith.addf %get3A_553, %get3A_557 : vector<16xf32>
      %swap3A_559 = arith.index_cast %scan3A_145 : i32 to index
      %swap3A_560 = arith.constant 464 : index
      %swap3A_561 = tpu.vector_load %arg9[%swap3A_559, %swap3A_560] {strides = array<i32>} : memref<32x768xf32, #tpu.memory_space<vmem>>, vector<1x16xf32>,
      %swap3A_562 = vector.shape_cast %swap3A_561 : vector<1x16xf32> to vector<16xf32>
      %swap3A_563 = vector.shape_cast %add3A_558 : vector<16xf32> to vector<1x16xf32>
      tpu.vector_store %arg9[%swap3A_559, %swap3A_560], %swap3A_563 {strides = array<i32>} : memref<32x768xf32, #tpu.memory_space<vmem>>, vector<1x16xf32>,
      %get3A_564 = arith.index_cast %scan3A_145 : i32 to index
      %get3A_565 = arith.constant 480 : index
      %get3A_566 = tpu.vector_load %arg9[%get3A_564, %get3A_565] {strides = array<i32>} : memref<32x768xf32, #tpu.memory_space<vmem>>, vector<1x16xf32>,
      %get3A_567 = vector.shape_cast %get3A_566 : vector<1x16xf32> to vector<16xf32>
      %get3A_568 = arith.index_cast %scan3A_145 : i32 to index
      %get3A_569 = arith.constant 480 : index
      %get3A_570 = tpu.vector_load %arg10[%get3A_568, %get3A_569] {strides = array<i32>} : memref<32x768xf32, #tpu.memory_space<vmem>>, vector<1x16xf32>,
      %get3A_571 = vector.shape_cast %get3A_570 : vector<1x16xf32> to vector<16xf32>
      %add3A_572 = arith.addf %get3A_567, %get3A_571 : vector<16xf32>
      %swap3A_573 = arith.index_cast %scan3A_145 : i32 to index
      %swap3A_574 = arith.constant 480 : index
      %swap3A_575 = tpu.vector_load %arg9[%swap3A_573, %swap3A_574] {strides = array<i32>} : memref<32x768xf32, #tpu.memory_space<vmem>>, vector<1x16xf32>,
      %swap3A_576 = vector.shape_cast %swap3A_575 : vector<1x16xf32> to vector<16xf32>
      %swap3A_577 = vector.shape_cast %add3A_572 : vector<16xf32> to vector<1x16xf32>
      tpu.vector_store %arg9[%swap3A_573, %swap3A_574], %swap3A_577 {strides = array<i32>} : memref<32x768xf32, #tpu.memory_space<vmem>>, vector<1x16xf32>,
      %get3A_578 = arith.index_cast %scan3A_145 : i32 to index
      %get3A_579 = arith.constant 496 : index
      %get3A_580 = tpu.vector_load %arg9[%get3A_578, %get3A_579] {strides = array<i32>} : memref<32x768xf32, #tpu.memory_space<vmem>>, vector<1x16xf32>,
      %get3A_581 = vector.shape_cast %get3A_580 : vector<1x16xf32> to vector<16xf32>
      %get3A_582 = arith.index_cast %scan3A_145 : i32 to index
      %get3A_583 = arith.constant 496 : index
      %get3A_584 = tpu.vector_load %arg10[%get3A_582, %get3A_583] {strides = array<i32>} : memref<32x768xf32, #tpu.memory_space<vmem>>, vector<1x16xf32>,
      %get3A_585 = vector.shape_cast %get3A_584 : vector<1x16xf32> to vector<16xf32>
      %add3A_586 = arith.addf %get3A_581, %get3A_585 : vector<16xf32>
      %swap3A_587 = arith.index_cast %scan3A_145 : i32 to index
      %swap3A_588 = arith.constant 496 : index
      %swap3A_589 = tpu.vector_load %arg9[%swap3A_587, %swap3A_588] {strides = array<i32>} : memref<32x768xf32, #tpu.memory_space<vmem>>, vector<1x16xf32>,
      %swap3A_590 = vector.shape_cast %swap3A_589 : vector<1x16xf32> to vector<16xf32>
      %swap3A_591 = vector.shape_cast %add3A_586 : vector<16xf32> to vector<1x16xf32>
      tpu.vector_store %arg9[%swap3A_587, %swap3A_588], %swap3A_591 {strides = array<i32>} : memref<32x768xf32, #tpu.memory_space<vmem>>, vector<1x16xf32>,
      %get3A_592 = arith.index_cast %scan3A_145 : i32 to index
      %get3A_593 = arith.constant 512 : index
      %get3A_594 = tpu.vector_load %arg9[%get3A_592, %get3A_593] {strides = array<i32>} : memref<32x768xf32, #tpu.memory_space<vmem>>, vector<1x16xf32>,
      %get3A_595 = vector.shape_cast %get3A_594 : vector<1x16xf32> to vector<16xf32>
      %get3A_596 = arith.index_cast %scan3A_145 : i32 to index
      %get3A_597 = arith.constant 512 : index
      %get3A_598 = tpu.vector_load %arg10[%get3A_596, %get3A_597] {strides = array<i32>} : memref<32x768xf32, #tpu.memory_space<vmem>>, vector<1x16xf32>,
      %get3A_599 = vector.shape_cast %get3A_598 : vector<1x16xf32> to vector<16xf32>
      %add3A_600 = arith.addf %get3A_595, %get3A_599 : vector<16xf32>
      %swap3A_601 = arith.index_cast %scan3A_145 : i32 to index
      %swap3A_602 = arith.constant 512 : index
      %swap3A_603 = tpu.vector_load %arg9[%swap3A_601, %swap3A_602] {strides = array<i32>} : memref<32x768xf32, #tpu.memory_space<vmem>>, vector<1x16xf32>,
      %swap3A_604 = vector.shape_cast %swap3A_603 : vector<1x16xf32> to vector<16xf32>
      %swap3A_605 = vector.shape_cast %add3A_600 : vector<16xf32> to vector<1x16xf32>
      tpu.vector_store %arg9[%swap3A_601, %swap3A_602], %swap3A_605 {strides = array<i32>} : memref<32x768xf32, #tpu.memory_space<vmem>>, vector<1x16xf32>,
      %get3A_606 = arith.index_cast %scan3A_145 : i32 to index
      %get3A_607 = arith.constant 528 : index
      %get3A_608 = tpu.vector_load %arg9[%get3A_606, %get3A_607] {strides = array<i32>} : memref<32x768xf32, #tpu.memory_space<vmem>>, vector<1x16xf32>,
      %get3A_609 = vector.shape_cast %get3A_608 : vector<1x16xf32> to vector<16xf32>
      %get3A_610 = arith.index_cast %scan3A_145 : i32 to index
      %get3A_611 = arith.constant 528 : index
      %get3A_612 = tpu.vector_load %arg10[%get3A_610, %get3A_611] {strides = array<i32>} : memref<32x768xf32, #tpu.memory_space<vmem>>, vector<1x16xf32>,
      %get3A_613 = vector.shape_cast %get3A_612 : vector<1x16xf32> to vector<16xf32>
      %add3A_614 = arith.addf %get3A_609, %get3A_613 : vector<16xf32>
      %swap3A_615 = arith.index_cast %scan3A_145 : i32 to index
      %swap3A_616 = arith.constant 528 : index
      %swap3A_617 = tpu.vector_load %arg9[%swap3A_615, %swap3A_616] {strides = array<i32>} : memref<32x768xf32, #tpu.memory_space<vmem>>, vector<1x16xf32>,
      %swap3A_618 = vector.shape_cast %swap3A_617 : vector<1x16xf32> to vector<16xf32>
      %swap3A_619 = vector.shape_cast %add3A_614 : vector<16xf32> to vector<1x16xf32>
      tpu.vector_store %arg9[%swap3A_615, %swap3A_616], %swap3A_619 {strides = array<i32>} : memref<32x768xf32, #tpu.memory_space<vmem>>, vector<1x16xf32>,
      %get3A_620 = arith.index_cast %scan3A_145 : i32 to index
      %get3A_621 = arith.constant 544 : index
      %get3A_622 = tpu.vector_load %arg9[%get3A_620, %get3A_621] {strides = array<i32>} : memref<32x768xf32, #tpu.memory_space<vmem>>, vector<1x16xf32>,
      %get3A_623 = vector.shape_cast %get3A_622 : vector<1x16xf32> to vector<16xf32>
      %get3A_624 = arith.index_cast %scan3A_145 : i32 to index
      %get3A_625 = arith.constant 544 : index
      %get3A_626 = tpu.vector_load %arg10[%get3A_624, %get3A_625] {strides = array<i32>} : memref<32x768xf32, #tpu.memory_space<vmem>>, vector<1x16xf32>,
      %get3A_627 = vector.shape_cast %get3A_626 : vector<1x16xf32> to vector<16xf32>
      %add3A_628 = arith.addf %get3A_623, %get3A_627 : vector<16xf32>
      %swap3A_629 = arith.index_cast %scan3A_145 : i32 to index
      %swap3A_630 = arith.constant 544 : index
      %swap3A_631 = tpu.vector_load %arg9[%swap3A_629, %swap3A_630] {strides = array<i32>} : memref<32x768xf32, #tpu.memory_space<vmem>>, vector<1x16xf32>,
      %swap3A_632 = vector.shape_cast %swap3A_631 : vector<1x16xf32> to vector<16xf32>
      %swap3A_633 = vector.shape_cast %add3A_628 : vector<16xf32> to vector<1x16xf32>
      tpu.vector_store %arg9[%swap3A_629, %swap3A_630], %swap3A_633 {strides = array<i32>} : memref<32x768xf32, #tpu.memory_space<vmem>>, vector<1x16xf32>,
      %get3A_634 = arith.index_cast %scan3A_145 : i32 to index
      %get3A_635 = arith.constant 560 : index
      %get3A_636 = tpu.vector_load %arg9[%get3A_634, %get3A_635] {strides = array<i32>} : memref<32x768xf32, #tpu.memory_space<vmem>>, vector<1x16xf32>,
      %get3A_637 = vector.shape_cast %get3A_636 : vector<1x16xf32> to vector<16xf32>
      %get3A_638 = arith.index_cast %scan3A_145 : i32 to index
      %get3A_639 = arith.constant 560 : index
      %get3A_640 = tpu.vector_load %arg10[%get3A_638, %get3A_639] {strides = array<i32>} : memref<32x768xf32, #tpu.memory_space<vmem>>, vector<1x16xf32>,
      %get3A_641 = vector.shape_cast %get3A_640 : vector<1x16xf32> to vector<16xf32>
      %add3A_642 = arith.addf %get3A_637, %get3A_641 : vector<16xf32>
      %swap3A_643 = arith.index_cast %scan3A_145 : i32 to index
      %swap3A_644 = arith.constant 560 : index
      %swap3A_645 = tpu.vector_load %arg9[%swap3A_643, %swap3A_644] {strides = array<i32>} : memref<32x768xf32, #tpu.memory_space<vmem>>, vector<1x16xf32>,
      %swap3A_646 = vector.shape_cast %swap3A_645 : vector<1x16xf32> to vector<16xf32>
      %swap3A_647 = vector.shape_cast %add3A_642 : vector<16xf32> to vector<1x16xf32>
      tpu.vector_store %arg9[%swap3A_643, %swap3A_644], %swap3A_647 {strides = array<i32>} : memref<32x768xf32, #tpu.memory_space<vmem>>, vector<1x16xf32>,
      %get3A_648 = arith.index_cast %scan3A_145 : i32 to index
      %get3A_649 = arith.constant 576 : index
      %get3A_650 = tpu.vector_load %arg9[%get3A_648, %get3A_649] {strides = array<i32>} : memref<32x768xf32, #tpu.memory_space<vmem>>, vector<1x16xf32>,
      %get3A_651 = vector.shape_cast %get3A_650 : vector<1x16xf32> to vector<16xf32>
      %get3A_652 = arith.index_cast %scan3A_145 : i32 to index
      %get3A_653 = arith.constant 576 : index
      %get3A_654 = tpu.vector_load %arg10[%get3A_652, %get3A_653] {strides = array<i32>} : memref<32x768xf32, #tpu.memory_space<vmem>>, vector<1x16xf32>,
      %get3A_655 = vector.shape_cast %get3A_654 : vector<1x16xf32> to vector<16xf32>
      %add3A_656 = arith.addf %get3A_651, %get3A_655 : vector<16xf32>
      %swap3A_657 = arith.index_cast %scan3A_145 : i32 to index
      %swap3A_658 = arith.constant 576 : index
      %swap3A_659 = tpu.vector_load %arg9[%swap3A_657, %swap3A_658] {strides = array<i32>} : memref<32x768xf32, #tpu.memory_space<vmem>>, vector<1x16xf32>,
      %swap3A_660 = vector.shape_cast %swap3A_659 : vector<1x16xf32> to vector<16xf32>
      %swap3A_661 = vector.shape_cast %add3A_656 : vector<16xf32> to vector<1x16xf32>
      tpu.vector_store %arg9[%swap3A_657, %swap3A_658], %swap3A_661 {strides = array<i32>} : memref<32x768xf32, #tpu.memory_space<vmem>>, vector<1x16xf32>,
      %get3A_662 = arith.index_cast %scan3A_145 : i32 to index
      %get3A_663 = arith.constant 592 : index
      %get3A_664 = tpu.vector_load %arg9[%get3A_662, %get3A_663] {strides = array<i32>} : memref<32x768xf32, #tpu.memory_space<vmem>>, vector<1x16xf32>,
      %get3A_665 = vector.shape_cast %get3A_664 : vector<1x16xf32> to vector<16xf32>
      %get3A_666 = arith.index_cast %scan3A_145 : i32 to index
      %get3A_667 = arith.constant 592 : index
      %get3A_668 = tpu.vector_load %arg10[%get3A_666, %get3A_667] {strides = array<i32>} : memref<32x768xf32, #tpu.memory_space<vmem>>, vector<1x16xf32>,
      %get3A_669 = vector.shape_cast %get3A_668 : vector<1x16xf32> to vector<16xf32>
      %add3A_670 = arith.addf %get3A_665, %get3A_669 : vector<16xf32>
      %swap3A_671 = arith.index_cast %scan3A_145 : i32 to index
      %swap3A_672 = arith.constant 592 : index
      %swap3A_673 = tpu.vector_load %arg9[%swap3A_671, %swap3A_672] {strides = array<i32>} : memref<32x768xf32, #tpu.memory_space<vmem>>, vector<1x16xf32>,
      %swap3A_674 = vector.shape_cast %swap3A_673 : vector<1x16xf32> to vector<16xf32>
      %swap3A_675 = vector.shape_cast %add3A_670 : vector<16xf32> to vector<1x16xf32>
      tpu.vector_store %arg9[%swap3A_671, %swap3A_672], %swap3A_675 {strides = array<i32>} : memref<32x768xf32, #tpu.memory_space<vmem>>, vector<1x16xf32>,
      %get3A_676 = arith.index_cast %scan3A_145 : i32 to index
      %get3A_677 = arith.constant 608 : index
      %get3A_678 = tpu.vector_load %arg9[%get3A_676, %get3A_677] {strides = array<i32>} : memref<32x768xf32, #tpu.memory_space<vmem>>, vector<1x16xf32>,
      %get3A_679 = vector.shape_cast %get3A_678 : vector<1x16xf32> to vector<16xf32>
      %get3A_680 = arith.index_cast %scan3A_145 : i32 to index
      %get3A_681 = arith.constant 608 : index
      %get3A_682 = tpu.vector_load %arg10[%get3A_680, %get3A_681] {strides = array<i32>} : memref<32x768xf32, #tpu.memory_space<vmem>>, vector<1x16xf32>,
      %get3A_683 = vector.shape_cast %get3A_682 : vector<1x16xf32> to vector<16xf32>
      %add3A_684 = arith.addf %get3A_679, %get3A_683 : vector<16xf32>
      %swap3A_685 = arith.index_cast %scan3A_145 : i32 to index
      %swap3A_686 = arith.constant 608 : index
      %swap3A_687 = tpu.vector_load %arg9[%swap3A_685, %swap3A_686] {strides = array<i32>} : memref<32x768xf32, #tpu.memory_space<vmem>>, vector<1x16xf32>,
      %swap3A_688 = vector.shape_cast %swap3A_687 : vector<1x16xf32> to vector<16xf32>
      %swap3A_689 = vector.shape_cast %add3A_684 : vector<16xf32> to vector<1x16xf32>
      tpu.vector_store %arg9[%swap3A_685, %swap3A_686], %swap3A_689 {strides = array<i32>} : memref<32x768xf32, #tpu.memory_space<vmem>>, vector<1x16xf32>,
      %get3A_690 = arith.index_cast %scan3A_145 : i32 to index
      %get3A_691 = arith.constant 624 : index
      %get3A_692 = tpu.vector_load %arg9[%get3A_690, %get3A_691] {strides = array<i32>} : memref<32x768xf32, #tpu.memory_space<vmem>>, vector<1x16xf32>,
      %get3A_693 = vector.shape_cast %get3A_692 : vector<1x16xf32> to vector<16xf32>
      %get3A_694 = arith.index_cast %scan3A_145 : i32 to index
      %get3A_695 = arith.constant 624 : index
      %get3A_696 = tpu.vector_load %arg10[%get3A_694, %get3A_695] {strides = array<i32>} : memref<32x768xf32, #tpu.memory_space<vmem>>, vector<1x16xf32>,
      %get3A_697 = vector.shape_cast %get3A_696 : vector<1x16xf32> to vector<16xf32>
      %add3A_698 = arith.addf %get3A_693, %get3A_697 : vector<16xf32>
      %swap3A_699 = arith.index_cast %scan3A_145 : i32 to index
      %swap3A_700 = arith.constant 624 : index
      %swap3A_701 = tpu.vector_load %arg9[%swap3A_699, %swap3A_700] {strides = array<i32>} : memref<32x768xf32, #tpu.memory_space<vmem>>, vector<1x16xf32>,
      %swap3A_702 = vector.shape_cast %swap3A_701 : vector<1x16xf32> to vector<16xf32>
      %swap3A_703 = vector.shape_cast %add3A_698 : vector<16xf32> to vector<1x16xf32>
      tpu.vector_store %arg9[%swap3A_699, %swap3A_700], %swap3A_703 {strides = array<i32>} : memref<32x768xf32, #tpu.memory_space<vmem>>, vector<1x16xf32>,
      %get3A_704 = arith.index_cast %scan3A_145 : i32 to index
      %get3A_705 = arith.constant 640 : index
      %get3A_706 = tpu.vector_load %arg9[%get3A_704, %get3A_705] {strides = array<i32>} : memref<32x768xf32, #tpu.memory_space<vmem>>, vector<1x16xf32>,
      %get3A_707 = vector.shape_cast %get3A_706 : vector<1x16xf32> to vector<16xf32>
      %get3A_708 = arith.index_cast %scan3A_145 : i32 to index
      %get3A_709 = arith.constant 640 : index
      %get3A_710 = tpu.vector_load %arg10[%get3A_708, %get3A_709] {strides = array<i32>} : memref<32x768xf32, #tpu.memory_space<vmem>>, vector<1x16xf32>,
      %get3A_711 = vector.shape_cast %get3A_710 : vector<1x16xf32> to vector<16xf32>
      %add3A_712 = arith.addf %get3A_707, %get3A_711 : vector<16xf32>
      %swap3A_713 = arith.index_cast %scan3A_145 : i32 to index
      %swap3A_714 = arith.constant 640 : index
      %swap3A_715 = tpu.vector_load %arg9[%swap3A_713, %swap3A_714] {strides = array<i32>} : memref<32x768xf32, #tpu.memory_space<vmem>>, vector<1x16xf32>,
      %swap3A_716 = vector.shape_cast %swap3A_715 : vector<1x16xf32> to vector<16xf32>
      %swap3A_717 = vector.shape_cast %add3A_712 : vector<16xf32> to vector<1x16xf32>
      tpu.vector_store %arg9[%swap3A_713, %swap3A_714], %swap3A_717 {strides = array<i32>} : memref<32x768xf32, #tpu.memory_space<vmem>>, vector<1x16xf32>,
      %get3A_718 = arith.index_cast %scan3A_145 : i32 to index
      %get3A_719 = arith.constant 656 : index
      %get3A_720 = tpu.vector_load %arg9[%get3A_718, %get3A_719] {strides = array<i32>} : memref<32x768xf32, #tpu.memory_space<vmem>>, vector<1x16xf32>,
      %get3A_721 = vector.shape_cast %get3A_720 : vector<1x16xf32> to vector<16xf32>
      %get3A_722 = arith.index_cast %scan3A_145 : i32 to index
      %get3A_723 = arith.constant 656 : index
      %get3A_724 = tpu.vector_load %arg10[%get3A_722, %get3A_723] {strides = array<i32>} : memref<32x768xf32, #tpu.memory_space<vmem>>, vector<1x16xf32>,
      %get3A_725 = vector.shape_cast %get3A_724 : vector<1x16xf32> to vector<16xf32>
      %add3A_726 = arith.addf %get3A_721, %get3A_725 : vector<16xf32>
      %swap3A_727 = arith.index_cast %scan3A_145 : i32 to index
      %swap3A_728 = arith.constant 656 : index
      %swap3A_729 = tpu.vector_load %arg9[%swap3A_727, %swap3A_728] {strides = array<i32>} : memref<32x768xf32, #tpu.memory_space<vmem>>, vector<1x16xf32>,
      %swap3A_730 = vector.shape_cast %swap3A_729 : vector<1x16xf32> to vector<16xf32>
      %swap3A_731 = vector.shape_cast %add3A_726 : vector<16xf32> to vector<1x16xf32>
      tpu.vector_store %arg9[%swap3A_727, %swap3A_728], %swap3A_731 {strides = array<i32>} : memref<32x768xf32, #tpu.memory_space<vmem>>, vector<1x16xf32>,
      %get3A_732 = arith.index_cast %scan3A_145 : i32 to index
      %get3A_733 = arith.constant 672 : index
      %get3A_734 = tpu.vector_load %arg9[%get3A_732, %get3A_733] {strides = array<i32>} : memref<32x768xf32, #tpu.memory_space<vmem>>, vector<1x16xf32>,
      %get3A_735 = vector.shape_cast %get3A_734 : vector<1x16xf32> to vector<16xf32>
      %get3A_736 = arith.index_cast %scan3A_145 : i32 to index
      %get3A_737 = arith.constant 672 : index
      %get3A_738 = tpu.vector_load %arg10[%get3A_736, %get3A_737] {strides = array<i32>} : memref<32x768xf32, #tpu.memory_space<vmem>>, vector<1x16xf32>,
      %get3A_739 = vector.shape_cast %get3A_738 : vector<1x16xf32> to vector<16xf32>
      %add3A_740 = arith.addf %get3A_735, %get3A_739 : vector<16xf32>
      %swap3A_741 = arith.index_cast %scan3A_145 : i32 to index
      %swap3A_742 = arith.constant 672 : index
      %swap3A_743 = tpu.vector_load %arg9[%swap3A_741, %swap3A_742] {strides = array<i32>} : memref<32x768xf32, #tpu.memory_space<vmem>>, vector<1x16xf32>,
      %swap3A_744 = vector.shape_cast %swap3A_743 : vector<1x16xf32> to vector<16xf32>
      %swap3A_745 = vector.shape_cast %add3A_740 : vector<16xf32> to vector<1x16xf32>
      tpu.vector_store %arg9[%swap3A_741, %swap3A_742], %swap3A_745 {strides = array<i32>} : memref<32x768xf32, #tpu.memory_space<vmem>>, vector<1x16xf32>,
      %get3A_746 = arith.index_cast %scan3A_145 : i32 to index
      %get3A_747 = arith.constant 688 : index
      %get3A_748 = tpu.vector_load %arg9[%get3A_746, %get3A_747] {strides = array<i32>} : memref<32x768xf32, #tpu.memory_space<vmem>>, vector<1x16xf32>,
      %get3A_749 = vector.shape_cast %get3A_748 : vector<1x16xf32> to vector<16xf32>
      %get3A_750 = arith.index_cast %scan3A_145 : i32 to index
      %get3A_751 = arith.constant 688 : index
      %get3A_752 = tpu.vector_load %arg10[%get3A_750, %get3A_751] {strides = array<i32>} : memref<32x768xf32, #tpu.memory_space<vmem>>, vector<1x16xf32>,
      %get3A_753 = vector.shape_cast %get3A_752 : vector<1x16xf32> to vector<16xf32>
      %add3A_754 = arith.addf %get3A_749, %get3A_753 : vector<16xf32>
      %swap3A_755 = arith.index_cast %scan3A_145 : i32 to index
      %swap3A_756 = arith.constant 688 : index
      %swap3A_757 = tpu.vector_load %arg9[%swap3A_755, %swap3A_756] {strides = array<i32>} : memref<32x768xf32, #tpu.memory_space<vmem>>, vector<1x16xf32>,
      %swap3A_758 = vector.shape_cast %swap3A_757 : vector<1x16xf32> to vector<16xf32>
      %swap3A_759 = vector.shape_cast %add3A_754 : vector<16xf32> to vector<1x16xf32>
      tpu.vector_store %arg9[%swap3A_755, %swap3A_756], %swap3A_759 {strides = array<i32>} : memref<32x768xf32, #tpu.memory_space<vmem>>, vector<1x16xf32>,
      %get3A_760 = arith.index_cast %scan3A_145 : i32 to index
      %get3A_761 = arith.constant 704 : index
      %get3A_762 = tpu.vector_load %arg9[%get3A_760, %get3A_761] {strides = array<i32>} : memref<32x768xf32, #tpu.memory_space<vmem>>, vector<1x16xf32>,
      %get3A_763 = vector.shape_cast %get3A_762 : vector<1x16xf32> to vector<16xf32>
      %get3A_764 = arith.index_cast %scan3A_145 : i32 to index
      %get3A_765 = arith.constant 704 : index
      %get3A_766 = tpu.vector_load %arg10[%get3A_764, %get3A_765] {strides = array<i32>} : memref<32x768xf32, #tpu.memory_space<vmem>>, vector<1x16xf32>,
      %get3A_767 = vector.shape_cast %get3A_766 : vector<1x16xf32> to vector<16xf32>
      %add3A_768 = arith.addf %get3A_763, %get3A_767 : vector<16xf32>
      %swap3A_769 = arith.index_cast %scan3A_145 : i32 to index
      %swap3A_770 = arith.constant 704 : index
      %swap3A_771 = tpu.vector_load %arg9[%swap3A_769, %swap3A_770] {strides = array<i32>} : memref<32x768xf32, #tpu.memory_space<vmem>>, vector<1x16xf32>,
      %swap3A_772 = vector.shape_cast %swap3A_771 : vector<1x16xf32> to vector<16xf32>
      %swap3A_773 = vector.shape_cast %add3A_768 : vector<16xf32> to vector<1x16xf32>
      tpu.vector_store %arg9[%swap3A_769, %swap3A_770], %swap3A_773 {strides = array<i32>} : memref<32x768xf32, #tpu.memory_space<vmem>>, vector<1x16xf32>,
      %get3A_774 = arith.index_cast %scan3A_145 : i32 to index
      %get3A_775 = arith.constant 720 : index
      %get3A_776 = tpu.vector_load %arg9[%get3A_774, %get3A_775] {strides = array<i32>} : memref<32x768xf32, #tpu.memory_space<vmem>>, vector<1x16xf32>,
      %get3A_777 = vector.shape_cast %get3A_776 : vector<1x16xf32> to vector<16xf32>
      %get3A_778 = arith.index_cast %scan3A_145 : i32 to index
      %get3A_779 = arith.constant 720 : index
      %get3A_780 = tpu.vector_load %arg10[%get3A_778, %get3A_779] {strides = array<i32>} : memref<32x768xf32, #tpu.memory_space<vmem>>, vector<1x16xf32>,
      %get3A_781 = vector.shape_cast %get3A_780 : vector<1x16xf32> to vector<16xf32>
      %add3A_782 = arith.addf %get3A_777, %get3A_781 : vector<16xf32>
      %swap3A_783 = arith.index_cast %scan3A_145 : i32 to index
      %swap3A_784 = arith.constant 720 : index
      %swap3A_785 = tpu.vector_load %arg9[%swap3A_783, %swap3A_784] {strides = array<i32>} : memref<32x768xf32, #tpu.memory_space<vmem>>, vector<1x16xf32>,
      %swap3A_786 = vector.shape_cast %swap3A_785 : vector<1x16xf32> to vector<16xf32>
      %swap3A_787 = vector.shape_cast %add3A_782 : vector<16xf32> to vector<1x16xf32>
      tpu.vector_store %arg9[%swap3A_783, %swap3A_784], %swap3A_787 {strides = array<i32>} : memref<32x768xf32, #tpu.memory_space<vmem>>, vector<1x16xf32>,
      %get3A_788 = arith.index_cast %scan3A_145 : i32 to index
      %get3A_789 = arith.constant 736 : index
      %get3A_790 = tpu.vector_load %arg9[%get3A_788, %get3A_789] {strides = array<i32>} : memref<32x768xf32, #tpu.memory_space<vmem>>, vector<1x16xf32>,
      %get3A_791 = vector.shape_cast %get3A_790 : vector<1x16xf32> to vector<16xf32>
      %get3A_792 = arith.index_cast %scan3A_145 : i32 to index
      %get3A_793 = arith.constant 736 : index
      %get3A_794 = tpu.vector_load %arg10[%get3A_792, %get3A_793] {strides = array<i32>} : memref<32x768xf32, #tpu.memory_space<vmem>>, vector<1x16xf32>,
      %get3A_795 = vector.shape_cast %get3A_794 : vector<1x16xf32> to vector<16xf32>
      %add3A_796 = arith.addf %get3A_791, %get3A_795 : vector<16xf32>
      %swap3A_797 = arith.index_cast %scan3A_145 : i32 to index
      %swap3A_798 = arith.constant 736 : index
      %swap3A_799 = tpu.vector_load %arg9[%swap3A_797, %swap3A_798] {strides = array<i32>} : memref<32x768xf32, #tpu.memory_space<vmem>>, vector<1x16xf32>,
      %swap3A_800 = vector.shape_cast %swap3A_799 : vector<1x16xf32> to vector<16xf32>
      %swap3A_801 = vector.shape_cast %add3A_796 : vector<16xf32> to vector<1x16xf32>
      tpu.vector_store %arg9[%swap3A_797, %swap3A_798], %swap3A_801 {strides = array<i32>} : memref<32x768xf32, #tpu.memory_space<vmem>>, vector<1x16xf32>,
      %get3A_802 = arith.index_cast %scan3A_145 : i32 to index
      %get3A_803 = arith.constant 752 : index
      %get3A_804 = tpu.vector_load %arg9[%get3A_802, %get3A_803] {strides = array<i32>} : memref<32x768xf32, #tpu.memory_space<vmem>>, vector<1x16xf32>,
      %get3A_805 = vector.shape_cast %get3A_804 : vector<1x16xf32> to vector<16xf32>
      %get3A_806 = arith.index_cast %scan3A_145 : i32 to index
      %get3A_807 = arith.constant 752 : index
      %get3A_808 = tpu.vector_load %arg10[%get3A_806, %get3A_807] {strides = array<i32>} : memref<32x768xf32, #tpu.memory_space<vmem>>, vector<1x16xf32>,
      %get3A_809 = vector.shape_cast %get3A_808 : vector<1x16xf32> to vector<16xf32>
      %add3A_810 = arith.addf %get3A_805, %get3A_809 : vector<16xf32>
      %swap3A_811 = arith.index_cast %scan3A_145 : i32 to index
      %swap3A_812 = arith.constant 752 : index
      %swap3A_813 = tpu.vector_load %arg9[%swap3A_811, %swap3A_812] {strides = array<i32>} : memref<32x768xf32, #tpu.memory_space<vmem>>, vector<1x16xf32>,
      %swap3A_814 = vector.shape_cast %swap3A_813 : vector<1x16xf32> to vector<16xf32>
      %swap3A_815 = vector.shape_cast %add3A_810 : vector<16xf32> to vector<1x16xf32>
      tpu.vector_store %arg9[%swap3A_811, %swap3A_812], %swap3A_815 {strides = array<i32>} : memref<32x768xf32, #tpu.memory_space<vmem>>, vector<1x16xf32>,
    }
    %scan3A_130 = arith.constant 32 : i32
    %add3A_131 = arith.constant 96 : i32
    %add3A_132 = arith.addi %mul3A_2, %add3A_131 : i32
    %dma_start3A_133 = arith.constant 0 : i32
    %dma_start3A_134 = tpu.memref_slice %arg4[%add3A_132, %dma_start3A_133] : memref<4096x768xf32, #tpu.memory_space<hbm>> -> memref<32x768xf32, #tpu.memory_space<hbm>>
    %dma_start3A_135 = arith.constant 0 : i32
    %dma_start3A_136 = tpu.memref_slice %arg4[%add3A_132, %dma_start3A_135] : memref<4096x768xf32, #tpu.memory_space<hbm>> -> memref<32x768xf32, #tpu.memory_space<hbm>>
    tpu.enqueue_dma source(%arg9 : memref<32x768xf32, #tpu.memory_space<vmem>>) target(%dma_start3A_136 : memref<32x768xf32, #tpu.memory_space<hbm>>) target_semaphore(%arg13 : memref<!tpu.dma_semaphore, #tpu.memory_space<semaphore_mem>>)
    %dma_wait3A_137 = arith.constant 0 : i32
    %dma_wait3A_138 = tpu.memref_slice %arg4[%add3A_110, %dma_wait3A_137] : memref<4096x768xf32, #tpu.memory_space<hbm>> -> memref<32x768xf32, #tpu.memory_space<hbm>>
    %dma_wait3A_139 = arith.constant 0 : i32
    %dma_wait3A_140 = tpu.memref_slice %arg4[%add3A_110, %dma_wait3A_139] : memref<4096x768xf32, #tpu.memory_space<hbm>> -> memref<32x768xf32, #tpu.memory_space<hbm>>
    tpu.wait_dma2 semaphore(%arg13 : memref<!tpu.dma_semaphore, #tpu.memory_space<semaphore_mem>>) src(%arg7 : memref<32x768xf32, #tpu.memory_space<vmem>>) dst(%dma_wait3A_140 : memref<32x768xf32, #tpu.memory_space<hbm>>)
    %dma_wait3A_141 = arith.constant 0 : i32
    %dma_wait3A_142 = tpu.memref_slice %arg4[%add3A_132, %dma_wait3A_141] : memref<4096x768xf32, #tpu.memory_space<hbm>> -> memref<32x768xf32, #tpu.memory_space<hbm>>
    %dma_wait3A_143 = arith.constant 0 : i32
    %dma_wait3A_144 = tpu.memref_slice %arg4[%add3A_132, %dma_wait3A_143] : memref<4096x768xf32, #tpu.memory_space<hbm>> -> memref<32x768xf32, #tpu.memory_space<hbm>>
    tpu.wait_dma2 semaphore(%arg13 : memref<!tpu.dma_semaphore, #tpu.memory_space<semaphore_mem>>) src(%arg9 : memref<32x768xf32, #tpu.memory_space<vmem>>) dst(%dma_wait3A_144 : memref<32x768xf32, #tpu.memory_space<hbm>>)
    return
  }
}

#map = affine_map<(d0, d1) -> (0, 0)>
#map1 = affine_map<(d0, d1) -> (0, 0, 0)>
module attributes {stable_mosaic.version = 14 : i64} {
  func.func @k(%arg0: i32, %arg1: i32, %arg2: memref<4096x768xf32, #tpu.memory_space<hbm>>, %arg3: memref<2x32x128xi32, #tpu.memory_space<hbm>>, %arg4: memref<2x4096x128xf32, #tpu.memory_space<hbm>>, %arg5: memref<24576x768xf32, #tpu.memory_space<hbm>>, %arg6: memref<24576x128xf32, #tpu.memory_space<hbm>>, %arg7: memref<128xi32, #tpu.memory_space<vmem>>, %arg8: memref<128xi32, #tpu.memory_space<vmem>>, %arg9: memref<128x768xf32, #tpu.memory_space<vmem>>, %arg10: memref<128x128xf32, #tpu.memory_space<vmem>>, %arg11: memref<!tpu.dma_semaphore, #tpu.memory_space<semaphore_mem>>, %arg12: memref<!tpu.dma_semaphore, #tpu.memory_space<semaphore_mem>>, %arg13: memref<!tpu.dma_semaphore, #tpu.memory_space<semaphore_mem>>) attributes {dimension_semantics = [#tpu.dimension_semantics<core_parallel>, #tpu.dimension_semantics<subcore_parallel>], iteration_bounds = array<i64: 2, 16>, scalar_prefetch = 0 : i64, scratch_operands = 7 : i64, tpu.core_type = #tpu.core_type<sc_vector_subcore>, window_params = [{transform_indices = #map}, {transform_indices = #map1}, {transform_indices = #map1}, {transform_indices = #map}, {transform_indices = #map}]} {
    %mul3A = arith.constant 2 : i32
    %mul3A_0 = arith.muli %arg1, %mul3A : i32
    %add3A = arith.addi %mul3A_0, %arg0 : i32
    %mul3A_1 = arith.constant 128 : i32
    %mul3A_2 = arith.muli %add3A, %mul3A_1 : i32
    %dma_start3A = arith.constant 0 : i32
    %dma_start3A_3 = tpu.memref_slice %arg2[%mul3A_2, %dma_start3A] : memref<4096x768xf32, #tpu.memory_space<hbm>> -> memref<128x768xf32, #tpu.memory_space<hbm>>
    %dma_start3A_4 = arith.constant 0 : i32
    %dma_start3A_5 = tpu.memref_slice %arg2[%mul3A_2, %dma_start3A_4] : memref<4096x768xf32, #tpu.memory_space<hbm>> -> memref<128x768xf32, #tpu.memory_space<hbm>>
    tpu.enqueue_dma source(%dma_start3A_5 : memref<128x768xf32, #tpu.memory_space<hbm>>) target(%arg9 : memref<128x768xf32, #tpu.memory_space<vmem>>) target_semaphore(%arg11 : memref<!tpu.dma_semaphore, #tpu.memory_space<semaphore_mem>>)
    %run_scoped3A = arith.constant 0 : i32
    "tpu.region"() ({
      %run_scoped3A_36 = tpu.sem_alloc : memref<!tpu.dma_semaphore, #tpu.memory_space<semaphore_mem>>
      %dma_start3A_37 = arith.constant 0 : i32
      %dma_start3A_38 = tpu.memref_slice %arg3[%run_scoped3A, %add3A, %dma_start3A_37] : memref<2x32x128xi32, #tpu.memory_space<hbm>> -> memref<1x1x128xi32, #tpu.memory_space<hbm>>
      %dma_start3A_39 = tpu.memref_squeeze %dma_start3A_38 : memref<1x1x128xi32, #tpu.memory_space<hbm>> -> memref<128xi32, #tpu.memory_space<hbm>>
      %dma_start3A_40 = arith.constant 0 : i32
      %dma_start3A_41 = tpu.memref_slice %arg3[%run_scoped3A, %add3A, %dma_start3A_40] : memref<2x32x128xi32, #tpu.memory_space<hbm>> -> memref<1x1x128xi32, #tpu.memory_space<hbm>>
      %dma_start3A_42 = tpu.memref_squeeze %dma_start3A_41 : memref<1x1x128xi32, #tpu.memory_space<hbm>> -> memref<128xi32, #tpu.memory_space<hbm>>
      tpu.enqueue_dma source(%dma_start3A_42 : memref<128xi32, #tpu.memory_space<hbm>>) target(%arg7 : memref<128xi32, #tpu.memory_space<vmem>>) target_semaphore(%run_scoped3A_36 : memref<!tpu.dma_semaphore, #tpu.memory_space<semaphore_mem>>)
      %dma_wait3A_43 = arith.constant 0 : i32
      %dma_wait3A_44 = tpu.memref_slice %arg3[%run_scoped3A, %add3A, %dma_wait3A_43] : memref<2x32x128xi32, #tpu.memory_space<hbm>> -> memref<1x1x128xi32, #tpu.memory_space<hbm>>
      %dma_wait3A_45 = tpu.memref_squeeze %dma_wait3A_44 : memref<1x1x128xi32, #tpu.memory_space<hbm>> -> memref<128xi32, #tpu.memory_space<hbm>>
      %dma_wait3A_46 = arith.constant 0 : i32
      %dma_wait3A_47 = tpu.memref_slice %arg3[%run_scoped3A, %add3A, %dma_wait3A_46] : memref<2x32x128xi32, #tpu.memory_space<hbm>> -> memref<1x1x128xi32, #tpu.memory_space<hbm>>
      %dma_wait3A_48 = tpu.memref_squeeze %dma_wait3A_47 : memref<1x1x128xi32, #tpu.memory_space<hbm>> -> memref<128xi32, #tpu.memory_space<hbm>>
      tpu.wait_dma2 semaphore(%run_scoped3A_36 : memref<!tpu.dma_semaphore, #tpu.memory_space<semaphore_mem>>) src(%dma_wait3A_48 : memref<128xi32, #tpu.memory_space<hbm>>) dst(%arg7 : memref<128xi32, #tpu.memory_space<vmem>>)
      tpu.yield
    }) : () -> ()
    %run_scoped3A_6 = arith.constant 1 : i32
    "tpu.region"() ({
      %run_scoped3A_36 = tpu.sem_alloc : memref<!tpu.dma_semaphore, #tpu.memory_space<semaphore_mem>>
      %dma_start3A_37 = arith.constant 0 : i32
      %dma_start3A_38 = tpu.memref_slice %arg3[%run_scoped3A_6, %add3A, %dma_start3A_37] : memref<2x32x128xi32, #tpu.memory_space<hbm>> -> memref<1x1x128xi32, #tpu.memory_space<hbm>>
      %dma_start3A_39 = tpu.memref_squeeze %dma_start3A_38 : memref<1x1x128xi32, #tpu.memory_space<hbm>> -> memref<128xi32, #tpu.memory_space<hbm>>
      %dma_start3A_40 = arith.constant 0 : i32
      %dma_start3A_41 = tpu.memref_slice %arg3[%run_scoped3A_6, %add3A, %dma_start3A_40] : memref<2x32x128xi32, #tpu.memory_space<hbm>> -> memref<1x1x128xi32, #tpu.memory_space<hbm>>
      %dma_start3A_42 = tpu.memref_squeeze %dma_start3A_41 : memref<1x1x128xi32, #tpu.memory_space<hbm>> -> memref<128xi32, #tpu.memory_space<hbm>>
      tpu.enqueue_dma source(%dma_start3A_42 : memref<128xi32, #tpu.memory_space<hbm>>) target(%arg8 : memref<128xi32, #tpu.memory_space<vmem>>) target_semaphore(%run_scoped3A_36 : memref<!tpu.dma_semaphore, #tpu.memory_space<semaphore_mem>>)
      %dma_wait3A_43 = arith.constant 0 : i32
      %dma_wait3A_44 = tpu.memref_slice %arg3[%run_scoped3A_6, %add3A, %dma_wait3A_43] : memref<2x32x128xi32, #tpu.memory_space<hbm>> -> memref<1x1x128xi32, #tpu.memory_space<hbm>>
      %dma_wait3A_45 = tpu.memref_squeeze %dma_wait3A_44 : memref<1x1x128xi32, #tpu.memory_space<hbm>> -> memref<128xi32, #tpu.memory_space<hbm>>
      %dma_wait3A_46 = arith.constant 0 : i32
      %dma_wait3A_47 = tpu.memref_slice %arg3[%run_scoped3A_6, %add3A, %dma_wait3A_46] : memref<2x32x128xi32, #tpu.memory_space<hbm>> -> memref<1x1x128xi32, #tpu.memory_space<hbm>>
      %dma_wait3A_48 = tpu.memref_squeeze %dma_wait3A_47 : memref<1x1x128xi32, #tpu.memory_space<hbm>> -> memref<128xi32, #tpu.memory_space<hbm>>
      tpu.wait_dma2 semaphore(%run_scoped3A_36 : memref<!tpu.dma_semaphore, #tpu.memory_space<semaphore_mem>>) src(%dma_wait3A_48 : memref<128xi32, #tpu.memory_space<hbm>>) dst(%arg8 : memref<128xi32, #tpu.memory_space<vmem>>)
      tpu.yield
    }) : () -> ()
    %dma_wait3A = arith.constant 0 : i32
    %dma_wait3A_7 = tpu.memref_slice %arg2[%mul3A_2, %dma_wait3A] : memref<4096x768xf32, #tpu.memory_space<hbm>> -> memref<128x768xf32, #tpu.memory_space<hbm>>
    %dma_wait3A_8 = arith.constant 0 : i32
    %dma_wait3A_9 = tpu.memref_slice %arg2[%mul3A_2, %dma_wait3A_8] : memref<4096x768xf32, #tpu.memory_space<hbm>> -> memref<128x768xf32, #tpu.memory_space<hbm>>
    tpu.wait_dma2 semaphore(%arg11 : memref<!tpu.dma_semaphore, #tpu.memory_space<semaphore_mem>>) src(%dma_wait3A_9 : memref<128x768xf32, #tpu.memory_space<hbm>>) dst(%arg9 : memref<128x768xf32, #tpu.memory_space<vmem>>)
    %dma_start3A_10 = arith.constant 0 : i32
    %dma_start3A_11 = arith.constant 0 : i32
    %dma_start3A_12 = tpu.memref_slice %arg5[%dma_start3A_10, %dma_start3A_11] : memref<24576x768xf32, #tpu.memory_space<hbm>> -> memref<24576x768xf32, #tpu.memory_space<hbm>>
    tpu.enqueue_indirect_dma source(%arg9 : memref<128x768xf32, #tpu.memory_space<vmem>>) target(%dma_start3A_12 : memref<24576x768xf32, #tpu.memory_space<hbm>>) offsets(%arg7 : memref<128xi32, #tpu.memory_space<vmem>>) semaphore(%arg12 : memref<!tpu.dma_semaphore, #tpu.memory_space<semaphore_mem>>)
    %dma_start3A_13 = arith.constant 0 : i32
    %dma_start3A_14 = arith.constant 0 : i32
    %dma_start3A_15 = tpu.memref_slice %arg5[%dma_start3A_13, %dma_start3A_14] : memref<24576x768xf32, #tpu.memory_space<hbm>> -> memref<24576x768xf32, #tpu.memory_space<hbm>>
    tpu.enqueue_indirect_dma source(%arg9 : memref<128x768xf32, #tpu.memory_space<vmem>>) target(%dma_start3A_15 : memref<24576x768xf32, #tpu.memory_space<hbm>>) offsets(%arg8 : memref<128xi32, #tpu.memory_space<vmem>>) semaphore(%arg12 : memref<!tpu.dma_semaphore, #tpu.memory_space<semaphore_mem>>)
    %run_scoped3A_16 = arith.constant 0 : i32
    "tpu.region"() ({
      %run_scoped3A_36 = tpu.sem_alloc : memref<!tpu.dma_semaphore, #tpu.memory_space<semaphore_mem>>
      %dma_start3A_37 = arith.constant 0 : i32
      %dma_start3A_38 = tpu.memref_slice %arg4[%run_scoped3A_16, %mul3A_2, %dma_start3A_37] : memref<2x4096x128xf32, #tpu.memory_space<hbm>> -> memref<1x128x128xf32, #tpu.memory_space<hbm>>
      %dma_start3A_39 = tpu.memref_squeeze %dma_start3A_38 : memref<1x128x128xf32, #tpu.memory_space<hbm>> -> memref<128x128xf32, #tpu.memory_space<hbm>>
      %dma_start3A_40 = arith.constant 0 : i32
      %dma_start3A_41 = tpu.memref_slice %arg4[%run_scoped3A_16, %mul3A_2, %dma_start3A_40] : memref<2x4096x128xf32, #tpu.memory_space<hbm>> -> memref<1x128x128xf32, #tpu.memory_space<hbm>>
      %dma_start3A_42 = tpu.memref_squeeze %dma_start3A_41 : memref<1x128x128xf32, #tpu.memory_space<hbm>> -> memref<128x128xf32, #tpu.memory_space<hbm>>
      tpu.enqueue_dma source(%dma_start3A_42 : memref<128x128xf32, #tpu.memory_space<hbm>>) target(%arg10 : memref<128x128xf32, #tpu.memory_space<vmem>>) target_semaphore(%run_scoped3A_36 : memref<!tpu.dma_semaphore, #tpu.memory_space<semaphore_mem>>)
      %dma_wait3A_43 = arith.constant 0 : i32
      %dma_wait3A_44 = tpu.memref_slice %arg4[%run_scoped3A_16, %mul3A_2, %dma_wait3A_43] : memref<2x4096x128xf32, #tpu.memory_space<hbm>> -> memref<1x128x128xf32, #tpu.memory_space<hbm>>
      %dma_wait3A_45 = tpu.memref_squeeze %dma_wait3A_44 : memref<1x128x128xf32, #tpu.memory_space<hbm>> -> memref<128x128xf32, #tpu.memory_space<hbm>>
      %dma_wait3A_46 = arith.constant 0 : i32
      %dma_wait3A_47 = tpu.memref_slice %arg4[%run_scoped3A_16, %mul3A_2, %dma_wait3A_46] : memref<2x4096x128xf32, #tpu.memory_space<hbm>> -> memref<1x128x128xf32, #tpu.memory_space<hbm>>
      %dma_wait3A_48 = tpu.memref_squeeze %dma_wait3A_47 : memref<1x128x128xf32, #tpu.memory_space<hbm>> -> memref<128x128xf32, #tpu.memory_space<hbm>>
      tpu.wait_dma2 semaphore(%run_scoped3A_36 : memref<!tpu.dma_semaphore, #tpu.memory_space<semaphore_mem>>) src(%dma_wait3A_48 : memref<128x128xf32, #tpu.memory_space<hbm>>) dst(%arg10 : memref<128x128xf32, #tpu.memory_space<vmem>>)
      tpu.yield
    }) : () -> ()
    %dma_start3A_17 = arith.constant 0 : i32
    %dma_start3A_18 = arith.constant 0 : i32
    %dma_start3A_19 = tpu.memref_slice %arg6[%dma_start3A_17, %dma_start3A_18] : memref<24576x128xf32, #tpu.memory_space<hbm>> -> memref<24576x128xf32, #tpu.memory_space<hbm>>
    tpu.enqueue_indirect_dma source(%arg10 : memref<128x128xf32, #tpu.memory_space<vmem>>) target(%dma_start3A_19 : memref<24576x128xf32, #tpu.memory_space<hbm>>) offsets(%arg7 : memref<128xi32, #tpu.memory_space<vmem>>) semaphore(%arg13 : memref<!tpu.dma_semaphore, #tpu.memory_space<semaphore_mem>>)
    %dma_wait3A_20 = arith.constant 0 : i32
    %dma_wait3A_21 = arith.constant 0 : i32
    %dma_wait3A_22 = tpu.memref_slice %arg6[%dma_wait3A_20, %dma_wait3A_21] : memref<24576x128xf32, #tpu.memory_space<hbm>> -> memref<24576x128xf32, #tpu.memory_space<hbm>>
    tpu.wait_indirect_dma semaphore(%arg13 : memref<!tpu.dma_semaphore, #tpu.memory_space<semaphore_mem>>) src(%arg10 : memref<128x128xf32, #tpu.memory_space<vmem>>) dst(%dma_wait3A_22 : memref<24576x128xf32, #tpu.memory_space<hbm>>)
    %run_scoped3A_23 = arith.constant 1 : i32
    "tpu.region"() ({
      %run_scoped3A_36 = tpu.sem_alloc : memref<!tpu.dma_semaphore, #tpu.memory_space<semaphore_mem>>
      %dma_start3A_37 = arith.constant 0 : i32
      %dma_start3A_38 = tpu.memref_slice %arg4[%run_scoped3A_23, %mul3A_2, %dma_start3A_37] : memref<2x4096x128xf32, #tpu.memory_space<hbm>> -> memref<1x128x128xf32, #tpu.memory_space<hbm>>
      %dma_start3A_39 = tpu.memref_squeeze %dma_start3A_38 : memref<1x128x128xf32, #tpu.memory_space<hbm>> -> memref<128x128xf32, #tpu.memory_space<hbm>>
      %dma_start3A_40 = arith.constant 0 : i32
      %dma_start3A_41 = tpu.memref_slice %arg4[%run_scoped3A_23, %mul3A_2, %dma_start3A_40] : memref<2x4096x128xf32, #tpu.memory_space<hbm>> -> memref<1x128x128xf32, #tpu.memory_space<hbm>>
      %dma_start3A_42 = tpu.memref_squeeze %dma_start3A_41 : memref<1x128x128xf32, #tpu.memory_space<hbm>> -> memref<128x128xf32, #tpu.memory_space<hbm>>
      tpu.enqueue_dma source(%dma_start3A_42 : memref<128x128xf32, #tpu.memory_space<hbm>>) target(%arg10 : memref<128x128xf32, #tpu.memory_space<vmem>>) target_semaphore(%run_scoped3A_36 : memref<!tpu.dma_semaphore, #tpu.memory_space<semaphore_mem>>)
      %dma_wait3A_43 = arith.constant 0 : i32
      %dma_wait3A_44 = tpu.memref_slice %arg4[%run_scoped3A_23, %mul3A_2, %dma_wait3A_43] : memref<2x4096x128xf32, #tpu.memory_space<hbm>> -> memref<1x128x128xf32, #tpu.memory_space<hbm>>
      %dma_wait3A_45 = tpu.memref_squeeze %dma_wait3A_44 : memref<1x128x128xf32, #tpu.memory_space<hbm>> -> memref<128x128xf32, #tpu.memory_space<hbm>>
      %dma_wait3A_46 = arith.constant 0 : i32
      %dma_wait3A_47 = tpu.memref_slice %arg4[%run_scoped3A_23, %mul3A_2, %dma_wait3A_46] : memref<2x4096x128xf32, #tpu.memory_space<hbm>> -> memref<1x128x128xf32, #tpu.memory_space<hbm>>
      %dma_wait3A_48 = tpu.memref_squeeze %dma_wait3A_47 : memref<1x128x128xf32, #tpu.memory_space<hbm>> -> memref<128x128xf32, #tpu.memory_space<hbm>>
      tpu.wait_dma2 semaphore(%run_scoped3A_36 : memref<!tpu.dma_semaphore, #tpu.memory_space<semaphore_mem>>) src(%dma_wait3A_48 : memref<128x128xf32, #tpu.memory_space<hbm>>) dst(%arg10 : memref<128x128xf32, #tpu.memory_space<vmem>>)
      tpu.yield
    }) : () -> ()
    %dma_start3A_24 = arith.constant 0 : i32
    %dma_start3A_25 = arith.constant 0 : i32
    %dma_start3A_26 = tpu.memref_slice %arg6[%dma_start3A_24, %dma_start3A_25] : memref<24576x128xf32, #tpu.memory_space<hbm>> -> memref<24576x128xf32, #tpu.memory_space<hbm>>
    tpu.enqueue_indirect_dma source(%arg10 : memref<128x128xf32, #tpu.memory_space<vmem>>) target(%dma_start3A_26 : memref<24576x128xf32, #tpu.memory_space<hbm>>) offsets(%arg8 : memref<128xi32, #tpu.memory_space<vmem>>) semaphore(%arg13 : memref<!tpu.dma_semaphore, #tpu.memory_space<semaphore_mem>>)
    %dma_wait3A_27 = arith.constant 0 : i32
    %dma_wait3A_28 = arith.constant 0 : i32
    %dma_wait3A_29 = tpu.memref_slice %arg5[%dma_wait3A_27, %dma_wait3A_28] : memref<24576x768xf32, #tpu.memory_space<hbm>> -> memref<24576x768xf32, #tpu.memory_space<hbm>>
    tpu.wait_indirect_dma semaphore(%arg12 : memref<!tpu.dma_semaphore, #tpu.memory_space<semaphore_mem>>) src(%arg9 : memref<128x768xf32, #tpu.memory_space<vmem>>) dst(%dma_wait3A_29 : memref<24576x768xf32, #tpu.memory_space<hbm>>)
    %dma_wait3A_30 = arith.constant 0 : i32
    %dma_wait3A_31 = arith.constant 0 : i32
    %dma_wait3A_32 = tpu.memref_slice %arg5[%dma_wait3A_30, %dma_wait3A_31] : memref<24576x768xf32, #tpu.memory_space<hbm>> -> memref<24576x768xf32, #tpu.memory_space<hbm>>
    tpu.wait_indirect_dma semaphore(%arg12 : memref<!tpu.dma_semaphore, #tpu.memory_space<semaphore_mem>>) src(%arg9 : memref<128x768xf32, #tpu.memory_space<vmem>>) dst(%dma_wait3A_32 : memref<24576x768xf32, #tpu.memory_space<hbm>>)
    %dma_wait3A_33 = arith.constant 0 : i32
    %dma_wait3A_34 = arith.constant 0 : i32
    %dma_wait3A_35 = tpu.memref_slice %arg6[%dma_wait3A_33, %dma_wait3A_34] : memref<24576x128xf32, #tpu.memory_space<hbm>> -> memref<24576x128xf32, #tpu.memory_space<hbm>>
    tpu.wait_indirect_dma semaphore(%arg13 : memref<!tpu.dma_semaphore, #tpu.memory_space<semaphore_mem>>) src(%arg10 : memref<128x128xf32, #tpu.memory_space<vmem>>) dst(%dma_wait3A_35 : memref<24576x128xf32, #tpu.memory_space<hbm>>)
    return
  }
}

module attributes {stable_mosaic.version = 14 : i64} {
  func.func @_route_body(%arg0: memref<4096x768xf32, #tpu.memory_space<vmem>>, %arg1: memref<768x64xf32, #tpu.memory_space<vmem>>, %arg2: memref<1x1xf32, #tpu.memory_space<vmem>>, %arg3: memref<4096x2xi32, #tpu.memory_space<vmem>>, %arg4: memref<2x4096x128xf32, #tpu.memory_space<vmem>>, %arg5: memref<1x96xi32, #tpu.memory_space<vmem>>, %arg6: memref<1x96xi32, #tpu.memory_space<vmem>>, %arg7: memref<1x96xi32, #tpu.memory_space<vmem>>, %arg8: memref<4096x64xf32, #tpu.memory_space<vmem>>, %arg9: memref<4096x64xf32, #tpu.memory_space<vmem>>) attributes {dimension_semantics = [], scalar_prefetch = 0 : i64, scratch_operands = 2 : i64, tpu.core_type = #tpu.core_type<tc>} {
    %get3A = arith.constant 0 : index
    %get3A_0 = arith.constant 0 : index
    %get3A_1 = vector.load %arg0[%get3A, %get3A_0] : memref<4096x768xf32, #tpu.memory_space<vmem>>, vector<4096x768xf32>
    %get3A_2 = arith.constant 0 : index
    %get3A_3 = arith.constant 0 : index
    %get3A_4 = vector.load %arg1[%get3A_2, %get3A_3] : memref<768x64xf32, #tpu.memory_space<vmem>>, vector<768x64xf32>
    %dot_general3A = arith.constant dense<0.000000e+00> : vector<4096x64xf32>
    %dot_general3A_5 = tpu.matmul %get3A_1, %get3A_4, %dot_general3A {dimension_numbers = #tpu.dot_dimension_numbers<[1], [0], [0], [1], [0, 0, 1, 1], [], []>, transpose_lhs_hint = false} : vector<4096x768xf32>, vector<768x64xf32>, vector<4096x64xf32> -> vector<4096x64xf32>
    %reduce_max3A = arith.constant dense<0xFF800000> : vector<4096xf32>
    %reduce_max3A_6 = vector.multi_reduction <maximumf>, %dot_general3A_5, %reduce_max3A [1] : vector<4096x64xf32> to vector<4096xf32>
    %broadcast_in_dim3A = vector.shape_cast %reduce_max3A_6 : vector<4096xf32> to vector<4096x1xf32>
    %sub3A = vector.broadcast %broadcast_in_dim3A : vector<4096x1xf32> to vector<4096x64xf32>
    %sub3A_7 = arith.subf %dot_general3A_5, %sub3A : vector<4096x64xf32>
    %exp3A = math.exp %sub3A_7 : vector<4096x64xf32>
    %reduce_sum3A = arith.constant dense<0.000000e+00> : vector<4096xf32>
    %reduce_sum3A_8 = vector.multi_reduction <add>, %exp3A, %reduce_sum3A [1] : vector<4096x64xf32> to vector<4096xf32>
    %broadcast_in_dim3A_9 = vector.shape_cast %reduce_sum3A_8 : vector<4096xf32> to vector<4096x1xf32>
    %div3A = vector.broadcast %broadcast_in_dim3A_9 : vector<4096x1xf32> to vector<4096x64xf32>
    %div3A_10 = arith.divf %exp3A, %div3A : vector<4096x64xf32>
    %reduce_sum3A_11 = arith.constant dense<0.000000e+00> : vector<64xf32>
    %reduce_sum3A_12 = vector.multi_reduction <add>, %div3A_10, %reduce_sum3A_11 [0] : vector<4096x64xf32> to vector<64xf32>
    %div3A_13 = arith.constant 4.096000e+03 : f32
    %div3A_14 = vector.broadcast %div3A_13 : f32 to vector<64xf32>
    %div3A_15 = arith.divf %reduce_sum3A_12, %div3A_14 : vector<64xf32>
    %log3A = arith.constant 1.562500e-02 : f32
    %log3A_16 = math.log %log3A : f32
    %log3A_17 = math.log %div3A_15 : vector<64xf32>
    %sub3A_18 = vector.broadcast %log3A_16 : f32 to vector<64xf32>
    %sub3A_19 = arith.subf %sub3A_18, %log3A_17 : vector<64xf32>
    %mul3A = arith.constant 1.562500e-02 : f32
    %mul3A_20 = vector.broadcast %mul3A : f32 to vector<64xf32>
    %mul3A_21 = arith.mulf %mul3A_20, %sub3A_19 : vector<64xf32>
    %reduce_sum3A_22 = vector.shape_cast %mul3A_21 : vector<64xf32> to vector<1x64xf32>
    %reduce_sum3A_23 = arith.constant dense<0.000000e+00> : vector<1xf32>
    %reduce_sum3A_24 = vector.multi_reduction <add>, %reduce_sum3A_22, %reduce_sum3A_23 [1] : vector<1x64xf32> to vector<1xf32>
    %reduce_sum3A_25 = vector.shape_cast %reduce_sum3A_24 : vector<1xf32> to vector<1x1xf32>
    %reduce_sum3A_26 = vector.extract %reduce_sum3A_25[0, 0] : f32 from vector<1x1xf32>
    %reshape3A = vector.broadcast %reduce_sum3A_26 : f32 to vector<1x1xf32>
    %swap3A = arith.constant 0 : index
    %swap3A_27 = arith.constant 0 : index
    %swap3A_28 = vector.load %arg2[%swap3A, %swap3A_27] : memref<1x1xf32, #tpu.memory_space<vmem>>, vector<1x1xf32>
    tpu.vector_store %arg2[%swap3A, %swap3A_27], %reshape3A {strides = array<i32>} : memref<1x1xf32, #tpu.memory_space<vmem>>, vector<1x1xf32>,
    %iota3A = tpu.iota {dimensions = array<i32: 1>} : vector<4096x64xi32>
    %eq3A = vector.broadcast %broadcast_in_dim3A : vector<4096x1xf32> to vector<4096x64xf32>
    %eq3A_29 = arith.cmpf oeq, %dot_general3A_5, %eq3A : vector<4096x64xf32>
    %jit3A = arith.constant 64 : i32
    %broadcast_in_dim3A_30 = vector.broadcast %jit3A : i32 to vector<4096x64xi32>
    %select_n3A = arith.select %eq3A_29, %iota3A, %broadcast_in_dim3A_30 : vector<4096x64xi1>, vector<4096x64xi32>
    %reduce_min3A = arith.constant dense<2147483647> : vector<4096xi32>
    %reduce_min3A_31 = vector.multi_reduction <minsi>, %select_n3A, %reduce_min3A [1] : vector<4096x64xi32> to vector<4096xi32>
    %broadcast_in_dim3A_32 = vector.shape_cast %reduce_min3A_31 : vector<4096xi32> to vector<4096x1xi32>
    %eq3A_33 = vector.broadcast %broadcast_in_dim3A_32 : vector<4096x1xi32> to vector<4096x64xi32>
    %eq3A_34 = arith.cmpi eq, %iota3A, %eq3A_33 : vector<4096x64xi32>
    %jit3A_35 = arith.constant 0xFF800000 : f32
    %broadcast_in_dim3A_36 = vector.broadcast %jit3A_35 : f32 to vector<4096x64xf32>
    %select_n3A_37 = arith.select %eq3A_34, %broadcast_in_dim3A_36, %dot_general3A_5 : vector<4096x64xi1>, vector<4096x64xf32>
    %reduce_max3A_38 = arith.constant dense<0xFF800000> : vector<4096xf32>
    %reduce_max3A_39 = vector.multi_reduction <maximumf>, %select_n3A_37, %reduce_max3A_38 [1] : vector<4096x64xf32> to vector<4096xf32>
    %broadcast_in_dim3A_40 = vector.shape_cast %reduce_max3A_39 : vector<4096xf32> to vector<4096x1xf32>
    %eq3A_41 = vector.broadcast %broadcast_in_dim3A_40 : vector<4096x1xf32> to vector<4096x64xf32>
    %eq3A_42 = arith.cmpf oeq, %select_n3A_37, %eq3A_41 : vector<4096x64xf32>
    %jit3A_43 = arith.constant 64 : i32
    %broadcast_in_dim3A_44 = vector.broadcast %jit3A_43 : i32 to vector<4096x64xi32>
    %select_n3A_45 = arith.select %eq3A_42, %iota3A, %broadcast_in_dim3A_44 : vector<4096x64xi1>, vector<4096x64xi32>
    %reduce_min3A_46 = arith.constant dense<2147483647> : vector<4096xi32>
    %reduce_min3A_47 = vector.multi_reduction <minsi>, %select_n3A_45, %reduce_min3A_46 [1] : vector<4096x64xi32> to vector<4096xi32>
    %broadcast_in_dim3A_48 = vector.shape_cast %reduce_min3A_47 : vector<4096xi32> to vector<4096x1xi32>
    %sub3A_49 = arith.subf %broadcast_in_dim3A_40, %broadcast_in_dim3A : vector<4096x1xf32>
    %exp3A_50 = math.exp %sub3A_49 : vector<4096x1xf32>
    %add3A = arith.constant 1.000000e+00 : f32
    %add3A_51 = vector.broadcast %add3A : f32 to vector<4096x1xf32>
    %add3A_52 = arith.addf %add3A_51, %exp3A_50 : vector<4096x1xf32>
    %div3A_53 = arith.constant 1.000000e+00 : f32
    %div3A_54 = vector.broadcast %div3A_53 : f32 to vector<4096x1xf32>
    %div3A_55 = arith.divf %div3A_54, %add3A_52 : vector<4096x1xf32>
    %broadcast_in_dim3A_56 = vector.shape_cast %div3A_55 : vector<4096x1xf32> to vector<4096x1xf32>
    %broadcast_in_dim3A_57 = vector.broadcast %broadcast_in_dim3A_56 : vector<4096x1xf32> to vector<4096x128xf32>
    %swap3A_58 = arith.constant 0 : index
    %swap3A_59 = arith.constant 0 : index
    %swap3A_60 = arith.constant 0 : index
    %swap3A_61 = vector.load %arg4[%swap3A_58, %swap3A_59, %swap3A_60] : memref<2x4096x128xf32, #tpu.memory_space<vmem>>, vector<1x4096x128xf32>
    %swap3A_62 = vector.shape_cast %swap3A_61 : vector<1x4096x128xf32> to vector<4096x128xf32>
    %swap3A_63 = vector.shape_cast %broadcast_in_dim3A_57 : vector<4096x128xf32> to vector<1x4096x128xf32>
    tpu.vector_store %arg4[%swap3A_58, %swap3A_59, %swap3A_60], %swap3A_63 {strides = array<i32>} : memref<2x4096x128xf32, #tpu.memory_space<vmem>>, vector<1x4096x128xf32>,
    %sub3A_64 = arith.constant 1.000000e+00 : f32
    %sub3A_65 = vector.broadcast %sub3A_64 : f32 to vector<4096x1xf32>
    %sub3A_66 = arith.subf %sub3A_65, %div3A_55 : vector<4096x1xf32>
    %broadcast_in_dim3A_67 = vector.shape_cast %sub3A_66 : vector<4096x1xf32> to vector<4096x1xf32>
    %broadcast_in_dim3A_68 = vector.broadcast %broadcast_in_dim3A_67 : vector<4096x1xf32> to vector<4096x128xf32>
    %swap3A_69 = arith.constant 1 : index
    %swap3A_70 = arith.constant 0 : index
    %swap3A_71 = arith.constant 0 : index
    %swap3A_72 = vector.load %arg4[%swap3A_69, %swap3A_70, %swap3A_71] : memref<2x4096x128xf32, #tpu.memory_space<vmem>>, vector<1x4096x128xf32>
    %swap3A_73 = vector.shape_cast %swap3A_72 : vector<1x4096x128xf32> to vector<4096x128xf32>
    %swap3A_74 = vector.shape_cast %broadcast_in_dim3A_68 : vector<4096x128xf32> to vector<1x4096x128xf32>
    tpu.vector_store %arg4[%swap3A_69, %swap3A_70, %swap3A_71], %swap3A_74 {strides = array<i32>} : memref<2x4096x128xf32, #tpu.memory_space<vmem>>, vector<1x4096x128xf32>,
    %eq3A_75 = vector.broadcast %broadcast_in_dim3A_32 : vector<4096x1xi32> to vector<4096x64xi32>
    %eq3A_76 = arith.cmpi eq, %iota3A, %eq3A_75 : vector<4096x64xi32>
    %eq3A_77 = vector.broadcast %broadcast_in_dim3A_48 : vector<4096x1xi32> to vector<4096x64xi32>
    %eq3A_78 = arith.cmpi eq, %iota3A, %eq3A_77 : vector<4096x64xi32>
    %or3A = arith.ori %eq3A_76, %eq3A_78 : vector<4096x64xi1>
    %jit3A_79 = arith.constant 1.000000e+00 : f32
    %jit3A_80 = arith.constant 0.000000e+00 : f32
    %broadcast_in_dim3A_81 = vector.broadcast %jit3A_79 : f32 to vector<4096x64xf32>
    %broadcast_in_dim3A_82 = vector.broadcast %jit3A_80 : f32 to vector<4096x64xf32>
    %select_n3A_83 = arith.select %or3A, %broadcast_in_dim3A_81, %broadcast_in_dim3A_82 : vector<4096x64xi1>, vector<4096x64xf32>
    %swap3A_84 = arith.constant 0 : index
    %swap3A_85 = arith.constant 0 : index
    %swap3A_86 = vector.load %arg8[%swap3A_84, %swap3A_85] : memref<4096x64xf32, #tpu.memory_space<vmem>>, vector<4096x64xf32>
    tpu.vector_store %arg8[%swap3A_84, %swap3A_85], %select_n3A_83 {strides = array<i32>} : memref<4096x64xf32, #tpu.memory_space<vmem>>, vector<4096x64xf32>,
    %iota3A_87 = tpu.iota {dimensions = array<i32: 0>} : vector<256x256xi32>
    %iota3A_88 = tpu.iota {dimensions = array<i32: 1>} : vector<256x256xi32>
    %lt3A = arith.cmpi slt, %iota3A_88, %iota3A_87 : vector<256x256xi32>
    %jit3A_89 = arith.constant 1.000000e+00 : f32
    %jit3A_90 = arith.constant 0.000000e+00 : f32
    %broadcast_in_dim3A_91 = vector.broadcast %jit3A_89 : f32 to vector<256x256xf32>
    %broadcast_in_dim3A_92 = vector.broadcast %jit3A_90 : f32 to vector<256x256xf32>
    %select_n3A_93 = arith.select %lt3A, %broadcast_in_dim3A_91, %broadcast_in_dim3A_92 : vector<256x256xi1>, vector<256x256xf32>
    %broadcast_in_dim3A_94 = arith.constant 0.000000e+00 : f32
    %broadcast_in_dim3A_95 = vector.broadcast %broadcast_in_dim3A_94 : f32 to vector<1x64xf32>
    %scan3A = arith.constant 0 : i32
    %scan3A_96 = arith.constant 16 : i32
    %scan3A_97 = arith.addi %scan3A, %scan3A_96 : i32
    %scan3A_98 = arith.constant 1 : i32
    %scan3A_99 = scf.for %scan3A_229 = %scan3A to %scan3A_97 step %scan3A_98 iter_args(%scan3A_230 = %broadcast_in_dim3A_95) -> (vector<1x64xf32>)  : i32 {
      %mul3A_231 = arith.constant 256 : i32
      %mul3A_232 = arith.muli %scan3A_229, %mul3A_231 : i32
      %multiple_of3A = tpu.assume_multiple %mul3A_232, 256 : i32
      %get3A_233 = arith.index_cast %multiple_of3A : i32 to index
      %get3A_234 = arith.constant 0 : index
      %get3A_235 = vector.load %arg8[%get3A_233, %get3A_234] : memref<4096x64xf32, #tpu.memory_space<vmem>>, vector<256x64xf32>
      %dot_general3A_236 = arith.constant dense<0.000000e+00> : vector<256x64xf32>
      %dot_general3A_237 = tpu.matmul %select_n3A_93, %get3A_235, %dot_general3A_236 {dimension_numbers = #tpu.dot_dimension_numbers<[1], [0], [0], [1], [0, 0, 1, 1], [], []>, transpose_lhs_hint = false} : vector<256x256xf32>, vector<256x64xf32>, vector<256x64xf32> -> vector<256x64xf32>
      %add3A_238 = vector.broadcast %scan3A_230 : vector<1x64xf32> to vector<256x64xf32>
      %add3A_239 = arith.addf %dot_general3A_237, %add3A_238 : vector<256x64xf32>
      %swap3A_240 = arith.index_cast %multiple_of3A : i32 to index
      %swap3A_241 = arith.constant 0 : index
      %swap3A_242 = vector.load %arg9[%swap3A_240, %swap3A_241] : memref<4096x64xf32, #tpu.memory_space<vmem>>, vector<256x64xf32>
      tpu.vector_store %arg9[%swap3A_240, %swap3A_241], %add3A_239 {strides = array<i32>} : memref<4096x64xf32, #tpu.memory_space<vmem>>, vector<256x64xf32>,
      %reduce_sum3A_243 = arith.constant dense<0.000000e+00> : vector<64xf32>
      %reduce_sum3A_244 = vector.multi_reduction <add>, %get3A_235, %reduce_sum3A_243 [0] : vector<256x64xf32> to vector<64xf32>
      %broadcast_in_dim3A_245 = vector.shape_cast %reduce_sum3A_244 : vector<64xf32> to vector<1x64xf32>
      %add3A_246 = arith.addf %scan3A_230, %broadcast_in_dim3A_245 : vector<1x64xf32>
      scf.yield %add3A_246 : vector<1x64xf32>
    }
    %scan3A_100 = arith.constant 16 : i32
    %convert_element_type3A = arith.fptosi %scan3A_99 : vector<1x64xf32> to vector<1x64xi32>
    %add3A_101 = arith.constant 255 : i32
    %add3A_102 = vector.broadcast %add3A_101 : i32 to vector<1x64xi32>
    %add3A_103 = arith.addi %convert_element_type3A, %add3A_102 : vector<1x64xi32>
    %jit3A_104 = arith.constant 256 : i32
    %div3A_105 = vector.broadcast %jit3A_104 : i32 to vector<1x64xi32>
    %div3A_106 = arith.divsi %add3A_103, %div3A_105 : vector<1x64xi32>
    %sign3A = arith.constant 0 : i32
    %sign3A_107 = vector.broadcast %sign3A : i32 to vector<1x64xi32>
    %sign3A_108 = arith.cmpi sgt, %add3A_103, %sign3A_107 : vector<1x64xi32>
    %sign3A_109 = arith.extui %sign3A_108 : vector<1x64xi1> to vector<1x64xi32>
    %sign3A_110 = arith.constant 0 : i32
    %sign3A_111 = vector.broadcast %sign3A_110 : i32 to vector<1x64xi32>
    %sign3A_112 = arith.cmpi slt, %add3A_103, %sign3A_111 : vector<1x64xi32>
    %sign3A_113 = arith.extui %sign3A_112 : vector<1x64xi1> to vector<1x64xi32>
    %sign3A_114 = arith.subi %sign3A_109, %sign3A_113 : vector<1x64xi32>
    %sign3A_115 = arith.constant 0 : i32
    %sign3A_116 = arith.cmpi sgt, %jit3A_104, %sign3A_115 : i32
    %sign3A_117 = arith.extui %sign3A_116 : i1 to i32
    %sign3A_118 = arith.constant 0 : i32
    %sign3A_119 = arith.cmpi slt, %jit3A_104, %sign3A_118 : i32
    %sign3A_120 = arith.extui %sign3A_119 : i1 to i32
    %sign3A_121 = arith.subi %sign3A_117, %sign3A_120 : i32
    %ne3A = vector.broadcast %sign3A_121 : i32 to vector<1x64xi32>
    %ne3A_122 = arith.cmpi ne, %sign3A_114, %ne3A : vector<1x64xi32>
    %rem3A = vector.broadcast %jit3A_104 : i32 to vector<1x64xi32>
    %rem3A_123 = arith.remsi %add3A_103, %rem3A : vector<1x64xi32>
    %ne3A_124 = arith.constant 0 : i32
    %ne3A_125 = vector.broadcast %ne3A_124 : i32 to vector<1x64xi32>
    %ne3A_126 = arith.cmpi ne, %rem3A_123, %ne3A_125 : vector<1x64xi32>
    %and3A = arith.andi %ne3A_122, %ne3A_126 : vector<1x64xi1>
    %sub3A_127 = arith.constant 1 : i32
    %sub3A_128 = vector.broadcast %sub3A_127 : i32 to vector<1x64xi32>
    %sub3A_129 = arith.subi %div3A_106, %sub3A_128 : vector<1x64xi32>
    %select_n3A_130 = arith.select %and3A, %sub3A_129, %div3A_106 : vector<1x64xi1>, vector<1x64xi32>
    %mul3A_131 = arith.constant 256 : i32
    %mul3A_132 = vector.broadcast %mul3A_131 : i32 to vector<1x64xi32>
    %mul3A_133 = arith.muli %select_n3A_130, %mul3A_132 : vector<1x64xi32>
    %convert_element_type3A_134 = arith.sitofp %mul3A_133 : vector<1x64xi32> to vector<1x64xf32>
    %iota3A_135 = tpu.iota {dimensions = array<i32: 0>} : vector<64x64xi32>
    %iota3A_136 = tpu.iota {dimensions = array<i32: 1>} : vector<64x64xi32>
    %lt3A_137 = arith.cmpi slt, %iota3A_135, %iota3A_136 : vector<64x64xi32>
    %jit3A_138 = arith.constant 1.000000e+00 : f32
    %jit3A_139 = arith.constant 0.000000e+00 : f32
    %broadcast_in_dim3A_140 = vector.broadcast %jit3A_138 : f32 to vector<64x64xf32>
    %broadcast_in_dim3A_141 = vector.broadcast %jit3A_139 : f32 to vector<64x64xf32>
    %select_n3A_142 = arith.select %lt3A_137, %broadcast_in_dim3A_140, %broadcast_in_dim3A_141 : vector<64x64xi1>, vector<64x64xf32>
    %dot_general3A_143 = arith.constant dense<0.000000e+00> : vector<1x64xf32>
    %dot_general3A_144 = tpu.matmul %convert_element_type3A_134, %select_n3A_142, %dot_general3A_143 {dimension_numbers = #tpu.dot_dimension_numbers<[1], [0], [0], [1], [0, 0, 1, 1], [], []>, transpose_lhs_hint = false} : vector<1x64xf32>, vector<64x64xf32>, vector<1x64xf32> -> vector<1x64xf32>
    %get3A_145 = arith.constant 0 : index
    %get3A_146 = arith.constant 0 : index
    %get3A_147 = vector.load %arg9[%get3A_145, %get3A_146] : memref<4096x64xf32, #tpu.memory_space<vmem>>, vector<4096x64xf32>
    %broadcast_in_dim3A_148 = vector.shape_cast %dot_general3A_144 : vector<1x64xf32> to vector<1x64xf32>
    %broadcast_in_dim3A_149 = vector.broadcast %broadcast_in_dim3A_148 : vector<1x64xf32> to vector<4096x64xf32>
    %eq3A_150 = vector.broadcast %broadcast_in_dim3A_32 : vector<4096x1xi32> to vector<4096x64xi32>
    %eq3A_151 = arith.cmpi eq, %iota3A, %eq3A_150 : vector<4096x64xi32>
    %add3A_152 = arith.addf %get3A_147, %broadcast_in_dim3A_149 : vector<4096x64xf32>
    %jit3A_153 = arith.constant 0.000000e+00 : f32
    %broadcast_in_dim3A_154 = vector.broadcast %jit3A_153 : f32 to vector<4096x64xf32>
    %select_n3A_155 = arith.select %eq3A_151, %add3A_152, %broadcast_in_dim3A_154 : vector<4096x64xi1>, vector<4096x64xf32>
    %reduce_sum3A_156 = arith.constant dense<0.000000e+00> : vector<4096xf32>
    %reduce_sum3A_157 = vector.multi_reduction <add>, %select_n3A_155, %reduce_sum3A_156 [1] : vector<4096x64xf32> to vector<4096xf32>
    %broadcast_in_dim3A_158 = vector.shape_cast %reduce_sum3A_157 : vector<4096xf32> to vector<4096x1xf32>
    %eq3A_159 = vector.broadcast %broadcast_in_dim3A_48 : vector<4096x1xi32> to vector<4096x64xi32>
    %eq3A_160 = arith.cmpi eq, %iota3A, %eq3A_159 : vector<4096x64xi32>
    %add3A_161 = arith.addf %get3A_147, %broadcast_in_dim3A_149 : vector<4096x64xf32>
    %jit3A_162 = arith.constant 0.000000e+00 : f32
    %broadcast_in_dim3A_163 = vector.broadcast %jit3A_162 : f32 to vector<4096x64xf32>
    %select_n3A_164 = arith.select %eq3A_160, %add3A_161, %broadcast_in_dim3A_163 : vector<4096x64xi1>, vector<4096x64xf32>
    %reduce_sum3A_165 = arith.constant dense<0.000000e+00> : vector<4096xf32>
    %reduce_sum3A_166 = vector.multi_reduction <add>, %select_n3A_164, %reduce_sum3A_165 [1] : vector<4096x64xf32> to vector<4096xf32>
    %broadcast_in_dim3A_167 = vector.shape_cast %reduce_sum3A_166 : vector<4096xf32> to vector<4096x1xf32>
    %concatenate3A = tpu.concatenate %broadcast_in_dim3A_158, %broadcast_in_dim3A_167 in 1 : vector<4096x1xf32>, vector<4096x1xf32> -> vector<4096x2xf32>
    %convert_element_type3A_168 = arith.fptosi %concatenate3A : vector<4096x2xf32> to vector<4096x2xi32>
    %swap3A_169 = arith.constant 0 : index
    %swap3A_170 = arith.constant 0 : index
    %swap3A_171 = vector.load %arg3[%swap3A_169, %swap3A_170] : memref<4096x2xi32, #tpu.memory_space<vmem>>, vector<4096x2xi32>
    tpu.vector_store %arg3[%swap3A_169, %swap3A_170], %convert_element_type3A_168 {strides = array<i32>} : memref<4096x2xi32, #tpu.memory_space<vmem>>, vector<4096x2xi32>,
    %eq3A_172 = arith.cmpi eq, %iota3A_135, %iota3A_136 : vector<64x64xi32>
    %jit3A_173 = arith.constant 1.000000e+00 : f32
    %jit3A_174 = arith.constant 0.000000e+00 : f32
    %broadcast_in_dim3A_175 = vector.broadcast %jit3A_173 : f32 to vector<64x64xf32>
    %broadcast_in_dim3A_176 = vector.broadcast %jit3A_174 : f32 to vector<64x64xf32>
    %select_n3A_177 = arith.select %eq3A_172, %broadcast_in_dim3A_175, %broadcast_in_dim3A_176 : vector<64x64xi1>, vector<64x64xf32>
    %dot_general3A_178 = arith.constant dense<0.000000e+00> : vector<64x1xf32>
    %dot_general3A_179 = tpu.matmul %select_n3A_177, %dot_general3A_144, %dot_general3A_178 {dimension_numbers = #tpu.dot_dimension_numbers<[1], [1], [0], [0], [0, 0, 1, 0], [], []>, transpose_lhs_hint = false} : vector<64x64xf32>, vector<1x64xf32>, vector<64x1xf32> -> vector<64x1xf32>
    %iota3A_180 = tpu.iota {dimensions = array<i32: 1>} : vector<1x96xi32>
    %mul3A_181 = arith.constant 256 : i32
    %mul3A_182 = vector.broadcast %mul3A_181 : i32 to vector<1x96xi32>
    %mul3A_183 = arith.muli %iota3A_180, %mul3A_182 : vector<1x96xi32>
    %convert_element_type3A_184 = arith.sitofp %mul3A_183 : vector<1x96xi32> to vector<1x96xf32>
    %le3A = vector.broadcast %dot_general3A_179 : vector<64x1xf32> to vector<64x96xf32>
    %le3A_185 = vector.broadcast %convert_element_type3A_184 : vector<1x96xf32> to vector<64x96xf32>
    %le3A_186 = arith.cmpf ole, %le3A, %le3A_185 : vector<64x96xf32>
    %jit3A_187 = arith.constant 1.000000e+00 : f32
    %jit3A_188 = arith.constant 0.000000e+00 : f32
    %broadcast_in_dim3A_189 = vector.broadcast %jit3A_187 : f32 to vector<64x96xf32>
    %broadcast_in_dim3A_190 = vector.broadcast %jit3A_188 : f32 to vector<64x96xf32>
    %select_n3A_191 = arith.select %le3A_186, %broadcast_in_dim3A_189, %broadcast_in_dim3A_190 : vector<64x96xi1>, vector<64x96xf32>
    %reduce_sum3A_192 = arith.constant dense<0.000000e+00> : vector<96xf32>
    %reduce_sum3A_193 = vector.multi_reduction <add>, %select_n3A_191, %reduce_sum3A_192 [0] : vector<64x96xf32> to vector<96xf32>
    %broadcast_in_dim3A_194 = vector.shape_cast %reduce_sum3A_193 : vector<96xf32> to vector<1x96xf32>
    %sub3A_195 = arith.constant 1.000000e+00 : f32
    %sub3A_196 = vector.broadcast %sub3A_195 : f32 to vector<1x96xf32>
    %sub3A_197 = arith.subf %broadcast_in_dim3A_194, %sub3A_196 : vector<1x96xf32>
    %convert_element_type3A_198 = arith.fptosi %sub3A_197 : vector<1x96xf32> to vector<1x96xi32>
    %swap3A_199 = arith.constant 0 : index
    %swap3A_200 = arith.constant 0 : index
    %swap3A_201 = vector.load %arg5[%swap3A_199, %swap3A_200] : memref<1x96xi32, #tpu.memory_space<vmem>>, vector<1x96xi32>
    tpu.vector_store %arg5[%swap3A_199, %swap3A_200], %convert_element_type3A_198 {strides = array<i32>} : memref<1x96xi32, #tpu.memory_space<vmem>>, vector<1x96xi32>,
    %reduce_sum3A_202 = vector.shape_cast %convert_element_type3A_134 : vector<1x64xf32> to vector<1x1x64xf32>
    %reduce_sum3A_203 = arith.constant dense<0.000000e+00> : vector<1xf32>
    %reduce_sum3A_204 = vector.multi_reduction <add>, %reduce_sum3A_202, %reduce_sum3A_203 [1, 2] : vector<1x1x64xf32> to vector<1xf32>
    %reduce_sum3A_205 = vector.shape_cast %reduce_sum3A_204 : vector<1xf32> to vector<1x1x1xf32>
    %reduce_sum3A_206 = vector.extract %reduce_sum3A_205[0, 0, 0] : f32 from vector<1x1x1xf32>
    %lt3A_207 = vector.broadcast %reduce_sum3A_206 : f32 to vector<1x96xf32>
    %lt3A_208 = arith.cmpf olt, %convert_element_type3A_184, %lt3A_207 : vector<1x96xf32>
    %jit3A_209 = arith.constant 1 : i32
    %jit3A_210 = arith.constant 0 : i32
    %broadcast_in_dim3A_211 = vector.broadcast %jit3A_209 : i32 to vector<1x96xi32>
    %broadcast_in_dim3A_212 = vector.broadcast %jit3A_210 : i32 to vector<1x96xi32>
    %select_n3A_213 = arith.select %lt3A_208, %broadcast_in_dim3A_211, %broadcast_in_dim3A_212 : vector<1x96xi1>, vector<1x96xi32>
    %mul3A_214 = arith.muli %iota3A_180, %select_n3A_213 : vector<1x96xi32>
    %swap3A_215 = arith.constant 0 : index
    %swap3A_216 = arith.constant 0 : index
    %swap3A_217 = vector.load %arg6[%swap3A_215, %swap3A_216] : memref<1x96xi32, #tpu.memory_space<vmem>>, vector<1x96xi32>
    tpu.vector_store %arg6[%swap3A_215, %swap3A_216], %mul3A_214 {strides = array<i32>} : memref<1x96xi32, #tpu.memory_space<vmem>>, vector<1x96xi32>,
    %mul3A_218 = arith.muli %iota3A_180, %select_n3A_213 : vector<1x96xi32>
    %sub3A_219 = arith.constant 1 : i32
    %sub3A_220 = vector.broadcast %sub3A_219 : i32 to vector<1x96xi32>
    %sub3A_221 = arith.subi %sub3A_220, %select_n3A_213 : vector<1x96xi32>
    %mul3A_222 = arith.constant 96 : i32
    %mul3A_223 = vector.broadcast %mul3A_222 : i32 to vector<1x96xi32>
    %mul3A_224 = arith.muli %mul3A_223, %sub3A_221 : vector<1x96xi32>
    %add3A_225 = arith.addi %mul3A_218, %mul3A_224 : vector<1x96xi32>
    %swap3A_226 = arith.constant 0 : index
    %swap3A_227 = arith.constant 0 : index
    %swap3A_228 = vector.load %arg7[%swap3A_226, %swap3A_227] : memref<1x96xi32, #tpu.memory_space<vmem>>, vector<1x96xi32>
    tpu.vector_store %arg7[%swap3A_226, %swap3A_227], %add3A_225 {strides = array<i32>} : memref<1x96xi32, #tpu.memory_space<vmem>>, vector<1x96xi32>,
    return
  }
}

module attributes {stable_mosaic.version = 14 : i64} {
  func.func @_group_body(%arg0: i32, %arg1: memref<96xi32, #tpu.memory_space<smem>>, %arg2: memref<96xi32, #tpu.memory_space<smem>>, %arg3: memref<96xi32, #tpu.memory_space<smem>>, %arg4: memref<256x768xf32, #tpu.memory_space<vmem>>, %arg5: memref<256x128xf32, #tpu.memory_space<vmem>>, %arg6: memref<1x768x128xf32, #tpu.memory_space<vmem>>, %arg7: memref<1x1x128xf32, #tpu.memory_space<vmem>>, %arg8: memref<1x128x768xf32, #tpu.memory_space<vmem>>, %arg9: memref<1x1x768xf32, #tpu.memory_space<vmem>>, %arg10: memref<256x768xf32, #tpu.memory_space<vmem>>) attributes {dimension_semantics = [#tpu.dimension_semantics<arbitrary>], iteration_bounds = array<i64: 96>, scalar_prefetch = 3 : i64, scratch_operands = 0 : i64, tpu.core_type = #tpu.core_type<tc>, window_params = [{transform_indices = @transform_0, window_bounds = array<i64: 256, 768>}, {transform_indices = @transform_1, window_bounds = array<i64: 256, 128>}, {transform_indices = @transform_2, window_bounds = array<i64: 1, 768, 128>}, {transform_indices = @transform_3, window_bounds = array<i64: 1, 1, 128>}, {transform_indices = @transform_4, window_bounds = array<i64: 1, 128, 768>}, {transform_indices = @transform_5, window_bounds = array<i64: 1, 1, 768>}, {transform_indices = @transform_6, window_bounds = array<i64: 256, 768>}]} {
    %get3A = arith.index_cast %arg0 : i32 to index
    %get3A_0 = memref.load %arg3[%get3A] : memref<96xi32, #tpu.memory_space<smem>>
    %eq3A = arith.cmpi eq, %get3A_0, %arg0 : i32
    %convert_element_type3A = arith.extui %eq3A : i1 to i32
    %cond3A = arith.constant 0 : i32
    %cond3A_1 = arith.cmpi ne, %convert_element_type3A, %cond3A : i32
    scf.if %cond3A_1 {
      %get3A_2 = arith.constant 0 : index
      %get3A_3 = arith.constant 0 : index
      %get3A_4 = vector.load %arg4[%get3A_2, %get3A_3] : memref<256x768xf32, #tpu.memory_space<vmem>>, vector<256x768xf32>
      %get3A_5 = arith.constant 0 : index
      %get3A_6 = arith.constant 0 : index
      %get3A_7 = arith.constant 0 : index
      %get3A_8 = vector.load %arg6[%get3A_5, %get3A_6, %get3A_7] : memref<1x768x128xf32, #tpu.memory_space<vmem>>, vector<1x768x128xf32>
      %get3A_9 = vector.shape_cast %get3A_8 : vector<1x768x128xf32> to vector<768x128xf32>
      %dot_general3A = arith.constant dense<0.000000e+00> : vector<256x128xf32>
      %dot_general3A_10 = tpu.matmul %get3A_4, %get3A_9, %dot_general3A {dimension_numbers = #tpu.dot_dimension_numbers<[1], [0], [0], [1], [0, 0, 1, 1], [], []>, transpose_lhs_hint = false} : vector<256x768xf32>, vector<768x128xf32>, vector<256x128xf32> -> vector<256x128xf32>
      %get3A_11 = arith.constant 0 : index
      %get3A_12 = arith.constant 0 : index
      %get3A_13 = arith.constant 0 : index
      %get3A_14 = vector.load %arg7[%get3A_11, %get3A_12, %get3A_13] : memref<1x1x128xf32, #tpu.memory_space<vmem>>, vector<1x1x128xf32>
      %get3A_15 = vector.shape_cast %get3A_14 : vector<1x1x128xf32> to vector<1x128xf32>
      %add3A = vector.broadcast %get3A_15 : vector<1x128xf32> to vector<256x128xf32>
      %add3A_16 = arith.addf %dot_general3A_10, %add3A : vector<256x128xf32>
      %max3A = arith.constant 0.000000e+00 : f32
      %max3A_17 = vector.broadcast %max3A : f32 to vector<256x128xf32>
      %max3A_18 = arith.maximumf %add3A_16, %max3A_17 : vector<256x128xf32>
      %get3A_19 = arith.constant 0 : index
      %get3A_20 = arith.constant 0 : index
      %get3A_21 = arith.constant 0 : index
      %get3A_22 = vector.load %arg8[%get3A_19, %get3A_20, %get3A_21] : memref<1x128x768xf32, #tpu.memory_space<vmem>>, vector<1x128x768xf32>
      %get3A_23 = vector.shape_cast %get3A_22 : vector<1x128x768xf32> to vector<128x768xf32>
      %dot_general3A_24 = arith.constant dense<0.000000e+00> : vector<256x768xf32>
      %dot_general3A_25 = tpu.matmul %max3A_18, %get3A_23, %dot_general3A_24 {dimension_numbers = #tpu.dot_dimension_numbers<[1], [0], [0], [1], [0, 0, 1, 1], [], []>, transpose_lhs_hint = false} : vector<256x128xf32>, vector<128x768xf32>, vector<256x768xf32> -> vector<256x768xf32>
      %get3A_26 = arith.constant 0 : index
      %get3A_27 = arith.constant 0 : index
      %get3A_28 = arith.constant 0 : index
      %get3A_29 = vector.load %arg9[%get3A_26, %get3A_27, %get3A_28] : memref<1x1x768xf32, #tpu.memory_space<vmem>>, vector<1x1x768xf32>
      %get3A_30 = vector.shape_cast %get3A_29 : vector<1x1x768xf32> to vector<1x768xf32>
      %add3A_31 = vector.broadcast %get3A_30 : vector<1x768xf32> to vector<256x768xf32>
      %add3A_32 = arith.addf %dot_general3A_25, %add3A_31 : vector<256x768xf32>
      %get3A_33 = arith.constant 0 : index
      %get3A_34 = arith.constant 0 : index
      %get3A_35 = vector.load %arg5[%get3A_33, %get3A_34] : memref<256x128xf32, #tpu.memory_space<vmem>>, vector<256x1xf32>
      %mul3A = vector.broadcast %get3A_35 : vector<256x1xf32> to vector<256x768xf32>
      %mul3A_36 = arith.mulf %add3A_32, %mul3A : vector<256x768xf32>
      %swap3A = arith.constant 0 : index
      %swap3A_37 = arith.constant 0 : index
      %swap3A_38 = vector.load %arg10[%swap3A, %swap3A_37] : memref<256x768xf32, #tpu.memory_space<vmem>>, vector<256x768xf32>
      tpu.vector_store %arg10[%swap3A, %swap3A_37], %mul3A_36 {strides = array<i32>} : memref<256x768xf32, #tpu.memory_space<vmem>>, vector<256x768xf32>,
    } else {
    }
    return
  }
  func.func @transform_0(%arg0: i32, %arg1: memref<96xi32, #tpu.memory_space<smem>>, %arg2: memref<96xi32, #tpu.memory_space<smem>>, %arg3: memref<96xi32, #tpu.memory_space<smem>>) -> (i32, i32) {
    %get3A = arith.index_cast %arg0 : i32 to index
    %get3A_0 = memref.load %arg2[%get3A] : memref<96xi32, #tpu.memory_space<smem>>
    %c0_i32 = arith.constant 0 : i32
    %c0_i32_1 = arith.constant 0 : i32
    return %get3A_0, %c0_i32 : i32, i32
  }
  func.func @transform_1(%arg0: i32, %arg1: memref<96xi32, #tpu.memory_space<smem>>, %arg2: memref<96xi32, #tpu.memory_space<smem>>, %arg3: memref<96xi32, #tpu.memory_space<smem>>) -> (i32, i32) {
    %get3A = arith.index_cast %arg0 : i32 to index
    %get3A_0 = memref.load %arg2[%get3A] : memref<96xi32, #tpu.memory_space<smem>>
    %c0_i32 = arith.constant 0 : i32
    %c0_i32_1 = arith.constant 0 : i32
    return %get3A_0, %c0_i32 : i32, i32
  }
  func.func @transform_2(%arg0: i32, %arg1: memref<96xi32, #tpu.memory_space<smem>>, %arg2: memref<96xi32, #tpu.memory_space<smem>>, %arg3: memref<96xi32, #tpu.memory_space<smem>>) -> (i32, i32, i32) {
    %get3A = arith.index_cast %arg0 : i32 to index
    %get3A_0 = memref.load %arg1[%get3A] : memref<96xi32, #tpu.memory_space<smem>>
    %c0_i32 = arith.constant 0 : i32
    %c0_i32_1 = arith.constant 0 : i32
    %c0_i32_2 = arith.constant 0 : i32
    return %get3A_0, %c0_i32, %c0_i32_1 : i32, i32, i32
  }
  func.func @transform_3(%arg0: i32, %arg1: memref<96xi32, #tpu.memory_space<smem>>, %arg2: memref<96xi32, #tpu.memory_space<smem>>, %arg3: memref<96xi32, #tpu.memory_space<smem>>) -> (i32, i32, i32) {
    %get3A = arith.index_cast %arg0 : i32 to index
    %get3A_0 = memref.load %arg1[%get3A] : memref<96xi32, #tpu.memory_space<smem>>
    %c0_i32 = arith.constant 0 : i32
    %c0_i32_1 = arith.constant 0 : i32
    %c0_i32_2 = arith.constant 0 : i32
    return %get3A_0, %c0_i32, %c0_i32_1 : i32, i32, i32
  }
  func.func @transform_4(%arg0: i32, %arg1: memref<96xi32, #tpu.memory_space<smem>>, %arg2: memref<96xi32, #tpu.memory_space<smem>>, %arg3: memref<96xi32, #tpu.memory_space<smem>>) -> (i32, i32, i32) {
    %get3A = arith.index_cast %arg0 : i32 to index
    %get3A_0 = memref.load %arg1[%get3A] : memref<96xi32, #tpu.memory_space<smem>>
    %c0_i32 = arith.constant 0 : i32
    %c0_i32_1 = arith.constant 0 : i32
    %c0_i32_2 = arith.constant 0 : i32
    return %get3A_0, %c0_i32, %c0_i32_1 : i32, i32, i32
  }
  func.func @transform_5(%arg0: i32, %arg1: memref<96xi32, #tpu.memory_space<smem>>, %arg2: memref<96xi32, #tpu.memory_space<smem>>, %arg3: memref<96xi32, #tpu.memory_space<smem>>) -> (i32, i32, i32) {
    %get3A = arith.index_cast %arg0 : i32 to index
    %get3A_0 = memref.load %arg1[%get3A] : memref<96xi32, #tpu.memory_space<smem>>
    %c0_i32 = arith.constant 0 : i32
    %c0_i32_1 = arith.constant 0 : i32
    %c0_i32_2 = arith.constant 0 : i32
    return %get3A_0, %c0_i32, %c0_i32_1 : i32, i32, i32
  }
  func.func @transform_6(%arg0: i32, %arg1: memref<96xi32, #tpu.memory_space<smem>>, %arg2: memref<96xi32, #tpu.memory_space<smem>>, %arg3: memref<96xi32, #tpu.memory_space<smem>>) -> (i32, i32) {
    %get3A = arith.index_cast %arg0 : i32 to index
    %get3A_0 = memref.load %arg3[%get3A] : memref<96xi32, #tpu.memory_space<smem>>
    %c0_i32 = arith.constant 0 : i32
    %c0_i32_1 = arith.constant 0 : i32
    return %get3A_0, %c0_i32 : i32, i32
  }
}

</mosaic_0001>

<sc_bundles>
// kernel: kernel.6.cloned.1.call-start
scs
__scs_entry_jumppad:
0x0: {  	(pc) =	sbr.rel $0x88, $3  }
0x1: {  	(tag) =	ssettag $0x0;
	lr =	simm.s32 $0x1  }
0x2: {  	[smem:$0x3F9B] =	sst lr;
	_ =	strace $0xD0000000  }
0x3: {  	_ = 	snop  }
0x4: {  	_ = 	snop  }
0x5: {  	_ = 	snop  }
0x6: {  	_ = 	snop  }
0x7: {  	_ = 	snop  }
__scs_overlays_trampoline_lowered:
0x8: {  	[smem:$0x3FAA] =	sst s0  }
0x9: {  	[smem:$0x3FAB] =	sst s1  }
0xa: {  	[smem:$0x3FAC] =	sst s2  }
0xb: {  	[smem:$0x3FAD] =	sst s3  }
0xc: {  	[smem:$0x3FAE] =	sst s4  }
0xd: {  	[smem:$0x3FAF] =	sst s5  }
0xe: {  	[smem:$0x3FB0] =	sst s6  }
0xf: {  	[smem:$0x3FB1] =	sst s7  }
0x10: {  	[smem:$0x3FB2] =	sst s8  }
0x11: {  	[smem:$0x3FB3] =	sst s9;
	s0 =	simm.s32 @!p0 $0x0  }
0x12: {  	s1 =	sld [smem:$0x3F99];
	s0 =	simm.s32 @p0 $0x1  }
0x13: {  	[smem:$0x3FB4] =	sst s0;
	s0 =	simm.s32 @!p1 $0x0  }
0x14: {  	s2 =	sld [smem:$0x3F98];
	s0 =	simm.s32 @p1 $0x1  }
0x15: {  	[smem:$0x3FB5] =	sst s0;
	s0 =	simm.s32 @!p2 $0x0  }
0x16: {  	s3 =	sld [smem:$0x3FDB];
	s0 =	simm.s32 @p2 $0x1  }
0x17: {  	s4 =	simm.s32 $0x1BF5;
	[smem:$0x3FB7] =	sst s0  }
0x18: {  	s0 =	sld [smem:$0x3F9A];
	_ =	swait.ge [sflag:s4], $0x0  }
0x19: {  	s7 =	sld [smem:$0x3F9B]  }
0x1a: {  	s8 =	sadd.s32 $0xFFFFE003, lr  }
0x1b: {  	s9 =	sadd.s32 $0xFFFFFEF7, lr;
	s5 =	simm.s32 $0xFFFFFFFF;
	p2 =	slt.u32 s8, $0xFFFFF086  }
0x1c: {  	p1 =	slt.u32 s9, $0xF7A;
	s5 =	simm.s32 @!p2 $0x0  }
0x1d: {  	s5 =	simm.s32 @p1 $0x1;
	p0 =	seq.s32 s7, s2  }
0x1e: {  	s7 =	smul.u32 @!p0 $0xF7A, s2;
	p2 =	seq.s32 @!p0 s5, $0x0  }
0x1f: {  	s9 =	smul.u32 $0xF7A, s1;
	s8 =	simm.s32 @!p0 $0x1BF5;
	p2 =	por !p2, p0  }
0x20: {  	[sflag:s8] =	ssyncset.s32 @!p0 $0xFFFFF086;
	s6 =	sadd.s32 @!p0 s3, s7;
	s7 =	simm.s32 @!p0 $0x108  }
0x21: {  	s3 =	sadd.s32 s3, s9;
	s6 =	sadd.s32 @!p0 $0x88, s6;
	s7 =	simm.s32 @p2 $0x1082  }
0x22: {  	[simem:s7], [sflag:s8] =	dma.local @!p0 [hbm:s6], $0xF7A  }
0x23: {  	s9 =	sor.u32 $0xD0000000, s2;
	s6 =	simm.s32 $0x108;
	_ =	swait.ge @!p0 [sflag:s8], $0x0  }
0x24: {  	s3 =	sadd.s32 $0x88, s3;
	s6 =	simm.s32 @!p1 $0x1082;
	[sflag:s4] =	ssyncset.s32 $0xFFFFF086  }
0x25: {  	[simem:s6], [sflag:s4] =	dma.local [hbm:s3], $0xF7A  }
0x26: {  	[smem:$0x3F9B] =	sst s1;
	(tag) =	ssettag s2;
	_ =	strace s9  }
0x27: {  	s1 =	sld [smem:$0x3FAB]  }
0x28: {  	s2 =	sld [smem:$0x3FAC]  }
0x29: {  	s4 =	sld [smem:$0x3FAE]  }
0x2a: {  	p0 =	seq.s32 s5, $0x0;
	s5 =	sld [smem:$0x3FAF]  }
0x2b: {  	s6 =	sld [smem:$0x3FB0]  }
0x2c: {  	s7 =	sld [smem:$0x3FB1]  }
0x2d: {  	s3 =	simm.s32 $0x108;
	s8 =	sld [smem:$0x3FB2]  }
0x2e: {  	s3 =	simm.s32 @!p0 $0x1082;
	s9 =	sld [smem:$0x3FB3]  }
0x2f: {  	lr =	sadd.s32 s0, s3;
	s0 =	sld [smem:$0x3FAA]  }
0x30: {  	s3 =	sld [smem:$0x3FAD]  }
0x31: {  	[smem:$0x3FB6] =	sst s10  }
0x32: {  	s10 =	sld [smem:$0x3FB4];
	_ =	sdelay $0x3  }
0x33: {  	p0 =	seq.s32 s10, $0x1;
	s10 =	sld [smem:$0x3FB6];
	_ =	sdelay $0x3  }
0x34: {  	[smem:$0x3FB6] =	sst s10  }
0x35: {  	s10 =	sld [smem:$0x3FB5];
	_ =	sdelay $0x3  }
0x36: {  	p1 =	seq.s32 s10, $0x1;
	s10 =	sld [smem:$0x3FB6];
	_ =	sdelay $0x3  }
0x37: {  	[smem:$0x3FB6] =	sst s10  }
0x38: {  	s10 =	sld [smem:$0x3FB7]  }
0x39: {  	_ = 	snop;
	(pc) =	sbr.ind lr, $3  }
0x3a: {  	_ = 	snop  }
0x3b: {  	_ = 	snop  }
0x3c: {  	p2 =	seq.s32 s10, $0x1;
	s10 =	sld [smem:$0x3FB6]  }
0x3d: {  	_ =	shalt  }
0x3e: {  	_ =	shalt  }
0x3f: {  	_ =	shalt  }
0x40: {  	_ =	shalt  }
0x41: {  	_ =	shalt  }
0x42: {  	_ =	shalt  }
0x43: {  	_ =	shalt  }
0x44: {  	_ =	shalt  }
0x45: {  	_ =	shalt  }
0x46: {  	_ =	shalt  }
0x47: {  	_ =	shalt  }
0x48: {  	_ =	shalt  }
0x49: {  	_ =	shalt  }
0x4a: {  	_ =	shalt  }
0x4b: {  	_ =	shalt  }
0x4c: {  	_ =	shalt  }
0x4d: {  	_ =	shalt  }
0x4e: {  	_ =	shalt  }
0x4f: {  	_ =	shalt  }
0x50: {  	_ =	shalt  }
0x51: {  	_ =	shalt  }
0x52: {  	_ =	shalt  }
0x53: {  	_ =	shalt  }
0x54: {  	_ =	shalt  }
0x55: {  	_ =	shalt  }
0x56: {  	_ =	shalt  }
0x57: {  	_ =	shalt  }
0x58: {  	_ =	shalt  }
0x59: {  	_ =	shalt  }
0x5a: {  	_ =	shalt  }
0x5b: {  	_ =	shalt  }
0x5c: {  	_ =	shalt  }
0x5d: {  	_ =	shalt  }
0x5e: {  	_ =	shalt  }
0x5f: {  	_ =	shalt  }
0x60: {  	_ =	shalt  }
0x61: {  	_ =	shalt  }
0x62: {  	_ =	shalt  }
0x63: {  	_ =	shalt  }
0x64: {  	_ =	shalt  }
0x65: {  	_ =	shalt  }
0x66: {  	_ =	shalt  }
0x67: {  	_ =	shalt  }
0x68: {  	_ =	shalt  }
0x69: {  	_ =	shalt  }
0x6a: {  	_ =	shalt  }
0x6b: {  	_ =	shalt  }
0x6c: {  	_ =	shalt  }
0x6d: {  	_ =	shalt  }
0x6e: {  	_ =	shalt  }
0x6f: {  	_ =	shalt  }
0x70: {  	_ =	shalt  }
0x71: {  	_ =	shalt  }
0x72: {  	_ =	shalt  }
0x73: {  	_ =	shalt  }
0x74: {  	_ =	shalt  }
0x75: {  	_ =	shalt  }
0x76: {  	_ =	shalt  }
0x77: {  	_ =	shalt  }
0x78: {  	_ =	shalt  }
0x79: {  	_ =	shalt  }
0x7a: {  	_ =	shalt  }
0x7b: {  	_ =	shalt  }
0x7c: {  	_ =	shalt  }
0x7d: {  	_ =	shalt  }
0x7e: {  	_ =	shalt  }
0x7f: {  	_ =	shalt  }
0x80: {  	_ =	shalt  }
0x81: {  	_ =	shalt  }
0x82: {  	_ =	shalt  }
0x83: {  	_ =	shalt  }
0x84: {  	_ =	shalt  }
0x85: {  	_ =	shalt  }
0x86: {  	_ =	shalt  }
0x87: {  	_ =	shalt  }
.Lfunc_end0:
.L_simem_size_0:
called_computation_lowered:
.L_overlay_start_0:
0x88: {  	s2 =	sld [smem:$0x3FD9]  }
0x89: {  	s3 =	sld [smem:$0x3FFE];
	_ =	sdelay $0x1  }
0x8a: {  	s1 =	srdreg.scid  }
0x8b: {  	s0 =	sand.u32 $0x1, s1  }
0x8c: {  	s14 =	sshll.u32 s0, $0xA;
	s2 =	sadd.s32 s3, s2  }
0x8d: {  	s2 =	sadd.s32 s2, s14  }
0x8e: {  	[smem:$0x3FC2] =	sst s2  }
0x8f: {  	_ = 	snop  }
0x90: {  	s2 =	sld [smem:$0x3FD0];
	_ =	sdelay $0x2  }
0x91: {  	s4 =	simm.s32 $0xA;
	s5 =	simm.s32 $0x10;
	s15 =	sld [smem:$0x3FC9]  }
0x92: {  	[smem:s5], [sflag:s4] =	dma.local [hbm:s2], $0x1  }
0x93: {  	_ =	swait.eq [sflag:s4], $0x1  }
0x94: {  	[sflag:s4] =	ssyncset.done $0x0  }
0x95: {  	[sflag:s4] =	ssyncadd.s32 $0xFFFFFFFF  }
0x96: {  	s16 =	sld [smem:$0x10];
	(tm) =	ssettm $0x1  }
0x97: {  	s17 =	sld [smem:$0x3FFB];
	_ =	sdelay $0x3  }
0x98: {  	_ =	strace s17  }
0x99: {  	s4 =	sld [smem:$0x3FFC];
	_ =	sdelay $0x3  }
0x9a: {  	_ =	strace s4  }
0x9b: {  	s4 =	sld [smem:$0x3FFD];
	_ =	sdelay $0x3  }
0x9c: {  	_ =	strace s4  }
0x9d: {  	_ =	strace $0x8FFFFFFF  }
0x9e: {  	s18 =	sld [smem:$0x3FDB];
	_ =	sdelay $0x1  }
0x9f: {  	s19 =	simm.s32 $_scs_section_size  }
0xa0: {  	s6 =	simm.s32 $_size__tile_overlayer_lowered;
	s7 =	simm.s32 $_tile_overlayer_lowered  }
0xa1: {  	s22 =	simm.s32 $0x1BFF;
	s21 =	sshll.u32 s7, $0x1;
	s4 =	sadd.s32 s19, s18  }
0xa2: {  	s8 =	simm.s32 $0x0;
	s20 =	sshll.u32 s6, $0x1;
	s6 =	sadd.s32 s21, s4  }
0xa3: {  	[timem:s8], [sflag:s22] =	dma.local [hbm:s6], s20  }
0xa4: {  	_ =	swait.ge [sflag:s22], s20  }
0xa5: {  	s5 =	ssub.s32 $0x0, s20;
	[sflag:s22] =	ssyncset.done $0x0  }
0xa6: {  	[sflag:s22] =	ssyncadd.s32 s5;
	_ =	sdelay $0x1  }
0xa7: {  	s23 =	simm.s32 $0x1B8B  }
0xa8: {  	_ =	swait.ge [sflag:s23], $0x1  }
0xa9: {  	[sflag:s23] =	ssyncset.done $0x0  }
0xaa: {  	s25 =	simm.s32 $0x1B8E;
	s24 =	sld [smem:$0x3FFE];
	[sflag:s23] =	ssyncadd.s32 $0xFFFFFFFF  }
0xab: {  	s26 =	simm.s32 $execute0_lowered;
	[smem:$0x3FD2] =	sst s25  }
0xac: {  	s6 =	sshll.u32 s26, $0x1;
	_ =	strace $0x80000046;
	[dreg:$0x1] =	wrdreg $0xFFFFFFFF  }
0xad: {  	s28 =	simm.s32 $_size_execute0_lowered;
	s4 =	sadd.s32 s4, s6;
	[dreg:$0x0] =	wrdreg $0x0  }
0xae: {  	s6 =	sshll.u32 s28, $0x1;
	[dreg:$0x2] =	wrdreg s4  }
0xaf: {  	[dreg:$0x3] =	wrdreg s6  }
0xb0: {  	[dreg:$0x4] =	wrdreg $0xC0  }
0xb1: {  	_ =	task [dreg:s8], $0x5FFFF  }
0xb2: {  	[dreg:$0x1] =	wrdreg $0xFFFFFFFF  }
0xb3: {  	[dreg:$0x0] =	wrdreg $0x60  }
0xb4: {  	[dreg:$0x2] =	wrdreg s15  }
0xb5: {  	[dreg:$0x3] =	wrdreg s24  }
0xb6: {  	[dreg:$0x4] =	wrdreg s16  }
0xb7: {  	[dreg:$0x5] =	wrdreg $0x9  }
0xb8: {  	_ =	task.clear_ibuf [dreg:s8], $0x6FFFF;
	_ =	strace $0x90000046  }
0xb9: {  	s29 =	simm.s32 $0x9;
	_ =	strace $0x80000048  }
0xba: {  	_ =	swait.ge [sflag:s29], $0x1  }
0xbb: {  	[sflag:s29] =	ssyncadd.s32 $0xFFFFFFFF  }
0xbc: {  	_ =	strace $0x90000048  }
0xbd: {  	_ =	sfence  }
0xbe: {  	s30 =	sld [smem:$0x0];
	_ =	sdelay $0x2  }
0xbf: {  	s31 =	sshll.u32 s1, $0xD;
	s1 =	sshrl.u32 s1, $0x2  }
0xc0: {  	s3 =	sand.u32 $0x4000, s31;
	s1 =	sadd.s32 s1, s30  }
0xc1: {  	s0 =	sor.u32 s3, s0;
	s1 =	sshll.u32 s1, $0x11  }
0xc2: {  	s0 =	sor.u32 s1, s0  }
0xc3: {  	s0 =	sadd.s32 $0x8F2B, s0  }
0xc4: {  	[sflag:s0] =	ssyncadd.remote.s32 $0x1  }
0xc5: {  	_ =	sfence.sel $0xFFFF  }
0xc6: {  	[dreg:$0x0] =	wrdreg $0xFFFFFFFF;
	(pc) =	sbr.abs _section_cstart, $3  }
0xc7: {  	[dreg:$0x1] =	wrdreg $0xFFFFFFFF  }
0xc8: {  	_ =	task.clear_ibuf [dreg:s8], $0x2FFFF;
	_ =	strace $0x9FFFFFFF  }
0xc9: {  	(tm) =	ssettm $0x7FFFFFFF  }
tec
execute0_lowered:
.L_overlay_start_1:
0x0: {  	(tag) =	ssettag $0x1  }
0x1: {  	s0 =	rddreg [dreg:$0x0]  }
0x2: {  	s1 =	rddreg [dreg:$0x1]  }
0x3: {  	s2 =	srdreg.scid;
	s3 =	stileid.u32;
	s9 =	simm.s32 $0x4  }
0x4: {  	s10 =	simm.s32 $0x100;
	s20 =	simm.s32 $0x1900;
	s21 =	simm.s32 $0x2100  }
0x5: {  	s28 =	simm.s32 $0x5100;
	s29 =	simm.s32 $0x5900;
	s30 =	simm.s32 $0x6100  }
0x6: {  	s31 =	simm.s32 $0x6900;
	s12 =	simm.s32 $0x8900;
	s13 =	simm.s32 $0x9100  }
0x7: {  	s14 =	simm.s32 $0x9900;
	s8 =	simm.s32 $0xA100;
	s15 =	simm.s32 $0xA900  }
0x8: {  	s11 =	simm.s32 $0xB100;
	s16 =	simm.s32 $0xB900;
	s17 =	simm.s32 $0xC100  }
0x9: {  	s2 =	sand.u32 $0x1, s2;
	s4 =	sshll.u32 s3, $0x1;
	s3 =	simm.s32 $0x0  }
0xa: {  	s4 =	sor.u32 s2, s4;
	[smem:$0x7FF] =	sst s3;
	s2 =	ssub.s32 $0x2, s2  }
0xb: {  	s5 =	sshll.u32 s4, $0x4;
	s6 =	smul.u32 $0x3000, s4;
	_ =	strace $0x80000047  }
0xc: {  	s4 =	sshll.u32 s4, $0xB;
	s23 =	sshrl.u32 s2, $0x1;
	s5 =	sadd.s32 s5, s1  }
0xd: {  	s7 =	sadd.s32 s4, s1;
	s4 =	sadd.s32 $0x21C00, s1;
	s0 =	sadd.s32 s0, s6  }
0xe: {  	s2 =	ssub.s32 s2, s23;
	s22 =	sadd.s32 $0x21800, s5;
	[dreg:$0x4] =	wrdreg s0  }
0xf: {  	s23 =	simm.s32 $0x3100;
	s24 =	sadd.s32 $0x21A00, s5;
	[dreg:$0x5] =	wrdreg s22  }
0x10: {  	s25 =	sadd.s32 $0x1800, s7;
	s5 =	sadd.s32 $0x21D00, s1;
	[dreg:$0x6] =	wrdreg s24  }
0x11: {  	v2 =	vlaneseq.u32;
	s26 =	sadd.s32 $0x11800, s7;
	s6 =	sadd.s32 $0x21E00, s1;
	[dreg:$0x7] =	wrdreg s25  }
0x12: {  	vm0 =	vmmov $0xffff;
	v1 =	vshrl.u32 v2, $0x3;
	s7 =	smax.u32 s2, $0x1;
	[dreg:$0x8] =	wrdreg s26;
	s22 =	simm.s32 $0x2900  }
0x13: {  	v0 =	vand.u32 $0x7, v2;
	v2 =	vor.u32 $0x8, v2;
	v1 =	vmul.u32 $0x8, v1;
	s24 =	simm.s32 $0x3900;
	s25 =	simm.s32 $0x4100;
	s26 =	simm.s32 $0x4900  }
.LBB2_1:
0x14: {  	s18 =	rddreg [dreg:$0x4]  }
0x15: {  	[tilespmem:s10], [sflag:$0x1] =	stream.linear.gather [hbm4b:s18+s3], $0x18000, $0x38;
	[tilespmem:$0x1C100] =	vst v63  }
0x16: {  	s19 =	rddreg [dreg:$0x5]  }
0x17: {  	[tilespmem:s3], [sflag:$0x4] =	stream.linear.gather [hbm4b:s19+s3], $0x80, $0x38;
	[tilespmem:$0x1C100] =	vst v63  }
0x18: {  	_ =	swait.ge [sflag:s9], $0x80  }
0x19: {  	[sflag:s9] =	ssyncset.done $0x0  }
0x1a: {  	s0 =	simm.s32 $0x80;
	s19 =	rddreg [dreg:$0x6];
	[sflag:s9] =	ssyncadd.s32 $0xFFFFFF80  }
0x1b: {  	[tilespmem:s0], [sflag:$0x4] =	stream.linear.gather [hbm4b:s19+s3], $0x80, $0x38;
	[tilespmem:$0x1C100] =	vst v63  }
0x1c: {  	_ =	swait.ge [sflag:s9], $0x80  }
0x1d: {  	[sflag:s9] =	ssyncset.done $0x0  }
0x1e: {  	s1 =	simm.s32 $0x1;
	[sflag:s9] =	ssyncadd.s32 $0xFFFFFF80  }
0x1f: {  	_ =	swait.ge [sflag:s1], $0x18000  }
0x20: {  	[sflag:s1] =	ssyncset.done $0x0  }
0x21: {  	[sflag:s1] =	ssyncadd.s32 $0xFFFE8000  }
0x22: {  	v3 =	vld [tilespmem:$0x0];
	_ =	sdelay $0x4  }
0x23: {  	v4 =	vshrl.u32 v3, $0x3  }
0x24: {  	v4 =	vmul.u32 $0x30, v4  }
0x25: {  	v3 =	vand.u32 $0x7, v3  }
0x26: {  	v3 =	vor.u32 v3, v4  }
0x27: {  	v4 =	vperm.xlane v3, v0;
	_ =	sdelay $0x1  }
0x28: {  	v4 =	vadd.s32 v1, v4;
	_ =	sdelay $0x3  }
0x29: {  	v3 =	vperm.xlane v3, v2  }
0x2a: {  	[hbm4b:s4+s3] =	stream.indirect_vreg.scatter [tilespmem:s10], [sflag:$0x2], $0x80, v4, vm0, $0xb8;
	[tilespmem:$0x1C100] =	vst v63  }
0x2b: {  	s18 =	simm.s32 $0x900;
	v3 =	vadd.s32 v1, v3  }
0x2c: {  	[hbm4b:s5+s3] =	stream.indirect_vreg.scatter [tilespmem:s18], [sflag:$0x2], $0x80, v4, vm0, $0xb8;
	[tilespmem:$0x1C100] =	vst v63  }
0x2d: {  	s19 =	simm.s32 $0x1100  }
0x2e: {  	[hbm4b:s6+s3] =	stream.indirect_vreg.scatter [tilespmem:s19], [sflag:$0x2], $0x80, v4, vm0, $0xb8;
	[tilespmem:$0x1C100] =	vst v63  }
0x2f: {  	_ = 	snop  }
0x30: {  	[hbm4b:s4+s3] =	stream.indirect_vreg.scatter [tilespmem:s20], [sflag:$0x2], $0x80, v3, vm0, $0xb8;
	[tilespmem:$0x1C100] =	vst v63  }
0x31: {  	_ = 	snop  }
0x32: {  	[hbm4b:s5+s3] =	stream.indirect_vreg.scatter [tilespmem:s21], [sflag:$0x2], $0x80, v3, vm0, $0xb8;
	[tilespmem:$0x1C100] =	vst v63  }
0x33: {  	_ = 	snop  }
0x34: {  	[hbm4b:s6+s3] =	stream.indirect_vreg.scatter [tilespmem:s22], [sflag:$0x2], $0x80, v3, vm0, $0xb8;
	[tilespmem:$0x1C100] =	vst v63  }
0x35: {  	v3 =	vld [tilespmem:$0x10];
	_ =	sdelay $0x4  }
0x36: {  	v49 =	vshrl.u32 v3, $0x3  }
0x37: {  	v4 =	vmul.u32 $0x30, v49  }
0x38: {  	v3 =	vand.u32 $0x7, v3  }
0x39: {  	v3 =	vor.u32 v3, v4  }
0x3a: {  	v4 =	vperm.xlane v3, v0;
	_ =	sdelay $0x1  }
0x3b: {  	v4 =	vadd.s32 v1, v4;
	_ =	sdelay $0x3  }
0x3c: {  	v3 =	vperm.xlane v3, v2  }
0x3d: {  	[hbm4b:s4+s3] =	stream.indirect_vreg.scatter [tilespmem:s23], [sflag:$0x2], $0x80, v4, vm0, $0xb8;
	[tilespmem:$0x1C100] =	vst v63  }
0x3e: {  	v3 =	vadd.s32 v1, v3  }
0x3f: {  	[hbm4b:s5+s3] =	stream.indirect_vreg.scatter [tilespmem:s24], [sflag:$0x2], $0x80, v4, vm0, $0xb8;
	[tilespmem:$0x1C100] =	vst v63  }
0x40: {  	_ = 	snop  }
0x41: {  	[hbm4b:s6+s3] =	stream.indirect_vreg.scatter [tilespmem:s25], [sflag:$0x2], $0x80, v4, vm0, $0xb8;
	[tilespmem:$0x1C100] =	vst v63  }
0x42: {  	_ = 	snop  }
0x43: {  	[hbm4b:s4+s3] =	stream.indirect_vreg.scatter [tilespmem:s26], [sflag:$0x2], $0x80, v3, vm0, $0xb8;
	[tilespmem:$0x1C100] =	vst v63  }
0x44: {  	_ = 	snop  }
0x45: {  	[hbm4b:s5+s3] =	stream.indirect_vreg.scatter [tilespmem:s28], [sflag:$0x2], $0x80, v3, vm0, $0xb8;
	[tilespmem:$0x1C100] =	vst v63  }
0x46: {  	_ = 	snop  }
0x47: {  	[hbm4b:s6+s3] =	stream.indirect_vreg.scatter [tilespmem:s29], [sflag:$0x2], $0x80, v3, vm0, $0xb8;
	[tilespmem:$0x1C100] =	vst v63  }
0x48: {  	v3 =	vld [tilespmem:$0x20];
	_ =	sdelay $0x4  }
0x49: {  	v50 =	vshrl.u32 v3, $0x3  }
0x4a: {  	v4 =	vmul.u32 $0x30, v50  }
0x4b: {  	v3 =	vand.u32 $0x7, v3  }
0x4c: {  	v3 =	vor.u32 v3, v4  }
0x4d: {  	v4 =	vperm.xlane v3, v0;
	_ =	sdelay $0x1  }
0x4e: {  	v4 =	vadd.s32 v1, v4;
	_ =	sdelay $0x3  }
0x4f: {  	v3 =	vperm.xlane v3, v2  }
0x50: {  	[hbm4b:s4+s3] =	stream.indirect_vreg.scatter [tilespmem:s30], [sflag:$0x2], $0x80, v4, vm0, $0xb8;
	[tilespmem:$0x1C100] =	vst v63  }
0x51: {  	v3 =	vadd.s32 v1, v3  }
0x52: {  	[hbm4b:s5+s3] =	stream.indirect_vreg.scatter [tilespmem:s31], [sflag:$0x2], $0x80, v4, vm0, $0xb8;
	[tilespmem:$0x1C100] =	vst v63  }
0x53: {  	s1 =	simm.s32 $0x7100  }
0x54: {  	[hbm4b:s6+s3] =	stream.indirect_vreg.scatter [tilespmem:s1], [sflag:$0x2], $0x80, v4, vm0, $0xb8;
	[tilespmem:$0x1C100] =	vst v63  }
0x55: {  	s2 =	simm.s32 $0x7900  }
0x56: {  	[hbm4b:s4+s3] =	stream.indirect_vreg.scatter [tilespmem:s2], [sflag:$0x2], $0x80, v3, vm0, $0xb8;
	[tilespmem:$0x1C100] =	vst v63  }
0x57: {  	s2 =	simm.s32 $0x8100  }
0x58: {  	[hbm4b:s5+s3] =	stream.indirect_vreg.scatter [tilespmem:s2], [sflag:$0x2], $0x80, v3, vm0, $0xb8;
	[tilespmem:$0x1C100] =	vst v63  }
0x59: {  	_ = 	snop  }
0x5a: {  	[hbm4b:s6+s3] =	stream.indirect_vreg.scatter [tilespmem:s12], [sflag:$0x2], $0x80, v3, vm0, $0xb8;
	[tilespmem:$0x1C100] =	vst v63  }
0x5b: {  	v3 =	vld [tilespmem:$0x30];
	_ =	sdelay $0x4  }
0x5c: {  	v51 =	vshrl.u32 v3, $0x3  }
0x5d: {  	v4 =	vmul.u32 $0x30, v51  }
0x5e: {  	v3 =	vand.u32 $0x7, v3  }
0x5f: {  	v3 =	vor.u32 v3, v4  }
0x60: {  	v4 =	vperm.xlane v3, v0;
	_ =	sdelay $0x1  }
0x61: {  	v4 =	vadd.s32 v1, v4;
	_ =	sdelay $0x3  }
0x62: {  	v3 =	vperm.xlane v3, v2  }
0x63: {  	[hbm4b:s4+s3] =	stream.indirect_vreg.scatter [tilespmem:s13], [sflag:$0x2], $0x80, v4, vm0, $0xb8;
	[tilespmem:$0x1C100] =	vst v63  }
0x64: {  	v3 =	vadd.s32 v1, v3  }
0x65: {  	[hbm4b:s5+s3] =	stream.indirect_vreg.scatter [tilespmem:s14], [sflag:$0x2], $0x80, v4, vm0, $0xb8;
	[tilespmem:$0x1C100] =	vst v63  }
0x66: {  	_ = 	snop  }
0x67: {  	[hbm4b:s6+s3] =	stream.indirect_vreg.scatter [tilespmem:s8], [sflag:$0x2], $0x80, v4, vm0, $0xb8;
	[tilespmem:$0x1C100] =	vst v63  }
0x68: {  	_ = 	snop  }
0x69: {  	[hbm4b:s4+s3] =	stream.indirect_vreg.scatter [tilespmem:s15], [sflag:$0x2], $0x80, v3, vm0, $0xb8;
	[tilespmem:$0x1C100] =	vst v63  }
0x6a: {  	_ = 	snop  }
0x6b: {  	[hbm4b:s5+s3] =	stream.indirect_vreg.scatter [tilespmem:s11], [sflag:$0x2], $0x80, v3, vm0, $0xb8;
	[tilespmem:$0x1C100] =	vst v63  }
0x6c: {  	_ = 	snop  }
0x6d: {  	[hbm4b:s6+s3] =	stream.indirect_vreg.scatter [tilespmem:s16], [sflag:$0x2], $0x80, v3, vm0, $0xb8;
	[tilespmem:$0x1C100] =	vst v63  }
0x6e: {  	v3 =	vld [tilespmem:$0x40];
	_ =	sdelay $0x4  }
0x6f: {  	v52 =	vshrl.u32 v3, $0x3  }
0x70: {  	v4 =	vmul.u32 $0x30, v52  }
0x71: {  	v3 =	vand.u32 $0x7, v3  }
0x72: {  	v3 =	vor.u32 v3, v4  }
0x73: {  	v4 =	vperm.xlane v3, v0;
	_ =	sdelay $0x1  }
0x74: {  	v4 =	vadd.s32 v1, v4;
	_ =	sdelay $0x3  }
0x75: {  	v3 =	vperm.xlane v3, v2  }
0x76: {  	[hbm4b:s4+s3] =	stream.indirect_vreg.scatter [tilespmem:s17], [sflag:$0x2], $0x80, v4, vm0, $0xb8;
	[tilespmem:$0x1C100] =	vst v63  }
0x77: {  	s0 =	simm.s32 $0xC900;
	v3 =	vadd.s32 v1, v3  }
0x78: {  	[hbm4b:s5+s3] =	stream.indirect_vreg.scatter [tilespmem:s0], [sflag:$0x2], $0x80, v4, vm0, $0xb8;
	[tilespmem:$0x1C100] =	vst v63  }
0x79: {  	s0 =	simm.s32 $0xD100  }
0x7a: {  	[hbm4b:s6+s3] =	stream.indirect_vreg.scatter [tilespmem:s0], [sflag:$0x2], $0x80, v4, vm0, $0xb8;
	[tilespmem:$0x1C100] =	vst v63  }
0x7b: {  	s0 =	simm.s32 $0xD900  }
0x7c: {  	[hbm4b:s4+s3] =	stream.indirect_vreg.scatter [tilespmem:s0], [sflag:$0x2], $0x80, v3, vm0, $0xb8;
	[tilespmem:$0x1C100] =	vst v63  }
0x7d: {  	s0 =	simm.s32 $0xE100  }
0x7e: {  	[hbm4b:s5+s3] =	stream.indirect_vreg.scatter [tilespmem:s0], [sflag:$0x2], $0x80, v3, vm0, $0xb8;
	[tilespmem:$0x1C100] =	vst v63  }
0x7f: {  	s0 =	simm.s32 $0xE900  }
0x80: {  	[hbm4b:s6+s3] =	stream.indirect_vreg.scatter [tilespmem:s0], [sflag:$0x2], $0x80, v3, vm0, $0xb8;
	[tilespmem:$0x1C100] =	vst v63  }
0x81: {  	v3 =	vld [tilespmem:$0x50];
	_ =	sdelay $0x4  }
0x82: {  	v53 =	vshrl.u32 v3, $0x3  }
0x83: {  	v4 =	vmul.u32 $0x30, v53  }
0x84: {  	v3 =	vand.u32 $0x7, v3  }
0x85: {  	v3 =	vor.u32 v3, v4  }
0x86: {  	v4 =	vperm.xlane v3, v0;
	_ =	sdelay $0x1  }
0x87: {  	v4 =	vadd.s32 v1, v4;
	_ =	sdelay $0x3  }
0x88: {  	s0 =	simm.s32 $0xF100;
	v3 =	vperm.xlane v3, v2  }
0x89: {  	[hbm4b:s4+s3] =	stream.indirect_vreg.scatter [tilespmem:s0], [sflag:$0x2], $0x80, v4, vm0, $0xb8;
	[tilespmem:$0x1C100] =	vst v63  }
0x8a: {  	v3 =	vadd.s32 v1, v3;
	s0 =	simm.s32 $0xF900  }
0x8b: {  	[hbm4b:s5+s3] =	stream.indirect_vreg.scatter [tilespmem:s0], [sflag:$0x2], $0x80, v4, vm0, $0xb8;
	[tilespmem:$0x1C100] =	vst v63  }
0x8c: {  	s0 =	simm.s32 $0x10100  }
0x8d: {  	[hbm4b:s6+s3] =	stream.indirect_vreg.scatter [tilespmem:s0], [sflag:$0x2], $0x80, v4, vm0, $0xb8;
	[tilespmem:$0x1C100] =	vst v63  }
0x8e: {  	s0 =	simm.s32 $0x10900  }
0x8f: {  	[hbm4b:s4+s3] =	stream.indirect_vreg.scatter [tilespmem:s0], [sflag:$0x2], $0x80, v3, vm0, $0xb8;
	[tilespmem:$0x1C100] =	vst v63  }
0x90: {  	s0 =	simm.s32 $0x11100  }
0x91: {  	[hbm4b:s5+s3] =	stream.indirect_vreg.scatter [tilespmem:s0], [sflag:$0x2], $0x80, v3, vm0, $0xb8;
	[tilespmem:$0x1C100] =	vst v63  }
0x92: {  	s0 =	simm.s32 $0x11900  }
0x93: {  	[hbm4b:s6+s3] =	stream.indirect_vreg.scatter [tilespmem:s0], [sflag:$0x2], $0x80, v3, vm0, $0xb8;
	[tilespmem:$0x1C100] =	vst v63  }
0x94: {  	v3 =	vld [tilespmem:$0x60];
	_ =	sdelay $0x4  }
0x95: {  	v54 =	vshrl.u32 v3, $0x3  }
0x96: {  	v4 =	vmul.u32 $0x30, v54  }
0x97: {  	v3 =	vand.u32 $0x7, v3  }
0x98: {  	v3 =	vor.u32 v3, v4  }
0x99: {  	v4 =	vperm.xlane v3, v0;
	_ =	sdelay $0x1  }
0x9a: {  	v4 =	vadd.s32 v1, v4;
	_ =	sdelay $0x3  }
0x9b: {  	s0 =	simm.s32 $0x12100;
	v3 =	vperm.xlane v3, v2  }
0x9c: {  	[hbm4b:s4+s3] =	stream.indirect_vreg.scatter [tilespmem:s0], [sflag:$0x2], $0x80, v4, vm0, $0xb8;
	[tilespmem:$0x1C100] =	vst v63  }
0x9d: {  	v3 =	vadd.s32 v1, v3;
	s0 =	simm.s32 $0x12900  }
0x9e: {  	[hbm4b:s5+s3] =	stream.indirect_vreg.scatter [tilespmem:s0], [sflag:$0x2], $0x80, v4, vm0, $0xb8;
	[tilespmem:$0x1C100] =	vst v63  }
0x9f: {  	s0 =	simm.s32 $0x13100  }
0xa0: {  	[hbm4b:s6+s3] =	stream.indirect_vreg.scatter [tilespmem:s0], [sflag:$0x2], $0x80, v4, vm0, $0xb8;
	[tilespmem:$0x1C100] =	vst v63  }
0xa1: {  	s0 =	simm.s32 $0x13900  }
0xa2: {  	[hbm4b:s4+s3] =	stream.indirect_vreg.scatter [tilespmem:s0], [sflag:$0x2], $0x80, v3, vm0, $0xb8;
	[tilespmem:$0x1C100] =	vst v63  }
0xa3: {  	s0 =	simm.s32 $0x14100  }
0xa4: {  	[hbm4b:s5+s3] =	stream.indirect_vreg.scatter [tilespmem:s0], [sflag:$0x2], $0x80, v3, vm0, $0xb8;
	[tilespmem:$0x1C100] =	vst v63  }
0xa5: {  	s0 =	simm.s32 $0x14900  }
0xa6: {  	[hbm4b:s6+s3] =	stream.indirect_vreg.scatter [tilespmem:s0], [sflag:$0x2], $0x80, v3, vm0, $0xb8;
	[tilespmem:$0x1C100] =	vst v63  }
0xa7: {  	v3 =	vld [tilespmem:$0x70];
	_ =	sdelay $0x4  }
0xa8: {  	v55 =	vshrl.u32 v3, $0x3  }
0xa9: {  	v4 =	vmul.u32 $0x30, v55  }
0xaa: {  	v3 =	vand.u32 $0x7, v3  }
0xab: {  	v3 =	vor.u32 v3, v4  }
0xac: {  	v4 =	vperm.xlane v3, v0;
	_ =	sdelay $0x1  }
0xad: {  	v4 =	vadd.s32 v1, v4;
	_ =	sdelay $0x3  }
0xae: {  	s0 =	simm.s32 $0x15100;
	v3 =	vperm.xlane v3, v2  }
0xaf: {  	[hbm4b:s4+s3] =	stream.indirect_vreg.scatter [tilespmem:s0], [sflag:$0x2], $0x80, v4, vm0, $0xb8;
	[tilespmem:$0x1C100] =	vst v63  }
0xb0: {  	v3 =	vadd.s32 v1, v3;
	s0 =	simm.s32 $0x15900  }
0xb1: {  	[hbm4b:s5+s3] =	stream.indirect_vreg.scatter [tilespmem:s0], [sflag:$0x2], $0x80, v4, vm0, $0xb8;
	[tilespmem:$0x1C100] =	vst v63  }
0xb2: {  	s0 =	simm.s32 $0x16100  }
0xb3: {  	[hbm4b:s6+s3] =	stream.indirect_vreg.scatter [tilespmem:s0], [sflag:$0x2], $0x80, v4, vm0, $0xb8;
	[tilespmem:$0x1C100] =	vst v63  }
0xb4: {  	s0 =	simm.s32 $0x16900  }
0xb5: {  	[hbm4b:s4+s3] =	stream.indirect_vreg.scatter [tilespmem:s0], [sflag:$0x2], $0x80, v3, vm0, $0xb8;
	[tilespmem:$0x1C100] =	vst v63  }
0xb6: {  	s0 =	simm.s32 $0x17100  }
0xb7: {  	[hbm4b:s5+s3] =	stream.indirect_vreg.scatter [tilespmem:s0], [sflag:$0x2], $0x80, v3, vm0, $0xb8;
	[tilespmem:$0x1C100] =	vst v63  }
0xb8: {  	s0 =	simm.s32 $0x17900  }
0xb9: {  	[hbm4b:s6+s3] =	stream.indirect_vreg.scatter [tilespmem:s0], [sflag:$0x2], $0x80, v3, vm0, $0xb8;
	[tilespmem:$0x1C100] =	vst v63  }
0xba: {  	v3 =	vld [tilespmem:$0x80];
	_ =	sdelay $0x4  }
0xbb: {  	v56 =	vshrl.u32 v3, $0x3  }
0xbc: {  	v4 =	vmul.u32 $0x30, v56  }
0xbd: {  	v3 =	vand.u32 $0x7, v3  }
0xbe: {  	v3 =	vor.u32 v3, v4  }
0xbf: {  	v4 =	vperm.xlane v3, v0;
	_ =	sdelay $0x1  }
0xc0: {  	v4 =	vadd.s32 v1, v4;
	_ =	sdelay $0x3  }
0xc1: {  	v3 =	vperm.xlane v3, v2  }
0xc2: {  	[hbm4b:s4+s3] =	stream.indirect_vreg.scatter [tilespmem:s10], [sflag:$0x2], $0x80, v4, vm0, $0xb8;
	[tilespmem:$0x1C100] =	vst v63  }
0xc3: {  	v3 =	vadd.s32 v1, v3  }
0xc4: {  	[hbm4b:s5+s3] =	stream.indirect_vreg.scatter [tilespmem:s18], [sflag:$0x2], $0x80, v4, vm0, $0xb8;
	[tilespmem:$0x1C100] =	vst v63  }
0xc5: {  	_ = 	snop  }
0xc6: {  	[hbm4b:s6+s3] =	stream.indirect_vreg.scatter [tilespmem:s19], [sflag:$0x2], $0x80, v4, vm0, $0xb8;
	[tilespmem:$0x1C100] =	vst v63  }
0xc7: {  	_ = 	snop  }
0xc8: {  	[hbm4b:s4+s3] =	stream.indirect_vreg.scatter [tilespmem:s20], [sflag:$0x2], $0x80, v3, vm0, $0xb8;
	[tilespmem:$0x1C100] =	vst v63  }
0xc9: {  	_ = 	snop  }
0xca: {  	[hbm4b:s5+s3] =	stream.indirect_vreg.scatter [tilespmem:s21], [sflag:$0x2], $0x80, v3, vm0, $0xb8;
	[tilespmem:$0x1C100] =	vst v63  }
0xcb: {  	_ = 	snop  }
0xcc: {  	[hbm4b:s6+s3] =	stream.indirect_vreg.scatter [tilespmem:s22], [sflag:$0x2], $0x80, v3, vm0, $0xb8;
	[tilespmem:$0x1C100] =	vst v63  }
0xcd: {  	v3 =	vld [tilespmem:$0x90];
	_ =	sdelay $0x4  }
0xce: {  	v57 =	vshrl.u32 v3, $0x3  }
0xcf: {  	v4 =	vmul.u32 $0x30, v57  }
0xd0: {  	v3 =	vand.u32 $0x7, v3  }
0xd1: {  	v3 =	vor.u32 v3, v4  }
0xd2: {  	v4 =	vperm.xlane v3, v0;
	_ =	sdelay $0x1  }
0xd3: {  	v4 =	vadd.s32 v1, v4;
	_ =	sdelay $0x3  }
0xd4: {  	v3 =	vperm.xlane v3, v2  }
0xd5: {  	[hbm4b:s4+s3] =	stream.indirect_vreg.scatter [tilespmem:s23], [sflag:$0x2], $0x80, v4, vm0, $0xb8;
	[tilespmem:$0x1C100] =	vst v63  }
0xd6: {  	v3 =	vadd.s32 v1, v3  }
0xd7: {  	[hbm4b:s5+s3] =	stream.indirect_vreg.scatter [tilespmem:s24], [sflag:$0x2], $0x80, v4, vm0, $0xb8;
	[tilespmem:$0x1C100] =	vst v63  }
0xd8: {  	_ = 	snop  }
0xd9: {  	[hbm4b:s6+s3] =	stream.indirect_vreg.scatter [tilespmem:s25], [sflag:$0x2], $0x80, v4, vm0, $0xb8;
	[tilespmem:$0x1C100] =	vst v63  }
0xda: {  	_ = 	snop  }
0xdb: {  	[hbm4b:s4+s3] =	stream.indirect_vreg.scatter [tilespmem:s26], [sflag:$0x2], $0x80, v3, vm0, $0xb8;
	[tilespmem:$0x1C100] =	vst v63  }
0xdc: {  	_ = 	snop  }
0xdd: {  	[hbm4b:s5+s3] =	stream.indirect_vreg.scatter [tilespmem:s28], [sflag:$0x2], $0x80, v3, vm0, $0xb8;
	[tilespmem:$0x1C100] =	vst v63  }
0xde: {  	_ = 	snop  }
0xdf: {  	[hbm4b:s6+s3] =	stream.indirect_vreg.scatter [tilespmem:s29], [sflag:$0x2], $0x80, v3, vm0, $0xb8;
	[tilespmem:$0x1C100] =	vst v63  }
0xe0: {  	v3 =	vld [tilespmem:$0xA0];
	_ =	sdelay $0x4  }
0xe1: {  	v58 =	vshrl.u32 v3, $0x3  }
0xe2: {  	v4 =	vmul.u32 $0x30, v58  }
0xe3: {  	v3 =	vand.u32 $0x7, v3  }
0xe4: {  	v3 =	vor.u32 v3, v4  }
0xe5: {  	v4 =	vperm.xlane v3, v0;
	_ =	sdelay $0x1  }
0xe6: {  	v4 =	vadd.s32 v1, v4;
	_ =	sdelay $0x3  }
0xe7: {  	v3 =	vperm.xlane v3, v2  }
0xe8: {  	[hbm4b:s4+s3] =	stream.indirect_vreg.scatter [tilespmem:s30], [sflag:$0x2], $0x80, v4, vm0, $0xb8;
	[tilespmem:$0x1C100] =	vst v63  }
0xe9: {  	v3 =	vadd.s32 v1, v3  }
0xea: {  	[hbm4b:s5+s3] =	stream.indirect_vreg.scatter [tilespmem:s31], [sflag:$0x2], $0x80, v4, vm0, $0xb8;
	[tilespmem:$0x1C100] =	vst v63  }
0xeb: {  	_ = 	snop  }
0xec: {  	[hbm4b:s6+s3] =	stream.indirect_vreg.scatter [tilespmem:s1], [sflag:$0x2], $0x80, v4, vm0, $0xb8;
	[tilespmem:$0x1C100] =	vst v63  }
0xed: {  	s18 =	simm.s32 $0x7900  }
0xee: {  	[hbm4b:s4+s3] =	stream.indirect_vreg.scatter [tilespmem:s18], [sflag:$0x2], $0x80, v3, vm0, $0xb8;
	[tilespmem:$0x1C100] =	vst v63  }
0xef: {  	_ = 	snop  }
0xf0: {  	[hbm4b:s5+s3] =	stream.indirect_vreg.scatter [tilespmem:s2], [sflag:$0x2], $0x80, v3, vm0, $0xb8;
	[tilespmem:$0x1C100] =	vst v63  }
0xf1: {  	_ = 	snop  }
0xf2: {  	[hbm4b:s6+s3] =	stream.indirect_vreg.scatter [tilespmem:s12], [sflag:$0x2], $0x80, v3, vm0, $0xb8;
	[tilespmem:$0x1C100] =	vst v63  }
0xf3: {  	v3 =	vld [tilespmem:$0xB0];
	_ =	sdelay $0x4  }
0xf4: {  	v59 =	vshrl.u32 v3, $0x3  }
0xf5: {  	v4 =	vmul.u32 $0x30, v59  }
0xf6: {  	v3 =	vand.u32 $0x7, v3  }
0xf7: {  	v3 =	vor.u32 v3, v4  }
0xf8: {  	v4 =	vperm.xlane v3, v0;
	_ =	sdelay $0x1  }
0xf9: {  	v4 =	vadd.s32 v1, v4;
	_ =	sdelay $0x3  }
0xfa: {  	v3 =	vperm.xlane v3, v2  }
0xfb: {  	[hbm4b:s4+s3] =	stream.indirect_vreg.scatter [tilespmem:s13], [sflag:$0x2], $0x80, v4, vm0, $0xb8;
	[tilespmem:$0x1C100] =	vst v63  }
0xfc: {  	v3 =	vadd.s32 v1, v3  }
0xfd: {  	[hbm4b:s5+s3] =	stream.indirect_vreg.scatter [tilespmem:s14], [sflag:$0x2], $0x80, v4, vm0, $0xb8;
	[tilespmem:$0x1C100] =	vst v63  }
0xfe: {  	_ = 	snop  }
0xff: {  	[hbm4b:s6+s3] =	stream.indirect_vreg.scatter [tilespmem:s8], [sflag:$0x2], $0x80, v4, vm0, $0xb8;
	[tilespmem:$0x1C100] =	vst v63  }
0x100: {  	_ = 	snop  }
0x101: {  	[hbm4b:s4+s3] =	stream.indirect_vreg.scatter [tilespmem:s15], [sflag:$0x2], $0x80, v3, vm0, $0xb8;
	[tilespmem:$0x1C100] =	vst v63  }
0x102: {  	_ = 	snop  }
0x103: {  	[hbm4b:s5+s3] =	stream.indirect_vreg.scatter [tilespmem:s11], [sflag:$0x2], $0x80, v3, vm0, $0xb8;
	[tilespmem:$0x1C100] =	vst v63  }
0x104: {  	_ = 	snop  }
0x105: {  	[hbm4b:s6+s3] =	stream.indirect_vreg.scatter [tilespmem:s16], [sflag:$0x2], $0x80, v3, vm0, $0xb8;
	[tilespmem:$0x1C100] =	vst v63  }
0x106: {  	v3 =	vld [tilespmem:$0xC0];
	_ =	sdelay $0x4  }
0x107: {  	v60 =	vshrl.u32 v3, $0x3  }
0x108: {  	v4 =	vmul.u32 $0x30, v60  }
0x109: {  	v3 =	vand.u32 $0x7, v3  }
0x10a: {  	v3 =	vor.u32 v3, v4  }
0x10b: {  	v4 =	vperm.xlane v3, v0;
	_ =	sdelay $0x1  }
0x10c: {  	v4 =	vadd.s32 v1, v4;
	_ =	sdelay $0x3  }
0x10d: {  	v3 =	vperm.xlane v3, v2  }
0x10e: {  	[hbm4b:s4+s3] =	stream.indirect_vreg.scatter [tilespmem:s17], [sflag:$0x2], $0x80, v4, vm0, $0xb8;
	[tilespmem:$0x1C100] =	vst v63  }
0x10f: {  	s19 =	simm.s32 $0xC900;
	v3 =	vadd.s32 v1, v3  }
0x110: {  	[hbm4b:s5+s3] =	stream.indirect_vreg.scatter [tilespmem:s19], [sflag:$0x2], $0x80, v4, vm0, $0xb8;
	[tilespmem:$0x1C100] =	vst v63  }
0x111: {  	s2 =	simm.s32 $0xD100  }
0x112: {  	[hbm4b:s6+s3] =	stream.indirect_vreg.scatter [tilespmem:s2], [sflag:$0x2], $0x80, v4, vm0, $0xb8;
	[tilespmem:$0x1C100] =	vst v63  }
0x113: {  	s18 =	simm.s32 $0xD900  }
0x114: {  	[hbm4b:s4+s3] =	stream.indirect_vreg.scatter [tilespmem:s18], [sflag:$0x2], $0x80, v3, vm0, $0xb8;
	[tilespmem:$0x1C100] =	vst v63  }
0x115: {  	s19 =	simm.s32 $0xE100  }
0x116: {  	[hbm4b:s5+s3] =	stream.indirect_vreg.scatter [tilespmem:s19], [sflag:$0x2], $0x80, v3, vm0, $0xb8;
	[tilespmem:$0x1C100] =	vst v63  }
0x117: {  	s2 =	simm.s32 $0xE900  }
0x118: {  	[hbm4b:s6+s3] =	stream.indirect_vreg.scatter [tilespmem:s2], [sflag:$0x2], $0x80, v3, vm0, $0xb8;
	[tilespmem:$0x1C100] =	vst v63  }
0x119: {  	v3 =	vld [tilespmem:$0xD0];
	_ =	sdelay $0x4  }
0x11a: {  	v61 =	vshrl.u32 v3, $0x3  }
0x11b: {  	v4 =	vmul.u32 $0x30, v61  }
0x11c: {  	v3 =	vand.u32 $0x7, v3  }
0x11d: {  	v3 =	vor.u32 v3, v4  }
0x11e: {  	v4 =	vperm.xlane v3, v0;
	_ =	sdelay $0x1  }
0x11f: {  	v4 =	vadd.s32 v1, v4;
	_ =	sdelay $0x3  }
0x120: {  	s18 =	simm.s32 $0xF100;
	v3 =	vperm.xlane v3, v2  }
0x121: {  	[hbm4b:s4+s3] =	stream.indirect_vreg.scatter [tilespmem:s18], [sflag:$0x2], $0x80, v4, vm0, $0xb8;
	[tilespmem:$0x1C100] =	vst v63  }
0x122: {  	s19 =	simm.s32 $0xF900;
	v3 =	vadd.s32 v1, v3  }
0x123: {  	[hbm4b:s5+s3] =	stream.indirect_vreg.scatter [tilespmem:s19], [sflag:$0x2], $0x80, v4, vm0, $0xb8;
	[tilespmem:$0x1C100] =	vst v63  }
0x124: {  	s2 =	simm.s32 $0x10100  }
0x125: {  	[hbm4b:s6+s3] =	stream.indirect_vreg.scatter [tilespmem:s2], [sflag:$0x2], $0x80, v4, vm0, $0xb8;
	[tilespmem:$0x1C100] =	vst v63  }
0x126: {  	s18 =	simm.s32 $0x10900  }
0x127: {  	[hbm4b:s4+s3] =	stream.indirect_vreg.scatter [tilespmem:s18], [sflag:$0x2], $0x80, v3, vm0, $0xb8;
	[tilespmem:$0x1C100] =	vst v63  }
0x128: {  	s19 =	simm.s32 $0x11100  }
0x129: {  	[hbm4b:s5+s3] =	stream.indirect_vreg.scatter [tilespmem:s19], [sflag:$0x2], $0x80, v3, vm0, $0xb8;
	[tilespmem:$0x1C100] =	vst v63  }
0x12a: {  	s2 =	simm.s32 $0x11900  }
0x12b: {  	[hbm4b:s6+s3] =	stream.indirect_vreg.scatter [tilespmem:s2], [sflag:$0x2], $0x80, v3, vm0, $0xb8;
	[tilespmem:$0x1C100] =	vst v63  }
0x12c: {  	v3 =	vld [tilespmem:$0xE0];
	_ =	sdelay $0x4  }
0x12d: {  	v62 =	vshrl.u32 v3, $0x3  }
0x12e: {  	v4 =	vmul.u32 $0x30, v62  }
0x12f: {  	v3 =	vand.u32 $0x7, v3  }
0x130: {  	v3 =	vor.u32 v3, v4  }
0x131: {  	v4 =	vperm.xlane v3, v0;
	_ =	sdelay $0x1  }
0x132: {  	v4 =	vadd.s32 v1, v4;
	_ =	sdelay $0x3  }
0x133: {  	s18 =	simm.s32 $0x12100;
	v3 =	vperm.xlane v3, v2  }
0x134: {  	[hbm4b:s4+s3] =	stream.indirect_vreg.scatter [tilespmem:s18], [sflag:$0x2], $0x80, v4, vm0, $0xb8;
	[tilespmem:$0x1C100] =	vst v63  }
0x135: {  	s19 =	simm.s32 $0x12900;
	v3 =	vadd.s32 v1, v3  }
0x136: {  	[hbm4b:s5+s3] =	stream.indirect_vreg.scatter [tilespmem:s19], [sflag:$0x2], $0x80, v4, vm0, $0xb8;
	[tilespmem:$0x1C100] =	vst v63  }
0x137: {  	s2 =	simm.s32 $0x13100  }
0x138: {  	[hbm4b:s6+s3] =	stream.indirect_vreg.scatter [tilespmem:s2], [sflag:$0x2], $0x80, v4, vm0, $0xb8;
	[tilespmem:$0x1C100] =	vst v63  }
0x139: {  	s18 =	simm.s32 $0x13900  }
0x13a: {  	[hbm4b:s4+s3] =	stream.indirect_vreg.scatter [tilespmem:s18], [sflag:$0x2], $0x80, v3, vm0, $0xb8;
	[tilespmem:$0x1C100] =	vst v63  }
0x13b: {  	s19 =	simm.s32 $0x14100  }
0x13c: {  	[hbm4b:s5+s3] =	stream.indirect_vreg.scatter [tilespmem:s19], [sflag:$0x2], $0x80, v3, vm0, $0xb8;
	[tilespmem:$0x1C100] =	vst v63  }
0x13d: {  	s2 =	simm.s32 $0x14900  }
0x13e: {  	[hbm4b:s6+s3] =	stream.indirect_vreg.scatter [tilespmem:s2], [sflag:$0x2], $0x80, v3, vm0, $0xb8;
	[tilespmem:$0x1C100] =	vst v63  }
0x13f: {  	v3 =	vld [tilespmem:$0xF0];
	_ =	sdelay $0x4  }
0x140: {  	v63 =	vshrl.u32 v3, $0x3  }
0x141: {  	v4 =	vmul.u32 $0x30, v63  }
0x142: {  	v3 =	vand.u32 $0x7, v3  }
0x143: {  	v3 =	vor.u32 v3, v4  }
0x144: {  	v4 =	vperm.xlane v3, v0;
	_ =	sdelay $0x1  }
0x145: {  	v4 =	vadd.s32 v1, v4;
	_ =	sdelay $0x3  }
0x146: {  	s18 =	simm.s32 $0x15100;
	v3 =	vperm.xlane v3, v2  }
0x147: {  	[hbm4b:s4+s3] =	stream.indirect_vreg.scatter [tilespmem:s18], [sflag:$0x2], $0x80, v4, vm0, $0xb8;
	[tilespmem:$0x1C100] =	vst v63  }
0x148: {  	s19 =	simm.s32 $0x15900;
	v3 =	vadd.s32 v1, v3  }
0x149: {  	[hbm4b:s5+s3] =	stream.indirect_vreg.scatter [tilespmem:s19], [sflag:$0x2], $0x80, v4, vm0, $0xb8;
	[tilespmem:$0x1C100] =	vst v63  }
0x14a: {  	s2 =	simm.s32 $0x16100  }
0x14b: {  	[hbm4b:s6+s3] =	stream.indirect_vreg.scatter [tilespmem:s2], [sflag:$0x2], $0x80, v4, vm0, $0xb8;
	[tilespmem:$0x1C100] =	vst v63  }
0x14c: {  	s18 =	simm.s32 $0x16900  }
0x14d: {  	[hbm4b:s4+s3] =	stream.indirect_vreg.scatter [tilespmem:s18], [sflag:$0x2], $0x80, v3, vm0, $0xb8;
	[tilespmem:$0x1C100] =	vst v63  }
0x14e: {  	s19 =	simm.s32 $0x17100  }
0x14f: {  	[hbm4b:s5+s3] =	stream.indirect_vreg.scatter [tilespmem:s19], [sflag:$0x2], $0x80, v3, vm0, $0xb8;
	[tilespmem:$0x1C100] =	vst v63  }
0x150: {  	s0 =	simm.s32 $0x17900  }
0x151: {  	[hbm4b:s6+s3] =	stream.indirect_vreg.scatter [tilespmem:s0], [sflag:$0x2], $0x80, v3, vm0, $0xb8;
	[tilespmem:$0x1C100] =	vst v63  }
0x152: {  	s2 =	rddreg [dreg:$0x7];
	s0 =	simm.s32 $0x18100  }
0x153: {  	[tilespmem:s0], [sflag:$0x4] =	stream.linear.gather [hbm4b:s2+s3], $0x4000, $0x38;
	[tilespmem:$0x1C100] =	vst v63  }
0x154: {  	_ =	swait.ge [sflag:s9], $0x4000  }
0x155: {  	[sflag:s9] =	ssyncset.done $0x0  }
0x156: {  	[sflag:s9] =	ssyncadd.s32 $0xFFFFC000  }
0x157: {  	s1 =	simm.s32 $0x3;
	s2 =	simm.s32 $0x80;
	s19 =	rddreg [dreg:$0x2]  }
0x158: {  	[hbm4b:s19+s2] =	stream.indirect.scatter [tilespmem:s0], [sflag:$0x3], $0x80, s3, s2, $0xb8;
	[tilespmem:$0x1C100] =	vst v63  }
0x159: {  	_ =	swait.ge [sflag:s1], $0x4000  }
0x15a: {  	[sflag:s1] =	ssyncset.done $0x0  }
0x15b: {  	s18 =	rddreg [dreg:$0x8];
	[sflag:s1] =	ssyncadd.s32 $0xFFFFC000  }
0x15c: {  	[tilespmem:s0], [sflag:$0x4] =	stream.linear.gather [hbm4b:s18+s3], $0x4000, $0x38;
	[tilespmem:$0x1C100] =	vst v63  }
0x15d: {  	_ =	swait.ge [sflag:s9], $0x4000  }
0x15e: {  	[sflag:s9] =	ssyncset.done $0x0  }
0x15f: {  	[sflag:s9] =	ssyncadd.s32 $0xFFFFC000  }
0x160: {  	[hbm4b:s19+s2] =	stream.indirect.scatter [tilespmem:s0], [sflag:$0x3], $0x80, s2, s2, $0xb8;
	[tilespmem:$0x1C100] =	vst v63  }
0x161: {  	s19 =	simm.s32 $0x2  }
0x162: {  	_ =	swait.ge [sflag:s19], $0x18000  }
0x163: {  	[sflag:s19] =	ssyncset.done $0x0  }
0x164: {  	[sflag:s19] =	ssyncadd.s32 $0xFFFE8000  }
0x165: {  	p0 =	sne.s32 s7, $0x1;
	_ =	swait.ge [sflag:s19], $0x18000  }
.Ltmp0:
0x166: {  	[sflag:s19] =	ssyncset.done $0x0;
	(pc) =	sbr.rel @p0 .LBB2_1-.Ltmp0, $4  }
0x167: {  	[sflag:s19] =	ssyncadd.s32 $0xFFFE8000  }
0x168: {  	_ =	swait.ge [sflag:s1], $0x4000  }
0x169: {  	[sflag:s1] =	ssyncset.done $0x0  }
0x16a: {  	s7 =	sadd.s32 $0xFFFFFFFF, s7;
	[sflag:s1] =	ssyncadd.s32 $0xFFFFC000  }
0x16b: {  	_ =	sfence.sel $0x180000  }
0x16c: {  	[bflag:$0x0] =	sbarrier.arrive $0xFFFF  }
0x16d: {  	_ =	strace $0x90000047  }
0x16e: {  	s0 =	stileid.u32;
	[bflag:$0x2] =	sbarrier.arrive $0xFFFF  }
0x16f: {  	p0 =	sne.s32 s0, $0x0;
	s0 =	rddreg [dreg:$0x3]  }
0x170: {  	s0 =	sadd.s32 @!p0 $0x100000, s0  }
0x171: {  	[sflag:s0] =	ssyncadd.tile.s32 @!p0 $0x1;
	_ =	shalt  }
.Lfunc_end2:
_tile_overlayer_lowered:
.L_overlay_start_2:
0x172: {  	(tag) =	ssettag $0x2  }
0x173: {  	s0 =	rddreg [dreg:$0x0];
	s2 =	stileid.u32  }
0x174: {  	s1 =	rddreg [dreg:$0x1];
	p0 =	sne.s32 s2, $0x0  }
0x175: {  	s3 =	rddreg [dreg:$0x2];
	[bflag:$0x3] =	sbarrier.arrive $0xFFFF;
	s2 =	simm.s32 @!p0 $0x1C04  }
0x176: {  	[timem:s3], [sflag:s2] =	dma.local @!p0 [hbm:s0], s1  }
0x177: {  	s0 =	simm.s32 @!p0 $0x4  }
0x178: {  	_ =	swait.ge @!p0 [sflag:s0], s1  }
0x179: {  	s1 =	ssub.s32 @!p0 $0x0, s1;
	[sflag:s0] =	ssyncset.done @!p0 $0x0  }
0x17a: {  	[sflag:s0] =	ssyncadd.s32 @!p0 s1  }
0x17b: {  	[bflag:$0x3] =	sbarrier.arrive $0xFFFF  }
0x17c: {  	_ =	shalt  }

// kernel: kernel.9.cloned.1.call-start
scs
__scs_entry_jumppad:
0x0: {  	(pc) =	sbr.rel $0x88, $3  }
0x1: {  	(tag) =	ssettag $0x0;
	lr =	simm.s32 $0x1  }
0x2: {  	[smem:$0x3F9B] =	sst lr;
	_ =	strace $0xD0000000  }
0x3: {  	_ = 	snop  }
0x4: {  	_ = 	snop  }
0x5: {  	_ = 	snop  }
0x6: {  	_ = 	snop  }
0x7: {  	_ = 	snop  }
__scs_overlays_trampoline_lowered:
0x8: {  	[smem:$0x3FAA] =	sst s0  }
0x9: {  	[smem:$0x3FAB] =	sst s1  }
0xa: {  	[smem:$0x3FAC] =	sst s2  }
0xb: {  	[smem:$0x3FAD] =	sst s3  }
0xc: {  	[smem:$0x3FAE] =	sst s4  }
0xd: {  	[smem:$0x3FAF] =	sst s5  }
0xe: {  	[smem:$0x3FB0] =	sst s6  }
0xf: {  	[smem:$0x3FB1] =	sst s7  }
0x10: {  	[smem:$0x3FB2] =	sst s8  }
0x11: {  	[smem:$0x3FB3] =	sst s9;
	s0 =	simm.s32 @!p0 $0x0  }
0x12: {  	s1 =	sld [smem:$0x3F99];
	s0 =	simm.s32 @p0 $0x1  }
0x13: {  	[smem:$0x3FB4] =	sst s0;
	s0 =	simm.s32 @!p1 $0x0  }
0x14: {  	s2 =	sld [smem:$0x3F98];
	s0 =	simm.s32 @p1 $0x1  }
0x15: {  	[smem:$0x3FB5] =	sst s0;
	s0 =	simm.s32 @!p2 $0x0  }
0x16: {  	s3 =	sld [smem:$0x3FDB];
	s0 =	simm.s32 @p2 $0x1  }
0x17: {  	s4 =	simm.s32 $0x1BF5;
	[smem:$0x3FB7] =	sst s0  }
0x18: {  	s0 =	sld [smem:$0x3F9A];
	_ =	swait.ge [sflag:s4], $0x0  }
0x19: {  	s7 =	sld [smem:$0x3F9B]  }
0x1a: {  	s8 =	sadd.s32 $0xFFFFE003, lr  }
0x1b: {  	s9 =	sadd.s32 $0xFFFFFEF7, lr;
	s5 =	simm.s32 $0xFFFFFFFF;
	p2 =	slt.u32 s8, $0xFFFFF086  }
0x1c: {  	p1 =	slt.u32 s9, $0xF7A;
	s5 =	simm.s32 @!p2 $0x0  }
0x1d: {  	s5 =	simm.s32 @p1 $0x1;
	p0 =	seq.s32 s7, s2  }
0x1e: {  	s7 =	smul.u32 @!p0 $0xF7A, s2;
	p2 =	seq.s32 @!p0 s5, $0x0  }
0x1f: {  	s9 =	smul.u32 $0xF7A, s1;
	s8 =	simm.s32 @!p0 $0x1BF5;
	p2 =	por !p2, p0  }
0x20: {  	[sflag:s8] =	ssyncset.s32 @!p0 $0xFFFFF086;
	s6 =	sadd.s32 @!p0 s3, s7;
	s7 =	simm.s32 @!p0 $0x108  }
0x21: {  	s3 =	sadd.s32 s3, s9;
	s6 =	sadd.s32 @!p0 $0x88, s6;
	s7 =	simm.s32 @p2 $0x1082  }
0x22: {  	[simem:s7], [sflag:s8] =	dma.local @!p0 [hbm:s6], $0xF7A  }
0x23: {  	s9 =	sor.u32 $0xD0000000, s2;
	s6 =	simm.s32 $0x108;
	_ =	swait.ge @!p0 [sflag:s8], $0x0  }
0x24: {  	s3 =	sadd.s32 $0x88, s3;
	s6 =	simm.s32 @!p1 $0x1082;
	[sflag:s4] =	ssyncset.s32 $0xFFFFF086  }
0x25: {  	[simem:s6], [sflag:s4] =	dma.local [hbm:s3], $0xF7A  }
0x26: {  	[smem:$0x3F9B] =	sst s1;
	(tag) =	ssettag s2;
	_ =	strace s9  }
0x27: {  	s1 =	sld [smem:$0x3FAB]  }
0x28: {  	s2 =	sld [smem:$0x3FAC]  }
0x29: {  	s4 =	sld [smem:$0x3FAE]  }
0x2a: {  	p0 =	seq.s32 s5, $0x0;
	s5 =	sld [smem:$0x3FAF]  }
0x2b: {  	s6 =	sld [smem:$0x3FB0]  }
0x2c: {  	s7 =	sld [smem:$0x3FB1]  }
0x2d: {  	s3 =	simm.s32 $0x108;
	s8 =	sld [smem:$0x3FB2]  }
0x2e: {  	s3 =	simm.s32 @!p0 $0x1082;
	s9 =	sld [smem:$0x3FB3]  }
0x2f: {  	lr =	sadd.s32 s0, s3;
	s0 =	sld [smem:$0x3FAA]  }
0x30: {  	s3 =	sld [smem:$0x3FAD]  }
0x31: {  	[smem:$0x3FB6] =	sst s10  }
0x32: {  	s10 =	sld [smem:$0x3FB4];
	_ =	sdelay $0x3  }
0x33: {  	p0 =	seq.s32 s10, $0x1;
	s10 =	sld [smem:$0x3FB6];
	_ =	sdelay $0x3  }
0x34: {  	[smem:$0x3FB6] =	sst s10  }
0x35: {  	s10 =	sld [smem:$0x3FB5];
	_ =	sdelay $0x3  }
0x36: {  	p1 =	seq.s32 s10, $0x1;
	s10 =	sld [smem:$0x3FB6];
	_ =	sdelay $0x3  }
0x37: {  	[smem:$0x3FB6] =	sst s10  }
0x38: {  	s10 =	sld [smem:$0x3FB7]  }
0x39: {  	_ = 	snop;
	(pc) =	sbr.ind lr, $3  }
0x3a: {  	_ = 	snop  }
0x3b: {  	_ = 	snop  }
0x3c: {  	p2 =	seq.s32 s10, $0x1;
	s10 =	sld [smem:$0x3FB6]  }
0x3d: {  	_ =	shalt  }
0x3e: {  	_ =	shalt  }
0x3f: {  	_ =	shalt  }
0x40: {  	_ =	shalt  }
0x41: {  	_ =	shalt  }
0x42: {  	_ =	shalt  }
0x43: {  	_ =	shalt  }
0x44: {  	_ =	shalt  }
0x45: {  	_ =	shalt  }
0x46: {  	_ =	shalt  }
0x47: {  	_ =	shalt  }
0x48: {  	_ =	shalt  }
0x49: {  	_ =	shalt  }
0x4a: {  	_ =	shalt  }
0x4b: {  	_ =	shalt  }
0x4c: {  	_ =	shalt  }
0x4d: {  	_ =	shalt  }
0x4e: {  	_ =	shalt  }
0x4f: {  	_ =	shalt  }
0x50: {  	_ =	shalt  }
0x51: {  	_ =	shalt  }
0x52: {  	_ =	shalt  }
0x53: {  	_ =	shalt  }
0x54: {  	_ =	shalt  }
0x55: {  	_ =	shalt  }
0x56: {  	_ =	shalt  }
0x57: {  	_ =	shalt  }
0x58: {  	_ =	shalt  }
0x59: {  	_ =	shalt  }
0x5a: {  	_ =	shalt  }
0x5b: {  	_ =	shalt  }
0x5c: {  	_ =	shalt  }
0x5d: {  	_ =	shalt  }
0x5e: {  	_ =	shalt  }
0x5f: {  	_ =	shalt  }
0x60: {  	_ =	shalt  }
0x61: {  	_ =	shalt  }
0x62: {  	_ =	shalt  }
0x63: {  	_ =	shalt  }
0x64: {  	_ =	shalt  }
0x65: {  	_ =	shalt  }
0x66: {  	_ =	shalt  }
0x67: {  	_ =	shalt  }
0x68: {  	_ =	shalt  }
0x69: {  	_ =	shalt  }
0x6a: {  	_ =	shalt  }
0x6b: {  	_ =	shalt  }
0x6c: {  	_ =	shalt  }
0x6d: {  	_ =	shalt  }
0x6e: {  	_ =	shalt  }
0x6f: {  	_ =	shalt  }
0x70: {  	_ =	shalt  }
0x71: {  	_ =	shalt  }
0x72: {  	_ =	shalt  }
0x73: {  	_ =	shalt  }
0x74: {  	_ =	shalt  }
0x75: {  	_ =	shalt  }
0x76: {  	_ =	shalt  }
0x77: {  	_ =	shalt  }
0x78: {  	_ =	shalt  }
0x79: {  	_ =	shalt  }
0x7a: {  	_ =	shalt  }
0x7b: {  	_ =	shalt  }
0x7c: {  	_ =	shalt  }
0x7d: {  	_ =	shalt  }
0x7e: {  	_ =	shalt  }
0x7f: {  	_ =	shalt  }
0x80: {  	_ =	shalt  }
0x81: {  	_ =	shalt  }
0x82: {  	_ =	shalt  }
0x83: {  	_ =	shalt  }
0x84: {  	_ =	shalt  }
0x85: {  	_ =	shalt  }
0x86: {  	_ =	shalt  }
0x87: {  	_ =	shalt  }
.Lfunc_end0:
.L_simem_size_0:
called_computation.1_lowered:
.L_overlay_start_0:
0x88: {  	s2 =	sld [smem:$0x3FD9]  }
0x89: {  	s3 =	sld [smem:$0x3FFE];
	_ =	sdelay $0x1  }
0x8a: {  	s1 =	srdreg.scid  }
0x8b: {  	s0 =	sand.u32 $0x1, s1  }
0x8c: {  	s14 =	sshll.u32 s0, $0xA;
	s2 =	sadd.s32 s3, s2  }
0x8d: {  	s2 =	sadd.s32 s2, s14  }
0x8e: {  	[smem:$0x3FC2] =	sst s2  }
0x8f: {  	_ = 	snop  }
0x90: {  	s2 =	sld [smem:$0x3FD0];
	_ =	sdelay $0x2  }
0x91: {  	s15 =	simm.s32 $0xA;
	s4 =	simm.s32 $0x10  }
0x92: {  	[smem:s4], [sflag:s15] =	dma.local [hbm:s2], $0x1  }
0x93: {  	_ =	swait.eq [sflag:s15], $0x1  }
0x94: {  	[sflag:s15] =	ssyncset.done $0x0  }
0x95: {  	[sflag:s15] =	ssyncadd.s32 $0xFFFFFFFF  }
0x96: {  	s16 =	sld [smem:$0x10];
	(tm) =	ssettm $0x1  }
0x97: {  	s17 =	sld [smem:$0x3FFB];
	_ =	sdelay $0x3  }
0x98: {  	_ =	strace s17  }
0x99: {  	s3 =	sld [smem:$0x3FFC];
	_ =	sdelay $0x3  }
0x9a: {  	_ =	strace s3  }
0x9b: {  	s3 =	sld [smem:$0x3FFD];
	_ =	sdelay $0x3  }
0x9c: {  	_ =	strace s3  }
0x9d: {  	_ =	strace $0x8FFFFFFF  }
0x9e: {  	s18 =	sld [smem:$0x3FDB];
	_ =	sdelay $0x1  }
0x9f: {  	s19 =	simm.s32 $_scs_section_size  }
0xa0: {  	s5 =	simm.s32 $_size__tile_overlayer_lowered;
	s6 =	simm.s32 $_tile_overlayer_lowered  }
0xa1: {  	s22 =	simm.s32 $0x1BFF;
	s21 =	sshll.u32 s6, $0x1;
	s3 =	sadd.s32 s19, s18  }
0xa2: {  	s7 =	simm.s32 $0x0;
	s20 =	sshll.u32 s5, $0x1;
	s5 =	sadd.s32 s21, s3  }
0xa3: {  	[timem:s7], [sflag:s22] =	dma.local [hbm:s5], s20  }
0xa4: {  	_ =	swait.ge [sflag:s22], s20  }
0xa5: {  	s4 =	ssub.s32 $0x0, s20;
	[sflag:s22] =	ssyncset.done $0x0  }
0xa6: {  	[sflag:s22] =	ssyncadd.s32 s4;
	_ =	sdelay $0x1  }
0xa7: {  	s23 =	simm.s32 $0x1B8B  }
0xa8: {  	_ =	swait.ge [sflag:s23], $0x1  }
0xa9: {  	[sflag:s23] =	ssyncset.done $0x0  }
0xaa: {  	s25 =	simm.s32 $0x1B8E;
	s24 =	sld [smem:$0x3FFE];
	[sflag:s23] =	ssyncadd.s32 $0xFFFFFFFF  }
0xab: {  	s26 =	simm.s32 $execute0_lowered;
	[smem:$0x3FD2] =	sst s25  }
0xac: {  	s5 =	sshll.u32 s26, $0x1;
	_ =	strace $0x80000049;
	[dreg:$0x1] =	wrdreg $0xFFFFFFFF  }
0xad: {  	s28 =	simm.s32 $_size_execute0_lowered;
	s3 =	sadd.s32 s3, s5;
	[dreg:$0x0] =	wrdreg $0x0  }
0xae: {  	s5 =	sshll.u32 s28, $0x1;
	[dreg:$0x2] =	wrdreg s3  }
0xaf: {  	[dreg:$0x3] =	wrdreg s5  }
0xb0: {  	[dreg:$0x4] =	wrdreg $0xC0  }
0xb1: {  	_ =	task [dreg:s7], $0x5FFFF  }
0xb2: {  	[dreg:$0x1] =	wrdreg $0xFFFFFFFF  }
0xb3: {  	[dreg:$0x0] =	wrdreg $0x60  }
0xb4: {  	[dreg:$0x2] =	wrdreg s24  }
0xb5: {  	[dreg:$0x3] =	wrdreg s16  }
0xb6: {  	[dreg:$0x4] =	wrdreg $0x9  }
0xb7: {  	_ =	task.clear_ibuf [dreg:s7], $0x5FFFF;
	_ =	strace $0x90000049  }
0xb8: {  	s29 =	simm.s32 $0x9;
	_ =	strace $0x8000004B  }
0xb9: {  	_ =	swait.ge [sflag:s29], $0x1  }
0xba: {  	[sflag:s29] =	ssyncadd.s32 $0xFFFFFFFF  }
0xbb: {  	_ =	strace $0x9000004B  }
0xbc: {  	_ =	sfence  }
0xbd: {  	s30 =	sld [smem:$0x0];
	_ =	sdelay $0x2  }
0xbe: {  	s31 =	sshll.u32 s1, $0xD;
	s1 =	sshrl.u32 s1, $0x2  }
0xbf: {  	s3 =	sand.u32 $0x4000, s31;
	s1 =	sadd.s32 s1, s30  }
0xc0: {  	s0 =	sor.u32 s3, s0;
	s1 =	sshll.u32 s1, $0x11  }
0xc1: {  	s0 =	sor.u32 s1, s0  }
0xc2: {  	s0 =	sadd.s32 $0x8F2B, s0  }
0xc3: {  	[sflag:s0] =	ssyncadd.remote.s32 $0x1  }
0xc4: {  	_ =	sfence.sel $0xFFFF  }
0xc5: {  	[dreg:$0x0] =	wrdreg $0xFFFFFFFF;
	(pc) =	sbr.abs _section_cstart, $3  }
0xc6: {  	[dreg:$0x1] =	wrdreg $0xFFFFFFFF  }
0xc7: {  	_ =	task.clear_ibuf [dreg:s7], $0x2FFFF;
	_ =	strace $0x9FFFFFFF  }
0xc8: {  	(tm) =	ssettm $0x7FFFFFFF  }
0xc9: {  	_ =	shalt  }
tec
execute0_lowered:
.L_overlay_start_1:
0x0: {  	(tag) =	ssettag $0x1  }
0x1: {  	s0 =	rddreg [dreg:$0x0]  }
0x2: {  	s1 =	rddreg [dreg:$0x1]  }
0x3: {  	s2 =	simm.s32 $0x0;
	s3 =	srdreg.scid;
	s5 =	stileid.u32  }
0x4: {  	s13 =	simm.s32 $0x4;
	s15 =	simm.s32 $0x100;
	s21 =	simm.s32 $0xC100  }
0x5: {  	s14 =	simm.s32 $0x12100;
	s16 =	simm.s32 $0x12900;
	s17 =	simm.s32 $0x13100  }
0x6: {  	s18 =	simm.s32 $0x13900;
	s19 =	simm.s32 $0x14100;
	s20 =	simm.s32 $0x14900  }
0x7: {  	s22 =	simm.s32 $0x16100;
	s23 =	simm.s32 $0x16900;
	s24 =	simm.s32 $0x17100  }
0x8: {  	s25 =	simm.s32 $0x17900;
	s9 =	simm.s32 $0x1;
	s28 =	simm.s32 $0x2  }
0x9: {  	s10 =	simm.s32 $0x0;
	s4 =	sand.u32 $0x1, s3;
	s5 =	sshll.u32 s5, $0x1  }
0xa: {  	[smem:$0x7FF] =	sst s2;
	s3 =	sadd.s32 $0x261C00, s0;
	s5 =	sor.u32 s4, s5  }
0xb: {  	_ =	strace $0x8000004A;
	s4 =	ssub.s32 $0x2, s4;
	s7 =	smul.u32 $0x3000, s5  }
0xc: {  	s6 =	sshll.u32 s5, $0x4;
	s8 =	sshrl.u32 s4, $0x1;
	s5 =	smul.u32 $0x18000, s5  }
0xd: {  	s6 =	sadd.s32 s6, s0;
	s4 =	ssub.s32 s4, s8;
	s8 =	sadd.s32 $0x261E00, s0  }
0xe: {  	s26 =	sadd.s32 $0x21800, s6;
	s6 =	sadd.s32 $0x21A00, s6;
	s7 =	sadd.s32 s1, s7  }
0xf: {  	s5 =	sshrl.u32 s5, $0x3;
	s31 =	smax.u32 s4, $0x1;
	[dreg:$0x3] =	wrdreg s26  }
0x10: {  	s4 =	simm.s32 $0x15100;
	[dreg:$0x4] =	wrdreg s6;
	s6 =	sadd.s32 $0x261D00, s0  }
0x11: {  	s29 =	sadd.s32 $0xC00, s7;
	s30 =	sadd.s32 s1, s5;
	[dreg:$0x8] =	wrdreg s31  }
0x12: {  	v2 =	vlaneseq.u32;
	s5 =	simm.s32 $0x15900;
	[dreg:$0x5] =	wrdreg s29;
	s1 =	sadd.s32 $0x1800, s30  }
0x13: {  	vm0 =	vmmov $0xffff;
	v1 =	vshrl.u32 v2, $0x3;
	s26 =	simm.s32 $0x3;
	s0 =	sadd.s32 $0x2400, s30;
	[dreg:$0x6] =	wrdreg s1  }
0x14: {  	v0 =	vand.u32 $0x7, v2;
	v2 =	vor.u32 $0x8, v2;
	v1 =	vmul.u32 $0x8, v1;
	[dreg:$0x7] =	wrdreg s0;
	s0 =	simm.s32 $0x11100;
	s1 =	simm.s32 $0x11900  }
.LBB2_1:
0x15: {  	s11 =	rddreg [dreg:$0x3]  }
0x16: {  	[tilespmem:s2], [sflag:$0x4] =	stream.linear.gather [hbm4b:s11+s2], $0x80, $0x38;
	[tilespmem:$0x18100] =	vst v63  }
0x17: {  	_ =	swait.ge [sflag:s13], $0x80  }
0x18: {  	[sflag:s13] =	ssyncset.done $0x0  }
0x19: {  	s12 =	simm.s32 $0x80;
	s31 =	rddreg [dreg:$0x4];
	[sflag:s13] =	ssyncadd.s32 $0xFFFFFF80  }
0x1a: {  	[tilespmem:s12], [sflag:$0x4] =	stream.linear.gather [hbm4b:s31+s2], $0x80, $0x38;
	[tilespmem:$0x18100] =	vst v63  }
0x1b: {  	_ =	swait.ge [sflag:s13], $0x80  }
0x1c: {  	[sflag:s13] =	ssyncset.done $0x0  }
0x1d: {  	[sflag:s13] =	ssyncadd.s32 $0xFFFFFF80  }
0x1e: {  	v3 =	vld [tilespmem:$0x0];
	_ =	sdelay $0x4  }
0x1f: {  	v4 =	vshrl.u32 v3, $0x3  }
0x20: {  	v4 =	vmul.u32 $0x30, v4  }
0x21: {  	v3 =	vand.u32 $0x7, v3  }
0x22: {  	v3 =	vor.u32 v3, v4  }
0x23: {  	v4 =	vperm.xlane v3, v0;
	_ =	sdelay $0x1  }
0x24: {  	v4 =	vadd.s32 v1, v4;
	_ =	sdelay $0x3  }
0x25: {  	v3 =	vperm.xlane v3, v2  }
0x26: {  	[tilespmem:s15], [sflag:$0x1] =	stream.indirect_vreg.gather [hbm4b:s3+s2], $0x80, v4, vm0, $0xb8;
	[tilespmem:$0x18100] =	vst v63  }
0x27: {  	s31 =	simm.s32 $0x900;
	v3 =	vadd.s32 v1, v3  }
0x28: {  	[tilespmem:s31], [sflag:$0x1] =	stream.indirect_vreg.gather [hbm4b:s6+s2], $0x80, v4, vm0, $0xb8;
	[tilespmem:$0x18100] =	vst v63  }
0x29: {  	s12 =	simm.s32 $0x1100  }
0x2a: {  	[tilespmem:s12], [sflag:$0x1] =	stream.indirect_vreg.gather [hbm4b:s8+s2], $0x80, v4, vm0, $0xb8;
	[tilespmem:$0x18100] =	vst v63  }
0x2b: {  	s31 =	simm.s32 $0x1900  }
0x2c: {  	[tilespmem:s31], [sflag:$0x1] =	stream.indirect_vreg.gather [hbm4b:s3+s2], $0x80, v3, vm0, $0xb8;
	[tilespmem:$0x18100] =	vst v63  }
0x2d: {  	s12 =	simm.s32 $0x2100  }
0x2e: {  	[tilespmem:s12], [sflag:$0x1] =	stream.indirect_vreg.gather [hbm4b:s6+s2], $0x80, v3, vm0, $0xb8;
	[tilespmem:$0x18100] =	vst v63  }
0x2f: {  	s31 =	simm.s32 $0x2900  }
0x30: {  	[tilespmem:s31], [sflag:$0x1] =	stream.indirect_vreg.gather [hbm4b:s8+s2], $0x80, v3, vm0, $0xb8;
	[tilespmem:$0x18100] =	vst v63  }
0x31: {  	v3 =	vld [tilespmem:$0x10];
	_ =	sdelay $0x4  }
0x32: {  	v4 =	vshrl.u32 v3, $0x3  }
0x33: {  	v4 =	vmul.u32 $0x30, v4  }
0x34: {  	v3 =	vand.u32 $0x7, v3  }
0x35: {  	v3 =	vor.u32 v3, v4  }
0x36: {  	v4 =	vperm.xlane v3, v0;
	_ =	sdelay $0x1  }
0x37: {  	v4 =	vadd.s32 v1, v4;
	_ =	sdelay $0x3  }
0x38: {  	s12 =	simm.s32 $0x3100;
	v3 =	vperm.xlane v3, v2  }
0x39: {  	[tilespmem:s12], [sflag:$0x1] =	stream.indirect_vreg.gather [hbm4b:s3+s2], $0x80, v4, vm0, $0xb8;
	[tilespmem:$0x18100] =	vst v63  }
0x3a: {  	s31 =	simm.s32 $0x3900;
	v3 =	vadd.s32 v1, v3  }
0x3b: {  	[tilespmem:s31], [sflag:$0x1] =	stream.indirect_vreg.gather [hbm4b:s6+s2], $0x80, v4, vm0, $0xb8;
	[tilespmem:$0x18100] =	vst v63  }
0x3c: {  	s12 =	simm.s32 $0x4100  }
0x3d: {  	[tilespmem:s12], [sflag:$0x1] =	stream.indirect_vreg.gather [hbm4b:s8+s2], $0x80, v4, vm0, $0xb8;
	[tilespmem:$0x18100] =	vst v63  }
0x3e: {  	s31 =	simm.s32 $0x4900  }
0x3f: {  	[tilespmem:s31], [sflag:$0x1] =	stream.indirect_vreg.gather [hbm4b:s3+s2], $0x80, v3, vm0, $0xb8;
	[tilespmem:$0x18100] =	vst v63  }
0x40: {  	s12 =	simm.s32 $0x5100  }
0x41: {  	[tilespmem:s12], [sflag:$0x1] =	stream.indirect_vreg.gather [hbm4b:s6+s2], $0x80, v3, vm0, $0xb8;
	[tilespmem:$0x18100] =	vst v63  }
0x42: {  	s31 =	simm.s32 $0x5900  }
0x43: {  	[tilespmem:s31], [sflag:$0x1] =	stream.indirect_vreg.gather [hbm4b:s8+s2], $0x80, v3, vm0, $0xb8;
	[tilespmem:$0x18100] =	vst v63  }
0x44: {  	v3 =	vld [tilespmem:$0x80];
	_ =	sdelay $0x4  }
0x45: {  	v4 =	vshrl.u32 v3, $0x3  }
0x46: {  	v4 =	vmul.u32 $0x30, v4  }
0x47: {  	v3 =	vand.u32 $0x7, v3  }
0x48: {  	v3 =	vor.u32 v3, v4  }
0x49: {  	v4 =	vperm.xlane v3, v0;
	_ =	sdelay $0x1  }
0x4a: {  	v4 =	vadd.s32 v1, v4;
	_ =	sdelay $0x3  }
0x4b: {  	s12 =	simm.s32 $0x6100;
	v3 =	vperm.xlane v3, v2  }
0x4c: {  	[tilespmem:s12], [sflag:$0x1] =	stream.indirect_vreg.gather [hbm4b:s3+s2], $0x80, v4, vm0, $0xb8;
	[tilespmem:$0x18100] =	vst v63  }
0x4d: {  	s31 =	simm.s32 $0x6900;
	v3 =	vadd.s32 v1, v3  }
0x4e: {  	[tilespmem:s31], [sflag:$0x1] =	stream.indirect_vreg.gather [hbm4b:s6+s2], $0x80, v4, vm0, $0xb8;
	[tilespmem:$0x18100] =	vst v63  }
0x4f: {  	s12 =	simm.s32 $0x7100  }
0x50: {  	[tilespmem:s12], [sflag:$0x1] =	stream.indirect_vreg.gather [hbm4b:s8+s2], $0x80, v4, vm0, $0xb8;
	[tilespmem:$0x18100] =	vst v63  }
0x51: {  	s31 =	simm.s32 $0x7900  }
0x52: {  	[tilespmem:s31], [sflag:$0x1] =	stream.indirect_vreg.gather [hbm4b:s3+s2], $0x80, v3, vm0, $0xb8;
	[tilespmem:$0x18100] =	vst v63  }
0x53: {  	s12 =	simm.s32 $0x8100  }
0x54: {  	[tilespmem:s12], [sflag:$0x1] =	stream.indirect_vreg.gather [hbm4b:s6+s2], $0x80, v3, vm0, $0xb8;
	[tilespmem:$0x18100] =	vst v63  }
0x55: {  	s31 =	simm.s32 $0x8900  }
0x56: {  	[tilespmem:s31], [sflag:$0x1] =	stream.indirect_vreg.gather [hbm4b:s8+s2], $0x80, v3, vm0, $0xb8;
	[tilespmem:$0x18100] =	vst v63  }
0x57: {  	v3 =	vld [tilespmem:$0x90];
	_ =	sdelay $0x4  }
0x58: {  	v4 =	vshrl.u32 v3, $0x3  }
0x59: {  	v4 =	vmul.u32 $0x30, v4  }
0x5a: {  	v3 =	vand.u32 $0x7, v3  }
0x5b: {  	v3 =	vor.u32 v3, v4  }
0x5c: {  	v4 =	vperm.xlane v3, v0;
	_ =	sdelay $0x1  }
0x5d: {  	v4 =	vadd.s32 v1, v4;
	_ =	sdelay $0x3  }
0x5e: {  	s12 =	simm.s32 $0x9100;
	v3 =	vperm.xlane v3, v2  }
0x5f: {  	[tilespmem:s12], [sflag:$0x1] =	stream.indirect_vreg.gather [hbm4b:s3+s2], $0x80, v4, vm0, $0xb8;
	[tilespmem:$0x18100] =	vst v63  }
0x60: {  	s31 =	simm.s32 $0x9900;
	v3 =	vadd.s32 v1, v3  }
0x61: {  	[tilespmem:s31], [sflag:$0x1] =	stream.indirect_vreg.gather [hbm4b:s6+s2], $0x80, v4, vm0, $0xb8;
	[tilespmem:$0x18100] =	vst v63  }
0x62: {  	s12 =	simm.s32 $0xA100  }
0x63: {  	[tilespmem:s12], [sflag:$0x1] =	stream.indirect_vreg.gather [hbm4b:s8+s2], $0x80, v4, vm0, $0xb8;
	[tilespmem:$0x18100] =	vst v63  }
0x64: {  	s31 =	simm.s32 $0xA900  }
0x65: {  	[tilespmem:s31], [sflag:$0x1] =	stream.indirect_vreg.gather [hbm4b:s3+s2], $0x80, v3, vm0, $0xb8;
	[tilespmem:$0x18100] =	vst v63  }
0x66: {  	s12 =	simm.s32 $0xB100  }
0x67: {  	[tilespmem:s12], [sflag:$0x1] =	stream.indirect_vreg.gather [hbm4b:s6+s2], $0x80, v3, vm0, $0xb8;
	[tilespmem:$0x18100] =	vst v63  }
0x68: {  	s31 =	simm.s32 $0xB900  }
0x69: {  	[tilespmem:s31], [sflag:$0x1] =	stream.indirect_vreg.gather [hbm4b:s8+s2], $0x80, v3, vm0, $0xb8;
	[tilespmem:$0x18100] =	vst v63  }
0x6a: {  	v3 =	vld [tilespmem:$0x20];
	_ =	sdelay $0x4  }
0x6b: {  	v4 =	vshrl.u32 v3, $0x3  }
0x6c: {  	v4 =	vmul.u32 $0x30, v4  }
0x6d: {  	v3 =	vand.u32 $0x7, v3  }
0x6e: {  	v3 =	vor.u32 v3, v4  }
0x6f: {  	v4 =	vperm.xlane v3, v0;
	_ =	sdelay $0x1  }
0x70: {  	v4 =	vadd.s32 v1, v4;
	_ =	sdelay $0x3  }
0x71: {  	v3 =	vperm.xlane v3, v2  }
0x72: {  	[tilespmem:s21], [sflag:$0x2] =	stream.indirect_vreg.gather [hbm4b:s3+s2], $0x80, v4, vm0, $0xb8;
	[tilespmem:$0x18100] =	vst v63  }
0x73: {  	s12 =	simm.s32 $0xC900;
	v3 =	vadd.s32 v1, v3  }
0x74: {  	[tilespmem:s12], [sflag:$0x2] =	stream.indirect_vreg.gather [hbm4b:s6+s2], $0x80, v4, vm0, $0xb8;
	[tilespmem:$0x18100] =	vst v63  }
0x75: {  	s31 =	simm.s32 $0xD100  }
0x76: {  	[tilespmem:s31], [sflag:$0x2] =	stream.indirect_vreg.gather [hbm4b:s8+s2], $0x80, v4, vm0, $0xb8;
	[tilespmem:$0x18100] =	vst v63  }
0x77: {  	s12 =	simm.s32 $0xD900  }
0x78: {  	[tilespmem:s12], [sflag:$0x2] =	stream.indirect_vreg.gather [hbm4b:s3+s2], $0x80, v3, vm0, $0xb8;
	[tilespmem:$0x18100] =	vst v63  }
0x79: {  	s31 =	simm.s32 $0xE100  }
0x7a: {  	[tilespmem:s31], [sflag:$0x2] =	stream.indirect_vreg.gather [hbm4b:s6+s2], $0x80, v3, vm0, $0xb8;
	[tilespmem:$0x18100] =	vst v63  }
0x7b: {  	s12 =	simm.s32 $0xE900  }
0x7c: {  	[tilespmem:s12], [sflag:$0x2] =	stream.indirect_vreg.gather [hbm4b:s8+s2], $0x80, v3, vm0, $0xb8;
	[tilespmem:$0x18100] =	vst v63  }
0x7d: {  	v3 =	vld [tilespmem:$0x30];
	_ =	sdelay $0x4  }
0x7e: {  	v4 =	vshrl.u32 v3, $0x3  }
0x7f: {  	v4 =	vmul.u32 $0x30, v4  }
0x80: {  	v3 =	vand.u32 $0x7, v3  }
0x81: {  	v3 =	vor.u32 v3, v4  }
0x82: {  	v4 =	vperm.xlane v3, v0;
	_ =	sdelay $0x1  }
0x83: {  	v4 =	vadd.s32 v1, v4;
	_ =	sdelay $0x3  }
0x84: {  	s31 =	simm.s32 $0xF100;
	v3 =	vperm.xlane v3, v2  }
0x85: {  	[tilespmem:s31], [sflag:$0x2] =	stream.indirect_vreg.gather [hbm4b:s3+s2], $0x80, v4, vm0, $0xb8;
	[tilespmem:$0x18100] =	vst v63  }
0x86: {  	s12 =	simm.s32 $0xF900;
	v3 =	vadd.s32 v1, v3  }
0x87: {  	[tilespmem:s12], [sflag:$0x2] =	stream.indirect_vreg.gather [hbm4b:s6+s2], $0x80, v4, vm0, $0xb8;
	[tilespmem:$0x18100] =	vst v63  }
0x88: {  	s31 =	simm.s32 $0x10100  }
0x89: {  	[tilespmem:s31], [sflag:$0x2] =	stream.indirect_vreg.gather [hbm4b:s8+s2], $0x80, v4, vm0, $0xb8;
	[tilespmem:$0x18100] =	vst v63  }
0x8a: {  	s12 =	simm.s32 $0x10900  }
0x8b: {  	[tilespmem:s12], [sflag:$0x2] =	stream.indirect_vreg.gather [hbm4b:s3+s2], $0x80, v3, vm0, $0xb8;
	[tilespmem:$0x18100] =	vst v63  }
0x8c: {  	_ = 	snop  }
0x8d: {  	[tilespmem:s0], [sflag:$0x2] =	stream.indirect_vreg.gather [hbm4b:s6+s2], $0x80, v3, vm0, $0xb8;
	[tilespmem:$0x18100] =	vst v63  }
0x8e: {  	_ = 	snop  }
0x8f: {  	[tilespmem:s1], [sflag:$0x2] =	stream.indirect_vreg.gather [hbm4b:s8+s2], $0x80, v3, vm0, $0xb8;
	[tilespmem:$0x18100] =	vst v63  }
0x90: {  	v3 =	vld [tilespmem:$0xA0];
	_ =	sdelay $0x4  }
0x91: {  	v4 =	vshrl.u32 v3, $0x3  }
0x92: {  	v4 =	vmul.u32 $0x30, v4  }
0x93: {  	v3 =	vand.u32 $0x7, v3  }
0x94: {  	v3 =	vor.u32 v3, v4  }
0x95: {  	v4 =	vperm.xlane v3, v0;
	_ =	sdelay $0x1  }
0x96: {  	v4 =	vadd.s32 v1, v4;
	_ =	sdelay $0x3  }
0x97: {  	v3 =	vperm.xlane v3, v2  }
0x98: {  	[tilespmem:s14], [sflag:$0x2] =	stream.indirect_vreg.gather [hbm4b:s3+s2], $0x80, v4, vm0, $0xb8;
	[tilespmem:$0x18100] =	vst v63  }
0x99: {  	v3 =	vadd.s32 v1, v3  }
0x9a: {  	[tilespmem:s16], [sflag:$0x2] =	stream.indirect_vreg.gather [hbm4b:s6+s2], $0x80, v4, vm0, $0xb8;
	[tilespmem:$0x18100] =	vst v63  }
0x9b: {  	_ = 	snop  }
0x9c: {  	[tilespmem:s17], [sflag:$0x2] =	stream.indirect_vreg.gather [hbm4b:s8+s2], $0x80, v4, vm0, $0xb8;
	[tilespmem:$0x18100] =	vst v63  }
0x9d: {  	_ = 	snop  }
0x9e: {  	[tilespmem:s18], [sflag:$0x2] =	stream.indirect_vreg.gather [hbm4b:s3+s2], $0x80, v3, vm0, $0xb8;
	[tilespmem:$0x18100] =	vst v63  }
0x9f: {  	_ = 	snop  }
0xa0: {  	[tilespmem:s19], [sflag:$0x2] =	stream.indirect_vreg.gather [hbm4b:s6+s2], $0x80, v3, vm0, $0xb8;
	[tilespmem:$0x18100] =	vst v63  }
0xa1: {  	_ = 	snop  }
0xa2: {  	[tilespmem:s20], [sflag:$0x2] =	stream.indirect_vreg.gather [hbm4b:s8+s2], $0x80, v3, vm0, $0xb8;
	[tilespmem:$0x18100] =	vst v63  }
0xa3: {  	v3 =	vld [tilespmem:$0xB0];
	_ =	sdelay $0x4  }
0xa4: {  	v4 =	vshrl.u32 v3, $0x3  }
0xa5: {  	v4 =	vmul.u32 $0x30, v4  }
0xa6: {  	v3 =	vand.u32 $0x7, v3  }
0xa7: {  	v3 =	vor.u32 v3, v4  }
0xa8: {  	v4 =	vperm.xlane v3, v0;
	_ =	sdelay $0x1  }
0xa9: {  	v4 =	vadd.s32 v1, v4;
	_ =	sdelay $0x3  }
0xaa: {  	v3 =	vperm.xlane v3, v2  }
0xab: {  	[tilespmem:s4], [sflag:$0x2] =	stream.indirect_vreg.gather [hbm4b:s3+s2], $0x80, v4, vm0, $0xb8;
	[tilespmem:$0x18100] =	vst v63  }
0xac: {  	v3 =	vadd.s32 v1, v3  }
0xad: {  	[tilespmem:s5], [sflag:$0x2] =	stream.indirect_vreg.gather [hbm4b:s6+s2], $0x80, v4, vm0, $0xb8;
	[tilespmem:$0x18100] =	vst v63  }
0xae: {  	_ = 	snop  }
0xaf: {  	[tilespmem:s22], [sflag:$0x2] =	stream.indirect_vreg.gather [hbm4b:s8+s2], $0x80, v4, vm0, $0xb8;
	[tilespmem:$0x18100] =	vst v63  }
0xb0: {  	_ = 	snop  }
0xb1: {  	[tilespmem:s23], [sflag:$0x2] =	stream.indirect_vreg.gather [hbm4b:s3+s2], $0x80, v3, vm0, $0xb8;
	[tilespmem:$0x18100] =	vst v63  }
0xb2: {  	_ = 	snop  }
0xb3: {  	[tilespmem:s24], [sflag:$0x2] =	stream.indirect_vreg.gather [hbm4b:s6+s2], $0x80, v3, vm0, $0xb8;
	[tilespmem:$0x18100] =	vst v63  }
0xb4: {  	_ = 	snop  }
0xb5: {  	[tilespmem:s25], [sflag:$0x2] =	stream.indirect_vreg.gather [hbm4b:s8+s2], $0x80, v3, vm0, $0xb8;
	[tilespmem:$0x18100] =	vst v63  }
0xb6: {  	_ =	swait.ge [sflag:s9], $0x6000  }
0xb7: {  	[sflag:s9] =	ssyncset.done $0x0  }
0xb8: {  	s31 =	simm.s32 $0x0;
	[sflag:s9] =	ssyncadd.s32 $0xFFFFA000  }
0xb9: {  	s11 =	smul.u32 $0x1800, s31;
	_ =	swait.ge [sflag:s9], $0x6000  }
0xba: {  	s29 =	sand.u32 $0x380, s2;
	[sflag:s9] =	ssyncset.done $0x0  }
0xbb: {  	s29 =	sor.u32 s29, s11;
	[sflag:s9] =	ssyncadd.s32 $0xFFFFA000  }
0xbc: {  	v12 =	vld [tilespmem:s29+$0x6100]  }
0xbd: {  	v13 =	vld [tilespmem:s29+$0x6110]  }
0xbe: {  	v14 =	vld [tilespmem:s29+$0x6120]  }
0xbf: {  	v15 =	vld [tilespmem:s29+$0x6130]  }
0xc0: {  	v16 =	vld [tilespmem:s29+$0x6140]  }
0xc1: {  	v17 =	vld [tilespmem:s29+$0x6150]  }
0xc2: {  	v18 =	vld [tilespmem:s29+$0x6160]  }
0xc3: {  	v19 =	vld [tilespmem:s29+$0x6170]  }
0xc4: {  	v20 =	vld [tilespmem:s29+$0x6500]  }
0xc5: {  	v21 =	vld [tilespmem:s29+$0x6510]  }
0xc6: {  	v22 =	vld [tilespmem:s29+$0x6520]  }
0xc7: {  	v23 =	vld [tilespmem:s29+$0x6530]  }
0xc8: {  	v24 =	vld [tilespmem:s29+$0x6540]  }
0xc9: {  	v25 =	vld [tilespmem:s29+$0x6550]  }
0xca: {  	v26 =	vld [tilespmem:s29+$0x6560]  }
0xcb: {  	v27 =	vld [tilespmem:s29+$0x6570]  }
0xcc: {  	v28 =	vld [tilespmem:s29+$0x6900]  }
0xcd: {  	v29 =	vld [tilespmem:s29+$0x6910]  }
0xce: {  	v30 =	vld [tilespmem:s29+$0x6920]  }
0xcf: {  	v31 =	vld [tilespmem:s29+$0x6930]  }
0xd0: {  	v32 =	vld [tilespmem:s29+$0x6940]  }
0xd1: {  	v33 =	vld [tilespmem:s29+$0x6950]  }
0xd2: {  	v34 =	vld [tilespmem:s29+$0x6960]  }
0xd3: {  	v35 =	vld [tilespmem:s29+$0x6970]  }
0xd4: {  	v36 =	vld [tilespmem:s29+$0x6D00]  }
0xd5: {  	v37 =	vld [tilespmem:s29+$0x6D10]  }
0xd6: {  	v38 =	vld [tilespmem:s29+$0x6D20]  }
0xd7: {  	v39 =	vld [tilespmem:s29+$0x6D30]  }
0xd8: {  	v40 =	vld [tilespmem:s29+$0x6D40]  }
0xd9: {  	v41 =	vld [tilespmem:s29+$0x6D50]  }
0xda: {  	v42 =	vld [tilespmem:s29+$0x6D60]  }
0xdb: {  	v43 =	vld [tilespmem:s29+$0x6D70]  }
0xdc: {  	v44 =	vld [tilespmem:s29+$0x7100]  }
0xdd: {  	v45 =	vld [tilespmem:s29+$0x7110]  }
0xde: {  	v46 =	vld [tilespmem:s29+$0x7120]  }
0xdf: {  	v47 =	vld [tilespmem:s29+$0x7130]  }
0xe0: {  	v48 =	vld [tilespmem:s29+$0x7140]  }
0xe1: {  	v49 =	vld [tilespmem:s29+$0x7150]  }
0xe2: {  	v50 =	vld [tilespmem:s29+$0x7160]  }
0xe3: {  	v11 =	vld [tilespmem:s29+$0x7170]  }
0xe4: {  	v10 =	vld [tilespmem:s29+$0x7500]  }
0xe5: {  	v9 =	vld [tilespmem:s29+$0x7510]  }
0xe6: {  	v8 =	vld [tilespmem:s29+$0x7520]  }
0xe7: {  	v7 =	vld [tilespmem:s29+$0x7530]  }
0xe8: {  	v6 =	vld [tilespmem:s29+$0x7540]  }
0xe9: {  	v51 =	vld [tilespmem:s29+$0x100]  }
0xea: {  	v52 =	vld [tilespmem:s29+$0x110]  }
0xeb: {  	v53 =	vld [tilespmem:s29+$0x120]  }
0xec: {  	v54 =	vld [tilespmem:s29+$0x130]  }
0xed: {  	v55 =	vld [tilespmem:s29+$0x140]  }
0xee: {  	v62 =	vld [tilespmem:s29+$0x150];
	v12 =	vadd.f32 v12, v51  }
0xef: {  	v63 =	vld [tilespmem:s29+$0x160];
	v13 =	vadd.f32 v13, v52  }
0xf0: {  	[tilespmem:s29+$0x100] =	vst v12;
	v12 =	vadd.f32 v14, v53;
	v14 =	vld [tilespmem:s29+$0x170]  }
0xf1: {  	[tilespmem:s29+$0x110] =	vst v13;
	v13 =	vadd.f32 v15, v54;
	v15 =	vld [tilespmem:s29+$0x500]  }
0xf2: {  	[tilespmem:s29+$0x120] =	vst v12;
	v12 =	vadd.f32 v16, v55;
	v16 =	vld [tilespmem:s29+$0x510]  }
0xf3: {  	[tilespmem:s29+$0x130] =	vst v13;
	v13 =	vadd.f32 v17, v62;
	v17 =	vld [tilespmem:s29+$0x520]  }
0xf4: {  	v5 =	vld [tilespmem:s29+$0x7550]  }
0xf5: {  	[tilespmem:s29+$0x140] =	vst v12;
	v12 =	vadd.f32 v18, v63;
	v18 =	vld [tilespmem:s29+$0x570]  }
0xf6: {  	[tilespmem:s29+$0x150] =	vst v13;
	v13 =	vadd.f32 v19, v14;
	v14 =	vld [tilespmem:s29+$0x530]  }
0xf7: {  	[tilespmem:s29+$0x160] =	vst v12;
	v12 =	vadd.f32 v20, v15;
	v15 =	vld [tilespmem:s29+$0x540]  }
0xf8: {  	[tilespmem:s29+$0x170] =	vst v13;
	v13 =	vadd.f32 v21, v16;
	v16 =	vadd.f32 v22, v17;
	v17 =	vld [tilespmem:s29+$0x560]  }
0xf9: {  	[tilespmem:s29+$0x500] =	vst v12;
	v12 =	vld [tilespmem:s29+$0x550]  }
0xfa: {  	[tilespmem:s29+$0x510] =	vst v13;
	v13 =	vld [tilespmem:s29+$0x900];
	v18 =	vadd.f32 v27, v18  }
0xfb: {  	[tilespmem:s29+$0x520] =	vst v16;
	v16 =	vld [tilespmem:s29+$0x910];
	v14 =	vadd.f32 v23, v14  }
0xfc: {  	v4 =	vld [tilespmem:s29+$0x7560];
	v15 =	vadd.f32 v24, v15;
	[tilespmem:s29+$0x570] =	vst v18  }
0xfd: {  	[tilespmem:s29+$0x530] =	vst v14;
	v14 =	vld [tilespmem:s29+$0x920];
	v17 =	vadd.f32 v26, v17  }
0xfe: {  	v12 =	vadd.f32 v25, v12;
	[tilespmem:s29+$0x540] =	vst v15;
	v15 =	vld [tilespmem:s29+$0x930]  }
0xff: {  	v18 =	vld [tilespmem:s29+$0x970];
	[tilespmem:s29+$0x560] =	vst v17;
	v13 =	vadd.f32 v28, v13  }
0x100: {  	v16 =	vadd.f32 v29, v16;
	[tilespmem:s29+$0x550] =	vst v12;
	v12 =	vld [tilespmem:s29+$0x940]  }
0x101: {  	v17 =	vld [tilespmem:s29+$0x950];
	[tilespmem:s29+$0x900] =	vst v13  }
0x102: {  	[tilespmem:s29+$0x910] =	vst v16;
	v16 =	vld [tilespmem:s29+$0x960];
	v13 =	vadd.f32 v30, v14  }
0x103: {  	v14 =	vld [tilespmem:s29+$0xD00];
	v15 =	vadd.f32 v31, v15  }
0x104: {  	[tilespmem:s29+$0x920] =	vst v13;
	v13 =	vld [tilespmem:s29+$0xD10]  }
0x105: {  	v12 =	vadd.f32 v32, v12;
	[tilespmem:s29+$0x930] =	vst v15;
	v15 =	vld [tilespmem:s29+$0xD20]  }
0x106: {  	v3 =	vld [tilespmem:s29+$0x7570];
	v17 =	vadd.f32 v33, v17  }
0x107: {  	v16 =	vadd.f32 v34, v16;
	[tilespmem:s29+$0x940] =	vst v12;
	v12 =	vld [tilespmem:s29+$0xD30]  }
0x108: {  	[tilespmem:s29+$0x950] =	vst v17;
	v17 =	vld [tilespmem:s29+$0xD40];
	v14 =	vadd.f32 v36, v14  }
0x109: {  	v18 =	vadd.f32 v35, v18;
	[tilespmem:s29+$0x960] =	vst v16;
	v16 =	vld [tilespmem:s29+$0xD50]  }
0x10a: {  	v13 =	vadd.f32 v37, v13;
	[tilespmem:s29+$0xD00] =	vst v14;
	v14 =	vadd.f32 v38, v15;
	v15 =	vld [tilespmem:s29+$0xD60]  }
0x10b: {  	[tilespmem:s29+$0x970] =	vst v18;
	v18 =	vld [tilespmem:s29+$0xD70]  }
0x10c: {  	[tilespmem:s29+$0xD10] =	vst v13;
	v13 =	vld [tilespmem:s29+$0x1100];
	v12 =	vadd.f32 v39, v12  }
0x10d: {  	v17 =	vadd.f32 v40, v17;
	[tilespmem:s29+$0xD20] =	vst v14;
	v14 =	vld [tilespmem:s29+$0x1110]  }
0x10e: {  	v16 =	vadd.f32 v41, v16;
	[tilespmem:s29+$0xD30] =	vst v12;
	v12 =	vld [tilespmem:s29+$0x1120]  }
0x10f: {  	[tilespmem:s29+$0xD40] =	vst v17;
	v17 =	vld [tilespmem:s29+$0x1130];
	v15 =	vadd.f32 v42, v15  }
0x110: {  	v19 =	vld [tilespmem:s29+$0x1140];
	[tilespmem:s29+$0xD50] =	vst v16;
	v16 =	vadd.f32 v43, v18  }
0x111: {  	v18 =	vld [tilespmem:s29+$0x1150];
	v13 =	vadd.f32 v44, v13;
	[tilespmem:s29+$0xD60] =	vst v15  }
0x112: {  	v20 =	vld [tilespmem:s29+$0x1160];
	[tilespmem:s29+$0xD70] =	vst v16;
	v14 =	vadd.f32 v45, v14  }
0x113: {  	v16 =	vld [tilespmem:s29+$0x1170];
	[tilespmem:s29+$0x1100] =	vst v13;
	v12 =	vadd.f32 v46, v12  }
0x114: {  	v15 =	vld [tilespmem:s29+$0x1500];
	v13 =	vadd.f32 v47, v17;
	[tilespmem:s29+$0x1110] =	vst v14  }
0x115: {  	v14 =	vld [tilespmem:s29+$0x1510];
	[tilespmem:s29+$0x1120] =	vst v12;
	v12 =	vadd.f32 v48, v19  }
0x116: {  	[tilespmem:s29+$0x1130] =	vst v13;
	v13 =	vld [tilespmem:s29+$0x1520];
	v18 =	vadd.f32 v49, v18  }
0x117: {  	s30 =	simm.s32 $0x0;
	s11 =	simm.s32 $0x1;
	v17 =	vadd.f32 v50, v20;
	[tilespmem:s29+$0x1140] =	vst v12;
	v12 =	vld [tilespmem:s29+$0x1530]  }
.LBB2_2:
0x118: {  	s12 =	sshrl.u32 s11, $0x3;
	p0 =	sne.s32 s11, $0x1F;
	[tilespmem:s29+$0x1150] =	vst v18;
	v11 =	vadd.f32 v11, v16;
	v16 =	vld [tilespmem:s29+$0x1540]  }
0x119: {  	s30 =	sadd.s32 $0x80, s30;
	s12 =	smul.u32 $0x1800, s12;
	[tilespmem:s29+$0x1160] =	vst v17;
	v10 =	vadd.f32 v10, v15;
	v15 =	vld [tilespmem:s29+$0x1550]  }
0x11a: {  	s31 =	sand.u32 $0x380, s30;
	[tilespmem:s29+$0x1170] =	vst v11;
	v9 =	vadd.f32 v9, v14;
	v11 =	vld [tilespmem:s29+$0x1560]  }
0x11b: {  	s12 =	sor.u32 s31, s12;
	[tilespmem:s29+$0x1500] =	vst v10;
	v8 =	vadd.f32 v8, v13;
	v10 =	vld [tilespmem:s29+$0x1570]  }
0x11c: {  	v39 =	vld [tilespmem:s12+$0x6100];
	[tilespmem:s29+$0x1510] =	vst v9;
	v7 =	vadd.f32 v7, v12  }
0x11d: {  	v40 =	vld [tilespmem:s12+$0x6110];
	[tilespmem:s29+$0x1520] =	vst v8;
	v6 =	vadd.f32 v6, v16  }
0x11e: {  	v41 =	vld [tilespmem:s12+$0x6120];
	[tilespmem:s29+$0x1530] =	vst v7;
	v5 =	vadd.f32 v5, v15  }
0x11f: {  	v42 =	vld [tilespmem:s12+$0x6130];
	[tilespmem:s29+$0x1540] =	vst v6;
	v4 =	vadd.f32 v4, v11  }
0x120: {  	v43 =	vld [tilespmem:s12+$0x6140];
	[tilespmem:s29+$0x1550] =	vst v5;
	v3 =	vadd.f32 v3, v10  }
0x121: {  	v44 =	vld [tilespmem:s12+$0x6150];
	[tilespmem:s29+$0x1560] =	vst v4  }
0x122: {  	v45 =	vld [tilespmem:s12+$0x6160];
	[tilespmem:s29+$0x1570] =	vst v3;
	s29 =	smov.u32 s12  }
0x123: {  	v46 =	vld [tilespmem:s29+$0x6170]  }
0x124: {  	v47 =	vld [tilespmem:s29+$0x6500]  }
0x125: {  	v48 =	vld [tilespmem:s29+$0x6510]  }
0x126: {  	v49 =	vld [tilespmem:s29+$0x6520]  }
0x127: {  	v50 =	vld [tilespmem:s29+$0x6530]  }
0x128: {  	v38 =	vld [tilespmem:s29+$0x6540]  }
0x129: {  	v37 =	vld [tilespmem:s29+$0x6550]  }
0x12a: {  	v36 =	vld [tilespmem:s29+$0x6560]  }
0x12b: {  	v35 =	vld [tilespmem:s29+$0x6570]  }
0x12c: {  	v34 =	vld [tilespmem:s29+$0x6900]  }
0x12d: {  	v33 =	vld [tilespmem:s29+$0x6910]  }
0x12e: {  	v32 =	vld [tilespmem:s29+$0x6920]  }
0x12f: {  	v31 =	vld [tilespmem:s29+$0x6930]  }
0x130: {  	v30 =	vld [tilespmem:s29+$0x6940]  }
0x131: {  	v29 =	vld [tilespmem:s29+$0x6950]  }
0x132: {  	v28 =	vld [tilespmem:s29+$0x6960]  }
0x133: {  	v27 =	vld [tilespmem:s29+$0x6970]  }
0x134: {  	v26 =	vld [tilespmem:s29+$0x6D00]  }
0x135: {  	v25 =	vld [tilespmem:s29+$0x6D10]  }
0x136: {  	v24 =	vld [tilespmem:s29+$0x6D20]  }
0x137: {  	v23 =	vld [tilespmem:s29+$0x6D30]  }
0x138: {  	v22 =	vld [tilespmem:s29+$0x6D40]  }
0x139: {  	v21 =	vld [tilespmem:s29+$0x6D50]  }
0x13a: {  	v20 =	vld [tilespmem:s29+$0x6D60]  }
0x13b: {  	v19 =	vld [tilespmem:s29+$0x6D70]  }
0x13c: {  	v18 =	vld [tilespmem:s29+$0x7100]  }
0x13d: {  	v17 =	vld [tilespmem:s29+$0x7110]  }
0x13e: {  	v16 =	vld [tilespmem:s29+$0x7120]  }
0x13f: {  	v15 =	vld [tilespmem:s29+$0x7130]  }
0x140: {  	v14 =	vld [tilespmem:s29+$0x7140]  }
0x141: {  	v13 =	vld [tilespmem:s29+$0x7150]  }
0x142: {  	v12 =	vld [tilespmem:s29+$0x7160]  }
0x143: {  	v11 =	vld [tilespmem:s29+$0x7170]  }
0x144: {  	v10 =	vld [tilespmem:s29+$0x7500]  }
0x145: {  	v9 =	vld [tilespmem:s29+$0x7510]  }
0x146: {  	v8 =	vld [tilespmem:s29+$0x7520]  }
0x147: {  	v7 =	vld [tilespmem:s29+$0x7530]  }
0x148: {  	v6 =	vld [tilespmem:s29+$0x7540]  }
0x149: {  	v5 =	vld [tilespmem:s29+$0x7550]  }
0x14a: {  	v4 =	vld [tilespmem:s29+$0x7560]  }
0x14b: {  	v3 =	vld [tilespmem:s29+$0x7570]  }
0x14c: {  	v51 =	vld [tilespmem:s29+$0x100]  }
0x14d: {  	v52 =	vld [tilespmem:s29+$0x110]  }
0x14e: {  	v53 =	vld [tilespmem:s29+$0x120]  }
0x14f: {  	v54 =	vld [tilespmem:s29+$0x130]  }
0x150: {  	v55 =	vld [tilespmem:s29+$0x140]  }
0x151: {  	v39 =	vadd.f32 v39, v51;
	v51 =	vld [tilespmem:s29+$0x150]  }
0x152: {  	v40 =	vadd.f32 v40, v52;
	v52 =	vld [tilespmem:s29+$0x160]  }
0x153: {  	[tilespmem:s29+$0x100] =	vst v39;
	v39 =	vadd.f32 v41, v53;
	v41 =	vld [tilespmem:s29+$0x170]  }
0x154: {  	[tilespmem:s29+$0x110] =	vst v40;
	v40 =	vadd.f32 v42, v54;
	v42 =	vld [tilespmem:s29+$0x500]  }
0x155: {  	[tilespmem:s29+$0x120] =	vst v39;
	v39 =	vadd.f32 v43, v55;
	v43 =	vld [tilespmem:s29+$0x510]  }
0x156: {  	[tilespmem:s29+$0x130] =	vst v40;
	v40 =	vadd.f32 v44, v51;
	v44 =	vld [tilespmem:s29+$0x520]  }
0x157: {  	[tilespmem:s29+$0x140] =	vst v39;
	v39 =	vadd.f32 v45, v52;
	v45 =	vld [tilespmem:s29+$0x530]  }
0x158: {  	[tilespmem:s29+$0x150] =	vst v40;
	v40 =	vadd.f32 v46, v41;
	v41 =	vld [tilespmem:s29+$0x540]  }
0x159: {  	[tilespmem:s29+$0x160] =	vst v39;
	v39 =	vadd.f32 v47, v42;
	v42 =	vld [tilespmem:s29+$0x550]  }
0x15a: {  	[tilespmem:s29+$0x170] =	vst v40;
	v40 =	vadd.f32 v48, v43;
	v43 =	vld [tilespmem:s29+$0x560]  }
0x15b: {  	[tilespmem:s29+$0x500] =	vst v39;
	v39 =	vadd.f32 v49, v44;
	v44 =	vld [tilespmem:s29+$0x570]  }
0x15c: {  	[tilespmem:s29+$0x510] =	vst v40;
	v40 =	vadd.f32 v50, v45;
	v45 =	vld [tilespmem:s29+$0x900]  }
0x15d: {  	[tilespmem:s29+$0x520] =	vst v39;
	v38 =	vadd.f32 v38, v41;
	v39 =	vld [tilespmem:s29+$0x910]  }
0x15e: {  	[tilespmem:s29+$0x530] =	vst v40;
	v37 =	vadd.f32 v37, v42;
	v40 =	vld [tilespmem:s29+$0x920]  }
0x15f: {  	[tilespmem:s29+$0x540] =	vst v38;
	v36 =	vadd.f32 v36, v43;
	v38 =	vld [tilespmem:s29+$0x930]  }
0x160: {  	[tilespmem:s29+$0x550] =	vst v37;
	v35 =	vadd.f32 v35, v44;
	v37 =	vld [tilespmem:s29+$0x940]  }
0x161: {  	[tilespmem:s29+$0x560] =	vst v36;
	v34 =	vadd.f32 v34, v45;
	v36 =	vld [tilespmem:s29+$0x950]  }
0x162: {  	[tilespmem:s29+$0x570] =	vst v35;
	v33 =	vadd.f32 v33, v39;
	v35 =	vld [tilespmem:s29+$0x960]  }
0x163: {  	[tilespmem:s29+$0x900] =	vst v34;
	v32 =	vadd.f32 v32, v40;
	v34 =	vld [tilespmem:s29+$0x970]  }
0x164: {  	[tilespmem:s29+$0x910] =	vst v33;
	v31 =	vadd.f32 v31, v38;
	v33 =	vld [tilespmem:s29+$0xD00]  }
0x165: {  	[tilespmem:s29+$0x920] =	vst v32;
	v30 =	vadd.f32 v30, v37;
	v32 =	vld [tilespmem:s29+$0xD10]  }
0x166: {  	[tilespmem:s29+$0x930] =	vst v31;
	v29 =	vadd.f32 v29, v36;
	v31 =	vld [tilespmem:s29+$0xD20]  }
0x167: {  	[tilespmem:s29+$0x940] =	vst v30;
	v28 =	vadd.f32 v28, v35;
	v30 =	vld [tilespmem:s29+$0xD30]  }
0x168: {  	[tilespmem:s29+$0x950] =	vst v29;
	v27 =	vadd.f32 v27, v34;
	v29 =	vld [tilespmem:s29+$0xD40]  }
0x169: {  	[tilespmem:s29+$0x960] =	vst v28;
	v26 =	vadd.f32 v26, v33;
	v28 =	vld [tilespmem:s29+$0xD50]  }
0x16a: {  	[tilespmem:s29+$0x970] =	vst v27;
	v25 =	vadd.f32 v25, v32;
	v27 =	vld [tilespmem:s29+$0xD60]  }
0x16b: {  	[tilespmem:s29+$0xD00] =	vst v26;
	v24 =	vadd.f32 v24, v31;
	v26 =	vld [tilespmem:s29+$0xD70]  }
0x16c: {  	[tilespmem:s29+$0xD10] =	vst v25;
	v23 =	vadd.f32 v23, v30;
	v25 =	vld [tilespmem:s29+$0x1100]  }
0x16d: {  	[tilespmem:s29+$0xD20] =	vst v24;
	v22 =	vadd.f32 v22, v29;
	v24 =	vld [tilespmem:s29+$0x1110]  }
0x16e: {  	[tilespmem:s29+$0xD30] =	vst v23;
	v21 =	vadd.f32 v21, v28;
	v23 =	vld [tilespmem:s29+$0x1120]  }
0x16f: {  	[tilespmem:s29+$0xD40] =	vst v22;
	v20 =	vadd.f32 v20, v27;
	v22 =	vld [tilespmem:s29+$0x1130]  }
0x170: {  	[tilespmem:s29+$0xD50] =	vst v21;
	v19 =	vadd.f32 v19, v26;
	v21 =	vld [tilespmem:s29+$0x1140]  }
0x171: {  	[tilespmem:s29+$0xD60] =	vst v20;
	v18 =	vadd.f32 v18, v25;
	v20 =	vld [tilespmem:s29+$0x1150]  }
0x172: {  	[tilespmem:s29+$0xD70] =	vst v19;
	v17 =	vadd.f32 v17, v24;
	v19 =	vld [tilespmem:s29+$0x1160]  }
.Ltmp0:
0x173: {  	[tilespmem:s29+$0x1100] =	vst v18;
	v18 =	vadd.f32 v16, v23;
	v16 =	vld [tilespmem:s29+$0x1170];
	(pc) =	sbr.rel @p0 .LBB2_2-.Ltmp0, $4  }
0x174: {  	[tilespmem:s29+$0x1110] =	vst v17;
	v17 =	vadd.f32 v15, v22;
	v15 =	vld [tilespmem:s29+$0x1500]  }
0x175: {  	[tilespmem:s29+$0x1120] =	vst v18;
	v21 =	vadd.f32 v14, v21;
	v14 =	vld [tilespmem:s29+$0x1510]  }
0x176: {  	[tilespmem:s29+$0x1130] =	vst v17;
	v18 =	vadd.f32 v13, v20;
	v13 =	vld [tilespmem:s29+$0x1520]  }
0x177: {  	s11 =	sadd.s32 $0x1, s11;
	[tilespmem:s29+$0x1140] =	vst v21;
	v17 =	vadd.f32 v12, v19;
	v12 =	vld [tilespmem:s29+$0x1530]  }
0x178: {  	[tilespmem:s29+$0x1150] =	vst v18;
	v18 =	vld [tilespmem:s29+$0x1540];
	v11 =	vadd.f32 v11, v16  }
0x179: {  	v16 =	vld [tilespmem:s29+$0x1550];
	[tilespmem:s29+$0x1160] =	vst v17;
	v10 =	vadd.f32 v10, v15  }
0x17a: {  	[tilespmem:s29+$0x1170] =	vst v11;
	v9 =	vadd.f32 v9, v14;
	v11 =	vld [tilespmem:s29+$0x1560]  }
0x17b: {  	[tilespmem:s29+$0x1500] =	vst v10;
	v8 =	vadd.f32 v8, v13;
	v10 =	vld [tilespmem:s29+$0x1570]  }
0x17c: {  	[tilespmem:s29+$0x1510] =	vst v9;
	v7 =	vadd.f32 v7, v12  }
0x17d: {  	[tilespmem:s29+$0x1520] =	vst v8;
	v6 =	vadd.f32 v6, v18  }
0x17e: {  	v5 =	vadd.f32 v5, v16;
	[tilespmem:s29+$0x1530] =	vst v7  }
0x17f: {  	[tilespmem:s29+$0x1540] =	vst v6;
	v4 =	vadd.f32 v4, v11  }
0x180: {  	[tilespmem:s29+$0x1550] =	vst v5;
	v3 =	vadd.f32 v3, v10  }
0x181: {  	[tilespmem:s29+$0x1560] =	vst v4  }
0x182: {  	[tilespmem:s29+$0x1570] =	vst v3;
	s29 =	simm.s32 $0x0  }
0x183: {  	[hbm4b:s7+s29] =	stream.linear.scatter [tilespmem:s15], [sflag:$0x3], $0x6000, $0x38;
	[tilespmem:$0x18100] =	vst v63  }
0x184: {  	_ =	swait.ge [sflag:s26], $0x6000  }
0x185: {  	[sflag:s26] =	ssyncset.done $0x0  }
0x186: {  	[sflag:s26] =	ssyncadd.s32 $0xFFFFA000  }
0x187: {  	v3 =	vld [tilespmem:$0x40];
	_ =	sdelay $0x4  }
0x188: {  	v4 =	vshrl.u32 v3, $0x3  }
0x189: {  	v4 =	vmul.u32 $0x30, v4  }
0x18a: {  	v3 =	vand.u32 $0x7, v3  }
0x18b: {  	v3 =	vor.u32 v3, v4  }
0x18c: {  	v4 =	vperm.xlane v3, v0;
	_ =	sdelay $0x1  }
0x18d: {  	v4 =	vadd.s32 v1, v4;
	_ =	sdelay $0x3  }
0x18e: {  	v3 =	vperm.xlane v3, v2  }
0x18f: {  	[tilespmem:s15], [sflag:$0x1] =	stream.indirect_vreg.gather [hbm4b:s3+s29], $0x80, v4, vm0, $0xb8;
	[tilespmem:$0x18100] =	vst v63  }
0x190: {  	s11 =	simm.s32 $0x900;
	v3 =	vadd.s32 v1, v3  }
0x191: {  	[tilespmem:s11], [sflag:$0x1] =	stream.indirect_vreg.gather [hbm4b:s6+s29], $0x80, v4, vm0, $0xb8;
	[tilespmem:$0x18100] =	vst v63  }
0x192: {  	s31 =	simm.s32 $0x1100  }
0x193: {  	[tilespmem:s31], [sflag:$0x1] =	stream.indirect_vreg.gather [hbm4b:s8+s29], $0x80, v4, vm0, $0xb8;
	[tilespmem:$0x18100] =	vst v63  }
0x194: {  	s12 =	simm.s32 $0x1900  }
0x195: {  	[tilespmem:s12], [sflag:$0x1] =	stream.indirect_vreg.gather [hbm4b:s3+s29], $0x80, v3, vm0, $0xb8;
	[tilespmem:$0x18100] =	vst v63  }
0x196: {  	s31 =	simm.s32 $0x2100  }
0x197: {  	[tilespmem:s31], [sflag:$0x1] =	stream.indirect_vreg.gather [hbm4b:s6+s29], $0x80, v3, vm0, $0xb8;
	[tilespmem:$0x18100] =	vst v63  }
0x198: {  	s12 =	simm.s32 $0x2900  }
0x199: {  	[tilespmem:s12], [sflag:$0x1] =	stream.indirect_vreg.gather [hbm4b:s8+s29], $0x80, v3, vm0, $0xb8;
	[tilespmem:$0x18100] =	vst v63  }
0x19a: {  	v3 =	vld [tilespmem:$0x50];
	_ =	sdelay $0x4  }
0x19b: {  	v4 =	vshrl.u32 v3, $0x3  }
0x19c: {  	v4 =	vmul.u32 $0x30, v4  }
0x19d: {  	v3 =	vand.u32 $0x7, v3  }
0x19e: {  	v3 =	vor.u32 v3, v4  }
0x19f: {  	v4 =	vperm.xlane v3, v0;
	_ =	sdelay $0x1  }
0x1a0: {  	v4 =	vadd.s32 v1, v4;
	_ =	sdelay $0x3  }
0x1a1: {  	s31 =	simm.s32 $0x3100;
	v3 =	vperm.xlane v3, v2  }
0x1a2: {  	[tilespmem:s31], [sflag:$0x1] =	stream.indirect_vreg.gather [hbm4b:s3+s29], $0x80, v4, vm0, $0xb8;
	[tilespmem:$0x18100] =	vst v63  }
0x1a3: {  	s12 =	simm.s32 $0x3900;
	v3 =	vadd.s32 v1, v3  }
0x1a4: {  	[tilespmem:s12], [sflag:$0x1] =	stream.indirect_vreg.gather [hbm4b:s6+s29], $0x80, v4, vm0, $0xb8;
	[tilespmem:$0x18100] =	vst v63  }
0x1a5: {  	s31 =	simm.s32 $0x4100  }
0x1a6: {  	[tilespmem:s31], [sflag:$0x1] =	stream.indirect_vreg.gather [hbm4b:s8+s29], $0x80, v4, vm0, $0xb8;
	[tilespmem:$0x18100] =	vst v63  }
0x1a7: {  	s12 =	simm.s32 $0x4900  }
0x1a8: {  	[tilespmem:s12], [sflag:$0x1] =	stream.indirect_vreg.gather [hbm4b:s3+s29], $0x80, v3, vm0, $0xb8;
	[tilespmem:$0x18100] =	vst v63  }
0x1a9: {  	s31 =	simm.s32 $0x5100  }
0x1aa: {  	[tilespmem:s31], [sflag:$0x1] =	stream.indirect_vreg.gather [hbm4b:s6+s29], $0x80, v3, vm0, $0xb8;
	[tilespmem:$0x18100] =	vst v63  }
0x1ab: {  	s12 =	simm.s32 $0x5900  }
0x1ac: {  	[tilespmem:s12], [sflag:$0x1] =	stream.indirect_vreg.gather [hbm4b:s8+s29], $0x80, v3, vm0, $0xb8;
	[tilespmem:$0x18100] =	vst v63  }
0x1ad: {  	v3 =	vld [tilespmem:$0xC0];
	_ =	sdelay $0x4  }
0x1ae: {  	v4 =	vshrl.u32 v3, $0x3  }
0x1af: {  	v4 =	vmul.u32 $0x30, v4  }
0x1b0: {  	v3 =	vand.u32 $0x7, v3  }
0x1b1: {  	v3 =	vor.u32 v3, v4  }
0x1b2: {  	v4 =	vperm.xlane v3, v0;
	_ =	sdelay $0x1  }
0x1b3: {  	v4 =	vadd.s32 v1, v4;
	_ =	sdelay $0x3  }
0x1b4: {  	s31 =	simm.s32 $0x6100;
	v3 =	vperm.xlane v3, v2  }
0x1b5: {  	[tilespmem:s31], [sflag:$0x1] =	stream.indirect_vreg.gather [hbm4b:s3+s29], $0x80, v4, vm0, $0xb8;
	[tilespmem:$0x18100] =	vst v63  }
0x1b6: {  	s12 =	simm.s32 $0x6900;
	v3 =	vadd.s32 v1, v3  }
0x1b7: {  	[tilespmem:s12], [sflag:$0x1] =	stream.indirect_vreg.gather [hbm4b:s6+s29], $0x80, v4, vm0, $0xb8;
	[tilespmem:$0x18100] =	vst v63  }
0x1b8: {  	s31 =	simm.s32 $0x7100  }
0x1b9: {  	[tilespmem:s31], [sflag:$0x1] =	stream.indirect_vreg.gather [hbm4b:s8+s29], $0x80, v4, vm0, $0xb8;
	[tilespmem:$0x18100] =	vst v63  }
0x1ba: {  	s12 =	simm.s32 $0x7900  }
0x1bb: {  	[tilespmem:s12], [sflag:$0x1] =	stream.indirect_vreg.gather [hbm4b:s3+s29], $0x80, v3, vm0, $0xb8;
	[tilespmem:$0x18100] =	vst v63  }
0x1bc: {  	s31 =	simm.s32 $0x8100  }
0x1bd: {  	[tilespmem:s31], [sflag:$0x1] =	stream.indirect_vreg.gather [hbm4b:s6+s29], $0x80, v3, vm0, $0xb8;
	[tilespmem:$0x18100] =	vst v63  }
0x1be: {  	s12 =	simm.s32 $0x8900  }
0x1bf: {  	[tilespmem:s12], [sflag:$0x1] =	stream.indirect_vreg.gather [hbm4b:s8+s29], $0x80, v3, vm0, $0xb8;
	[tilespmem:$0x18100] =	vst v63  }
0x1c0: {  	v3 =	vld [tilespmem:$0xD0];
	_ =	sdelay $0x4  }
0x1c1: {  	v4 =	vshrl.u32 v3, $0x3  }
0x1c2: {  	v4 =	vmul.u32 $0x30, v4  }
0x1c3: {  	v3 =	vand.u32 $0x7, v3  }
0x1c4: {  	v3 =	vor.u32 v3, v4  }
0x1c5: {  	v4 =	vperm.xlane v3, v0;
	_ =	sdelay $0x1  }
0x1c6: {  	v4 =	vadd.s32 v1, v4;
	_ =	sdelay $0x3  }
0x1c7: {  	s31 =	simm.s32 $0x9100;
	v3 =	vperm.xlane v3, v2  }
0x1c8: {  	[tilespmem:s31], [sflag:$0x1] =	stream.indirect_vreg.gather [hbm4b:s3+s29], $0x80, v4, vm0, $0xb8;
	[tilespmem:$0x18100] =	vst v63  }
0x1c9: {  	s12 =	simm.s32 $0x9900;
	v3 =	vadd.s32 v1, v3  }
0x1ca: {  	[tilespmem:s12], [sflag:$0x1] =	stream.indirect_vreg.gather [hbm4b:s6+s29], $0x80, v4, vm0, $0xb8;
	[tilespmem:$0x18100] =	vst v63  }
0x1cb: {  	s31 =	simm.s32 $0xA100  }
0x1cc: {  	[tilespmem:s31], [sflag:$0x1] =	stream.indirect_vreg.gather [hbm4b:s8+s29], $0x80, v4, vm0, $0xb8;
	[tilespmem:$0x18100] =	vst v63  }
0x1cd: {  	s12 =	simm.s32 $0xA900  }
0x1ce: {  	[tilespmem:s12], [sflag:$0x1] =	stream.indirect_vreg.gather [hbm4b:s3+s29], $0x80, v3, vm0, $0xb8;
	[tilespmem:$0x18100] =	vst v63  }
0x1cf: {  	s31 =	simm.s32 $0xB100  }
0x1d0: {  	[tilespmem:s31], [sflag:$0x1] =	stream.indirect_vreg.gather [hbm4b:s6+s29], $0x80, v3, vm0, $0xb8;
	[tilespmem:$0x18100] =	vst v63  }
0x1d1: {  	s12 =	simm.s32 $0xB900  }
0x1d2: {  	[tilespmem:s12], [sflag:$0x1] =	stream.indirect_vreg.gather [hbm4b:s8+s29], $0x80, v3, vm0, $0xb8;
	[tilespmem:$0x18100] =	vst v63  }
0x1d3: {  	_ =	swait.ge [sflag:s28], $0x6000  }
0x1d4: {  	[sflag:s28] =	ssyncset.done $0x0  }
0x1d5: {  	s31 =	simm.s32 $0x0;
	[sflag:s28] =	ssyncadd.s32 $0xFFFFA000  }
0x1d6: {  	s11 =	smul.u32 $0x1800, s31;
	_ =	swait.ge [sflag:s28], $0x6000  }
0x1d7: {  	s12 =	sand.u32 $0x380, s29;
	[sflag:s28] =	ssyncset.done $0x0  }
0x1d8: {  	s11 =	sor.u32 s12, s11;
	[sflag:s28] =	ssyncadd.s32 $0xFFFFA000  }
0x1d9: {  	v12 =	vld [tilespmem:s11+$0x12100]  }
0x1da: {  	v13 =	vld [tilespmem:s11+$0x12110]  }
0x1db: {  	v14 =	vld [tilespmem:s11+$0x12120]  }
0x1dc: {  	v15 =	vld [tilespmem:s11+$0x12130]  }
0x1dd: {  	v16 =	vld [tilespmem:s11+$0x12140]  }
0x1de: {  	v17 =	vld [tilespmem:s11+$0x12150]  }
0x1df: {  	v18 =	vld [tilespmem:s11+$0x12160]  }
0x1e0: {  	v19 =	vld [tilespmem:s11+$0x12170]  }
0x1e1: {  	v20 =	vld [tilespmem:s11+$0x12500]  }
0x1e2: {  	v21 =	vld [tilespmem:s11+$0x12510]  }
0x1e3: {  	v22 =	vld [tilespmem:s11+$0x12520]  }
0x1e4: {  	v23 =	vld [tilespmem:s11+$0x12530]  }
0x1e5: {  	v24 =	vld [tilespmem:s11+$0x12540]  }
0x1e6: {  	v25 =	vld [tilespmem:s11+$0x12550]  }
0x1e7: {  	v26 =	vld [tilespmem:s11+$0x12560]  }
0x1e8: {  	v27 =	vld [tilespmem:s11+$0x12570]  }
0x1e9: {  	v28 =	vld [tilespmem:s11+$0x12900]  }
0x1ea: {  	v29 =	vld [tilespmem:s11+$0x12910]  }
0x1eb: {  	v30 =	vld [tilespmem:s11+$0x12920]  }
0x1ec: {  	v31 =	vld [tilespmem:s11+$0x12930]  }
0x1ed: {  	v32 =	vld [tilespmem:s11+$0x12940]  }
0x1ee: {  	v33 =	vld [tilespmem:s11+$0x12950]  }
0x1ef: {  	v34 =	vld [tilespmem:s11+$0x12960]  }
0x1f0: {  	v35 =	vld [tilespmem:s11+$0x12970]  }
0x1f1: {  	v36 =	vld [tilespmem:s11+$0x12D00]  }
0x1f2: {  	v37 =	vld [tilespmem:s11+$0x12D10]  }
0x1f3: {  	v38 =	vld [tilespmem:s11+$0x12D20]  }
0x1f4: {  	v39 =	vld [tilespmem:s11+$0x12D30]  }
0x1f5: {  	v40 =	vld [tilespmem:s11+$0x12D40]  }
0x1f6: {  	v41 =	vld [tilespmem:s11+$0x12D50]  }
0x1f7: {  	v42 =	vld [tilespmem:s11+$0x12D60]  }
0x1f8: {  	v43 =	vld [tilespmem:s11+$0x12D70]  }
0x1f9: {  	v44 =	vld [tilespmem:s11+$0x13100]  }
0x1fa: {  	v45 =	vld [tilespmem:s11+$0x13110]  }
0x1fb: {  	v46 =	vld [tilespmem:s11+$0x13120]  }
0x1fc: {  	v47 =	vld [tilespmem:s11+$0x13130]  }
0x1fd: {  	v48 =	vld [tilespmem:s11+$0x13140]  }
0x1fe: {  	v49 =	vld [tilespmem:s11+$0x13150]  }
0x1ff: {  	v50 =	vld [tilespmem:s11+$0x13160]  }
0x200: {  	v11 =	vld [tilespmem:s11+$0x13170]  }
0x201: {  	v10 =	vld [tilespmem:s11+$0x13500]  }
0x202: {  	v9 =	vld [tilespmem:s11+$0x13510]  }
0x203: {  	v8 =	vld [tilespmem:s11+$0x13520]  }
0x204: {  	v7 =	vld [tilespmem:s11+$0x13530]  }
0x205: {  	v6 =	vld [tilespmem:s11+$0x13540]  }
0x206: {  	v51 =	vld [tilespmem:s11+$0xC100]  }
0x207: {  	v52 =	vld [tilespmem:s11+$0xC110]  }
0x208: {  	v53 =	vld [tilespmem:s11+$0xC120]  }
0x209: {  	v54 =	vld [tilespmem:s11+$0xC130]  }
0x20a: {  	v55 =	vld [tilespmem:s11+$0xC140]  }
0x20b: {  	v62 =	vld [tilespmem:s11+$0xC150];
	v12 =	vadd.f32 v12, v51  }
0x20c: {  	v63 =	vld [tilespmem:s11+$0xC160];
	v13 =	vadd.f32 v13, v52  }
0x20d: {  	[tilespmem:s11+$0xC100] =	vst v12;
	v12 =	vadd.f32 v14, v53;
	v14 =	vld [tilespmem:s11+$0xC170]  }
0x20e: {  	[tilespmem:s11+$0xC110] =	vst v13;
	v13 =	vadd.f32 v15, v54;
	v15 =	vld [tilespmem:s11+$0xC500]  }
0x20f: {  	[tilespmem:s11+$0xC120] =	vst v12;
	v12 =	vadd.f32 v16, v55;
	v16 =	vld [tilespmem:s11+$0xC510]  }
0x210: {  	[tilespmem:s11+$0xC130] =	vst v13;
	v13 =	vadd.f32 v17, v62;
	v17 =	vld [tilespmem:s11+$0xC520]  }
0x211: {  	v5 =	vld [tilespmem:s11+$0x13550]  }
0x212: {  	[tilespmem:s11+$0xC140] =	vst v12;
	v12 =	vadd.f32 v18, v63;
	v18 =	vld [tilespmem:s11+$0xC570]  }
0x213: {  	[tilespmem:s11+$0xC150] =	vst v13;
	v13 =	vadd.f32 v19, v14;
	v14 =	vld [tilespmem:s11+$0xC530]  }
0x214: {  	[tilespmem:s11+$0xC160] =	vst v12;
	v12 =	vadd.f32 v20, v15;
	v15 =	vld [tilespmem:s11+$0xC540]  }
0x215: {  	[tilespmem:s11+$0xC170] =	vst v13;
	v13 =	vadd.f32 v21, v16;
	v16 =	vadd.f32 v22, v17;
	v17 =	vld [tilespmem:s11+$0xC560]  }
0x216: {  	[tilespmem:s11+$0xC500] =	vst v12;
	v12 =	vld [tilespmem:s11+$0xC550]  }
0x217: {  	[tilespmem:s11+$0xC510] =	vst v13;
	v13 =	vld [tilespmem:s11+$0xC900];
	v18 =	vadd.f32 v27, v18  }
0x218: {  	[tilespmem:s11+$0xC520] =	vst v16;
	v16 =	vld [tilespmem:s11+$0xC910];
	v14 =	vadd.f32 v23, v14  }
0x219: {  	v4 =	vld [tilespmem:s11+$0x13560];
	v15 =	vadd.f32 v24, v15;
	[tilespmem:s11+$0xC570] =	vst v18  }
0x21a: {  	[tilespmem:s11+$0xC530] =	vst v14;
	v14 =	vld [tilespmem:s11+$0xC920];
	v17 =	vadd.f32 v26, v17  }
0x21b: {  	v12 =	vadd.f32 v25, v12;
	[tilespmem:s11+$0xC540] =	vst v15;
	v15 =	vld [tilespmem:s11+$0xC930]  }
0x21c: {  	v18 =	vld [tilespmem:s11+$0xC970];
	[tilespmem:s11+$0xC560] =	vst v17;
	v13 =	vadd.f32 v28, v13  }
0x21d: {  	v16 =	vadd.f32 v29, v16;
	[tilespmem:s11+$0xC550] =	vst v12;
	v12 =	vld [tilespmem:s11+$0xC940]  }
0x21e: {  	v17 =	vld [tilespmem:s11+$0xC950];
	[tilespmem:s11+$0xC900] =	vst v13  }
0x21f: {  	[tilespmem:s11+$0xC910] =	vst v16;
	v16 =	vld [tilespmem:s11+$0xC960];
	v13 =	vadd.f32 v30, v14  }
0x220: {  	v14 =	vld [tilespmem:s11+$0xCD00];
	v15 =	vadd.f32 v31, v15  }
0x221: {  	[tilespmem:s11+$0xC920] =	vst v13;
	v13 =	vld [tilespmem:s11+$0xCD10]  }
0x222: {  	v12 =	vadd.f32 v32, v12;
	[tilespmem:s11+$0xC930] =	vst v15;
	v15 =	vld [tilespmem:s11+$0xCD20]  }
0x223: {  	v3 =	vld [tilespmem:s11+$0x13570];
	v17 =	vadd.f32 v33, v17  }
0x224: {  	v16 =	vadd.f32 v34, v16;
	[tilespmem:s11+$0xC940] =	vst v12;
	v12 =	vld [tilespmem:s11+$0xCD30]  }
0x225: {  	[tilespmem:s11+$0xC950] =	vst v17;
	v17 =	vld [tilespmem:s11+$0xCD40];
	v14 =	vadd.f32 v36, v14  }
0x226: {  	v18 =	vadd.f32 v35, v18;
	[tilespmem:s11+$0xC960] =	vst v16;
	v16 =	vld [tilespmem:s11+$0xCD50]  }
0x227: {  	v13 =	vadd.f32 v37, v13;
	[tilespmem:s11+$0xCD00] =	vst v14;
	v14 =	vadd.f32 v38, v15;
	v15 =	vld [tilespmem:s11+$0xCD60]  }
0x228: {  	[tilespmem:s11+$0xC970] =	vst v18;
	v18 =	vld [tilespmem:s11+$0xCD70]  }
0x229: {  	[tilespmem:s11+$0xCD10] =	vst v13;
	v13 =	vld [tilespmem:s11+$0xD100];
	v12 =	vadd.f32 v39, v12  }
0x22a: {  	v17 =	vadd.f32 v40, v17;
	[tilespmem:s11+$0xCD20] =	vst v14;
	v14 =	vld [tilespmem:s11+$0xD110]  }
0x22b: {  	v16 =	vadd.f32 v41, v16;
	[tilespmem:s11+$0xCD30] =	vst v12;
	v12 =	vld [tilespmem:s11+$0xD120]  }
0x22c: {  	[tilespmem:s11+$0xCD40] =	vst v17;
	v17 =	vld [tilespmem:s11+$0xD130];
	v15 =	vadd.f32 v42, v15  }
0x22d: {  	v19 =	vld [tilespmem:s11+$0xD140];
	[tilespmem:s11+$0xCD50] =	vst v16;
	v16 =	vadd.f32 v43, v18  }
0x22e: {  	v18 =	vld [tilespmem:s11+$0xD150];
	v13 =	vadd.f32 v44, v13;
	[tilespmem:s11+$0xCD60] =	vst v15  }
0x22f: {  	v20 =	vld [tilespmem:s11+$0xD160];
	[tilespmem:s11+$0xCD70] =	vst v16;
	v14 =	vadd.f32 v45, v14  }
0x230: {  	v16 =	vld [tilespmem:s11+$0xD170];
	[tilespmem:s11+$0xD100] =	vst v13;
	v12 =	vadd.f32 v46, v12  }
0x231: {  	v15 =	vld [tilespmem:s11+$0xD500];
	v13 =	vadd.f32 v47, v17;
	[tilespmem:s11+$0xD110] =	vst v14  }
0x232: {  	v14 =	vld [tilespmem:s11+$0xD510];
	[tilespmem:s11+$0xD120] =	vst v12;
	v12 =	vadd.f32 v48, v19  }
0x233: {  	[tilespmem:s11+$0xD130] =	vst v13;
	v13 =	vld [tilespmem:s11+$0xD520];
	v18 =	vadd.f32 v49, v18  }
0x234: {  	s30 =	simm.s32 $0x1;
	v17 =	vadd.f32 v50, v20;
	[tilespmem:s11+$0xD140] =	vst v12;
	v12 =	vld [tilespmem:s11+$0xD530]  }
.LBB2_4:
0x235: {  	s12 =	sshrl.u32 s30, $0x3;
	p0 =	sne.s32 s30, $0x1F;
	[tilespmem:s11+$0xD150] =	vst v18;
	v11 =	vadd.f32 v11, v16;
	v16 =	vld [tilespmem:s11+$0xD540]  }
0x236: {  	s29 =	sadd.s32 $0x80, s29;
	s12 =	smul.u32 $0x1800, s12;
	[tilespmem:s11+$0xD160] =	vst v17;
	v10 =	vadd.f32 v10, v15;
	v15 =	vld [tilespmem:s11+$0xD550]  }
0x237: {  	s31 =	sand.u32 $0x380, s29;
	[tilespmem:s11+$0xD170] =	vst v11;
	v9 =	vadd.f32 v9, v14;
	v11 =	vld [tilespmem:s11+$0xD560]  }
0x238: {  	s12 =	sor.u32 s31, s12;
	[tilespmem:s11+$0xD500] =	vst v10;
	v8 =	vadd.f32 v8, v13;
	v10 =	vld [tilespmem:s11+$0xD570]  }
0x239: {  	v39 =	vld [tilespmem:s12+$0x12100];
	[tilespmem:s11+$0xD510] =	vst v9;
	v7 =	vadd.f32 v7, v12  }
0x23a: {  	v40 =	vld [tilespmem:s12+$0x12110];
	[tilespmem:s11+$0xD520] =	vst v8;
	v6 =	vadd.f32 v6, v16  }
0x23b: {  	v41 =	vld [tilespmem:s12+$0x12120];
	[tilespmem:s11+$0xD530] =	vst v7;
	v5 =	vadd.f32 v5, v15  }
0x23c: {  	v42 =	vld [tilespmem:s12+$0x12130];
	[tilespmem:s11+$0xD540] =	vst v6;
	v4 =	vadd.f32 v4, v11  }
0x23d: {  	v43 =	vld [tilespmem:s12+$0x12140];
	[tilespmem:s11+$0xD550] =	vst v5;
	v3 =	vadd.f32 v3, v10  }
0x23e: {  	v44 =	vld [tilespmem:s12+$0x12150];
	[tilespmem:s11+$0xD560] =	vst v4  }
0x23f: {  	v45 =	vld [tilespmem:s12+$0x12160];
	[tilespmem:s11+$0xD570] =	vst v3;
	s11 =	smov.u32 s12  }
0x240: {  	v46 =	vld [tilespmem:s11+$0x12170]  }
0x241: {  	v47 =	vld [tilespmem:s11+$0x12500]  }
0x242: {  	v48 =	vld [tilespmem:s11+$0x12510]  }
0x243: {  	v49 =	vld [tilespmem:s11+$0x12520]  }
0x244: {  	v50 =	vld [tilespmem:s11+$0x12530]  }
0x245: {  	v38 =	vld [tilespmem:s11+$0x12540]  }
0x246: {  	v37 =	vld [tilespmem:s11+$0x12550]  }
0x247: {  	v36 =	vld [tilespmem:s11+$0x12560]  }
0x248: {  	v35 =	vld [tilespmem:s11+$0x12570]  }
0x249: {  	v34 =	vld [tilespmem:s11+$0x12900]  }
0x24a: {  	v33 =	vld [tilespmem:s11+$0x12910]  }
0x24b: {  	v32 =	vld [tilespmem:s11+$0x12920]  }
0x24c: {  	v31 =	vld [tilespmem:s11+$0x12930]  }
0x24d: {  	v30 =	vld [tilespmem:s11+$0x12940]  }
0x24e: {  	v29 =	vld [tilespmem:s11+$0x12950]  }
0x24f: {  	v28 =	vld [tilespmem:s11+$0x12960]  }
0x250: {  	v27 =	vld [tilespmem:s11+$0x12970]  }
0x251: {  	v26 =	vld [tilespmem:s11+$0x12D00]  }
0x252: {  	v25 =	vld [tilespmem:s11+$0x12D10]  }
0x253: {  	v24 =	vld [tilespmem:s11+$0x12D20]  }
0x254: {  	v23 =	vld [tilespmem:s11+$0x12D30]  }
0x255: {  	v22 =	vld [tilespmem:s11+$0x12D40]  }
0x256: {  	v21 =	vld [tilespmem:s11+$0x12D50]  }
0x257: {  	v20 =	vld [tilespmem:s11+$0x12D60]  }
0x258: {  	v19 =	vld [tilespmem:s11+$0x12D70]  }
0x259: {  	v18 =	vld [tilespmem:s11+$0x13100]  }
0x25a: {  	v17 =	vld [tilespmem:s11+$0x13110]  }
0x25b: {  	v16 =	vld [tilespmem:s11+$0x13120]  }
0x25c: {  	v15 =	vld [tilespmem:s11+$0x13130]  }
0x25d: {  	v14 =	vld [tilespmem:s11+$0x13140]  }
0x25e: {  	v13 =	vld [tilespmem:s11+$0x13150]  }
0x25f: {  	v12 =	vld [tilespmem:s11+$0x13160]  }
0x260: {  	v11 =	vld [tilespmem:s11+$0x13170]  }
0x261: {  	v10 =	vld [tilespmem:s11+$0x13500]  }
0x262: {  	v9 =	vld [tilespmem:s11+$0x13510]  }
0x263: {  	v8 =	vld [tilespmem:s11+$0x13520]  }
0x264: {  	v7 =	vld [tilespmem:s11+$0x13530]  }
0x265: {  	v6 =	vld [tilespmem:s11+$0x13540]  }
0x266: {  	v5 =	vld [tilespmem:s11+$0x13550]  }
0x267: {  	v4 =	vld [tilespmem:s11+$0x13560]  }
0x268: {  	v3 =	vld [tilespmem:s11+$0x13570]  }
0x269: {  	v51 =	vld [tilespmem:s11+$0xC100]  }
0x26a: {  	v52 =	vld [tilespmem:s11+$0xC110]  }
0x26b: {  	v53 =	vld [tilespmem:s11+$0xC120]  }
0x26c: {  	v54 =	vld [tilespmem:s11+$0xC130]  }
0x26d: {  	v55 =	vld [tilespmem:s11+$0xC140]  }
0x26e: {  	v39 =	vadd.f32 v39, v51;
	v51 =	vld [tilespmem:s11+$0xC150]  }
0x26f: {  	v40 =	vadd.f32 v40, v52;
	v52 =	vld [tilespmem:s11+$0xC160]  }
0x270: {  	[tilespmem:s11+$0xC100] =	vst v39;
	v39 =	vadd.f32 v41, v53;
	v41 =	vld [tilespmem:s11+$0xC170]  }
0x271: {  	[tilespmem:s11+$0xC110] =	vst v40;
	v40 =	vadd.f32 v42, v54;
	v42 =	vld [tilespmem:s11+$0xC500]  }
0x272: {  	[tilespmem:s11+$0xC120] =	vst v39;
	v39 =	vadd.f32 v43, v55;
	v43 =	vld [tilespmem:s11+$0xC510]  }
0x273: {  	[tilespmem:s11+$0xC130] =	vst v40;
	v40 =	vadd.f32 v44, v51;
	v44 =	vld [tilespmem:s11+$0xC520]  }
0x274: {  	[tilespmem:s11+$0xC140] =	vst v39;
	v39 =	vadd.f32 v45, v52;
	v45 =	vld [tilespmem:s11+$0xC530]  }
0x275: {  	[tilespmem:s11+$0xC150] =	vst v40;
	v40 =	vadd.f32 v46, v41;
	v41 =	vld [tilespmem:s11+$0xC540]  }
0x276: {  	[tilespmem:s11+$0xC160] =	vst v39;
	v39 =	vadd.f32 v47, v42;
	v42 =	vld [tilespmem:s11+$0xC550]  }
0x277: {  	[tilespmem:s11+$0xC170] =	vst v40;
	v40 =	vadd.f32 v48, v43;
	v43 =	vld [tilespmem:s11+$0xC560]  }
0x278: {  	[tilespmem:s11+$0xC500] =	vst v39;
	v39 =	vadd.f32 v49, v44;
	v44 =	vld [tilespmem:s11+$0xC570]  }
0x279: {  	[tilespmem:s11+$0xC510] =	vst v40;
	v40 =	vadd.f32 v50, v45;
	v45 =	vld [tilespmem:s11+$0xC900]  }
0x27a: {  	[tilespmem:s11+$0xC520] =	vst v39;
	v38 =	vadd.f32 v38, v41;
	v39 =	vld [tilespmem:s11+$0xC910]  }
0x27b: {  	[tilespmem:s11+$0xC530] =	vst v40;
	v37 =	vadd.f32 v37, v42;
	v40 =	vld [tilespmem:s11+$0xC920]  }
0x27c: {  	[tilespmem:s11+$0xC540] =	vst v38;
	v36 =	vadd.f32 v36, v43;
	v38 =	vld [tilespmem:s11+$0xC930]  }
0x27d: {  	[tilespmem:s11+$0xC550] =	vst v37;
	v35 =	vadd.f32 v35, v44;
	v37 =	vld [tilespmem:s11+$0xC940]  }
0x27e: {  	[tilespmem:s11+$0xC560] =	vst v36;
	v34 =	vadd.f32 v34, v45;
	v36 =	vld [tilespmem:s11+$0xC950]  }
0x27f: {  	[tilespmem:s11+$0xC570] =	vst v35;
	v33 =	vadd.f32 v33, v39;
	v35 =	vld [tilespmem:s11+$0xC960]  }
0x280: {  	[tilespmem:s11+$0xC900] =	vst v34;
	v32 =	vadd.f32 v32, v40;
	v34 =	vld [tilespmem:s11+$0xC970]  }
0x281: {  	[tilespmem:s11+$0xC910] =	vst v33;
	v31 =	vadd.f32 v31, v38;
	v33 =	vld [tilespmem:s11+$0xCD00]  }
0x282: {  	[tilespmem:s11+$0xC920] =	vst v32;
	v30 =	vadd.f32 v30, v37;
	v32 =	vld [tilespmem:s11+$0xCD10]  }
0x283: {  	[tilespmem:s11+$0xC930] =	vst v31;
	v29 =	vadd.f32 v29, v36;
	v31 =	vld [tilespmem:s11+$0xCD20]  }
0x284: {  	[tilespmem:s11+$0xC940] =	vst v30;
	v28 =	vadd.f32 v28, v35;
	v30 =	vld [tilespmem:s11+$0xCD30]  }
0x285: {  	[tilespmem:s11+$0xC950] =	vst v29;
	v27 =	vadd.f32 v27, v34;
	v29 =	vld [tilespmem:s11+$0xCD40]  }
0x286: {  	[tilespmem:s11+$0xC960] =	vst v28;
	v26 =	vadd.f32 v26, v33;
	v28 =	vld [tilespmem:s11+$0xCD50]  }
0x287: {  	[tilespmem:s11+$0xC970] =	vst v27;
	v25 =	vadd.f32 v25, v32;
	v27 =	vld [tilespmem:s11+$0xCD60]  }
0x288: {  	[tilespmem:s11+$0xCD00] =	vst v26;
	v24 =	vadd.f32 v24, v31;
	v26 =	vld [tilespmem:s11+$0xCD70]  }
0x289: {  	[tilespmem:s11+$0xCD10] =	vst v25;
	v23 =	vadd.f32 v23, v30;
	v25 =	vld [tilespmem:s11+$0xD100]  }
0x28a: {  	[tilespmem:s11+$0xCD20] =	vst v24;
	v22 =	vadd.f32 v22, v29;
	v24 =	vld [tilespmem:s11+$0xD110]  }
0x28b: {  	[tilespmem:s11+$0xCD30] =	vst v23;
	v21 =	vadd.f32 v21, v28;
	v23 =	vld [tilespmem:s11+$0xD120]  }
0x28c: {  	[tilespmem:s11+$0xCD40] =	vst v22;
	v20 =	vadd.f32 v20, v27;
	v22 =	vld [tilespmem:s11+$0xD130]  }
0x28d: {  	[tilespmem:s11+$0xCD50] =	vst v21;
	v19 =	vadd.f32 v19, v26;
	v21 =	vld [tilespmem:s11+$0xD140]  }
0x28e: {  	[tilespmem:s11+$0xCD60] =	vst v20;
	v18 =	vadd.f32 v18, v25;
	v20 =	vld [tilespmem:s11+$0xD150]  }
0x28f: {  	[tilespmem:s11+$0xCD70] =	vst v19;
	v17 =	vadd.f32 v17, v24;
	v19 =	vld [tilespmem:s11+$0xD160]  }
.Ltmp1:
0x290: {  	[tilespmem:s11+$0xD100] =	vst v18;
	v18 =	vadd.f32 v16, v23;
	v16 =	vld [tilespmem:s11+$0xD170];
	(pc) =	sbr.rel @p0 .LBB2_4-.Ltmp1, $4  }
0x291: {  	[tilespmem:s11+$0xD110] =	vst v17;
	v17 =	vadd.f32 v15, v22;
	v15 =	vld [tilespmem:s11+$0xD500]  }
0x292: {  	[tilespmem:s11+$0xD120] =	vst v18;
	v21 =	vadd.f32 v14, v21;
	v14 =	vld [tilespmem:s11+$0xD510]  }
0x293: {  	[tilespmem:s11+$0xD130] =	vst v17;
	v18 =	vadd.f32 v13, v20;
	v13 =	vld [tilespmem:s11+$0xD520]  }
0x294: {  	s30 =	sadd.s32 $0x1, s30;
	[tilespmem:s11+$0xD140] =	vst v21;
	v17 =	vadd.f32 v12, v19;
	v12 =	vld [tilespmem:s11+$0xD530]  }
0x295: {  	[tilespmem:s11+$0xD150] =	vst v18;
	v18 =	vld [tilespmem:s11+$0xD540];
	v11 =	vadd.f32 v11, v16  }
0x296: {  	v16 =	vld [tilespmem:s11+$0xD550];
	[tilespmem:s11+$0xD160] =	vst v17;
	v10 =	vadd.f32 v10, v15  }
0x297: {  	[tilespmem:s11+$0xD170] =	vst v11;
	v9 =	vadd.f32 v9, v14;
	v11 =	vld [tilespmem:s11+$0xD560]  }
0x298: {  	[tilespmem:s11+$0xD500] =	vst v10;
	v8 =	vadd.f32 v8, v13;
	v10 =	vld [tilespmem:s11+$0xD570]  }
0x299: {  	[tilespmem:s11+$0xD510] =	vst v9;
	v7 =	vadd.f32 v7, v12  }
0x29a: {  	[tilespmem:s11+$0xD520] =	vst v8;
	v6 =	vadd.f32 v6, v18  }
0x29b: {  	v5 =	vadd.f32 v5, v16;
	[tilespmem:s11+$0xD530] =	vst v7  }
0x29c: {  	[tilespmem:s11+$0xD540] =	vst v6;
	v4 =	vadd.f32 v4, v11  }
0x29d: {  	[tilespmem:s11+$0xD550] =	vst v5;
	v3 =	vadd.f32 v3, v10  }
0x29e: {  	[tilespmem:s11+$0xD560] =	vst v4  }
0x29f: {  	s29 =	simm.s32 $0x0;
	s31 =	rddreg [dreg:$0x5];
	[tilespmem:s11+$0xD570] =	vst v3  }
0x2a0: {  	[hbm4b:s31+s29] =	stream.linear.scatter [tilespmem:s21], [sflag:$0x3], $0x6000, $0x38;
	[tilespmem:$0x18100] =	vst v63  }
0x2a1: {  	_ =	swait.ge [sflag:s26], $0x6000  }
0x2a2: {  	[sflag:s26] =	ssyncset.done $0x0  }
0x2a3: {  	[sflag:s26] =	ssyncadd.s32 $0xFFFFA000  }
0x2a4: {  	v3 =	vld [tilespmem:$0x60];
	_ =	sdelay $0x4  }
0x2a5: {  	v4 =	vshrl.u32 v3, $0x3  }
0x2a6: {  	v4 =	vmul.u32 $0x30, v4  }
0x2a7: {  	v3 =	vand.u32 $0x7, v3  }
0x2a8: {  	v3 =	vor.u32 v3, v4  }
0x2a9: {  	v4 =	vperm.xlane v3, v0;
	_ =	sdelay $0x1  }
0x2aa: {  	v4 =	vadd.s32 v1, v4;
	_ =	sdelay $0x3  }
0x2ab: {  	v3 =	vperm.xlane v3, v2  }
0x2ac: {  	[tilespmem:s21], [sflag:$0x2] =	stream.indirect_vreg.gather [hbm4b:s3+s29], $0x80, v4, vm0, $0xb8;
	[tilespmem:$0x18100] =	vst v63  }
0x2ad: {  	s12 =	simm.s32 $0xC900;
	v3 =	vadd.s32 v1, v3  }
0x2ae: {  	[tilespmem:s12], [sflag:$0x2] =	stream.indirect_vreg.gather [hbm4b:s6+s29], $0x80, v4, vm0, $0xb8;
	[tilespmem:$0x18100] =	vst v63  }
0x2af: {  	s31 =	simm.s32 $0xD100  }
0x2b0: {  	[tilespmem:s31], [sflag:$0x2] =	stream.indirect_vreg.gather [hbm4b:s8+s29], $0x80, v4, vm0, $0xb8;
	[tilespmem:$0x18100] =	vst v63  }
0x2b1: {  	s12 =	simm.s32 $0xD900  }
0x2b2: {  	[tilespmem:s12], [sflag:$0x2] =	stream.indirect_vreg.gather [hbm4b:s3+s29], $0x80, v3, vm0, $0xb8;
	[tilespmem:$0x18100] =	vst v63  }
0x2b3: {  	s31 =	simm.s32 $0xE100  }
0x2b4: {  	[tilespmem:s31], [sflag:$0x2] =	stream.indirect_vreg.gather [hbm4b:s6+s29], $0x80, v3, vm0, $0xb8;
	[tilespmem:$0x18100] =	vst v63  }
0x2b5: {  	s12 =	simm.s32 $0xE900  }
0x2b6: {  	[tilespmem:s12], [sflag:$0x2] =	stream.indirect_vreg.gather [hbm4b:s8+s29], $0x80, v3, vm0, $0xb8;
	[tilespmem:$0x18100] =	vst v63  }
0x2b7: {  	v3 =	vld [tilespmem:$0x70];
	_ =	sdelay $0x4  }
0x2b8: {  	v4 =	vshrl.u32 v3, $0x3  }
0x2b9: {  	v4 =	vmul.u32 $0x30, v4  }
0x2ba: {  	v3 =	vand.u32 $0x7, v3  }
0x2bb: {  	v3 =	vor.u32 v3, v4  }
0x2bc: {  	v4 =	vperm.xlane v3, v0;
	_ =	sdelay $0x1  }
0x2bd: {  	v4 =	vadd.s32 v1, v4;
	_ =	sdelay $0x3  }
0x2be: {  	s31 =	simm.s32 $0xF100;
	v3 =	vperm.xlane v3, v2  }
0x2bf: {  	[tilespmem:s31], [sflag:$0x2] =	stream.indirect_vreg.gather [hbm4b:s3+s29], $0x80, v4, vm0, $0xb8;
	[tilespmem:$0x18100] =	vst v63  }
0x2c0: {  	s12 =	simm.s32 $0xF900;
	v3 =	vadd.s32 v1, v3  }
0x2c1: {  	[tilespmem:s12], [sflag:$0x2] =	stream.indirect_vreg.gather [hbm4b:s6+s29], $0x80, v4, vm0, $0xb8;
	[tilespmem:$0x18100] =	vst v63  }
0x2c2: {  	s31 =	simm.s32 $0x10100  }
0x2c3: {  	[tilespmem:s31], [sflag:$0x2] =	stream.indirect_vreg.gather [hbm4b:s8+s29], $0x80, v4, vm0, $0xb8;
	[tilespmem:$0x18100] =	vst v63  }
0x2c4: {  	s12 =	simm.s32 $0x10900  }
0x2c5: {  	[tilespmem:s12], [sflag:$0x2] =	stream.indirect_vreg.gather [hbm4b:s3+s29], $0x80, v3, vm0, $0xb8;
	[tilespmem:$0x18100] =	vst v63  }
0x2c6: {  	_ = 	snop  }
0x2c7: {  	[tilespmem:s0], [sflag:$0x2] =	stream.indirect_vreg.gather [hbm4b:s6+s29], $0x80, v3, vm0, $0xb8;
	[tilespmem:$0x18100] =	vst v63  }
0x2c8: {  	_ = 	snop  }
0x2c9: {  	[tilespmem:s1], [sflag:$0x2] =	stream.indirect_vreg.gather [hbm4b:s8+s29], $0x80, v3, vm0, $0xb8;
	[tilespmem:$0x18100] =	vst v63  }
0x2ca: {  	v3 =	vld [tilespmem:$0xE0];
	_ =	sdelay $0x4  }
0x2cb: {  	v4 =	vshrl.u32 v3, $0x3  }
0x2cc: {  	v4 =	vmul.u32 $0x30, v4  }
0x2cd: {  	v3 =	vand.u32 $0x7, v3  }
0x2ce: {  	v3 =	vor.u32 v3, v4  }
0x2cf: {  	v4 =	vperm.xlane v3, v0;
	_ =	sdelay $0x1  }
0x2d0: {  	v4 =	vadd.s32 v1, v4;
	_ =	sdelay $0x3  }
0x2d1: {  	v3 =	vperm.xlane v3, v2  }
0x2d2: {  	[tilespmem:s14], [sflag:$0x2] =	stream.indirect_vreg.gather [hbm4b:s3+s29], $0x80, v4, vm0, $0xb8;
	[tilespmem:$0x18100] =	vst v63  }
0x2d3: {  	v3 =	vadd.s32 v1, v3  }
0x2d4: {  	[tilespmem:s16], [sflag:$0x2] =	stream.indirect_vreg.gather [hbm4b:s6+s29], $0x80, v4, vm0, $0xb8;
	[tilespmem:$0x18100] =	vst v63  }
0x2d5: {  	_ = 	snop  }
0x2d6: {  	[tilespmem:s17], [sflag:$0x2] =	stream.indirect_vreg.gather [hbm4b:s8+s29], $0x80, v4, vm0, $0xb8;
	[tilespmem:$0x18100] =	vst v63  }
0x2d7: {  	_ = 	snop  }
0x2d8: {  	[tilespmem:s18], [sflag:$0x2] =	stream.indirect_vreg.gather [hbm4b:s3+s29], $0x80, v3, vm0, $0xb8;
	[tilespmem:$0x18100] =	vst v63  }
0x2d9: {  	_ = 	snop  }
0x2da: {  	[tilespmem:s19], [sflag:$0x2] =	stream.indirect_vreg.gather [hbm4b:s6+s29], $0x80, v3, vm0, $0xb8;
	[tilespmem:$0x18100] =	vst v63  }
0x2db: {  	_ = 	snop  }
0x2dc: {  	[tilespmem:s20], [sflag:$0x2] =	stream.indirect_vreg.gather [hbm4b:s8+s29], $0x80, v3, vm0, $0xb8;
	[tilespmem:$0x18100] =	vst v63  }
0x2dd: {  	v3 =	vld [tilespmem:$0xF0];
	_ =	sdelay $0x4  }
0x2de: {  	v4 =	vshrl.u32 v3, $0x3  }
0x2df: {  	v4 =	vmul.u32 $0x30, v4  }
0x2e0: {  	v3 =	vand.u32 $0x7, v3  }
0x2e1: {  	v3 =	vor.u32 v3, v4  }
0x2e2: {  	v4 =	vperm.xlane v3, v0;
	_ =	sdelay $0x1  }
0x2e3: {  	v4 =	vadd.s32 v1, v4;
	_ =	sdelay $0x3  }
0x2e4: {  	v3 =	vperm.xlane v3, v2  }
0x2e5: {  	[tilespmem:s4], [sflag:$0x2] =	stream.indirect_vreg.gather [hbm4b:s3+s29], $0x80, v4, vm0, $0xb8;
	[tilespmem:$0x18100] =	vst v63  }
0x2e6: {  	v3 =	vadd.s32 v1, v3  }
0x2e7: {  	[tilespmem:s5], [sflag:$0x2] =	stream.indirect_vreg.gather [hbm4b:s6+s29], $0x80, v4, vm0, $0xb8;
	[tilespmem:$0x18100] =	vst v63  }
0x2e8: {  	_ = 	snop  }
0x2e9: {  	[tilespmem:s22], [sflag:$0x2] =	stream.indirect_vreg.gather [hbm4b:s8+s29], $0x80, v4, vm0, $0xb8;
	[tilespmem:$0x18100] =	vst v63  }
0x2ea: {  	_ = 	snop  }
0x2eb: {  	[tilespmem:s23], [sflag:$0x2] =	stream.indirect_vreg.gather [hbm4b:s3+s29], $0x80, v3, vm0, $0xb8;
	[tilespmem:$0x18100] =	vst v63  }
0x2ec: {  	_ = 	snop  }
0x2ed: {  	[tilespmem:s24], [sflag:$0x2] =	stream.indirect_vreg.gather [hbm4b:s6+s29], $0x80, v3, vm0, $0xb8;
	[tilespmem:$0x18100] =	vst v63  }
0x2ee: {  	_ = 	snop  }
0x2ef: {  	[tilespmem:s25], [sflag:$0x2] =	stream.indirect_vreg.gather [hbm4b:s8+s29], $0x80, v3, vm0, $0xb8;
	[tilespmem:$0x18100] =	vst v63  }
0x2f0: {  	_ =	swait.ge [sflag:s9], $0x6000  }
0x2f1: {  	[sflag:s9] =	ssyncset.done $0x0  }
0x2f2: {  	s31 =	simm.s32 $0x0;
	[sflag:s9] =	ssyncadd.s32 $0xFFFFA000  }
0x2f3: {  	s11 =	smul.u32 $0x1800, s31;
	_ =	swait.ge [sflag:s9], $0x6000  }
0x2f4: {  	s12 =	sand.u32 $0x380, s29;
	[sflag:s9] =	ssyncset.done $0x0  }
0x2f5: {  	s11 =	sor.u32 s12, s11;
	[sflag:s9] =	ssyncadd.s32 $0xFFFFA000  }
0x2f6: {  	v12 =	vld [tilespmem:s11+$0x6100]  }
0x2f7: {  	v13 =	vld [tilespmem:s11+$0x6110]  }
0x2f8: {  	v14 =	vld [tilespmem:s11+$0x6120]  }
0x2f9: {  	v15 =	vld [tilespmem:s11+$0x6130]  }
0x2fa: {  	v16 =	vld [tilespmem:s11+$0x6140]  }
0x2fb: {  	v17 =	vld [tilespmem:s11+$0x6150]  }
0x2fc: {  	v18 =	vld [tilespmem:s11+$0x6160]  }
0x2fd: {  	v19 =	vld [tilespmem:s11+$0x6170]  }
0x2fe: {  	v20 =	vld [tilespmem:s11+$0x6500]  }
0x2ff: {  	v21 =	vld [tilespmem:s11+$0x6510]  }
0x300: {  	v22 =	vld [tilespmem:s11+$0x6520]  }
0x301: {  	v23 =	vld [tilespmem:s11+$0x6530]  }
0x302: {  	v24 =	vld [tilespmem:s11+$0x6540]  }
0x303: {  	v25 =	vld [tilespmem:s11+$0x6550]  }
0x304: {  	v26 =	vld [tilespmem:s11+$0x6560]  }
0x305: {  	v27 =	vld [tilespmem:s11+$0x6570]  }
0x306: {  	v28 =	vld [tilespmem:s11+$0x6900]  }
0x307: {  	v29 =	vld [tilespmem:s11+$0x6910]  }
0x308: {  	v30 =	vld [tilespmem:s11+$0x6920]  }
0x309: {  	v31 =	vld [tilespmem:s11+$0x6930]  }
0x30a: {  	v32 =	vld [tilespmem:s11+$0x6940]  }
0x30b: {  	v33 =	vld [tilespmem:s11+$0x6950]  }
0x30c: {  	v34 =	vld [tilespmem:s11+$0x6960]  }
0x30d: {  	v35 =	vld [tilespmem:s11+$0x6970]  }
0x30e: {  	v36 =	vld [tilespmem:s11+$0x6D00]  }
0x30f: {  	v37 =	vld [tilespmem:s11+$0x6D10]  }
0x310: {  	v38 =	vld [tilespmem:s11+$0x6D20]  }
0x311: {  	v39 =	vld [tilespmem:s11+$0x6D30]  }
0x312: {  	v40 =	vld [tilespmem:s11+$0x6D40]  }
0x313: {  	v41 =	vld [tilespmem:s11+$0x6D50]  }
0x314: {  	v42 =	vld [tilespmem:s11+$0x6D60]  }
0x315: {  	v43 =	vld [tilespmem:s11+$0x6D70]  }
0x316: {  	v44 =	vld [tilespmem:s11+$0x7100]  }
0x317: {  	v45 =	vld [tilespmem:s11+$0x7110]  }
0x318: {  	v46 =	vld [tilespmem:s11+$0x7120]  }
0x319: {  	v47 =	vld [tilespmem:s11+$0x7130]  }
0x31a: {  	v48 =	vld [tilespmem:s11+$0x7140]  }
0x31b: {  	v49 =	vld [tilespmem:s11+$0x7150]  }
0x31c: {  	v50 =	vld [tilespmem:s11+$0x7160]  }
0x31d: {  	v11 =	vld [tilespmem:s11+$0x7170]  }
0x31e: {  	v10 =	vld [tilespmem:s11+$0x7500]  }
0x31f: {  	v9 =	vld [tilespmem:s11+$0x7510]  }
0x320: {  	v8 =	vld [tilespmem:s11+$0x7520]  }
0x321: {  	v7 =	vld [tilespmem:s11+$0x7530]  }
0x322: {  	v6 =	vld [tilespmem:s11+$0x7540]  }
0x323: {  	v51 =	vld [tilespmem:s11+$0x100]  }
0x324: {  	v52 =	vld [tilespmem:s11+$0x110]  }
0x325: {  	v53 =	vld [tilespmem:s11+$0x120]  }
0x326: {  	v54 =	vld [tilespmem:s11+$0x130]  }
0x327: {  	v55 =	vld [tilespmem:s11+$0x140]  }
0x328: {  	v62 =	vld [tilespmem:s11+$0x150];
	v12 =	vadd.f32 v12, v51  }
0x329: {  	v63 =	vld [tilespmem:s11+$0x160];
	v13 =	vadd.f32 v13, v52  }
0x32a: {  	[tilespmem:s11+$0x100] =	vst v12;
	v12 =	vadd.f32 v14, v53;
	v14 =	vld [tilespmem:s11+$0x170]  }
0x32b: {  	[tilespmem:s11+$0x110] =	vst v13;
	v13 =	vadd.f32 v15, v54;
	v15 =	vld [tilespmem:s11+$0x500]  }
0x32c: {  	[tilespmem:s11+$0x120] =	vst v12;
	v12 =	vadd.f32 v16, v55;
	v16 =	vld [tilespmem:s11+$0x510]  }
0x32d: {  	[tilespmem:s11+$0x130] =	vst v13;
	v13 =	vadd.f32 v17, v62;
	v17 =	vld [tilespmem:s11+$0x520]  }
0x32e: {  	v5 =	vld [tilespmem:s11+$0x7550]  }
0x32f: {  	[tilespmem:s11+$0x140] =	vst v12;
	v12 =	vadd.f32 v18, v63;
	v18 =	vld [tilespmem:s11+$0x570]  }
0x330: {  	[tilespmem:s11+$0x150] =	vst v13;
	v13 =	vadd.f32 v19, v14;
	v14 =	vld [tilespmem:s11+$0x530]  }
0x331: {  	[tilespmem:s11+$0x160] =	vst v12;
	v12 =	vadd.f32 v20, v15;
	v15 =	vld [tilespmem:s11+$0x540]  }
0x332: {  	[tilespmem:s11+$0x170] =	vst v13;
	v13 =	vadd.f32 v21, v16;
	v16 =	vadd.f32 v22, v17;
	v17 =	vld [tilespmem:s11+$0x560]  }
0x333: {  	[tilespmem:s11+$0x500] =	vst v12;
	v12 =	vld [tilespmem:s11+$0x550]  }
0x334: {  	[tilespmem:s11+$0x510] =	vst v13;
	v13 =	vld [tilespmem:s11+$0x900];
	v18 =	vadd.f32 v27, v18  }
0x335: {  	[tilespmem:s11+$0x520] =	vst v16;
	v16 =	vld [tilespmem:s11+$0x910];
	v14 =	vadd.f32 v23, v14  }
0x336: {  	v4 =	vld [tilespmem:s11+$0x7560];
	v15 =	vadd.f32 v24, v15;
	[tilespmem:s11+$0x570] =	vst v18  }
0x337: {  	[tilespmem:s11+$0x530] =	vst v14;
	v14 =	vld [tilespmem:s11+$0x920];
	v17 =	vadd.f32 v26, v17  }
0x338: {  	v12 =	vadd.f32 v25, v12;
	[tilespmem:s11+$0x540] =	vst v15;
	v15 =	vld [tilespmem:s11+$0x930]  }
0x339: {  	v18 =	vld [tilespmem:s11+$0x970];
	[tilespmem:s11+$0x560] =	vst v17;
	v13 =	vadd.f32 v28, v13  }
0x33a: {  	v16 =	vadd.f32 v29, v16;
	[tilespmem:s11+$0x550] =	vst v12;
	v12 =	vld [tilespmem:s11+$0x940]  }
0x33b: {  	v17 =	vld [tilespmem:s11+$0x950];
	[tilespmem:s11+$0x900] =	vst v13  }
0x33c: {  	[tilespmem:s11+$0x910] =	vst v16;
	v16 =	vld [tilespmem:s11+$0x960];
	v13 =	vadd.f32 v30, v14  }
0x33d: {  	v14 =	vld [tilespmem:s11+$0xD00];
	v15 =	vadd.f32 v31, v15  }
0x33e: {  	[tilespmem:s11+$0x920] =	vst v13;
	v13 =	vld [tilespmem:s11+$0xD10]  }
0x33f: {  	v12 =	vadd.f32 v32, v12;
	[tilespmem:s11+$0x930] =	vst v15;
	v15 =	vld [tilespmem:s11+$0xD20]  }
0x340: {  	v3 =	vld [tilespmem:s11+$0x7570];
	v17 =	vadd.f32 v33, v17  }
0x341: {  	v16 =	vadd.f32 v34, v16;
	[tilespmem:s11+$0x940] =	vst v12;
	v12 =	vld [tilespmem:s11+$0xD30]  }
0x342: {  	[tilespmem:s11+$0x950] =	vst v17;
	v17 =	vld [tilespmem:s11+$0xD40];
	v14 =	vadd.f32 v36, v14  }
0x343: {  	v18 =	vadd.f32 v35, v18;
	[tilespmem:s11+$0x960] =	vst v16;
	v16 =	vld [tilespmem:s11+$0xD50]  }
0x344: {  	v13 =	vadd.f32 v37, v13;
	[tilespmem:s11+$0xD00] =	vst v14;
	v14 =	vadd.f32 v38, v15;
	v15 =	vld [tilespmem:s11+$0xD60]  }
0x345: {  	[tilespmem:s11+$0x970] =	vst v18;
	v18 =	vld [tilespmem:s11+$0xD70]  }
0x346: {  	[tilespmem:s11+$0xD10] =	vst v13;
	v13 =	vld [tilespmem:s11+$0x1100];
	v12 =	vadd.f32 v39, v12  }
0x347: {  	v17 =	vadd.f32 v40, v17;
	[tilespmem:s11+$0xD20] =	vst v14;
	v14 =	vld [tilespmem:s11+$0x1110]  }
0x348: {  	v16 =	vadd.f32 v41, v16;
	[tilespmem:s11+$0xD30] =	vst v12;
	v12 =	vld [tilespmem:s11+$0x1120]  }
0x349: {  	[tilespmem:s11+$0xD40] =	vst v17;
	v17 =	vld [tilespmem:s11+$0x1130];
	v15 =	vadd.f32 v42, v15  }
0x34a: {  	v19 =	vld [tilespmem:s11+$0x1140];
	[tilespmem:s11+$0xD50] =	vst v16;
	v16 =	vadd.f32 v43, v18  }
0x34b: {  	v18 =	vld [tilespmem:s11+$0x1150];
	v13 =	vadd.f32 v44, v13;
	[tilespmem:s11+$0xD60] =	vst v15  }
0x34c: {  	v20 =	vld [tilespmem:s11+$0x1160];
	[tilespmem:s11+$0xD70] =	vst v16;
	v14 =	vadd.f32 v45, v14  }
0x34d: {  	v16 =	vld [tilespmem:s11+$0x1170];
	[tilespmem:s11+$0x1100] =	vst v13;
	v12 =	vadd.f32 v46, v12  }
0x34e: {  	v15 =	vld [tilespmem:s11+$0x1500];
	v13 =	vadd.f32 v47, v17;
	[tilespmem:s11+$0x1110] =	vst v14  }
0x34f: {  	v14 =	vld [tilespmem:s11+$0x1510];
	[tilespmem:s11+$0x1120] =	vst v12;
	v12 =	vadd.f32 v48, v19  }
0x350: {  	[tilespmem:s11+$0x1130] =	vst v13;
	v13 =	vld [tilespmem:s11+$0x1520];
	v18 =	vadd.f32 v49, v18  }
0x351: {  	s30 =	simm.s32 $0x1;
	v17 =	vadd.f32 v50, v20;
	[tilespmem:s11+$0x1140] =	vst v12;
	v12 =	vld [tilespmem:s11+$0x1530]  }
.LBB2_6:
0x352: {  	s12 =	sshrl.u32 s30, $0x3;
	p0 =	sne.s32 s30, $0x1F;
	[tilespmem:s11+$0x1150] =	vst v18;
	v11 =	vadd.f32 v11, v16;
	v16 =	vld [tilespmem:s11+$0x1540]  }
0x353: {  	s29 =	sadd.s32 $0x80, s29;
	s12 =	smul.u32 $0x1800, s12;
	[tilespmem:s11+$0x1160] =	vst v17;
	v10 =	vadd.f32 v10, v15;
	v15 =	vld [tilespmem:s11+$0x1550]  }
0x354: {  	s31 =	sand.u32 $0x380, s29;
	[tilespmem:s11+$0x1170] =	vst v11;
	v9 =	vadd.f32 v9, v14;
	v11 =	vld [tilespmem:s11+$0x1560]  }
0x355: {  	s12 =	sor.u32 s31, s12;
	[tilespmem:s11+$0x1500] =	vst v10;
	v8 =	vadd.f32 v8, v13;
	v10 =	vld [tilespmem:s11+$0x1570]  }
0x356: {  	v39 =	vld [tilespmem:s12+$0x6100];
	[tilespmem:s11+$0x1510] =	vst v9;
	v7 =	vadd.f32 v7, v12  }
0x357: {  	v40 =	vld [tilespmem:s12+$0x6110];
	[tilespmem:s11+$0x1520] =	vst v8;
	v6 =	vadd.f32 v6, v16  }
0x358: {  	v41 =	vld [tilespmem:s12+$0x6120];
	[tilespmem:s11+$0x1530] =	vst v7;
	v5 =	vadd.f32 v5, v15  }
0x359: {  	v42 =	vld [tilespmem:s12+$0x6130];
	[tilespmem:s11+$0x1540] =	vst v6;
	v4 =	vadd.f32 v4, v11  }
0x35a: {  	v43 =	vld [tilespmem:s12+$0x6140];
	[tilespmem:s11+$0x1550] =	vst v5;
	v3 =	vadd.f32 v3, v10  }
0x35b: {  	v44 =	vld [tilespmem:s12+$0x6150];
	[tilespmem:s11+$0x1560] =	vst v4  }
0x35c: {  	v45 =	vld [tilespmem:s12+$0x6160];
	[tilespmem:s11+$0x1570] =	vst v3;
	s11 =	smov.u32 s12  }
0x35d: {  	v46 =	vld [tilespmem:s11+$0x6170]  }
0x35e: {  	v47 =	vld [tilespmem:s11+$0x6500]  }
0x35f: {  	v48 =	vld [tilespmem:s11+$0x6510]  }
0x360: {  	v49 =	vld [tilespmem:s11+$0x6520]  }
0x361: {  	v50 =	vld [tilespmem:s11+$0x6530]  }
0x362: {  	v38 =	vld [tilespmem:s11+$0x6540]  }
0x363: {  	v37 =	vld [tilespmem:s11+$0x6550]  }
0x364: {  	v36 =	vld [tilespmem:s11+$0x6560]  }
0x365: {  	v35 =	vld [tilespmem:s11+$0x6570]  }
0x366: {  	v34 =	vld [tilespmem:s11+$0x6900]  }
0x367: {  	v33 =	vld [tilespmem:s11+$0x6910]  }
0x368: {  	v32 =	vld [tilespmem:s11+$0x6920]  }
0x369: {  	v31 =	vld [tilespmem:s11+$0x6930]  }
0x36a: {  	v30 =	vld [tilespmem:s11+$0x6940]  }
0x36b: {  	v29 =	vld [tilespmem:s11+$0x6950]  }
0x36c: {  	v28 =	vld [tilespmem:s11+$0x6960]  }
0x36d: {  	v27 =	vld [tilespmem:s11+$0x6970]  }
0x36e: {  	v26 =	vld [tilespmem:s11+$0x6D00]  }
0x36f: {  	v25 =	vld [tilespmem:s11+$0x6D10]  }
0x370: {  	v24 =	vld [tilespmem:s11+$0x6D20]  }
0x371: {  	v23 =	vld [tilespmem:s11+$0x6D30]  }
0x372: {  	v22 =	vld [tilespmem:s11+$0x6D40]  }
0x373: {  	v21 =	vld [tilespmem:s11+$0x6D50]  }
0x374: {  	v20 =	vld [tilespmem:s11+$0x6D60]  }
0x375: {  	v19 =	vld [tilespmem:s11+$0x6D70]  }
0x376: {  	v18 =	vld [tilespmem:s11+$0x7100]  }
0x377: {  	v17 =	vld [tilespmem:s11+$0x7110]  }
0x378: {  	v16 =	vld [tilespmem:s11+$0x7120]  }
0x379: {  	v15 =	vld [tilespmem:s11+$0x7130]  }
0x37a: {  	v14 =	vld [tilespmem:s11+$0x7140]  }
0x37b: {  	v13 =	vld [tilespmem:s11+$0x7150]  }
0x37c: {  	v12 =	vld [tilespmem:s11+$0x7160]  }
0x37d: {  	v11 =	vld [tilespmem:s11+$0x7170]  }
0x37e: {  	v10 =	vld [tilespmem:s11+$0x7500]  }
0x37f: {  	v9 =	vld [tilespmem:s11+$0x7510]  }
0x380: {  	v8 =	vld [tilespmem:s11+$0x7520]  }
0x381: {  	v7 =	vld [tilespmem:s11+$0x7530]  }
0x382: {  	v6 =	vld [tilespmem:s11+$0x7540]  }
0x383: {  	v5 =	vld [tilespmem:s11+$0x7550]  }
0x384: {  	v4 =	vld [tilespmem:s11+$0x7560]  }
0x385: {  	v3 =	vld [tilespmem:s11+$0x7570]  }
0x386: {  	v51 =	vld [tilespmem:s11+$0x100]  }
0x387: {  	v52 =	vld [tilespmem:s11+$0x110]  }
0x388: {  	v53 =	vld [tilespmem:s11+$0x120]  }
0x389: {  	v54 =	vld [tilespmem:s11+$0x130]  }
0x38a: {  	v55 =	vld [tilespmem:s11+$0x140]  }
0x38b: {  	v39 =	vadd.f32 v39, v51;
	v51 =	vld [tilespmem:s11+$0x150]  }
0x38c: {  	v40 =	vadd.f32 v40, v52;
	v52 =	vld [tilespmem:s11+$0x160]  }
0x38d: {  	[tilespmem:s11+$0x100] =	vst v39;
	v39 =	vadd.f32 v41, v53;
	v41 =	vld [tilespmem:s11+$0x170]  }
0x38e: {  	[tilespmem:s11+$0x110] =	vst v40;
	v40 =	vadd.f32 v42, v54;
	v42 =	vld [tilespmem:s11+$0x500]  }
0x38f: {  	[tilespmem:s11+$0x120] =	vst v39;
	v39 =	vadd.f32 v43, v55;
	v43 =	vld [tilespmem:s11+$0x510]  }
0x390: {  	[tilespmem:s11+$0x130] =	vst v40;
	v40 =	vadd.f32 v44, v51;
	v44 =	vld [tilespmem:s11+$0x520]  }
0x391: {  	[tilespmem:s11+$0x140] =	vst v39;
	v39 =	vadd.f32 v45, v52;
	v45 =	vld [tilespmem:s11+$0x530]  }
0x392: {  	[tilespmem:s11+$0x150] =	vst v40;
	v40 =	vadd.f32 v46, v41;
	v41 =	vld [tilespmem:s11+$0x540]  }
0x393: {  	[tilespmem:s11+$0x160] =	vst v39;
	v39 =	vadd.f32 v47, v42;
	v42 =	vld [tilespmem:s11+$0x550]  }
0x394: {  	[tilespmem:s11+$0x170] =	vst v40;
	v40 =	vadd.f32 v48, v43;
	v43 =	vld [tilespmem:s11+$0x560]  }
0x395: {  	[tilespmem:s11+$0x500] =	vst v39;
	v39 =	vadd.f32 v49, v44;
	v44 =	vld [tilespmem:s11+$0x570]  }
0x396: {  	[tilespmem:s11+$0x510] =	vst v40;
	v40 =	vadd.f32 v50, v45;
	v45 =	vld [tilespmem:s11+$0x900]  }
0x397: {  	[tilespmem:s11+$0x520] =	vst v39;
	v38 =	vadd.f32 v38, v41;
	v39 =	vld [tilespmem:s11+$0x910]  }
0x398: {  	[tilespmem:s11+$0x530] =	vst v40;
	v37 =	vadd.f32 v37, v42;
	v40 =	vld [tilespmem:s11+$0x920]  }
0x399: {  	[tilespmem:s11+$0x540] =	vst v38;
	v36 =	vadd.f32 v36, v43;
	v38 =	vld [tilespmem:s11+$0x930]  }
0x39a: {  	[tilespmem:s11+$0x550] =	vst v37;
	v35 =	vadd.f32 v35, v44;
	v37 =	vld [tilespmem:s11+$0x940]  }
0x39b: {  	[tilespmem:s11+$0x560] =	vst v36;
	v34 =	vadd.f32 v34, v45;
	v36 =	vld [tilespmem:s11+$0x950]  }
0x39c: {  	[tilespmem:s11+$0x570] =	vst v35;
	v33 =	vadd.f32 v33, v39;
	v35 =	vld [tilespmem:s11+$0x960]  }
0x39d: {  	[tilespmem:s11+$0x900] =	vst v34;
	v32 =	vadd.f32 v32, v40;
	v34 =	vld [tilespmem:s11+$0x970]  }
0x39e: {  	[tilespmem:s11+$0x910] =	vst v33;
	v31 =	vadd.f32 v31, v38;
	v33 =	vld [tilespmem:s11+$0xD00]  }
0x39f: {  	[tilespmem:s11+$0x920] =	vst v32;
	v30 =	vadd.f32 v30, v37;
	v32 =	vld [tilespmem:s11+$0xD10]  }
0x3a0: {  	[tilespmem:s11+$0x930] =	vst v31;
	v29 =	vadd.f32 v29, v36;
	v31 =	vld [tilespmem:s11+$0xD20]  }
0x3a1: {  	[tilespmem:s11+$0x940] =	vst v30;
	v28 =	vadd.f32 v28, v35;
	v30 =	vld [tilespmem:s11+$0xD30]  }
0x3a2: {  	[tilespmem:s11+$0x950] =	vst v29;
	v27 =	vadd.f32 v27, v34;
	v29 =	vld [tilespmem:s11+$0xD40]  }
0x3a3: {  	[tilespmem:s11+$0x960] =	vst v28;
	v26 =	vadd.f32 v26, v33;
	v28 =	vld [tilespmem:s11+$0xD50]  }
0x3a4: {  	[tilespmem:s11+$0x970] =	vst v27;
	v25 =	vadd.f32 v25, v32;
	v27 =	vld [tilespmem:s11+$0xD60]  }
0x3a5: {  	[tilespmem:s11+$0xD00] =	vst v26;
	v24 =	vadd.f32 v24, v31;
	v26 =	vld [tilespmem:s11+$0xD70]  }
0x3a6: {  	[tilespmem:s11+$0xD10] =	vst v25;
	v23 =	vadd.f32 v23, v30;
	v25 =	vld [tilespmem:s11+$0x1100]  }
0x3a7: {  	[tilespmem:s11+$0xD20] =	vst v24;
	v22 =	vadd.f32 v22, v29;
	v24 =	vld [tilespmem:s11+$0x1110]  }
0x3a8: {  	[tilespmem:s11+$0xD30] =	vst v23;
	v21 =	vadd.f32 v21, v28;
	v23 =	vld [tilespmem:s11+$0x1120]  }
0x3a9: {  	[tilespmem:s11+$0xD40] =	vst v22;
	v20 =	vadd.f32 v20, v27;
	v22 =	vld [tilespmem:s11+$0x1130]  }
0x3aa: {  	[tilespmem:s11+$0xD50] =	vst v21;
	v19 =	vadd.f32 v19, v26;
	v21 =	vld [tilespmem:s11+$0x1140]  }
0x3ab: {  	[tilespmem:s11+$0xD60] =	vst v20;
	v18 =	vadd.f32 v18, v25;
	v20 =	vld [tilespmem:s11+$0x1150]  }
0x3ac: {  	[tilespmem:s11+$0xD70] =	vst v19;
	v17 =	vadd.f32 v17, v24;
	v19 =	vld [tilespmem:s11+$0x1160]  }
.Ltmp2:
0x3ad: {  	[tilespmem:s11+$0x1100] =	vst v18;
	v18 =	vadd.f32 v16, v23;
	v16 =	vld [tilespmem:s11+$0x1170];
	(pc) =	sbr.rel @p0 .LBB2_6-.Ltmp2, $4  }
0x3ae: {  	[tilespmem:s11+$0x1110] =	vst v17;
	v17 =	vadd.f32 v15, v22;
	v15 =	vld [tilespmem:s11+$0x1500]  }
0x3af: {  	[tilespmem:s11+$0x1120] =	vst v18;
	v21 =	vadd.f32 v14, v21;
	v14 =	vld [tilespmem:s11+$0x1510]  }
0x3b0: {  	[tilespmem:s11+$0x1130] =	vst v17;
	v18 =	vadd.f32 v13, v20;
	v13 =	vld [tilespmem:s11+$0x1520]  }
0x3b1: {  	s30 =	sadd.s32 $0x1, s30;
	[tilespmem:s11+$0x1140] =	vst v21;
	v17 =	vadd.f32 v12, v19;
	v12 =	vld [tilespmem:s11+$0x1530]  }
0x3b2: {  	[tilespmem:s11+$0x1150] =	vst v18;
	v18 =	vld [tilespmem:s11+$0x1540];
	v11 =	vadd.f32 v11, v16  }
0x3b3: {  	v16 =	vld [tilespmem:s11+$0x1550];
	[tilespmem:s11+$0x1160] =	vst v17;
	v10 =	vadd.f32 v10, v15  }
0x3b4: {  	[tilespmem:s11+$0x1170] =	vst v11;
	v9 =	vadd.f32 v9, v14;
	v11 =	vld [tilespmem:s11+$0x1560]  }
0x3b5: {  	[tilespmem:s11+$0x1500] =	vst v10;
	v8 =	vadd.f32 v8, v13;
	v10 =	vld [tilespmem:s11+$0x1570]  }
0x3b6: {  	[tilespmem:s11+$0x1510] =	vst v9;
	v7 =	vadd.f32 v7, v12  }
0x3b7: {  	[tilespmem:s11+$0x1520] =	vst v8;
	v6 =	vadd.f32 v6, v18  }
0x3b8: {  	v5 =	vadd.f32 v5, v16;
	[tilespmem:s11+$0x1530] =	vst v7  }
0x3b9: {  	[tilespmem:s11+$0x1540] =	vst v6;
	v4 =	vadd.f32 v4, v11  }
0x3ba: {  	[tilespmem:s11+$0x1550] =	vst v5;
	v3 =	vadd.f32 v3, v10  }
0x3bb: {  	[tilespmem:s11+$0x1560] =	vst v4  }
0x3bc: {  	s29 =	simm.s32 $0x0;
	s12 =	rddreg [dreg:$0x6];
	[tilespmem:s11+$0x1570] =	vst v3  }
0x3bd: {  	[hbm4b:s12+s29] =	stream.linear.scatter [tilespmem:s15], [sflag:$0x3], $0x6000, $0x38;
	[tilespmem:$0x18100] =	vst v63  }
0x3be: {  	_ =	swait.ge [sflag:s28], $0x6000  }
0x3bf: {  	[sflag:s28] =	ssyncset.done $0x0  }
0x3c0: {  	s31 =	simm.s32 $0x0;
	[sflag:s28] =	ssyncadd.s32 $0xFFFFA000  }
0x3c1: {  	s11 =	smul.u32 $0x1800, s31;
	_ =	swait.ge [sflag:s28], $0x6000  }
0x3c2: {  	s12 =	sand.u32 $0x380, s29;
	[sflag:s28] =	ssyncset.done $0x0  }
0x3c3: {  	s11 =	sor.u32 s12, s11;
	[sflag:s28] =	ssyncadd.s32 $0xFFFFA000  }
0x3c4: {  	v12 =	vld [tilespmem:s11+$0x12100]  }
0x3c5: {  	v13 =	vld [tilespmem:s11+$0x12110]  }
0x3c6: {  	v14 =	vld [tilespmem:s11+$0x12120]  }
0x3c7: {  	v15 =	vld [tilespmem:s11+$0x12130]  }
0x3c8: {  	v16 =	vld [tilespmem:s11+$0x12140]  }
0x3c9: {  	v17 =	vld [tilespmem:s11+$0x12150]  }
0x3ca: {  	v18 =	vld [tilespmem:s11+$0x12160]  }
0x3cb: {  	v19 =	vld [tilespmem:s11+$0x12170]  }
0x3cc: {  	v20 =	vld [tilespmem:s11+$0x12500]  }
0x3cd: {  	v21 =	vld [tilespmem:s11+$0x12510]  }
0x3ce: {  	v22 =	vld [tilespmem:s11+$0x12520]  }
0x3cf: {  	v23 =	vld [tilespmem:s11+$0x12530]  }
0x3d0: {  	v24 =	vld [tilespmem:s11+$0x12540]  }
0x3d1: {  	v25 =	vld [tilespmem:s11+$0x12550]  }
0x3d2: {  	v26 =	vld [tilespmem:s11+$0x12560]  }
0x3d3: {  	v27 =	vld [tilespmem:s11+$0x12570]  }
0x3d4: {  	v28 =	vld [tilespmem:s11+$0x12900]  }
0x3d5: {  	v29 =	vld [tilespmem:s11+$0x12910]  }
0x3d6: {  	v30 =	vld [tilespmem:s11+$0x12920]  }
0x3d7: {  	v31 =	vld [tilespmem:s11+$0x12930]  }
0x3d8: {  	v32 =	vld [tilespmem:s11+$0x12940]  }
0x3d9: {  	v33 =	vld [tilespmem:s11+$0x12950]  }
0x3da: {  	v34 =	vld [tilespmem:s11+$0x12960]  }
0x3db: {  	v35 =	vld [tilespmem:s11+$0x12970]  }
0x3dc: {  	v36 =	vld [tilespmem:s11+$0x12D00]  }
0x3dd: {  	v37 =	vld [tilespmem:s11+$0x12D10]  }
0x3de: {  	v38 =	vld [tilespmem:s11+$0x12D20]  }
0x3df: {  	v39 =	vld [tilespmem:s11+$0x12D30]  }
0x3e0: {  	v40 =	vld [tilespmem:s11+$0x12D40]  }
0x3e1: {  	v41 =	vld [tilespmem:s11+$0x12D50]  }
0x3e2: {  	v42 =	vld [tilespmem:s11+$0x12D60]  }
0x3e3: {  	v43 =	vld [tilespmem:s11+$0x12D70]  }
0x3e4: {  	v44 =	vld [tilespmem:s11+$0x13100]  }
0x3e5: {  	v45 =	vld [tilespmem:s11+$0x13110]  }
0x3e6: {  	v46 =	vld [tilespmem:s11+$0x13120]  }
0x3e7: {  	v47 =	vld [tilespmem:s11+$0x13130]  }
0x3e8: {  	v48 =	vld [tilespmem:s11+$0x13140]  }
0x3e9: {  	v49 =	vld [tilespmem:s11+$0x13150]  }
0x3ea: {  	v50 =	vld [tilespmem:s11+$0x13160]  }
0x3eb: {  	v11 =	vld [tilespmem:s11+$0x13170]  }
0x3ec: {  	v10 =	vld [tilespmem:s11+$0x13500]  }
0x3ed: {  	v9 =	vld [tilespmem:s11+$0x13510]  }
0x3ee: {  	v8 =	vld [tilespmem:s11+$0x13520]  }
0x3ef: {  	v7 =	vld [tilespmem:s11+$0x13530]  }
0x3f0: {  	v6 =	vld [tilespmem:s11+$0x13540]  }
0x3f1: {  	v51 =	vld [tilespmem:s11+$0xC100]  }
0x3f2: {  	v52 =	vld [tilespmem:s11+$0xC110]  }
0x3f3: {  	v53 =	vld [tilespmem:s11+$0xC120]  }
0x3f4: {  	v54 =	vld [tilespmem:s11+$0xC130]  }
0x3f5: {  	v55 =	vld [tilespmem:s11+$0xC140]  }
0x3f6: {  	v62 =	vld [tilespmem:s11+$0xC150];
	v12 =	vadd.f32 v12, v51  }
0x3f7: {  	v63 =	vld [tilespmem:s11+$0xC160];
	v13 =	vadd.f32 v13, v52  }
0x3f8: {  	[tilespmem:s11+$0xC100] =	vst v12;
	v12 =	vadd.f32 v14, v53;
	v14 =	vld [tilespmem:s11+$0xC170]  }
0x3f9: {  	[tilespmem:s11+$0xC110] =	vst v13;
	v13 =	vadd.f32 v15, v54;
	v15 =	vld [tilespmem:s11+$0xC500]  }
0x3fa: {  	[tilespmem:s11+$0xC120] =	vst v12;
	v12 =	vadd.f32 v16, v55;
	v16 =	vld [tilespmem:s11+$0xC510]  }
0x3fb: {  	[tilespmem:s11+$0xC130] =	vst v13;
	v13 =	vadd.f32 v17, v62;
	v17 =	vld [tilespmem:s11+$0xC520]  }
0x3fc: {  	v5 =	vld [tilespmem:s11+$0x13550]  }
0x3fd: {  	[tilespmem:s11+$0xC140] =	vst v12;
	v12 =	vadd.f32 v18, v63;
	v18 =	vld [tilespmem:s11+$0xC570]  }
0x3fe: {  	[tilespmem:s11+$0xC150] =	vst v13;
	v13 =	vadd.f32 v19, v14;
	v14 =	vld [tilespmem:s11+$0xC530]  }
0x3ff: {  	[tilespmem:s11+$0xC160] =	vst v12;
	v12 =	vadd.f32 v20, v15;
	v15 =	vld [tilespmem:s11+$0xC540]  }
0x400: {  	[tilespmem:s11+$0xC170] =	vst v13;
	v13 =	vadd.f32 v21, v16;
	v16 =	vadd.f32 v22, v17;
	v17 =	vld [tilespmem:s11+$0xC560]  }
0x401: {  	[tilespmem:s11+$0xC500] =	vst v12;
	v12 =	vld [tilespmem:s11+$0xC550]  }
0x402: {  	[tilespmem:s11+$0xC510] =	vst v13;
	v13 =	vld [tilespmem:s11+$0xC900];
	v18 =	vadd.f32 v27, v18  }
0x403: {  	[tilespmem:s11+$0xC520] =	vst v16;
	v16 =	vld [tilespmem:s11+$0xC910];
	v14 =	vadd.f32 v23, v14  }
0x404: {  	v4 =	vld [tilespmem:s11+$0x13560];
	v15 =	vadd.f32 v24, v15;
	[tilespmem:s11+$0xC570] =	vst v18  }
0x405: {  	[tilespmem:s11+$0xC530] =	vst v14;
	v14 =	vld [tilespmem:s11+$0xC920];
	v17 =	vadd.f32 v26, v17  }
0x406: {  	v12 =	vadd.f32 v25, v12;
	[tilespmem:s11+$0xC540] =	vst v15;
	v15 =	vld [tilespmem:s11+$0xC930]  }
0x407: {  	v18 =	vld [tilespmem:s11+$0xC970];
	[tilespmem:s11+$0xC560] =	vst v17;
	v13 =	vadd.f32 v28, v13  }
0x408: {  	v16 =	vadd.f32 v29, v16;
	[tilespmem:s11+$0xC550] =	vst v12;
	v12 =	vld [tilespmem:s11+$0xC940]  }
0x409: {  	v17 =	vld [tilespmem:s11+$0xC950];
	[tilespmem:s11+$0xC900] =	vst v13  }
0x40a: {  	[tilespmem:s11+$0xC910] =	vst v16;
	v16 =	vld [tilespmem:s11+$0xC960];
	v13 =	vadd.f32 v30, v14  }
0x40b: {  	v14 =	vld [tilespmem:s11+$0xCD00];
	v15 =	vadd.f32 v31, v15  }
0x40c: {  	[tilespmem:s11+$0xC920] =	vst v13;
	v13 =	vld [tilespmem:s11+$0xCD10]  }
0x40d: {  	v12 =	vadd.f32 v32, v12;
	[tilespmem:s11+$0xC930] =	vst v15;
	v15 =	vld [tilespmem:s11+$0xCD20]  }
0x40e: {  	v3 =	vld [tilespmem:s11+$0x13570];
	v17 =	vadd.f32 v33, v17  }
0x40f: {  	v16 =	vadd.f32 v34, v16;
	[tilespmem:s11+$0xC940] =	vst v12;
	v12 =	vld [tilespmem:s11+$0xCD30]  }
0x410: {  	[tilespmem:s11+$0xC950] =	vst v17;
	v17 =	vld [tilespmem:s11+$0xCD40];
	v14 =	vadd.f32 v36, v14  }
0x411: {  	v18 =	vadd.f32 v35, v18;
	[tilespmem:s11+$0xC960] =	vst v16;
	v16 =	vld [tilespmem:s11+$0xCD50]  }
0x412: {  	v13 =	vadd.f32 v37, v13;
	[tilespmem:s11+$0xCD00] =	vst v14;
	v14 =	vadd.f32 v38, v15;
	v15 =	vld [tilespmem:s11+$0xCD60]  }
0x413: {  	[tilespmem:s11+$0xC970] =	vst v18;
	v18 =	vld [tilespmem:s11+$0xCD70]  }
0x414: {  	[tilespmem:s11+$0xCD10] =	vst v13;
	v13 =	vld [tilespmem:s11+$0xD100];
	v12 =	vadd.f32 v39, v12  }
0x415: {  	v17 =	vadd.f32 v40, v17;
	[tilespmem:s11+$0xCD20] =	vst v14;
	v14 =	vld [tilespmem:s11+$0xD110]  }
0x416: {  	v16 =	vadd.f32 v41, v16;
	[tilespmem:s11+$0xCD30] =	vst v12;
	v12 =	vld [tilespmem:s11+$0xD120]  }
0x417: {  	[tilespmem:s11+$0xCD40] =	vst v17;
	v17 =	vld [tilespmem:s11+$0xD130];
	v15 =	vadd.f32 v42, v15  }
0x418: {  	v19 =	vld [tilespmem:s11+$0xD140];
	[tilespmem:s11+$0xCD50] =	vst v16;
	v16 =	vadd.f32 v43, v18  }
0x419: {  	v18 =	vld [tilespmem:s11+$0xD150];
	v13 =	vadd.f32 v44, v13;
	[tilespmem:s11+$0xCD60] =	vst v15  }
0x41a: {  	v20 =	vld [tilespmem:s11+$0xD160];
	[tilespmem:s11+$0xCD70] =	vst v16;
	v14 =	vadd.f32 v45, v14  }
0x41b: {  	v16 =	vld [tilespmem:s11+$0xD170];
	[tilespmem:s11+$0xD100] =	vst v13;
	v12 =	vadd.f32 v46, v12  }
0x41c: {  	v15 =	vld [tilespmem:s11+$0xD500];
	v13 =	vadd.f32 v47, v17;
	[tilespmem:s11+$0xD110] =	vst v14  }
0x41d: {  	v14 =	vld [tilespmem:s11+$0xD510];
	[tilespmem:s11+$0xD120] =	vst v12;
	v12 =	vadd.f32 v48, v19  }
0x41e: {  	[tilespmem:s11+$0xD130] =	vst v13;
	v13 =	vld [tilespmem:s11+$0xD520];
	v18 =	vadd.f32 v49, v18  }
0x41f: {  	s30 =	simm.s32 $0x1;
	v17 =	vadd.f32 v50, v20;
	[tilespmem:s11+$0xD140] =	vst v12;
	v12 =	vld [tilespmem:s11+$0xD530]  }
.LBB2_8:
0x420: {  	s12 =	sshrl.u32 s30, $0x3;
	p0 =	sne.s32 s30, $0x1F;
	[tilespmem:s11+$0xD150] =	vst v18;
	v11 =	vadd.f32 v11, v16;
	v16 =	vld [tilespmem:s11+$0xD540]  }
0x421: {  	s29 =	sadd.s32 $0x80, s29;
	s12 =	smul.u32 $0x1800, s12;
	[tilespmem:s11+$0xD160] =	vst v17;
	v10 =	vadd.f32 v10, v15;
	v15 =	vld [tilespmem:s11+$0xD550]  }
0x422: {  	s31 =	sand.u32 $0x380, s29;
	[tilespmem:s11+$0xD170] =	vst v11;
	v9 =	vadd.f32 v9, v14;
	v11 =	vld [tilespmem:s11+$0xD560]  }
0x423: {  	s12 =	sor.u32 s31, s12;
	[tilespmem:s11+$0xD500] =	vst v10;
	v8 =	vadd.f32 v8, v13;
	v10 =	vld [tilespmem:s11+$0xD570]  }
0x424: {  	v39 =	vld [tilespmem:s12+$0x12100];
	[tilespmem:s11+$0xD510] =	vst v9;
	v7 =	vadd.f32 v7, v12  }
0x425: {  	v40 =	vld [tilespmem:s12+$0x12110];
	[tilespmem:s11+$0xD520] =	vst v8;
	v6 =	vadd.f32 v6, v16  }
0x426: {  	v41 =	vld [tilespmem:s12+$0x12120];
	[tilespmem:s11+$0xD530] =	vst v7;
	v5 =	vadd.f32 v5, v15  }
0x427: {  	v42 =	vld [tilespmem:s12+$0x12130];
	[tilespmem:s11+$0xD540] =	vst v6;
	v4 =	vadd.f32 v4, v11  }
0x428: {  	v43 =	vld [tilespmem:s12+$0x12140];
	[tilespmem:s11+$0xD550] =	vst v5;
	v3 =	vadd.f32 v3, v10  }
0x429: {  	v44 =	vld [tilespmem:s12+$0x12150];
	[tilespmem:s11+$0xD560] =	vst v4  }
0x42a: {  	v45 =	vld [tilespmem:s12+$0x12160];
	[tilespmem:s11+$0xD570] =	vst v3;
	s11 =	smov.u32 s12  }
0x42b: {  	v46 =	vld [tilespmem:s11+$0x12170]  }
0x42c: {  	v47 =	vld [tilespmem:s11+$0x12500]  }
0x42d: {  	v48 =	vld [tilespmem:s11+$0x12510]  }
0x42e: {  	v49 =	vld [tilespmem:s11+$0x12520]  }
0x42f: {  	v50 =	vld [tilespmem:s11+$0x12530]  }
0x430: {  	v38 =	vld [tilespmem:s11+$0x12540]  }
0x431: {  	v37 =	vld [tilespmem:s11+$0x12550]  }
0x432: {  	v36 =	vld [tilespmem:s11+$0x12560]  }
0x433: {  	v35 =	vld [tilespmem:s11+$0x12570]  }
0x434: {  	v34 =	vld [tilespmem:s11+$0x12900]  }
0x435: {  	v33 =	vld [tilespmem:s11+$0x12910]  }
0x436: {  	v32 =	vld [tilespmem:s11+$0x12920]  }
0x437: {  	v31 =	vld [tilespmem:s11+$0x12930]  }
0x438: {  	v30 =	vld [tilespmem:s11+$0x12940]  }
0x439: {  	v29 =	vld [tilespmem:s11+$0x12950]  }
0x43a: {  	v28 =	vld [tilespmem:s11+$0x12960]  }
0x43b: {  	v27 =	vld [tilespmem:s11+$0x12970]  }
0x43c: {  	v26 =	vld [tilespmem:s11+$0x12D00]  }
0x43d: {  	v25 =	vld [tilespmem:s11+$0x12D10]  }
0x43e: {  	v24 =	vld [tilespmem:s11+$0x12D20]  }
0x43f: {  	v23 =	vld [tilespmem:s11+$0x12D30]  }
0x440: {  	v22 =	vld [tilespmem:s11+$0x12D40]  }
0x441: {  	v21 =	vld [tilespmem:s11+$0x12D50]  }
0x442: {  	v20 =	vld [tilespmem:s11+$0x12D60]  }
0x443: {  	v19 =	vld [tilespmem:s11+$0x12D70]  }
0x444: {  	v18 =	vld [tilespmem:s11+$0x13100]  }
0x445: {  	v17 =	vld [tilespmem:s11+$0x13110]  }
0x446: {  	v16 =	vld [tilespmem:s11+$0x13120]  }
0x447: {  	v15 =	vld [tilespmem:s11+$0x13130]  }
0x448: {  	v14 =	vld [tilespmem:s11+$0x13140]  }
0x449: {  	v13 =	vld [tilespmem:s11+$0x13150]  }
0x44a: {  	v12 =	vld [tilespmem:s11+$0x13160]  }
0x44b: {  	v11 =	vld [tilespmem:s11+$0x13170]  }
0x44c: {  	v10 =	vld [tilespmem:s11+$0x13500]  }
0x44d: {  	v9 =	vld [tilespmem:s11+$0x13510]  }
0x44e: {  	v8 =	vld [tilespmem:s11+$0x13520]  }
0x44f: {  	v7 =	vld [tilespmem:s11+$0x13530]  }
0x450: {  	v6 =	vld [tilespmem:s11+$0x13540]  }
0x451: {  	v5 =	vld [tilespmem:s11+$0x13550]  }
0x452: {  	v4 =	vld [tilespmem:s11+$0x13560]  }
0x453: {  	v3 =	vld [tilespmem:s11+$0x13570]  }
0x454: {  	v51 =	vld [tilespmem:s11+$0xC100]  }
0x455: {  	v52 =	vld [tilespmem:s11+$0xC110]  }
0x456: {  	v53 =	vld [tilespmem:s11+$0xC120]  }
0x457: {  	v54 =	vld [tilespmem:s11+$0xC130]  }
0x458: {  	v55 =	vld [tilespmem:s11+$0xC140]  }
0x459: {  	v39 =	vadd.f32 v39, v51;
	v51 =	vld [tilespmem:s11+$0xC150]  }
0x45a: {  	v40 =	vadd.f32 v40, v52;
	v52 =	vld [tilespmem:s11+$0xC160]  }
0x45b: {  	[tilespmem:s11+$0xC100] =	vst v39;
	v39 =	vadd.f32 v41, v53;
	v41 =	vld [tilespmem:s11+$0xC170]  }
0x45c: {  	[tilespmem:s11+$0xC110] =	vst v40;
	v40 =	vadd.f32 v42, v54;
	v42 =	vld [tilespmem:s11+$0xC500]  }
0x45d: {  	[tilespmem:s11+$0xC120] =	vst v39;
	v39 =	vadd.f32 v43, v55;
	v43 =	vld [tilespmem:s11+$0xC510]  }
0x45e: {  	[tilespmem:s11+$0xC130] =	vst v40;
	v40 =	vadd.f32 v44, v51;
	v44 =	vld [tilespmem:s11+$0xC520]  }
0x45f: {  	[tilespmem:s11+$0xC140] =	vst v39;
	v39 =	vadd.f32 v45, v52;
	v45 =	vld [tilespmem:s11+$0xC530]  }
0x460: {  	[tilespmem:s11+$0xC150] =	vst v40;
	v40 =	vadd.f32 v46, v41;
	v41 =	vld [tilespmem:s11+$0xC540]  }
0x461: {  	[tilespmem:s11+$0xC160] =	vst v39;
	v39 =	vadd.f32 v47, v42;
	v42 =	vld [tilespmem:s11+$0xC550]  }
0x462: {  	[tilespmem:s11+$0xC170] =	vst v40;
	v40 =	vadd.f32 v48, v43;
	v43 =	vld [tilespmem:s11+$0xC560]  }
0x463: {  	[tilespmem:s11+$0xC500] =	vst v39;
	v39 =	vadd.f32 v49, v44;
	v44 =	vld [tilespmem:s11+$0xC570]  }
0x464: {  	[tilespmem:s11+$0xC510] =	vst v40;
	v40 =	vadd.f32 v50, v45;
	v45 =	vld [tilespmem:s11+$0xC900]  }
0x465: {  	[tilespmem:s11+$0xC520] =	vst v39;
	v38 =	vadd.f32 v38, v41;
	v39 =	vld [tilespmem:s11+$0xC910]  }
0x466: {  	[tilespmem:s11+$0xC530] =	vst v40;
	v37 =	vadd.f32 v37, v42;
	v40 =	vld [tilespmem:s11+$0xC920]  }
0x467: {  	[tilespmem:s11+$0xC540] =	vst v38;
	v36 =	vadd.f32 v36, v43;
	v38 =	vld [tilespmem:s11+$0xC930]  }
0x468: {  	[tilespmem:s11+$0xC550] =	vst v37;
	v35 =	vadd.f32 v35, v44;
	v37 =	vld [tilespmem:s11+$0xC940]  }
0x469: {  	[tilespmem:s11+$0xC560] =	vst v36;
	v34 =	vadd.f32 v34, v45;
	v36 =	vld [tilespmem:s11+$0xC950]  }
0x46a: {  	[tilespmem:s11+$0xC570] =	vst v35;
	v33 =	vadd.f32 v33, v39;
	v35 =	vld [tilespmem:s11+$0xC960]  }
0x46b: {  	[tilespmem:s11+$0xC900] =	vst v34;
	v32 =	vadd.f32 v32, v40;
	v34 =	vld [tilespmem:s11+$0xC970]  }
0x46c: {  	[tilespmem:s11+$0xC910] =	vst v33;
	v31 =	vadd.f32 v31, v38;
	v33 =	vld [tilespmem:s11+$0xCD00]  }
0x46d: {  	[tilespmem:s11+$0xC920] =	vst v32;
	v30 =	vadd.f32 v30, v37;
	v32 =	vld [tilespmem:s11+$0xCD10]  }
0x46e: {  	[tilespmem:s11+$0xC930] =	vst v31;
	v29 =	vadd.f32 v29, v36;
	v31 =	vld [tilespmem:s11+$0xCD20]  }
0x46f: {  	[tilespmem:s11+$0xC940] =	vst v30;
	v28 =	vadd.f32 v28, v35;
	v30 =	vld [tilespmem:s11+$0xCD30]  }
0x470: {  	[tilespmem:s11+$0xC950] =	vst v29;
	v27 =	vadd.f32 v27, v34;
	v29 =	vld [tilespmem:s11+$0xCD40]  }
0x471: {  	[tilespmem:s11+$0xC960] =	vst v28;
	v26 =	vadd.f32 v26, v33;
	v28 =	vld [tilespmem:s11+$0xCD50]  }
0x472: {  	[tilespmem:s11+$0xC970] =	vst v27;
	v25 =	vadd.f32 v25, v32;
	v27 =	vld [tilespmem:s11+$0xCD60]  }
0x473: {  	[tilespmem:s11+$0xCD00] =	vst v26;
	v24 =	vadd.f32 v24, v31;
	v26 =	vld [tilespmem:s11+$0xCD70]  }
0x474: {  	[tilespmem:s11+$0xCD10] =	vst v25;
	v23 =	vadd.f32 v23, v30;
	v25 =	vld [tilespmem:s11+$0xD100]  }
0x475: {  	[tilespmem:s11+$0xCD20] =	vst v24;
	v22 =	vadd.f32 v22, v29;
	v24 =	vld [tilespmem:s11+$0xD110]  }
0x476: {  	[tilespmem:s11+$0xCD30] =	vst v23;
	v21 =	vadd.f32 v21, v28;
	v23 =	vld [tilespmem:s11+$0xD120]  }
0x477: {  	[tilespmem:s11+$0xCD40] =	vst v22;
	v20 =	vadd.f32 v20, v27;
	v22 =	vld [tilespmem:s11+$0xD130]  }
0x478: {  	[tilespmem:s11+$0xCD50] =	vst v21;
	v19 =	vadd.f32 v19, v26;
	v21 =	vld [tilespmem:s11+$0xD140]  }
0x479: {  	[tilespmem:s11+$0xCD60] =	vst v20;
	v18 =	vadd.f32 v18, v25;
	v20 =	vld [tilespmem:s11+$0xD150]  }
0x47a: {  	[tilespmem:s11+$0xCD70] =	vst v19;
	v17 =	vadd.f32 v17, v24;
	v19 =	vld [tilespmem:s11+$0xD160]  }
.Ltmp3:
0x47b: {  	[tilespmem:s11+$0xD100] =	vst v18;
	v18 =	vadd.f32 v16, v23;
	v16 =	vld [tilespmem:s11+$0xD170];
	(pc) =	sbr.rel @p0 .LBB2_8-.Ltmp3, $4  }
0x47c: {  	[tilespmem:s11+$0xD110] =	vst v17;
	v17 =	vadd.f32 v15, v22;
	v15 =	vld [tilespmem:s11+$0xD500]  }
0x47d: {  	[tilespmem:s11+$0xD120] =	vst v18;
	v21 =	vadd.f32 v14, v21;
	v14 =	vld [tilespmem:s11+$0xD510]  }
0x47e: {  	[tilespmem:s11+$0xD130] =	vst v17;
	v18 =	vadd.f32 v13, v20;
	v13 =	vld [tilespmem:s11+$0xD520]  }
0x47f: {  	s30 =	sadd.s32 $0x1, s30;
	[tilespmem:s11+$0xD140] =	vst v21;
	v17 =	vadd.f32 v12, v19;
	v12 =	vld [tilespmem:s11+$0xD530]  }
0x480: {  	[tilespmem:s11+$0xD150] =	vst v18;
	v60 =	vld [tilespmem:s11+$0xD540];
	v11 =	vadd.f32 v11, v16  }
0x481: {  	v61 =	vld [tilespmem:s11+$0xD550];
	[tilespmem:s11+$0xD160] =	vst v17;
	v10 =	vadd.f32 v10, v15  }
0x482: {  	v62 =	vld [tilespmem:s11+$0xD560];
	[tilespmem:s11+$0xD170] =	vst v11;
	v9 =	vadd.f32 v9, v14  }
0x483: {  	v63 =	vld [tilespmem:s11+$0xD570];
	[tilespmem:s11+$0xD500] =	vst v10;
	v8 =	vadd.f32 v8, v13  }
0x484: {  	[tilespmem:s11+$0xD510] =	vst v9;
	v7 =	vadd.f32 v7, v12  }
0x485: {  	[tilespmem:s11+$0xD520] =	vst v8;
	v6 =	vadd.f32 v6, v60  }
0x486: {  	v5 =	vadd.f32 v5, v61;
	[tilespmem:s11+$0xD530] =	vst v7  }
0x487: {  	v4 =	vadd.f32 v4, v62;
	[tilespmem:s11+$0xD540] =	vst v6  }
0x488: {  	v3 =	vadd.f32 v3, v63;
	[tilespmem:s11+$0xD550] =	vst v5  }
0x489: {  	[tilespmem:s11+$0xD560] =	vst v4  }
0x48a: {  	s30 =	rddreg [dreg:$0x7];
	[tilespmem:s11+$0xD570] =	vst v3  }
0x48b: {  	[hbm4b:s30+s2] =	stream.linear.scatter [tilespmem:s21], [sflag:$0x3], $0x6000, $0x38;
	[tilespmem:$0x18100] =	vst v63  }
0x48c: {  	_ =	swait.ge [sflag:s26], $0x6000  }
0x48d: {  	[sflag:s26] =	ssyncset.done $0x0  }
0x48e: {  	[sflag:s26] =	ssyncadd.s32 $0xFFFFA000  }
0x48f: {  	_ =	swait.ge [sflag:s26], $0x6000  }
0x490: {  	s10 =	sadd.s32 $0x1, s10;
	s31 =	rddreg [dreg:$0x8]  }
0x491: {  	p0 =	sne.s32 s10, s31  }
.Ltmp4:
0x492: {  	_ = 	snop;
	(pc) =	sbr.rel @p0 .LBB2_1-.Ltmp4, $3  }
0x493: {  	_ =	sdelay $0x1  }
0x494: {  	[sflag:s26] =	ssyncset.done $0x0  }
0x495: {  	[sflag:s26] =	ssyncadd.s32 $0xFFFFA000  }
0x496: {  	_ =	sfence.sel $0x180000  }
0x497: {  	[bflag:$0x0] =	sbarrier.arrive $0xFFFF  }
0x498: {  	_ =	strace $0x9000004A  }
0x499: {  	s0 =	stileid.u32;
	[bflag:$0x2] =	sbarrier.arrive $0xFFFF  }
0x49a: {  	p0 =	sne.s32 s0, $0x0;
	s0 =	rddreg [dreg:$0x2]  }
0x49b: {  	s0 =	sadd.s32 @!p0 $0x100000, s0  }
0x49c: {  	[sflag:s0] =	ssyncadd.tile.s32 @!p0 $0x1;
	_ =	shalt  }
.Lfunc_end2:
_tile_overlayer_lowered:
.L_overlay_start_2:
0x49d: {  	(tag) =	ssettag $0x2  }
0x49e: {  	s0 =	rddreg [dreg:$0x0];
	s2 =	stileid.u32  }
0x49f: {  	s1 =	rddreg [dreg:$0x1];
	p0 =	sne.s32 s2, $0x0  }
0x4a0: {  	s3 =	rddreg [dreg:$0x2];
	[bflag:$0x3] =	sbarrier.arrive $0xFFFF;
	s2 =	simm.s32 @!p0 $0x1C04  }
0x4a1: {  	[timem:s3], [sflag:s2] =	dma.local @!p0 [hbm:s0], s1  }
0x4a2: {  	s0 =	simm.s32 @!p0 $0x4  }
0x4a3: {  	_ =	swait.ge @!p0 [sflag:s0], s1  }
0x4a4: {  	s1 =	ssub.s32 @!p0 $0x0, s1;
	[sflag:s0] =	ssyncset.done @!p0 $0x0  }
0x4a5: {  	[sflag:s0] =	ssyncadd.s32 @!p0 s1  }
0x4a6: {  	[bflag:$0x3] =	sbarrier.arrive $0xFFFF  }
0x4a7: {  	_ =	shalt  }

</sc_bundles>
